<compile_context>
chip_gen: v7x
topology: tpu7x:2x2x1
jax: 0.10.2.dev20260603
libtpu: 0.0.44.dev20260713+nightly
codegen_flags: <defaults>
</compile_context>

<pallas_src>
import functools

import jax
import jax.numpy as jnp
from jax import lax
from jax.experimental import pallas as pl
from jax.experimental.pallas import tpu as pltpu
from jax.experimental.pallas import tpu_sc as plsc

_N = 4096
_C, _H, _W = 128, 7, 7
_NSLAB = _H * _W
_NC = 2
_NS = 16
_NW = _NC * _NS
_RPW = _N // _NW
_GROUPS = _RPW // 16
_NCB = 256


def _build():
    mesh = plsc.VectorSubcoreMesh(core_axis_name="c", subcore_axis_name="s")

    @functools.partial(
        pl.kernel,
        mesh=mesh,
        out_type=jax.ShapeDtypeStruct((_NSLAB, _N, _C), jnp.float32),
        scratch_types=[
            pltpu.VMEM((_N,), jnp.int32),
            pltpu.VMEM((8 * _N,), jnp.int32),
            pltpu.VMEM((16 * _NCB,), jnp.int32),
            pltpu.VMEM((_NCB,), jnp.int32),
            pltpu.VMEM((1, _RPW), jnp.int32),
            pltpu.VMEM((4, _RPW, _C), jnp.float32),
            pltpu.SemaphoreType.DMA,
            pltpu.SemaphoreType.DMA,
        ],
        compiler_params=pltpu.CompilerParams(needs_layout_passes=False),
    )
    def permute(x_hbm, tgt_hbm, out_hbm, key_v, fine_v, crs_v, crsp_v,
                idx_v, buf_v, sem_in, sem_out):
        wid = lax.axis_index("s") * _NC + lax.axis_index("c")
        base = wid * _RPW

        pltpu.sync_copy(tgt_hbm, key_v)

        for s0 in range(3):
            pltpu.async_copy(
                x_hbm.at[pl.ds(s0 * _N + base, _RPW)], buf_v.at[s0], sem_in)

        iota = lax.iota(jnp.int32, 16)
        z16 = iota * 0
        ones = z16 + 1
        loff_f = jnp.bitwise_and(iota, 7) * _N
        lo8 = iota < 8
        hi8 = iota >= 8
        loff_c = iota * _NCB

        def zf(k, _):
            for u in range(16):
                fine_v[pl.ds(k * 256 + u * 16, 16)] = z16
            return 0
        lax.fori_loop(0, 128, zf, 0)

        def zc(k, _):
            for u in range(4):
                crs_v[pl.ds(k * 64 + u * 16, 16)] = z16
            return 0
        lax.fori_loop(0, 64, zc, 0)

        def pa(jv, _):
            tv = key_v[pl.ds(jv * 16, 16)]
            m = (jv * 16 + iota) < base
            plsc.addupdate_scatter(fine_v, [loff_f + tv], ones,
                                   mask=jnp.logical_and(m, lo8))
            plsc.addupdate_scatter(fine_v, [loff_f + tv], ones,
                                   mask=jnp.logical_and(m, hi8))
            plsc.addupdate_scatter(
                crs_v, [loff_c + lax.shift_right_logical(tv, 4)], ones)
            return 0
        lax.fori_loop(0, _N // 16, pa, 0)

        tg = [key_v[pl.ds(base + g * 16, 16)] for g in range(_GROUPS)]

        s1 = []
        for g in range(_GROUPS):
            acc = z16
            for lane in range(8):
                acc = acc + plsc.load_gather(fine_v, [tg[g] + lane * _N])
            s1.append(acc)

        def pb(jv, _):
            tv = key_v[pl.ds(jv * 16, 16)]
            m = (jv * 16 + iota) >= base
            plsc.addupdate_scatter(fine_v, [loff_f + tv], ones,
                                   mask=jnp.logical_and(m, lo8))
            plsc.addupdate_scatter(fine_v, [loff_f + tv], ones,
                                   mask=jnp.logical_and(m, hi8))
            return 0
        lax.fori_loop(0, _N // 16, pb, 0)

        def cp(k, carry):
            m = z16
            for lane in range(16):
                m = m + crs_v[pl.ds(lane * _NCB + k * 16, 16)]
            incl = plsc.cumsum(m)
            crsp_v[pl.ds(k * 16, 16)] = incl - m + carry
            return carry + incl[15]
        lax.fori_loop(0, _NCB // 16, cp, jnp.int32(0))

        kc = [tg[g] * _RPW + (g * 16 + iota) for g in range(_GROUPS)]

        def tie(jb, accs):
            accA, accB = list(accs[0]), list(accs[1])
            kcb = key_v[pl.ds(base + jb * 16, 16)]
            kcc = kcb * _RPW + (jb * 16 + iota)
            for lane in range(16):
                kjc = kcc[lane]
                tj = kcb[lane]
                for g in range(_GROUPS):
                    accA[g] = accA[g] + lax.shift_right_logical(
                        kjc - kc[g], 31)
                    accB[g] = accB[g] + lax.shift_right_logical(
                        tj - tg[g], 31)
            return (tuple(accA), tuple(accB))
        accA, accB = lax.fori_loop(
            0, _GROUPS, tie,
            (tuple([z16] * _GROUPS), tuple([z16] * _GROUPS)))

        for g in range(_GROUPS):
            t_ = tg[g]
            r = jnp.bitwise_and(t_, 15)
            cb = lax.shift_right_logical(t_, 4)
            cb16 = t_ - r
            rank = (plsc.load_gather(crsp_v, [cb]) + s1[g]
                    + accA[g] - accB[g])

            def fine_term(o, rank):
                gs = z16
                for lane in range(8):
                    gs = gs + plsc.load_gather(
                        fine_v, [cb16 + (lane * _N + o)])
                return rank + gs * lax.shift_right_logical(o - r, 31)
            rank = lax.fori_loop(0, 16, fine_term, rank)

            plsc.store_scatter(idx_v, [z16, g * 16 + iota], rank)
        ranks = idx_v.at[0]

        def wait_in(b):
            pltpu.make_async_copy(
                x_hbm.at[pl.ds(0, _RPW)], buf_v.at[b], sem_in).wait()

        def wait_out(b):
            pltpu.make_async_copy(
                x_hbm.at[pl.ds(0, _RPW)], buf_v.at[b], sem_out).wait()

        wait_in(0)
        pltpu.async_copy(buf_v.at[0], out_hbm.at[0].at[ranks], sem_out)
        pltpu.async_copy(
            x_hbm.at[pl.ds(3 * _N + base, _RPW)], buf_v.at[3], sem_in)

        def pbody(s, _):
            b = s % 4
            wait_in(b)
            pltpu.async_copy(buf_v.at[b], out_hbm.at[s].at[ranks], sem_out)
            wait_out((s - 1) % 4)
            pltpu.async_copy(
                x_hbm.at[pl.ds((s + 3) * _N + base, _RPW)],
                buf_v.at[(s + 3) % 4], sem_in)
            return 0
        lax.fori_loop(1, _NSLAB - 3, pbody, 0)

        for s in range(_NSLAB - 3, _NSLAB):
            b = s % 4
            wait_in(b)
            pltpu.async_copy(buf_v.at[b], out_hbm.at[s].at[ranks], sem_out)
            wait_out((s - 1) % 4)
        wait_out((_NSLAB - 1) % 4)

    return permute


_permute = _build()


def kernel(rois, target):
    n, c, h, w = rois.shape
    x = rois.transpose(2, 3, 0, 1).reshape(h * w * n, c)
    out = _permute(x, target)
    return out.reshape(h, w, n, c).transpose(2, 3, 0, 1)

# --- scband reference (transcript-rebuilt; emitter-appended) ---
"""Pipeline reference for scband-demo-module-37598143710101 (READ-ONLY COPY).

The authoritative reference and input builder live on the scoring server;
editing this copy changes nothing except your own understanding.
"""

import jax, jax.numpy as jnp
import numpy as np


def setup_inputs(seed: int = 0) -> dict:
    key = jax.random.key(seed)
    k1, k2 = jax.random.split(key)
    N, C, H, W = 4096, 128, 7, 7
    # Original module generates these internally with torch.rand; we externalize
    # the randomness so the computation itself stays pure/functional.
    rois = jax.random.uniform(k1, (N, C, H, W), dtype=jnp.float32)
    target = jax.random.randint(k2, (N,), 0, N, dtype=jnp.int32)
    return {"rois": rois, "target": target}


def reference(rois, target):
    # Original loop: for idx in range(N): final_rois = cat(final_rois, rois[target == idx])
    # Every row has target in [0, N), so every row appears exactly once, grouped
    # by ascending target value with original relative order preserved within a
    # group. That is exactly a stable sort of rows by target key + gather.
    order = jnp.argsort(target, stable=True)
    final_rois = jnp.take(rois, order, axis=0)
    return final_rois

if __name__ == "__main__":
    import jax
    _d = setup_inputs()
    print(jax.jit(kernel)(*tuple(_d.values())))

</pallas_src>

<mosaic_0001>
#map = affine_map<(d0, d1) -> (0, 0)>
#map1 = affine_map<(d0, d1) -> (0)>
#map2 = affine_map<(d0, d1) -> (0, 0, 0)>
module attributes {stable_mosaic.version = 14 : i64} {
  func.func @permute(%arg0: i32, %arg1: i32, %arg2: memref<200704x128xf32, #tpu.memory_space<hbm>>, %arg3: memref<4096xi32, #tpu.memory_space<hbm>>, %arg4: memref<49x4096x128xf32, #tpu.memory_space<hbm>>, %arg5: memref<4096xi32, #tpu.memory_space<vmem>>, %arg6: memref<32768xi32, #tpu.memory_space<vmem>>, %arg7: memref<4096xi32, #tpu.memory_space<vmem>>, %arg8: memref<256xi32, #tpu.memory_space<vmem>>, %arg9: memref<1x128xi32, #tpu.memory_space<vmem>>, %arg10: memref<4x128x128xf32, #tpu.memory_space<vmem>>, %arg11: memref<!tpu.dma_semaphore, #tpu.memory_space<semaphore_mem>>, %arg12: memref<!tpu.dma_semaphore, #tpu.memory_space<semaphore_mem>>) attributes {dimension_semantics = [#tpu.dimension_semantics<core_parallel>, #tpu.dimension_semantics<subcore_parallel>], iteration_bounds = array<i64: 2, 16>, scalar_prefetch = 0 : i64, scratch_operands = 8 : i64, tpu.core_type = #tpu.core_type<sc_vector_subcore>, window_params = [{transform_indices = #map}, {transform_indices = #map1}, {transform_indices = #map2}]} {
    %mul3A = arith.constant 2 : i32
    %mul3A_0 = arith.muli %arg1, %mul3A : i32
    %add3A = arith.addi %mul3A_0, %arg0 : i32
    %mul3A_1 = arith.constant 128 : i32
    %mul3A_2 = arith.muli %add3A, %mul3A_1 : i32
    "tpu.region"() ({
      %run_scoped3A = tpu.sem_alloc : memref<!tpu.dma_semaphore, #tpu.memory_space<semaphore_mem>>
      tpu.enqueue_dma source(%arg3 : memref<4096xi32, #tpu.memory_space<hbm>>) target(%arg5 : memref<4096xi32, #tpu.memory_space<vmem>>) target_semaphore(%run_scoped3A : memref<!tpu.dma_semaphore, #tpu.memory_space<semaphore_mem>>)
      tpu.wait_dma2 semaphore(%run_scoped3A : memref<!tpu.dma_semaphore, #tpu.memory_space<semaphore_mem>>) src(%arg3 : memref<4096xi32, #tpu.memory_space<hbm>>) dst(%arg5 : memref<4096xi32, #tpu.memory_space<vmem>>)
      tpu.yield
    }) : () -> ()
    %add3A_3 = arith.constant 0 : i32
    %add3A_4 = arith.addi %add3A_3, %mul3A_2 : i32
    %dma_start3A = arith.constant 0 : i32
    %dma_start3A_5 = arith.constant 0 : i32
    %dma_start3A_6 = arith.constant 0 : i32
    %dma_start3A_7 = tpu.memref_slice %arg10[%dma_start3A, %dma_start3A_5, %dma_start3A_6] : memref<4x128x128xf32, #tpu.memory_space<vmem>> -> memref<1x128x128xf32, #tpu.memory_space<vmem>>
    %dma_start3A_8 = tpu.memref_squeeze %dma_start3A_7 : memref<1x128x128xf32, #tpu.memory_space<vmem>> -> memref<128x128xf32, #tpu.memory_space<vmem>>
    %dma_start3A_9 = arith.constant 0 : i32
    %dma_start3A_10 = tpu.memref_slice %arg2[%add3A_4, %dma_start3A_9] : memref<200704x128xf32, #tpu.memory_space<hbm>> -> memref<128x128xf32, #tpu.memory_space<hbm>>
    %dma_start3A_11 = arith.constant 0 : i32
    %dma_start3A_12 = arith.constant 0 : i32
    %dma_start3A_13 = tpu.memref_slice %arg10[%dma_start3A, %dma_start3A_11, %dma_start3A_12] : memref<4x128x128xf32, #tpu.memory_space<vmem>> -> memref<1x128x128xf32, #tpu.memory_space<vmem>>
    %dma_start3A_14 = tpu.memref_squeeze %dma_start3A_13 : memref<1x128x128xf32, #tpu.memory_space<vmem>> -> memref<128x128xf32, #tpu.memory_space<vmem>>
    %dma_start3A_15 = arith.constant 0 : i32
    %dma_start3A_16 = tpu.memref_slice %arg2[%add3A_4, %dma_start3A_15] : memref<200704x128xf32, #tpu.memory_space<hbm>> -> memref<128x128xf32, #tpu.memory_space<hbm>>
    tpu.enqueue_dma source(%dma_start3A_16 : memref<128x128xf32, #tpu.memory_space<hbm>>) target(%dma_start3A_14 : memref<128x128xf32, #tpu.memory_space<vmem>>) target_semaphore(%arg11 : memref<!tpu.dma_semaphore, #tpu.memory_space<semaphore_mem>>)
    %add3A_17 = arith.constant 4096 : i32
    %add3A_18 = arith.addi %add3A_17, %mul3A_2 : i32
    %dma_start3A_19 = arith.constant 1 : i32
    %dma_start3A_20 = arith.constant 0 : i32
    %dma_start3A_21 = arith.constant 0 : i32
    %dma_start3A_22 = tpu.memref_slice %arg10[%dma_start3A_19, %dma_start3A_20, %dma_start3A_21] : memref<4x128x128xf32, #tpu.memory_space<vmem>> -> memref<1x128x128xf32, #tpu.memory_space<vmem>>
    %dma_start3A_23 = tpu.memref_squeeze %dma_start3A_22 : memref<1x128x128xf32, #tpu.memory_space<vmem>> -> memref<128x128xf32, #tpu.memory_space<vmem>>
    %dma_start3A_24 = arith.constant 0 : i32
    %dma_start3A_25 = tpu.memref_slice %arg2[%add3A_18, %dma_start3A_24] : memref<200704x128xf32, #tpu.memory_space<hbm>> -> memref<128x128xf32, #tpu.memory_space<hbm>>
    %dma_start3A_26 = arith.constant 0 : i32
    %dma_start3A_27 = arith.constant 0 : i32
    %dma_start3A_28 = tpu.memref_slice %arg10[%dma_start3A_19, %dma_start3A_26, %dma_start3A_27] : memref<4x128x128xf32, #tpu.memory_space<vmem>> -> memref<1x128x128xf32, #tpu.memory_space<vmem>>
    %dma_start3A_29 = tpu.memref_squeeze %dma_start3A_28 : memref<1x128x128xf32, #tpu.memory_space<vmem>> -> memref<128x128xf32, #tpu.memory_space<vmem>>
    %dma_start3A_30 = arith.constant 0 : i32
    %dma_start3A_31 = tpu.memref_slice %arg2[%add3A_18, %dma_start3A_30] : memref<200704x128xf32, #tpu.memory_space<hbm>> -> memref<128x128xf32, #tpu.memory_space<hbm>>
    tpu.enqueue_dma source(%dma_start3A_31 : memref<128x128xf32, #tpu.memory_space<hbm>>) target(%dma_start3A_29 : memref<128x128xf32, #tpu.memory_space<vmem>>) target_semaphore(%arg11 : memref<!tpu.dma_semaphore, #tpu.memory_space<semaphore_mem>>)
    %add3A_32 = arith.constant 8192 : i32
    %add3A_33 = arith.addi %add3A_32, %mul3A_2 : i32
    %dma_start3A_34 = arith.constant 2 : i32
    %dma_start3A_35 = arith.constant 0 : i32
    %dma_start3A_36 = arith.constant 0 : i32
    %dma_start3A_37 = tpu.memref_slice %arg10[%dma_start3A_34, %dma_start3A_35, %dma_start3A_36] : memref<4x128x128xf32, #tpu.memory_space<vmem>> -> memref<1x128x128xf32, #tpu.memory_space<vmem>>
    %dma_start3A_38 = tpu.memref_squeeze %dma_start3A_37 : memref<1x128x128xf32, #tpu.memory_space<vmem>> -> memref<128x128xf32, #tpu.memory_space<vmem>>
    %dma_start3A_39 = arith.constant 0 : i32
    %dma_start3A_40 = tpu.memref_slice %arg2[%add3A_33, %dma_start3A_39] : memref<200704x128xf32, #tpu.memory_space<hbm>> -> memref<128x128xf32, #tpu.memory_space<hbm>>
    %dma_start3A_41 = arith.constant 0 : i32
    %dma_start3A_42 = arith.constant 0 : i32
    %dma_start3A_43 = tpu.memref_slice %arg10[%dma_start3A_34, %dma_start3A_41, %dma_start3A_42] : memref<4x128x128xf32, #tpu.memory_space<vmem>> -> memref<1x128x128xf32, #tpu.memory_space<vmem>>
    %dma_start3A_44 = tpu.memref_squeeze %dma_start3A_43 : memref<1x128x128xf32, #tpu.memory_space<vmem>> -> memref<128x128xf32, #tpu.memory_space<vmem>>
    %dma_start3A_45 = arith.constant 0 : i32
    %dma_start3A_46 = tpu.memref_slice %arg2[%add3A_33, %dma_start3A_45] : memref<200704x128xf32, #tpu.memory_space<hbm>> -> memref<128x128xf32, #tpu.memory_space<hbm>>
    tpu.enqueue_dma source(%dma_start3A_46 : memref<128x128xf32, #tpu.memory_space<hbm>>) target(%dma_start3A_44 : memref<128x128xf32, #tpu.memory_space<vmem>>) target_semaphore(%arg11 : memref<!tpu.dma_semaphore, #tpu.memory_space<semaphore_mem>>)
    %iota3A = tpu.iota {dimensions = array<i32: 0>} : vector<16xi32>
    %mul3A_47 = arith.constant 0 : i32
    %mul3A_48 = vector.broadcast %mul3A_47 : i32 to vector<16xi32>
    %mul3A_49 = arith.muli %iota3A, %mul3A_48 : vector<16xi32>
    %add3A_50 = arith.constant 1 : i32
    %add3A_51 = vector.broadcast %add3A_50 : i32 to vector<16xi32>
    %add3A_52 = arith.addi %mul3A_49, %add3A_51 : vector<16xi32>
    %and3A = arith.constant 7 : i32
    %and3A_53 = vector.broadcast %and3A : i32 to vector<16xi32>
    %and3A_54 = arith.andi %iota3A, %and3A_53 : vector<16xi32>
    %mul3A_55 = arith.constant 4096 : i32
    %mul3A_56 = vector.broadcast %mul3A_55 : i32 to vector<16xi32>
    %mul3A_57 = arith.muli %and3A_54, %mul3A_56 : vector<16xi32>
    %lt3A = arith.constant 8 : i32
    %lt3A_58 = vector.broadcast %lt3A : i32 to vector<16xi32>
    %lt3A_59 = arith.cmpi slt, %iota3A, %lt3A_58 : vector<16xi32>
    %ge3A = arith.constant 8 : i32
    %ge3A_60 = vector.broadcast %ge3A : i32 to vector<16xi32>
    %ge3A_61 = arith.cmpi sge, %iota3A, %ge3A_60 : vector<16xi32>
    %mul3A_62 = arith.constant 256 : i32
    %mul3A_63 = vector.broadcast %mul3A_62 : i32 to vector<16xi32>
    %mul3A_64 = arith.muli %iota3A, %mul3A_63 : vector<16xi32>
    %scan3A = arith.constant 0 : i32
    %scan3A_65 = arith.constant 0 : i32
    %scan3A_66 = arith.constant 128 : i32
    %scan3A_67 = arith.addi %scan3A_65, %scan3A_66 : i32
    %scan3A_68 = arith.constant 1 : i32
    %scan3A_69 = scf.for %scan3A_879 = %scan3A_65 to %scan3A_67 step %scan3A_68 iter_args(%scan3A_880 = %scan3A) -> (i32)  : i32 {
      %mul3A_881 = arith.constant 256 : i32
      %mul3A_882 = arith.muli %scan3A_879, %mul3A_881 : i32
      %add3A_883 = arith.constant 0 : i32
      %add3A_884 = arith.addi %mul3A_882, %add3A_883 : i32
      %swap3A = arith.index_cast %add3A_884 : i32 to index
      %swap3A_885 = tpu.vector_load %arg6[%swap3A] {strides = array<i32>} : memref<32768xi32, #tpu.memory_space<vmem>>, vector<16xi32>,
      tpu.vector_store %arg6[%swap3A], %mul3A_49 {strides = array<i32>} : memref<32768xi32, #tpu.memory_space<vmem>>, vector<16xi32>,
      %mul3A_886 = arith.constant 256 : i32
      %mul3A_887 = arith.muli %scan3A_879, %mul3A_886 : i32
      %add3A_888 = arith.constant 16 : i32
      %add3A_889 = arith.addi %mul3A_887, %add3A_888 : i32
      %swap3A_890 = arith.index_cast %add3A_889 : i32 to index
      %swap3A_891 = tpu.vector_load %arg6[%swap3A_890] {strides = array<i32>} : memref<32768xi32, #tpu.memory_space<vmem>>, vector<16xi32>,
      tpu.vector_store %arg6[%swap3A_890], %mul3A_49 {strides = array<i32>} : memref<32768xi32, #tpu.memory_space<vmem>>, vector<16xi32>,
      %mul3A_892 = arith.constant 256 : i32
      %mul3A_893 = arith.muli %scan3A_879, %mul3A_892 : i32
      %add3A_894 = arith.constant 32 : i32
      %add3A_895 = arith.addi %mul3A_893, %add3A_894 : i32
      %swap3A_896 = arith.index_cast %add3A_895 : i32 to index
      %swap3A_897 = tpu.vector_load %arg6[%swap3A_896] {strides = array<i32>} : memref<32768xi32, #tpu.memory_space<vmem>>, vector<16xi32>,
      tpu.vector_store %arg6[%swap3A_896], %mul3A_49 {strides = array<i32>} : memref<32768xi32, #tpu.memory_space<vmem>>, vector<16xi32>,
      %mul3A_898 = arith.constant 256 : i32
      %mul3A_899 = arith.muli %scan3A_879, %mul3A_898 : i32
      %add3A_900 = arith.constant 48 : i32
      %add3A_901 = arith.addi %mul3A_899, %add3A_900 : i32
      %swap3A_902 = arith.index_cast %add3A_901 : i32 to index
      %swap3A_903 = tpu.vector_load %arg6[%swap3A_902] {strides = array<i32>} : memref<32768xi32, #tpu.memory_space<vmem>>, vector<16xi32>,
      tpu.vector_store %arg6[%swap3A_902], %mul3A_49 {strides = array<i32>} : memref<32768xi32, #tpu.memory_space<vmem>>, vector<16xi32>,
      %mul3A_904 = arith.constant 256 : i32
      %mul3A_905 = arith.muli %scan3A_879, %mul3A_904 : i32
      %add3A_906 = arith.constant 64 : i32
      %add3A_907 = arith.addi %mul3A_905, %add3A_906 : i32
      %swap3A_908 = arith.index_cast %add3A_907 : i32 to index
      %swap3A_909 = tpu.vector_load %arg6[%swap3A_908] {strides = array<i32>} : memref<32768xi32, #tpu.memory_space<vmem>>, vector<16xi32>,
      tpu.vector_store %arg6[%swap3A_908], %mul3A_49 {strides = array<i32>} : memref<32768xi32, #tpu.memory_space<vmem>>, vector<16xi32>,
      %mul3A_910 = arith.constant 256 : i32
      %mul3A_911 = arith.muli %scan3A_879, %mul3A_910 : i32
      %add3A_912 = arith.constant 80 : i32
      %add3A_913 = arith.addi %mul3A_911, %add3A_912 : i32
      %swap3A_914 = arith.index_cast %add3A_913 : i32 to index
      %swap3A_915 = tpu.vector_load %arg6[%swap3A_914] {strides = array<i32>} : memref<32768xi32, #tpu.memory_space<vmem>>, vector<16xi32>,
      tpu.vector_store %arg6[%swap3A_914], %mul3A_49 {strides = array<i32>} : memref<32768xi32, #tpu.memory_space<vmem>>, vector<16xi32>,
      %mul3A_916 = arith.constant 256 : i32
      %mul3A_917 = arith.muli %scan3A_879, %mul3A_916 : i32
      %add3A_918 = arith.constant 96 : i32
      %add3A_919 = arith.addi %mul3A_917, %add3A_918 : i32
      %swap3A_920 = arith.index_cast %add3A_919 : i32 to index
      %swap3A_921 = tpu.vector_load %arg6[%swap3A_920] {strides = array<i32>} : memref<32768xi32, #tpu.memory_space<vmem>>, vector<16xi32>,
      tpu.vector_store %arg6[%swap3A_920], %mul3A_49 {strides = array<i32>} : memref<32768xi32, #tpu.memory_space<vmem>>, vector<16xi32>,
      %mul3A_922 = arith.constant 256 : i32
      %mul3A_923 = arith.muli %scan3A_879, %mul3A_922 : i32
      %add3A_924 = arith.constant 112 : i32
      %add3A_925 = arith.addi %mul3A_923, %add3A_924 : i32
      %swap3A_926 = arith.index_cast %add3A_925 : i32 to index
      %swap3A_927 = tpu.vector_load %arg6[%swap3A_926] {strides = array<i32>} : memref<32768xi32, #tpu.memory_space<vmem>>, vector<16xi32>,
      tpu.vector_store %arg6[%swap3A_926], %mul3A_49 {strides = array<i32>} : memref<32768xi32, #tpu.memory_space<vmem>>, vector<16xi32>,
      %mul3A_928 = arith.constant 256 : i32
      %mul3A_929 = arith.muli %scan3A_879, %mul3A_928 : i32
      %add3A_930 = arith.constant 128 : i32
      %add3A_931 = arith.addi %mul3A_929, %add3A_930 : i32
      %swap3A_932 = arith.index_cast %add3A_931 : i32 to index
      %swap3A_933 = tpu.vector_load %arg6[%swap3A_932] {strides = array<i32>} : memref<32768xi32, #tpu.memory_space<vmem>>, vector<16xi32>,
      tpu.vector_store %arg6[%swap3A_932], %mul3A_49 {strides = array<i32>} : memref<32768xi32, #tpu.memory_space<vmem>>, vector<16xi32>,
      %mul3A_934 = arith.constant 256 : i32
      %mul3A_935 = arith.muli %scan3A_879, %mul3A_934 : i32
      %add3A_936 = arith.constant 144 : i32
      %add3A_937 = arith.addi %mul3A_935, %add3A_936 : i32
      %swap3A_938 = arith.index_cast %add3A_937 : i32 to index
      %swap3A_939 = tpu.vector_load %arg6[%swap3A_938] {strides = array<i32>} : memref<32768xi32, #tpu.memory_space<vmem>>, vector<16xi32>,
      tpu.vector_store %arg6[%swap3A_938], %mul3A_49 {strides = array<i32>} : memref<32768xi32, #tpu.memory_space<vmem>>, vector<16xi32>,
      %mul3A_940 = arith.constant 256 : i32
      %mul3A_941 = arith.muli %scan3A_879, %mul3A_940 : i32
      %add3A_942 = arith.constant 160 : i32
      %add3A_943 = arith.addi %mul3A_941, %add3A_942 : i32
      %swap3A_944 = arith.index_cast %add3A_943 : i32 to index
      %swap3A_945 = tpu.vector_load %arg6[%swap3A_944] {strides = array<i32>} : memref<32768xi32, #tpu.memory_space<vmem>>, vector<16xi32>,
      tpu.vector_store %arg6[%swap3A_944], %mul3A_49 {strides = array<i32>} : memref<32768xi32, #tpu.memory_space<vmem>>, vector<16xi32>,
      %mul3A_946 = arith.constant 256 : i32
      %mul3A_947 = arith.muli %scan3A_879, %mul3A_946 : i32
      %add3A_948 = arith.constant 176 : i32
      %add3A_949 = arith.addi %mul3A_947, %add3A_948 : i32
      %swap3A_950 = arith.index_cast %add3A_949 : i32 to index
      %swap3A_951 = tpu.vector_load %arg6[%swap3A_950] {strides = array<i32>} : memref<32768xi32, #tpu.memory_space<vmem>>, vector<16xi32>,
      tpu.vector_store %arg6[%swap3A_950], %mul3A_49 {strides = array<i32>} : memref<32768xi32, #tpu.memory_space<vmem>>, vector<16xi32>,
      %mul3A_952 = arith.constant 256 : i32
      %mul3A_953 = arith.muli %scan3A_879, %mul3A_952 : i32
      %add3A_954 = arith.constant 192 : i32
      %add3A_955 = arith.addi %mul3A_953, %add3A_954 : i32
      %swap3A_956 = arith.index_cast %add3A_955 : i32 to index
      %swap3A_957 = tpu.vector_load %arg6[%swap3A_956] {strides = array<i32>} : memref<32768xi32, #tpu.memory_space<vmem>>, vector<16xi32>,
      tpu.vector_store %arg6[%swap3A_956], %mul3A_49 {strides = array<i32>} : memref<32768xi32, #tpu.memory_space<vmem>>, vector<16xi32>,
      %mul3A_958 = arith.constant 256 : i32
      %mul3A_959 = arith.muli %scan3A_879, %mul3A_958 : i32
      %add3A_960 = arith.constant 208 : i32
      %add3A_961 = arith.addi %mul3A_959, %add3A_960 : i32
      %swap3A_962 = arith.index_cast %add3A_961 : i32 to index
      %swap3A_963 = tpu.vector_load %arg6[%swap3A_962] {strides = array<i32>} : memref<32768xi32, #tpu.memory_space<vmem>>, vector<16xi32>,
      tpu.vector_store %arg6[%swap3A_962], %mul3A_49 {strides = array<i32>} : memref<32768xi32, #tpu.memory_space<vmem>>, vector<16xi32>,
      %mul3A_964 = arith.constant 256 : i32
      %mul3A_965 = arith.muli %scan3A_879, %mul3A_964 : i32
      %add3A_966 = arith.constant 224 : i32
      %add3A_967 = arith.addi %mul3A_965, %add3A_966 : i32
      %swap3A_968 = arith.index_cast %add3A_967 : i32 to index
      %swap3A_969 = tpu.vector_load %arg6[%swap3A_968] {strides = array<i32>} : memref<32768xi32, #tpu.memory_space<vmem>>, vector<16xi32>,
      tpu.vector_store %arg6[%swap3A_968], %mul3A_49 {strides = array<i32>} : memref<32768xi32, #tpu.memory_space<vmem>>, vector<16xi32>,
      %mul3A_970 = arith.constant 256 : i32
      %mul3A_971 = arith.muli %scan3A_879, %mul3A_970 : i32
      %add3A_972 = arith.constant 240 : i32
      %add3A_973 = arith.addi %mul3A_971, %add3A_972 : i32
      %swap3A_974 = arith.index_cast %add3A_973 : i32 to index
      %swap3A_975 = tpu.vector_load %arg6[%swap3A_974] {strides = array<i32>} : memref<32768xi32, #tpu.memory_space<vmem>>, vector<16xi32>,
      tpu.vector_store %arg6[%swap3A_974], %mul3A_49 {strides = array<i32>} : memref<32768xi32, #tpu.memory_space<vmem>>, vector<16xi32>,
      %scan3A_976 = arith.constant 0 : i32
      scf.yield %scan3A_976 : i32
    }
    %scan3A_70 = arith.constant 128 : i32
    %scan3A_71 = arith.constant 0 : i32
    %scan3A_72 = arith.constant 0 : i32
    %scan3A_73 = arith.constant 64 : i32
    %scan3A_74 = arith.addi %scan3A_72, %scan3A_73 : i32
    %scan3A_75 = arith.constant 1 : i32
    %scan3A_76 = scf.for %scan3A_879 = %scan3A_72 to %scan3A_74 step %scan3A_75 iter_args(%scan3A_880 = %scan3A_71) -> (i32)  : i32 {
      %mul3A_881 = arith.constant 64 : i32
      %mul3A_882 = arith.muli %scan3A_879, %mul3A_881 : i32
      %add3A_883 = arith.constant 0 : i32
      %add3A_884 = arith.addi %mul3A_882, %add3A_883 : i32
      %swap3A = arith.index_cast %add3A_884 : i32 to index
      %swap3A_885 = tpu.vector_load %arg7[%swap3A] {strides = array<i32>} : memref<4096xi32, #tpu.memory_space<vmem>>, vector<16xi32>,
      tpu.vector_store %arg7[%swap3A], %mul3A_49 {strides = array<i32>} : memref<4096xi32, #tpu.memory_space<vmem>>, vector<16xi32>,
      %mul3A_886 = arith.constant 64 : i32
      %mul3A_887 = arith.muli %scan3A_879, %mul3A_886 : i32
      %add3A_888 = arith.constant 16 : i32
      %add3A_889 = arith.addi %mul3A_887, %add3A_888 : i32
      %swap3A_890 = arith.index_cast %add3A_889 : i32 to index
      %swap3A_891 = tpu.vector_load %arg7[%swap3A_890] {strides = array<i32>} : memref<4096xi32, #tpu.memory_space<vmem>>, vector<16xi32>,
      tpu.vector_store %arg7[%swap3A_890], %mul3A_49 {strides = array<i32>} : memref<4096xi32, #tpu.memory_space<vmem>>, vector<16xi32>,
      %mul3A_892 = arith.constant 64 : i32
      %mul3A_893 = arith.muli %scan3A_879, %mul3A_892 : i32
      %add3A_894 = arith.constant 32 : i32
      %add3A_895 = arith.addi %mul3A_893, %add3A_894 : i32
      %swap3A_896 = arith.index_cast %add3A_895 : i32 to index
      %swap3A_897 = tpu.vector_load %arg7[%swap3A_896] {strides = array<i32>} : memref<4096xi32, #tpu.memory_space<vmem>>, vector<16xi32>,
      tpu.vector_store %arg7[%swap3A_896], %mul3A_49 {strides = array<i32>} : memref<4096xi32, #tpu.memory_space<vmem>>, vector<16xi32>,
      %mul3A_898 = arith.constant 64 : i32
      %mul3A_899 = arith.muli %scan3A_879, %mul3A_898 : i32
      %add3A_900 = arith.constant 48 : i32
      %add3A_901 = arith.addi %mul3A_899, %add3A_900 : i32
      %swap3A_902 = arith.index_cast %add3A_901 : i32 to index
      %swap3A_903 = tpu.vector_load %arg7[%swap3A_902] {strides = array<i32>} : memref<4096xi32, #tpu.memory_space<vmem>>, vector<16xi32>,
      tpu.vector_store %arg7[%swap3A_902], %mul3A_49 {strides = array<i32>} : memref<4096xi32, #tpu.memory_space<vmem>>, vector<16xi32>,
      %scan3A_904 = arith.constant 0 : i32
      scf.yield %scan3A_904 : i32
    }
    %scan3A_77 = arith.constant 64 : i32
    %scan3A_78 = arith.constant 0 : i32
    %scan3A_79 = arith.constant 0 : i32
    %scan3A_80 = arith.constant 256 : i32
    %scan3A_81 = arith.addi %scan3A_79, %scan3A_80 : i32
    %scan3A_82 = arith.constant 1 : i32
    %scan3A_83 = scf.for %scan3A_879 = %scan3A_79 to %scan3A_81 step %scan3A_82 iter_args(%scan3A_880 = %scan3A_78) -> (i32)  : i32 {
      %mul3A_881 = arith.constant 16 : i32
      %mul3A_882 = arith.muli %scan3A_879, %mul3A_881 : i32
      %get3A_883 = arith.index_cast %mul3A_882 : i32 to index
      %get3A_884 = tpu.vector_load %arg5[%get3A_883] {strides = array<i32>} : memref<4096xi32, #tpu.memory_space<vmem>>, vector<16xi32>,
      %mul3A_885 = arith.constant 16 : i32
      %mul3A_886 = arith.muli %scan3A_879, %mul3A_885 : i32
      %add3A_887 = vector.broadcast %mul3A_886 : i32 to vector<16xi32>
      %add3A_888 = arith.addi %add3A_887, %iota3A : vector<16xi32>
      %lt3A_889 = vector.broadcast %mul3A_2 : i32 to vector<16xi32>
      %lt3A_890 = arith.cmpi slt, %add3A_888, %lt3A_889 : vector<16xi32>
      %add3A_891 = arith.addi %mul3A_57, %get3A_884 : vector<16xi32>
      %and3A_892 = arith.andi %lt3A_890, %lt3A_59 : vector<16xi1>
      tpu.vector_store_idx %arg6[%add3A_891], %add3A_52 masked %and3A_892 {add = true} : memref<32768xi32, #tpu.memory_space<vmem>>[vector<16xi32>], vector<16xi32>, vector<16xi1>
      %add3A_893 = arith.addi %mul3A_57, %get3A_884 : vector<16xi32>
      %and3A_894 = arith.andi %lt3A_890, %ge3A_61 : vector<16xi1>
      tpu.vector_store_idx %arg6[%add3A_893], %add3A_52 masked %and3A_894 {add = true} : memref<32768xi32, #tpu.memory_space<vmem>>[vector<16xi32>], vector<16xi32>, vector<16xi1>
      %shift_right_logical3A_895 = arith.constant 4 : i32
      %shift_right_logical3A_896 = vector.broadcast %shift_right_logical3A_895 : i32 to vector<16xi32>
      %shift_right_logical3A_897 = arith.shrui %get3A_884, %shift_right_logical3A_896 : vector<16xi32>
      %add3A_898 = arith.addi %mul3A_64, %shift_right_logical3A_897 : vector<16xi32>
      tpu.vector_store_idx %arg7[%add3A_898], %add3A_52 {add = true} : memref<4096xi32, #tpu.memory_space<vmem>>[vector<16xi32>], vector<16xi32>,
      %scan3A_899 = arith.constant 0 : i32
      scf.yield %scan3A_899 : i32
    }
    %scan3A_84 = arith.constant 256 : i32
    %add3A_85 = arith.constant 0 : i32
    %add3A_86 = arith.addi %mul3A_2, %add3A_85 : i32
    %get3A = arith.index_cast %add3A_86 : i32 to index
    %get3A_87 = tpu.vector_load %arg5[%get3A] {strides = array<i32>} : memref<4096xi32, #tpu.memory_space<vmem>>, vector<16xi32>,
    %add3A_88 = arith.constant 16 : i32
    %add3A_89 = arith.addi %mul3A_2, %add3A_88 : i32
    %get3A_90 = arith.index_cast %add3A_89 : i32 to index
    %get3A_91 = tpu.vector_load %arg5[%get3A_90] {strides = array<i32>} : memref<4096xi32, #tpu.memory_space<vmem>>, vector<16xi32>,
    %add3A_92 = arith.constant 32 : i32
    %add3A_93 = arith.addi %mul3A_2, %add3A_92 : i32
    %get3A_94 = arith.index_cast %add3A_93 : i32 to index
    %get3A_95 = tpu.vector_load %arg5[%get3A_94] {strides = array<i32>} : memref<4096xi32, #tpu.memory_space<vmem>>, vector<16xi32>,
    %add3A_96 = arith.constant 48 : i32
    %add3A_97 = arith.addi %mul3A_2, %add3A_96 : i32
    %get3A_98 = arith.index_cast %add3A_97 : i32 to index
    %get3A_99 = tpu.vector_load %arg5[%get3A_98] {strides = array<i32>} : memref<4096xi32, #tpu.memory_space<vmem>>, vector<16xi32>,
    %add3A_100 = arith.constant 64 : i32
    %add3A_101 = arith.addi %mul3A_2, %add3A_100 : i32
    %get3A_102 = arith.index_cast %add3A_101 : i32 to index
    %get3A_103 = tpu.vector_load %arg5[%get3A_102] {strides = array<i32>} : memref<4096xi32, #tpu.memory_space<vmem>>, vector<16xi32>,
    %add3A_104 = arith.constant 80 : i32
    %add3A_105 = arith.addi %mul3A_2, %add3A_104 : i32
    %get3A_106 = arith.index_cast %add3A_105 : i32 to index
    %get3A_107 = tpu.vector_load %arg5[%get3A_106] {strides = array<i32>} : memref<4096xi32, #tpu.memory_space<vmem>>, vector<16xi32>,
    %add3A_108 = arith.constant 96 : i32
    %add3A_109 = arith.addi %mul3A_2, %add3A_108 : i32
    %get3A_110 = arith.index_cast %add3A_109 : i32 to index
    %get3A_111 = tpu.vector_load %arg5[%get3A_110] {strides = array<i32>} : memref<4096xi32, #tpu.memory_space<vmem>>, vector<16xi32>,
    %add3A_112 = arith.constant 112 : i32
    %add3A_113 = arith.addi %mul3A_2, %add3A_112 : i32
    %get3A_114 = arith.index_cast %add3A_113 : i32 to index
    %get3A_115 = tpu.vector_load %arg5[%get3A_114] {strides = array<i32>} : memref<4096xi32, #tpu.memory_space<vmem>>, vector<16xi32>,
    %add3A_116 = arith.constant 0 : i32
    %add3A_117 = vector.broadcast %add3A_116 : i32 to vector<16xi32>
    %add3A_118 = arith.addi %get3A_87, %add3A_117 : vector<16xi32>
    %gather3A = tpu.vector_load_idx %arg6[%add3A_118] : memref<32768xi32, #tpu.memory_space<vmem>>[vector<16xi32>], vector<16xi32>,
    %add3A_119 = arith.addi %mul3A_49, %gather3A : vector<16xi32>
    %add3A_120 = arith.constant 4096 : i32
    %add3A_121 = vector.broadcast %add3A_120 : i32 to vector<16xi32>
    %add3A_122 = arith.addi %get3A_87, %add3A_121 : vector<16xi32>
    %gather3A_123 = tpu.vector_load_idx %arg6[%add3A_122] : memref<32768xi32, #tpu.memory_space<vmem>>[vector<16xi32>], vector<16xi32>,
    %add3A_124 = arith.addi %add3A_119, %gather3A_123 : vector<16xi32>
    %add3A_125 = arith.constant 8192 : i32
    %add3A_126 = vector.broadcast %add3A_125 : i32 to vector<16xi32>
    %add3A_127 = arith.addi %get3A_87, %add3A_126 : vector<16xi32>
    %gather3A_128 = tpu.vector_load_idx %arg6[%add3A_127] : memref<32768xi32, #tpu.memory_space<vmem>>[vector<16xi32>], vector<16xi32>,
    %add3A_129 = arith.addi %add3A_124, %gather3A_128 : vector<16xi32>
    %add3A_130 = arith.constant 12288 : i32
    %add3A_131 = vector.broadcast %add3A_130 : i32 to vector<16xi32>
    %add3A_132 = arith.addi %get3A_87, %add3A_131 : vector<16xi32>
    %gather3A_133 = tpu.vector_load_idx %arg6[%add3A_132] : memref<32768xi32, #tpu.memory_space<vmem>>[vector<16xi32>], vector<16xi32>,
    %add3A_134 = arith.addi %add3A_129, %gather3A_133 : vector<16xi32>
    %add3A_135 = arith.constant 16384 : i32
    %add3A_136 = vector.broadcast %add3A_135 : i32 to vector<16xi32>
    %add3A_137 = arith.addi %get3A_87, %add3A_136 : vector<16xi32>
    %gather3A_138 = tpu.vector_load_idx %arg6[%add3A_137] : memref<32768xi32, #tpu.memory_space<vmem>>[vector<16xi32>], vector<16xi32>,
    %add3A_139 = arith.addi %add3A_134, %gather3A_138 : vector<16xi32>
    %add3A_140 = arith.constant 20480 : i32
    %add3A_141 = vector.broadcast %add3A_140 : i32 to vector<16xi32>
    %add3A_142 = arith.addi %get3A_87, %add3A_141 : vector<16xi32>
    %gather3A_143 = tpu.vector_load_idx %arg6[%add3A_142] : memref<32768xi32, #tpu.memory_space<vmem>>[vector<16xi32>], vector<16xi32>,
    %add3A_144 = arith.addi %add3A_139, %gather3A_143 : vector<16xi32>
    %add3A_145 = arith.constant 24576 : i32
    %add3A_146 = vector.broadcast %add3A_145 : i32 to vector<16xi32>
    %add3A_147 = arith.addi %get3A_87, %add3A_146 : vector<16xi32>
    %gather3A_148 = tpu.vector_load_idx %arg6[%add3A_147] : memref<32768xi32, #tpu.memory_space<vmem>>[vector<16xi32>], vector<16xi32>,
    %add3A_149 = arith.addi %add3A_144, %gather3A_148 : vector<16xi32>
    %add3A_150 = arith.constant 28672 : i32
    %add3A_151 = vector.broadcast %add3A_150 : i32 to vector<16xi32>
    %add3A_152 = arith.addi %get3A_87, %add3A_151 : vector<16xi32>
    %gather3A_153 = tpu.vector_load_idx %arg6[%add3A_152] : memref<32768xi32, #tpu.memory_space<vmem>>[vector<16xi32>], vector<16xi32>,
    %add3A_154 = arith.addi %add3A_149, %gather3A_153 : vector<16xi32>
    %add3A_155 = arith.constant 0 : i32
    %add3A_156 = vector.broadcast %add3A_155 : i32 to vector<16xi32>
    %add3A_157 = arith.addi %get3A_91, %add3A_156 : vector<16xi32>
    %gather3A_158 = tpu.vector_load_idx %arg6[%add3A_157] : memref<32768xi32, #tpu.memory_space<vmem>>[vector<16xi32>], vector<16xi32>,
    %add3A_159 = arith.addi %mul3A_49, %gather3A_158 : vector<16xi32>
    %add3A_160 = arith.constant 4096 : i32
    %add3A_161 = vector.broadcast %add3A_160 : i32 to vector<16xi32>
    %add3A_162 = arith.addi %get3A_91, %add3A_161 : vector<16xi32>
    %gather3A_163 = tpu.vector_load_idx %arg6[%add3A_162] : memref<32768xi32, #tpu.memory_space<vmem>>[vector<16xi32>], vector<16xi32>,
    %add3A_164 = arith.addi %add3A_159, %gather3A_163 : vector<16xi32>
    %add3A_165 = arith.constant 8192 : i32
    %add3A_166 = vector.broadcast %add3A_165 : i32 to vector<16xi32>
    %add3A_167 = arith.addi %get3A_91, %add3A_166 : vector<16xi32>
    %gather3A_168 = tpu.vector_load_idx %arg6[%add3A_167] : memref<32768xi32, #tpu.memory_space<vmem>>[vector<16xi32>], vector<16xi32>,
    %add3A_169 = arith.addi %add3A_164, %gather3A_168 : vector<16xi32>
    %add3A_170 = arith.constant 12288 : i32
    %add3A_171 = vector.broadcast %add3A_170 : i32 to vector<16xi32>
    %add3A_172 = arith.addi %get3A_91, %add3A_171 : vector<16xi32>
    %gather3A_173 = tpu.vector_load_idx %arg6[%add3A_172] : memref<32768xi32, #tpu.memory_space<vmem>>[vector<16xi32>], vector<16xi32>,
    %add3A_174 = arith.addi %add3A_169, %gather3A_173 : vector<16xi32>
    %add3A_175 = arith.constant 16384 : i32
    %add3A_176 = vector.broadcast %add3A_175 : i32 to vector<16xi32>
    %add3A_177 = arith.addi %get3A_91, %add3A_176 : vector<16xi32>
    %gather3A_178 = tpu.vector_load_idx %arg6[%add3A_177] : memref<32768xi32, #tpu.memory_space<vmem>>[vector<16xi32>], vector<16xi32>,
    %add3A_179 = arith.addi %add3A_174, %gather3A_178 : vector<16xi32>
    %add3A_180 = arith.constant 20480 : i32
    %add3A_181 = vector.broadcast %add3A_180 : i32 to vector<16xi32>
    %add3A_182 = arith.addi %get3A_91, %add3A_181 : vector<16xi32>
    %gather3A_183 = tpu.vector_load_idx %arg6[%add3A_182] : memref<32768xi32, #tpu.memory_space<vmem>>[vector<16xi32>], vector<16xi32>,
    %add3A_184 = arith.addi %add3A_179, %gather3A_183 : vector<16xi32>
    %add3A_185 = arith.constant 24576 : i32
    %add3A_186 = vector.broadcast %add3A_185 : i32 to vector<16xi32>
    %add3A_187 = arith.addi %get3A_91, %add3A_186 : vector<16xi32>
    %gather3A_188 = tpu.vector_load_idx %arg6[%add3A_187] : memref<32768xi32, #tpu.memory_space<vmem>>[vector<16xi32>], vector<16xi32>,
    %add3A_189 = arith.addi %add3A_184, %gather3A_188 : vector<16xi32>
    %add3A_190 = arith.constant 28672 : i32
    %add3A_191 = vector.broadcast %add3A_190 : i32 to vector<16xi32>
    %add3A_192 = arith.addi %get3A_91, %add3A_191 : vector<16xi32>
    %gather3A_193 = tpu.vector_load_idx %arg6[%add3A_192] : memref<32768xi32, #tpu.memory_space<vmem>>[vector<16xi32>], vector<16xi32>,
    %add3A_194 = arith.addi %add3A_189, %gather3A_193 : vector<16xi32>
    %add3A_195 = arith.constant 0 : i32
    %add3A_196 = vector.broadcast %add3A_195 : i32 to vector<16xi32>
    %add3A_197 = arith.addi %get3A_95, %add3A_196 : vector<16xi32>
    %gather3A_198 = tpu.vector_load_idx %arg6[%add3A_197] : memref<32768xi32, #tpu.memory_space<vmem>>[vector<16xi32>], vector<16xi32>,
    %add3A_199 = arith.addi %mul3A_49, %gather3A_198 : vector<16xi32>
    %add3A_200 = arith.constant 4096 : i32
    %add3A_201 = vector.broadcast %add3A_200 : i32 to vector<16xi32>
    %add3A_202 = arith.addi %get3A_95, %add3A_201 : vector<16xi32>
    %gather3A_203 = tpu.vector_load_idx %arg6[%add3A_202] : memref<32768xi32, #tpu.memory_space<vmem>>[vector<16xi32>], vector<16xi32>,
    %add3A_204 = arith.addi %add3A_199, %gather3A_203 : vector<16xi32>
    %add3A_205 = arith.constant 8192 : i32
    %add3A_206 = vector.broadcast %add3A_205 : i32 to vector<16xi32>
    %add3A_207 = arith.addi %get3A_95, %add3A_206 : vector<16xi32>
    %gather3A_208 = tpu.vector_load_idx %arg6[%add3A_207] : memref<32768xi32, #tpu.memory_space<vmem>>[vector<16xi32>], vector<16xi32>,
    %add3A_209 = arith.addi %add3A_204, %gather3A_208 : vector<16xi32>
    %add3A_210 = arith.constant 12288 : i32
    %add3A_211 = vector.broadcast %add3A_210 : i32 to vector<16xi32>
    %add3A_212 = arith.addi %get3A_95, %add3A_211 : vector<16xi32>
    %gather3A_213 = tpu.vector_load_idx %arg6[%add3A_212] : memref<32768xi32, #tpu.memory_space<vmem>>[vector<16xi32>], vector<16xi32>,
    %add3A_214 = arith.addi %add3A_209, %gather3A_213 : vector<16xi32>
    %add3A_215 = arith.constant 16384 : i32
    %add3A_216 = vector.broadcast %add3A_215 : i32 to vector<16xi32>
    %add3A_217 = arith.addi %get3A_95, %add3A_216 : vector<16xi32>
    %gather3A_218 = tpu.vector_load_idx %arg6[%add3A_217] : memref<32768xi32, #tpu.memory_space<vmem>>[vector<16xi32>], vector<16xi32>,
    %add3A_219 = arith.addi %add3A_214, %gather3A_218 : vector<16xi32>
    %add3A_220 = arith.constant 20480 : i32
    %add3A_221 = vector.broadcast %add3A_220 : i32 to vector<16xi32>
    %add3A_222 = arith.addi %get3A_95, %add3A_221 : vector<16xi32>
    %gather3A_223 = tpu.vector_load_idx %arg6[%add3A_222] : memref<32768xi32, #tpu.memory_space<vmem>>[vector<16xi32>], vector<16xi32>,
    %add3A_224 = arith.addi %add3A_219, %gather3A_223 : vector<16xi32>
    %add3A_225 = arith.constant 24576 : i32
    %add3A_226 = vector.broadcast %add3A_225 : i32 to vector<16xi32>
    %add3A_227 = arith.addi %get3A_95, %add3A_226 : vector<16xi32>
    %gather3A_228 = tpu.vector_load_idx %arg6[%add3A_227] : memref<32768xi32, #tpu.memory_space<vmem>>[vector<16xi32>], vector<16xi32>,
    %add3A_229 = arith.addi %add3A_224, %gather3A_228 : vector<16xi32>
    %add3A_230 = arith.constant 28672 : i32
    %add3A_231 = vector.broadcast %add3A_230 : i32 to vector<16xi32>
    %add3A_232 = arith.addi %get3A_95, %add3A_231 : vector<16xi32>
    %gather3A_233 = tpu.vector_load_idx %arg6[%add3A_232] : memref<32768xi32, #tpu.memory_space<vmem>>[vector<16xi32>], vector<16xi32>,
    %add3A_234 = arith.addi %add3A_229, %gather3A_233 : vector<16xi32>
    %add3A_235 = arith.constant 0 : i32
    %add3A_236 = vector.broadcast %add3A_235 : i32 to vector<16xi32>
    %add3A_237 = arith.addi %get3A_99, %add3A_236 : vector<16xi32>
    %gather3A_238 = tpu.vector_load_idx %arg6[%add3A_237] : memref<32768xi32, #tpu.memory_space<vmem>>[vector<16xi32>], vector<16xi32>,
    %add3A_239 = arith.addi %mul3A_49, %gather3A_238 : vector<16xi32>
    %add3A_240 = arith.constant 4096 : i32
    %add3A_241 = vector.broadcast %add3A_240 : i32 to vector<16xi32>
    %add3A_242 = arith.addi %get3A_99, %add3A_241 : vector<16xi32>
    %gather3A_243 = tpu.vector_load_idx %arg6[%add3A_242] : memref<32768xi32, #tpu.memory_space<vmem>>[vector<16xi32>], vector<16xi32>,
    %add3A_244 = arith.addi %add3A_239, %gather3A_243 : vector<16xi32>
    %add3A_245 = arith.constant 8192 : i32
    %add3A_246 = vector.broadcast %add3A_245 : i32 to vector<16xi32>
    %add3A_247 = arith.addi %get3A_99, %add3A_246 : vector<16xi32>
    %gather3A_248 = tpu.vector_load_idx %arg6[%add3A_247] : memref<32768xi32, #tpu.memory_space<vmem>>[vector<16xi32>], vector<16xi32>,
    %add3A_249 = arith.addi %add3A_244, %gather3A_248 : vector<16xi32>
    %add3A_250 = arith.constant 12288 : i32
    %add3A_251 = vector.broadcast %add3A_250 : i32 to vector<16xi32>
    %add3A_252 = arith.addi %get3A_99, %add3A_251 : vector<16xi32>
    %gather3A_253 = tpu.vector_load_idx %arg6[%add3A_252] : memref<32768xi32, #tpu.memory_space<vmem>>[vector<16xi32>], vector<16xi32>,
    %add3A_254 = arith.addi %add3A_249, %gather3A_253 : vector<16xi32>
    %add3A_255 = arith.constant 16384 : i32
    %add3A_256 = vector.broadcast %add3A_255 : i32 to vector<16xi32>
    %add3A_257 = arith.addi %get3A_99, %add3A_256 : vector<16xi32>
    %gather3A_258 = tpu.vector_load_idx %arg6[%add3A_257] : memref<32768xi32, #tpu.memory_space<vmem>>[vector<16xi32>], vector<16xi32>,
    %add3A_259 = arith.addi %add3A_254, %gather3A_258 : vector<16xi32>
    %add3A_260 = arith.constant 20480 : i32
    %add3A_261 = vector.broadcast %add3A_260 : i32 to vector<16xi32>
    %add3A_262 = arith.addi %get3A_99, %add3A_261 : vector<16xi32>
    %gather3A_263 = tpu.vector_load_idx %arg6[%add3A_262] : memref<32768xi32, #tpu.memory_space<vmem>>[vector<16xi32>], vector<16xi32>,
    %add3A_264 = arith.addi %add3A_259, %gather3A_263 : vector<16xi32>
    %add3A_265 = arith.constant 24576 : i32
    %add3A_266 = vector.broadcast %add3A_265 : i32 to vector<16xi32>
    %add3A_267 = arith.addi %get3A_99, %add3A_266 : vector<16xi32>
    %gather3A_268 = tpu.vector_load_idx %arg6[%add3A_267] : memref<32768xi32, #tpu.memory_space<vmem>>[vector<16xi32>], vector<16xi32>,
    %add3A_269 = arith.addi %add3A_264, %gather3A_268 : vector<16xi32>
    %add3A_270 = arith.constant 28672 : i32
    %add3A_271 = vector.broadcast %add3A_270 : i32 to vector<16xi32>
    %add3A_272 = arith.addi %get3A_99, %add3A_271 : vector<16xi32>
    %gather3A_273 = tpu.vector_load_idx %arg6[%add3A_272] : memref<32768xi32, #tpu.memory_space<vmem>>[vector<16xi32>], vector<16xi32>,
    %add3A_274 = arith.addi %add3A_269, %gather3A_273 : vector<16xi32>
    %add3A_275 = arith.constant 0 : i32
    %add3A_276 = vector.broadcast %add3A_275 : i32 to vector<16xi32>
    %add3A_277 = arith.addi %get3A_103, %add3A_276 : vector<16xi32>
    %gather3A_278 = tpu.vector_load_idx %arg6[%add3A_277] : memref<32768xi32, #tpu.memory_space<vmem>>[vector<16xi32>], vector<16xi32>,
    %add3A_279 = arith.addi %mul3A_49, %gather3A_278 : vector<16xi32>
    %add3A_280 = arith.constant 4096 : i32
    %add3A_281 = vector.broadcast %add3A_280 : i32 to vector<16xi32>
    %add3A_282 = arith.addi %get3A_103, %add3A_281 : vector<16xi32>
    %gather3A_283 = tpu.vector_load_idx %arg6[%add3A_282] : memref<32768xi32, #tpu.memory_space<vmem>>[vector<16xi32>], vector<16xi32>,
    %add3A_284 = arith.addi %add3A_279, %gather3A_283 : vector<16xi32>
    %add3A_285 = arith.constant 8192 : i32
    %add3A_286 = vector.broadcast %add3A_285 : i32 to vector<16xi32>
    %add3A_287 = arith.addi %get3A_103, %add3A_286 : vector<16xi32>
    %gather3A_288 = tpu.vector_load_idx %arg6[%add3A_287] : memref<32768xi32, #tpu.memory_space<vmem>>[vector<16xi32>], vector<16xi32>,
    %add3A_289 = arith.addi %add3A_284, %gather3A_288 : vector<16xi32>
    %add3A_290 = arith.constant 12288 : i32
    %add3A_291 = vector.broadcast %add3A_290 : i32 to vector<16xi32>
    %add3A_292 = arith.addi %get3A_103, %add3A_291 : vector<16xi32>
    %gather3A_293 = tpu.vector_load_idx %arg6[%add3A_292] : memref<32768xi32, #tpu.memory_space<vmem>>[vector<16xi32>], vector<16xi32>,
    %add3A_294 = arith.addi %add3A_289, %gather3A_293 : vector<16xi32>
    %add3A_295 = arith.constant 16384 : i32
    %add3A_296 = vector.broadcast %add3A_295 : i32 to vector<16xi32>
    %add3A_297 = arith.addi %get3A_103, %add3A_296 : vector<16xi32>
    %gather3A_298 = tpu.vector_load_idx %arg6[%add3A_297] : memref<32768xi32, #tpu.memory_space<vmem>>[vector<16xi32>], vector<16xi32>,
    %add3A_299 = arith.addi %add3A_294, %gather3A_298 : vector<16xi32>
    %add3A_300 = arith.constant 20480 : i32
    %add3A_301 = vector.broadcast %add3A_300 : i32 to vector<16xi32>
    %add3A_302 = arith.addi %get3A_103, %add3A_301 : vector<16xi32>
    %gather3A_303 = tpu.vector_load_idx %arg6[%add3A_302] : memref<32768xi32, #tpu.memory_space<vmem>>[vector<16xi32>], vector<16xi32>,
    %add3A_304 = arith.addi %add3A_299, %gather3A_303 : vector<16xi32>
    %add3A_305 = arith.constant 24576 : i32
    %add3A_306 = vector.broadcast %add3A_305 : i32 to vector<16xi32>
    %add3A_307 = arith.addi %get3A_103, %add3A_306 : vector<16xi32>
    %gather3A_308 = tpu.vector_load_idx %arg6[%add3A_307] : memref<32768xi32, #tpu.memory_space<vmem>>[vector<16xi32>], vector<16xi32>,
    %add3A_309 = arith.addi %add3A_304, %gather3A_308 : vector<16xi32>
    %add3A_310 = arith.constant 28672 : i32
    %add3A_311 = vector.broadcast %add3A_310 : i32 to vector<16xi32>
    %add3A_312 = arith.addi %get3A_103, %add3A_311 : vector<16xi32>
    %gather3A_313 = tpu.vector_load_idx %arg6[%add3A_312] : memref<32768xi32, #tpu.memory_space<vmem>>[vector<16xi32>], vector<16xi32>,
    %add3A_314 = arith.addi %add3A_309, %gather3A_313 : vector<16xi32>
    %add3A_315 = arith.constant 0 : i32
    %add3A_316 = vector.broadcast %add3A_315 : i32 to vector<16xi32>
    %add3A_317 = arith.addi %get3A_107, %add3A_316 : vector<16xi32>
    %gather3A_318 = tpu.vector_load_idx %arg6[%add3A_317] : memref<32768xi32, #tpu.memory_space<vmem>>[vector<16xi32>], vector<16xi32>,
    %add3A_319 = arith.addi %mul3A_49, %gather3A_318 : vector<16xi32>
    %add3A_320 = arith.constant 4096 : i32
    %add3A_321 = vector.broadcast %add3A_320 : i32 to vector<16xi32>
    %add3A_322 = arith.addi %get3A_107, %add3A_321 : vector<16xi32>
    %gather3A_323 = tpu.vector_load_idx %arg6[%add3A_322] : memref<32768xi32, #tpu.memory_space<vmem>>[vector<16xi32>], vector<16xi32>,
    %add3A_324 = arith.addi %add3A_319, %gather3A_323 : vector<16xi32>
    %add3A_325 = arith.constant 8192 : i32
    %add3A_326 = vector.broadcast %add3A_325 : i32 to vector<16xi32>
    %add3A_327 = arith.addi %get3A_107, %add3A_326 : vector<16xi32>
    %gather3A_328 = tpu.vector_load_idx %arg6[%add3A_327] : memref<32768xi32, #tpu.memory_space<vmem>>[vector<16xi32>], vector<16xi32>,
    %add3A_329 = arith.addi %add3A_324, %gather3A_328 : vector<16xi32>
    %add3A_330 = arith.constant 12288 : i32
    %add3A_331 = vector.broadcast %add3A_330 : i32 to vector<16xi32>
    %add3A_332 = arith.addi %get3A_107, %add3A_331 : vector<16xi32>
    %gather3A_333 = tpu.vector_load_idx %arg6[%add3A_332] : memref<32768xi32, #tpu.memory_space<vmem>>[vector<16xi32>], vector<16xi32>,
    %add3A_334 = arith.addi %add3A_329, %gather3A_333 : vector<16xi32>
    %add3A_335 = arith.constant 16384 : i32
    %add3A_336 = vector.broadcast %add3A_335 : i32 to vector<16xi32>
    %add3A_337 = arith.addi %get3A_107, %add3A_336 : vector<16xi32>
    %gather3A_338 = tpu.vector_load_idx %arg6[%add3A_337] : memref<32768xi32, #tpu.memory_space<vmem>>[vector<16xi32>], vector<16xi32>,
    %add3A_339 = arith.addi %add3A_334, %gather3A_338 : vector<16xi32>
    %add3A_340 = arith.constant 20480 : i32
    %add3A_341 = vector.broadcast %add3A_340 : i32 to vector<16xi32>
    %add3A_342 = arith.addi %get3A_107, %add3A_341 : vector<16xi32>
    %gather3A_343 = tpu.vector_load_idx %arg6[%add3A_342] : memref<32768xi32, #tpu.memory_space<vmem>>[vector<16xi32>], vector<16xi32>,
    %add3A_344 = arith.addi %add3A_339, %gather3A_343 : vector<16xi32>
    %add3A_345 = arith.constant 24576 : i32
    %add3A_346 = vector.broadcast %add3A_345 : i32 to vector<16xi32>
    %add3A_347 = arith.addi %get3A_107, %add3A_346 : vector<16xi32>
    %gather3A_348 = tpu.vector_load_idx %arg6[%add3A_347] : memref<32768xi32, #tpu.memory_space<vmem>>[vector<16xi32>], vector<16xi32>,
    %add3A_349 = arith.addi %add3A_344, %gather3A_348 : vector<16xi32>
    %add3A_350 = arith.constant 28672 : i32
    %add3A_351 = vector.broadcast %add3A_350 : i32 to vector<16xi32>
    %add3A_352 = arith.addi %get3A_107, %add3A_351 : vector<16xi32>
    %gather3A_353 = tpu.vector_load_idx %arg6[%add3A_352] : memref<32768xi32, #tpu.memory_space<vmem>>[vector<16xi32>], vector<16xi32>,
    %add3A_354 = arith.addi %add3A_349, %gather3A_353 : vector<16xi32>
    %add3A_355 = arith.constant 0 : i32
    %add3A_356 = vector.broadcast %add3A_355 : i32 to vector<16xi32>
    %add3A_357 = arith.addi %get3A_111, %add3A_356 : vector<16xi32>
    %gather3A_358 = tpu.vector_load_idx %arg6[%add3A_357] : memref<32768xi32, #tpu.memory_space<vmem>>[vector<16xi32>], vector<16xi32>,
    %add3A_359 = arith.addi %mul3A_49, %gather3A_358 : vector<16xi32>
    %add3A_360 = arith.constant 4096 : i32
    %add3A_361 = vector.broadcast %add3A_360 : i32 to vector<16xi32>
    %add3A_362 = arith.addi %get3A_111, %add3A_361 : vector<16xi32>
    %gather3A_363 = tpu.vector_load_idx %arg6[%add3A_362] : memref<32768xi32, #tpu.memory_space<vmem>>[vector<16xi32>], vector<16xi32>,
    %add3A_364 = arith.addi %add3A_359, %gather3A_363 : vector<16xi32>
    %add3A_365 = arith.constant 8192 : i32
    %add3A_366 = vector.broadcast %add3A_365 : i32 to vector<16xi32>
    %add3A_367 = arith.addi %get3A_111, %add3A_366 : vector<16xi32>
    %gather3A_368 = tpu.vector_load_idx %arg6[%add3A_367] : memref<32768xi32, #tpu.memory_space<vmem>>[vector<16xi32>], vector<16xi32>,
    %add3A_369 = arith.addi %add3A_364, %gather3A_368 : vector<16xi32>
    %add3A_370 = arith.constant 12288 : i32
    %add3A_371 = vector.broadcast %add3A_370 : i32 to vector<16xi32>
    %add3A_372 = arith.addi %get3A_111, %add3A_371 : vector<16xi32>
    %gather3A_373 = tpu.vector_load_idx %arg6[%add3A_372] : memref<32768xi32, #tpu.memory_space<vmem>>[vector<16xi32>], vector<16xi32>,
    %add3A_374 = arith.addi %add3A_369, %gather3A_373 : vector<16xi32>
    %add3A_375 = arith.constant 16384 : i32
    %add3A_376 = vector.broadcast %add3A_375 : i32 to vector<16xi32>
    %add3A_377 = arith.addi %get3A_111, %add3A_376 : vector<16xi32>
    %gather3A_378 = tpu.vector_load_idx %arg6[%add3A_377] : memref<32768xi32, #tpu.memory_space<vmem>>[vector<16xi32>], vector<16xi32>,
    %add3A_379 = arith.addi %add3A_374, %gather3A_378 : vector<16xi32>
    %add3A_380 = arith.constant 20480 : i32
    %add3A_381 = vector.broadcast %add3A_380 : i32 to vector<16xi32>
    %add3A_382 = arith.addi %get3A_111, %add3A_381 : vector<16xi32>
    %gather3A_383 = tpu.vector_load_idx %arg6[%add3A_382] : memref<32768xi32, #tpu.memory_space<vmem>>[vector<16xi32>], vector<16xi32>,
    %add3A_384 = arith.addi %add3A_379, %gather3A_383 : vector<16xi32>
    %add3A_385 = arith.constant 24576 : i32
    %add3A_386 = vector.broadcast %add3A_385 : i32 to vector<16xi32>
    %add3A_387 = arith.addi %get3A_111, %add3A_386 : vector<16xi32>
    %gather3A_388 = tpu.vector_load_idx %arg6[%add3A_387] : memref<32768xi32, #tpu.memory_space<vmem>>[vector<16xi32>], vector<16xi32>,
    %add3A_389 = arith.addi %add3A_384, %gather3A_388 : vector<16xi32>
    %add3A_390 = arith.constant 28672 : i32
    %add3A_391 = vector.broadcast %add3A_390 : i32 to vector<16xi32>
    %add3A_392 = arith.addi %get3A_111, %add3A_391 : vector<16xi32>
    %gather3A_393 = tpu.vector_load_idx %arg6[%add3A_392] : memref<32768xi32, #tpu.memory_space<vmem>>[vector<16xi32>], vector<16xi32>,
    %add3A_394 = arith.addi %add3A_389, %gather3A_393 : vector<16xi32>
    %add3A_395 = arith.constant 0 : i32
    %add3A_396 = vector.broadcast %add3A_395 : i32 to vector<16xi32>
    %add3A_397 = arith.addi %get3A_115, %add3A_396 : vector<16xi32>
    %gather3A_398 = tpu.vector_load_idx %arg6[%add3A_397] : memref<32768xi32, #tpu.memory_space<vmem>>[vector<16xi32>], vector<16xi32>,
    %add3A_399 = arith.addi %mul3A_49, %gather3A_398 : vector<16xi32>
    %add3A_400 = arith.constant 4096 : i32
    %add3A_401 = vector.broadcast %add3A_400 : i32 to vector<16xi32>
    %add3A_402 = arith.addi %get3A_115, %add3A_401 : vector<16xi32>
    %gather3A_403 = tpu.vector_load_idx %arg6[%add3A_402] : memref<32768xi32, #tpu.memory_space<vmem>>[vector<16xi32>], vector<16xi32>,
    %add3A_404 = arith.addi %add3A_399, %gather3A_403 : vector<16xi32>
    %add3A_405 = arith.constant 8192 : i32
    %add3A_406 = vector.broadcast %add3A_405 : i32 to vector<16xi32>
    %add3A_407 = arith.addi %get3A_115, %add3A_406 : vector<16xi32>
    %gather3A_408 = tpu.vector_load_idx %arg6[%add3A_407] : memref<32768xi32, #tpu.memory_space<vmem>>[vector<16xi32>], vector<16xi32>,
    %add3A_409 = arith.addi %add3A_404, %gather3A_408 : vector<16xi32>
    %add3A_410 = arith.constant 12288 : i32
    %add3A_411 = vector.broadcast %add3A_410 : i32 to vector<16xi32>
    %add3A_412 = arith.addi %get3A_115, %add3A_411 : vector<16xi32>
    %gather3A_413 = tpu.vector_load_idx %arg6[%add3A_412] : memref<32768xi32, #tpu.memory_space<vmem>>[vector<16xi32>], vector<16xi32>,
    %add3A_414 = arith.addi %add3A_409, %gather3A_413 : vector<16xi32>
    %add3A_415 = arith.constant 16384 : i32
    %add3A_416 = vector.broadcast %add3A_415 : i32 to vector<16xi32>
    %add3A_417 = arith.addi %get3A_115, %add3A_416 : vector<16xi32>
    %gather3A_418 = tpu.vector_load_idx %arg6[%add3A_417] : memref<32768xi32, #tpu.memory_space<vmem>>[vector<16xi32>], vector<16xi32>,
    %add3A_419 = arith.addi %add3A_414, %gather3A_418 : vector<16xi32>
    %add3A_420 = arith.constant 20480 : i32
    %add3A_421 = vector.broadcast %add3A_420 : i32 to vector<16xi32>
    %add3A_422 = arith.addi %get3A_115, %add3A_421 : vector<16xi32>
    %gather3A_423 = tpu.vector_load_idx %arg6[%add3A_422] : memref<32768xi32, #tpu.memory_space<vmem>>[vector<16xi32>], vector<16xi32>,
    %add3A_424 = arith.addi %add3A_419, %gather3A_423 : vector<16xi32>
    %add3A_425 = arith.constant 24576 : i32
    %add3A_426 = vector.broadcast %add3A_425 : i32 to vector<16xi32>
    %add3A_427 = arith.addi %get3A_115, %add3A_426 : vector<16xi32>
    %gather3A_428 = tpu.vector_load_idx %arg6[%add3A_427] : memref<32768xi32, #tpu.memory_space<vmem>>[vector<16xi32>], vector<16xi32>,
    %add3A_429 = arith.addi %add3A_424, %gather3A_428 : vector<16xi32>
    %add3A_430 = arith.constant 28672 : i32
    %add3A_431 = vector.broadcast %add3A_430 : i32 to vector<16xi32>
    %add3A_432 = arith.addi %get3A_115, %add3A_431 : vector<16xi32>
    %gather3A_433 = tpu.vector_load_idx %arg6[%add3A_432] : memref<32768xi32, #tpu.memory_space<vmem>>[vector<16xi32>], vector<16xi32>,
    %add3A_434 = arith.addi %add3A_429, %gather3A_433 : vector<16xi32>
    %scan3A_435 = arith.constant 0 : i32
    %scan3A_436 = arith.constant 0 : i32
    %scan3A_437 = arith.constant 256 : i32
    %scan3A_438 = arith.addi %scan3A_436, %scan3A_437 : i32
    %scan3A_439 = arith.constant 1 : i32
    %scan3A_440 = scf.for %scan3A_879 = %scan3A_436 to %scan3A_438 step %scan3A_439 iter_args(%scan3A_880 = %scan3A_435) -> (i32)  : i32 {
      %mul3A_881 = arith.constant 16 : i32
      %mul3A_882 = arith.muli %scan3A_879, %mul3A_881 : i32
      %get3A_883 = arith.index_cast %mul3A_882 : i32 to index
      %get3A_884 = tpu.vector_load %arg5[%get3A_883] {strides = array<i32>} : memref<4096xi32, #tpu.memory_space<vmem>>, vector<16xi32>,
      %mul3A_885 = arith.constant 16 : i32
      %mul3A_886 = arith.muli %scan3A_879, %mul3A_885 : i32
      %add3A_887 = vector.broadcast %mul3A_886 : i32 to vector<16xi32>
      %add3A_888 = arith.addi %add3A_887, %iota3A : vector<16xi32>
      %ge3A_889 = vector.broadcast %mul3A_2 : i32 to vector<16xi32>
      %ge3A_890 = arith.cmpi sge, %add3A_888, %ge3A_889 : vector<16xi32>
      %add3A_891 = arith.addi %mul3A_57, %get3A_884 : vector<16xi32>
      %and3A_892 = arith.andi %ge3A_890, %lt3A_59 : vector<16xi1>
      tpu.vector_store_idx %arg6[%add3A_891], %add3A_52 masked %and3A_892 {add = true} : memref<32768xi32, #tpu.memory_space<vmem>>[vector<16xi32>], vector<16xi32>, vector<16xi1>
      %add3A_893 = arith.addi %mul3A_57, %get3A_884 : vector<16xi32>
      %and3A_894 = arith.andi %ge3A_890, %ge3A_61 : vector<16xi1>
      tpu.vector_store_idx %arg6[%add3A_893], %add3A_52 masked %and3A_894 {add = true} : memref<32768xi32, #tpu.memory_space<vmem>>[vector<16xi32>], vector<16xi32>, vector<16xi1>
      %scan3A_895 = arith.constant 0 : i32
      scf.yield %scan3A_895 : i32
    }
    %scan3A_441 = arith.constant 256 : i32
    %scan3A_442 = arith.constant 0 : i32
    %scan3A_443 = arith.constant 0 : i32
    %scan3A_444 = arith.constant 16 : i32
    %scan3A_445 = arith.addi %scan3A_443, %scan3A_444 : i32
    %scan3A_446 = arith.constant 1 : i32
    %scan3A_447 = scf.for %scan3A_879 = %scan3A_443 to %scan3A_445 step %scan3A_446 iter_args(%scan3A_880 = %scan3A_442) -> (i32)  : i32 {
      %mul3A_881 = arith.constant 16 : i32
      %mul3A_882 = arith.muli %scan3A_879, %mul3A_881 : i32
      %add3A_883 = arith.constant 0 : i32
      %add3A_884 = arith.addi %add3A_883, %mul3A_882 : i32
      %get3A_885 = arith.index_cast %add3A_884 : i32 to index
      %get3A_886 = tpu.vector_load %arg7[%get3A_885] {strides = array<i32>} : memref<4096xi32, #tpu.memory_space<vmem>>, vector<16xi32>,
      %add3A_887 = arith.addi %mul3A_49, %get3A_886 : vector<16xi32>
      %mul3A_888 = arith.constant 16 : i32
      %mul3A_889 = arith.muli %scan3A_879, %mul3A_888 : i32
      %add3A_890 = arith.constant 256 : i32
      %add3A_891 = arith.addi %add3A_890, %mul3A_889 : i32
      %get3A_892 = arith.index_cast %add3A_891 : i32 to index
      %get3A_893 = tpu.vector_load %arg7[%get3A_892] {strides = array<i32>} : memref<4096xi32, #tpu.memory_space<vmem>>, vector<16xi32>,
      %add3A_894 = arith.addi %add3A_887, %get3A_893 : vector<16xi32>
      %mul3A_895 = arith.constant 16 : i32
      %mul3A_896 = arith.muli %scan3A_879, %mul3A_895 : i32
      %add3A_897 = arith.constant 512 : i32
      %add3A_898 = arith.addi %add3A_897, %mul3A_896 : i32
      %get3A_899 = arith.index_cast %add3A_898 : i32 to index
      %get3A_900 = tpu.vector_load %arg7[%get3A_899] {strides = array<i32>} : memref<4096xi32, #tpu.memory_space<vmem>>, vector<16xi32>,
      %add3A_901 = arith.addi %add3A_894, %get3A_900 : vector<16xi32>
      %mul3A_902 = arith.constant 16 : i32
      %mul3A_903 = arith.muli %scan3A_879, %mul3A_902 : i32
      %add3A_904 = arith.constant 768 : i32
      %add3A_905 = arith.addi %add3A_904, %mul3A_903 : i32
      %get3A_906 = arith.index_cast %add3A_905 : i32 to index
      %get3A_907 = tpu.vector_load %arg7[%get3A_906] {strides = array<i32>} : memref<4096xi32, #tpu.memory_space<vmem>>, vector<16xi32>,
      %add3A_908 = arith.addi %add3A_901, %get3A_907 : vector<16xi32>
      %mul3A_909 = arith.constant 16 : i32
      %mul3A_910 = arith.muli %scan3A_879, %mul3A_909 : i32
      %add3A_911 = arith.constant 1024 : i32
      %add3A_912 = arith.addi %add3A_911, %mul3A_910 : i32
      %get3A_913 = arith.index_cast %add3A_912 : i32 to index
      %get3A_914 = tpu.vector_load %arg7[%get3A_913] {strides = array<i32>} : memref<4096xi32, #tpu.memory_space<vmem>>, vector<16xi32>,
      %add3A_915 = arith.addi %add3A_908, %get3A_914 : vector<16xi32>
      %mul3A_916 = arith.constant 16 : i32
      %mul3A_917 = arith.muli %scan3A_879, %mul3A_916 : i32
      %add3A_918 = arith.constant 1280 : i32
      %add3A_919 = arith.addi %add3A_918, %mul3A_917 : i32
      %get3A_920 = arith.index_cast %add3A_919 : i32 to index
      %get3A_921 = tpu.vector_load %arg7[%get3A_920] {strides = array<i32>} : memref<4096xi32, #tpu.memory_space<vmem>>, vector<16xi32>,
      %add3A_922 = arith.addi %add3A_915, %get3A_921 : vector<16xi32>
      %mul3A_923 = arith.constant 16 : i32
      %mul3A_924 = arith.muli %scan3A_879, %mul3A_923 : i32
      %add3A_925 = arith.constant 1536 : i32
      %add3A_926 = arith.addi %add3A_925, %mul3A_924 : i32
      %get3A_927 = arith.index_cast %add3A_926 : i32 to index
      %get3A_928 = tpu.vector_load %arg7[%get3A_927] {strides = array<i32>} : memref<4096xi32, #tpu.memory_space<vmem>>, vector<16xi32>,
      %add3A_929 = arith.addi %add3A_922, %get3A_928 : vector<16xi32>
      %mul3A_930 = arith.constant 16 : i32
      %mul3A_931 = arith.muli %scan3A_879, %mul3A_930 : i32
      %add3A_932 = arith.constant 1792 : i32
      %add3A_933 = arith.addi %add3A_932, %mul3A_931 : i32
      %get3A_934 = arith.index_cast %add3A_933 : i32 to index
      %get3A_935 = tpu.vector_load %arg7[%get3A_934] {strides = array<i32>} : memref<4096xi32, #tpu.memory_space<vmem>>, vector<16xi32>,
      %add3A_936 = arith.addi %add3A_929, %get3A_935 : vector<16xi32>
      %mul3A_937 = arith.constant 16 : i32
      %mul3A_938 = arith.muli %scan3A_879, %mul3A_937 : i32
      %add3A_939 = arith.constant 2048 : i32
      %add3A_940 = arith.addi %add3A_939, %mul3A_938 : i32
      %get3A_941 = arith.index_cast %add3A_940 : i32 to index
      %get3A_942 = tpu.vector_load %arg7[%get3A_941] {strides = array<i32>} : memref<4096xi32, #tpu.memory_space<vmem>>, vector<16xi32>,
      %add3A_943 = arith.addi %add3A_936, %get3A_942 : vector<16xi32>
      %mul3A_944 = arith.constant 16 : i32
      %mul3A_945 = arith.muli %scan3A_879, %mul3A_944 : i32
      %add3A_946 = arith.constant 2304 : i32
      %add3A_947 = arith.addi %add3A_946, %mul3A_945 : i32
      %get3A_948 = arith.index_cast %add3A_947 : i32 to index
      %get3A_949 = tpu.vector_load %arg7[%get3A_948] {strides = array<i32>} : memref<4096xi32, #tpu.memory_space<vmem>>, vector<16xi32>,
      %add3A_950 = arith.addi %add3A_943, %get3A_949 : vector<16xi32>
      %mul3A_951 = arith.constant 16 : i32
      %mul3A_952 = arith.muli %scan3A_879, %mul3A_951 : i32
      %add3A_953 = arith.constant 2560 : i32
      %add3A_954 = arith.addi %add3A_953, %mul3A_952 : i32
      %get3A_955 = arith.index_cast %add3A_954 : i32 to index
      %get3A_956 = tpu.vector_load %arg7[%get3A_955] {strides = array<i32>} : memref<4096xi32, #tpu.memory_space<vmem>>, vector<16xi32>,
      %add3A_957 = arith.addi %add3A_950, %get3A_956 : vector<16xi32>
      %mul3A_958 = arith.constant 16 : i32
      %mul3A_959 = arith.muli %scan3A_879, %mul3A_958 : i32
      %add3A_960 = arith.constant 2816 : i32
      %add3A_961 = arith.addi %add3A_960, %mul3A_959 : i32
      %get3A_962 = arith.index_cast %add3A_961 : i32 to index
      %get3A_963 = tpu.vector_load %arg7[%get3A_962] {strides = array<i32>} : memref<4096xi32, #tpu.memory_space<vmem>>, vector<16xi32>,
      %add3A_964 = arith.addi %add3A_957, %get3A_963 : vector<16xi32>
      %mul3A_965 = arith.constant 16 : i32
      %mul3A_966 = arith.muli %scan3A_879, %mul3A_965 : i32
      %add3A_967 = arith.constant 3072 : i32
      %add3A_968 = arith.addi %add3A_967, %mul3A_966 : i32
      %get3A_969 = arith.index_cast %add3A_968 : i32 to index
      %get3A_970 = tpu.vector_load %arg7[%get3A_969] {strides = array<i32>} : memref<4096xi32, #tpu.memory_space<vmem>>, vector<16xi32>,
      %add3A_971 = arith.addi %add3A_964, %get3A_970 : vector<16xi32>
      %mul3A_972 = arith.constant 16 : i32
      %mul3A_973 = arith.muli %scan3A_879, %mul3A_972 : i32
      %add3A_974 = arith.constant 3328 : i32
      %add3A_975 = arith.addi %add3A_974, %mul3A_973 : i32
      %get3A_976 = arith.index_cast %add3A_975 : i32 to index
      %get3A_977 = tpu.vector_load %arg7[%get3A_976] {strides = array<i32>} : memref<4096xi32, #tpu.memory_space<vmem>>, vector<16xi32>,
      %add3A_978 = arith.addi %add3A_971, %get3A_977 : vector<16xi32>
      %mul3A_979 = arith.constant 16 : i32
      %mul3A_980 = arith.muli %scan3A_879, %mul3A_979 : i32
      %add3A_981 = arith.constant 3584 : i32
      %add3A_982 = arith.addi %add3A_981, %mul3A_980 : i32
      %get3A_983 = arith.index_cast %add3A_982 : i32 to index
      %get3A_984 = tpu.vector_load %arg7[%get3A_983] {strides = array<i32>} : memref<4096xi32, #tpu.memory_space<vmem>>, vector<16xi32>,
      %add3A_985 = arith.addi %add3A_978, %get3A_984 : vector<16xi32>
      %mul3A_986 = arith.constant 16 : i32
      %mul3A_987 = arith.muli %scan3A_879, %mul3A_986 : i32
      %add3A_988 = arith.constant 3840 : i32
      %add3A_989 = arith.addi %add3A_988, %mul3A_987 : i32
      %get3A_990 = arith.index_cast %add3A_989 : i32 to index
      %get3A_991 = tpu.vector_load %arg7[%get3A_990] {strides = array<i32>} : memref<4096xi32, #tpu.memory_space<vmem>>, vector<16xi32>,
      %add3A_992 = arith.addi %add3A_985, %get3A_991 : vector<16xi32>
      %broadcast_in_dim3A = arith.constant true
      %broadcast_in_dim3A_993 = vector.broadcast %broadcast_in_dim3A : i1 to vector<16xi1>
      %masked_cumsum3A = tpu.scan <sum>, %add3A_992 masked %broadcast_in_dim3A_993 : vector<16xi32>, vector<16xi1> -> vector<16xi32>
      %sub3A_994 = arith.subi %masked_cumsum3A, %add3A_992 : vector<16xi32>
      %add3A_995 = vector.broadcast %scan3A_880 : i32 to vector<16xi32>
      %add3A_996 = arith.addi %sub3A_994, %add3A_995 : vector<16xi32>
      %mul3A_997 = arith.constant 16 : i32
      %mul3A_998 = arith.muli %scan3A_879, %mul3A_997 : i32
      %swap3A = arith.index_cast %mul3A_998 : i32 to index
      %swap3A_999 = tpu.vector_load %arg8[%swap3A] {strides = array<i32>} : memref<256xi32, #tpu.memory_space<vmem>>, vector<16xi32>,
      tpu.vector_store %arg8[%swap3A], %add3A_996 {strides = array<i32>} : memref<256xi32, #tpu.memory_space<vmem>>, vector<16xi32>,
      %slice3A = vector.extract_strided_slice %masked_cumsum3A {offsets = [15], sizes = [1], strides = [1]} : vector<16xi32> to vector<1xi32>
      %squeeze3A = vector.extract %slice3A[0] : i32 from vector<1xi32>
      %add3A_1000 = arith.addi %scan3A_880, %squeeze3A : i32
      scf.yield %add3A_1000 : i32
    }
    %scan3A_448 = arith.constant 16 : i32
    %mul3A_449 = arith.constant 128 : i32
    %mul3A_450 = vector.broadcast %mul3A_449 : i32 to vector<16xi32>
    %mul3A_451 = arith.muli %get3A_87, %mul3A_450 : vector<16xi32>
    %add3A_452 = arith.constant 0 : i32
    %add3A_453 = vector.broadcast %add3A_452 : i32 to vector<16xi32>
    %add3A_454 = arith.addi %add3A_453, %iota3A : vector<16xi32>
    %add3A_455 = arith.addi %mul3A_451, %add3A_454 : vector<16xi32>
    %mul3A_456 = arith.constant 128 : i32
    %mul3A_457 = vector.broadcast %mul3A_456 : i32 to vector<16xi32>
    %mul3A_458 = arith.muli %get3A_91, %mul3A_457 : vector<16xi32>
    %add3A_459 = arith.constant 16 : i32
    %add3A_460 = vector.broadcast %add3A_459 : i32 to vector<16xi32>
    %add3A_461 = arith.addi %add3A_460, %iota3A : vector<16xi32>
    %add3A_462 = arith.addi %mul3A_458, %add3A_461 : vector<16xi32>
    %mul3A_463 = arith.constant 128 : i32
    %mul3A_464 = vector.broadcast %mul3A_463 : i32 to vector<16xi32>
    %mul3A_465 = arith.muli %get3A_95, %mul3A_464 : vector<16xi32>
    %add3A_466 = arith.constant 32 : i32
    %add3A_467 = vector.broadcast %add3A_466 : i32 to vector<16xi32>
    %add3A_468 = arith.addi %add3A_467, %iota3A : vector<16xi32>
    %add3A_469 = arith.addi %mul3A_465, %add3A_468 : vector<16xi32>
    %mul3A_470 = arith.constant 128 : i32
    %mul3A_471 = vector.broadcast %mul3A_470 : i32 to vector<16xi32>
    %mul3A_472 = arith.muli %get3A_99, %mul3A_471 : vector<16xi32>
    %add3A_473 = arith.constant 48 : i32
    %add3A_474 = vector.broadcast %add3A_473 : i32 to vector<16xi32>
    %add3A_475 = arith.addi %add3A_474, %iota3A : vector<16xi32>
    %add3A_476 = arith.addi %mul3A_472, %add3A_475 : vector<16xi32>
    %mul3A_477 = arith.constant 128 : i32
    %mul3A_478 = vector.broadcast %mul3A_477 : i32 to vector<16xi32>
    %mul3A_479 = arith.muli %get3A_103, %mul3A_478 : vector<16xi32>
    %add3A_480 = arith.constant 64 : i32
    %add3A_481 = vector.broadcast %add3A_480 : i32 to vector<16xi32>
    %add3A_482 = arith.addi %add3A_481, %iota3A : vector<16xi32>
    %add3A_483 = arith.addi %mul3A_479, %add3A_482 : vector<16xi32>
    %mul3A_484 = arith.constant 128 : i32
    %mul3A_485 = vector.broadcast %mul3A_484 : i32 to vector<16xi32>
    %mul3A_486 = arith.muli %get3A_107, %mul3A_485 : vector<16xi32>
    %add3A_487 = arith.constant 80 : i32
    %add3A_488 = vector.broadcast %add3A_487 : i32 to vector<16xi32>
    %add3A_489 = arith.addi %add3A_488, %iota3A : vector<16xi32>
    %add3A_490 = arith.addi %mul3A_486, %add3A_489 : vector<16xi32>
    %mul3A_491 = arith.constant 128 : i32
    %mul3A_492 = vector.broadcast %mul3A_491 : i32 to vector<16xi32>
    %mul3A_493 = arith.muli %get3A_111, %mul3A_492 : vector<16xi32>
    %add3A_494 = arith.constant 96 : i32
    %add3A_495 = vector.broadcast %add3A_494 : i32 to vector<16xi32>
    %add3A_496 = arith.addi %add3A_495, %iota3A : vector<16xi32>
    %add3A_497 = arith.addi %mul3A_493, %add3A_496 : vector<16xi32>
    %mul3A_498 = arith.constant 128 : i32
    %mul3A_499 = vector.broadcast %mul3A_498 : i32 to vector<16xi32>
    %mul3A_500 = arith.muli %get3A_115, %mul3A_499 : vector<16xi32>
    %add3A_501 = arith.constant 112 : i32
    %add3A_502 = vector.broadcast %add3A_501 : i32 to vector<16xi32>
    %add3A_503 = arith.addi %add3A_502, %iota3A : vector<16xi32>
    %add3A_504 = arith.addi %mul3A_500, %add3A_503 : vector<16xi32>
    %scan3A_505 = arith.constant 0 : i32
    %scan3A_506 = arith.constant 8 : i32
    %scan3A_507 = arith.addi %scan3A_505, %scan3A_506 : i32
    %scan3A_508 = arith.constant 1 : i32
    %scan3A_509:16 = scf.for %scan3A_879 = %scan3A_505 to %scan3A_507 step %scan3A_508 iter_args(%scan3A_880 = %mul3A_49, %scan3A_881 = %mul3A_49, %scan3A_882 = %mul3A_49, %scan3A_883 = %mul3A_49, %scan3A_884 = %mul3A_49, %scan3A_885 = %mul3A_49, %scan3A_886 = %mul3A_49, %scan3A_887 = %mul3A_49, %scan3A_888 = %mul3A_49, %scan3A_889 = %mul3A_49, %scan3A_890 = %mul3A_49, %scan3A_891 = %mul3A_49, %scan3A_892 = %mul3A_49, %scan3A_893 = %mul3A_49, %scan3A_894 = %mul3A_49, %scan3A_895 = %mul3A_49) -> (vector<16xi32>, vector<16xi32>, vector<16xi32>, vector<16xi32>, vector<16xi32>, vector<16xi32>, vector<16xi32>, vector<16xi32>, vector<16xi32>, vector<16xi32>, vector<16xi32>, vector<16xi32>, vector<16xi32>, vector<16xi32>, vector<16xi32>, vector<16xi32>)  : i32 {
      %mul3A_896 = arith.constant 16 : i32
      %mul3A_897 = arith.muli %scan3A_879, %mul3A_896 : i32
      %add3A_898 = arith.addi %mul3A_2, %mul3A_897 : i32
      %get3A_899 = arith.index_cast %add3A_898 : i32 to index
      %get3A_900 = tpu.vector_load %arg5[%get3A_899] {strides = array<i32>} : memref<4096xi32, #tpu.memory_space<vmem>>, vector<16xi32>,
      %mul3A_901 = arith.constant 128 : i32
      %mul3A_902 = vector.broadcast %mul3A_901 : i32 to vector<16xi32>
      %mul3A_903 = arith.muli %get3A_900, %mul3A_902 : vector<16xi32>
      %mul3A_904 = arith.constant 16 : i32
      %mul3A_905 = arith.muli %scan3A_879, %mul3A_904 : i32
      %add3A_906 = vector.broadcast %mul3A_905 : i32 to vector<16xi32>
      %add3A_907 = arith.addi %add3A_906, %iota3A : vector<16xi32>
      %add3A_908 = arith.addi %mul3A_903, %add3A_907 : vector<16xi32>
      %slice3A = vector.extract_strided_slice %add3A_908 {offsets = [0], sizes = [1], strides = [1]} : vector<16xi32> to vector<1xi32>
      %squeeze3A = vector.extract %slice3A[0] : i32 from vector<1xi32>
      %slice3A_909 = vector.extract_strided_slice %get3A_900 {offsets = [0], sizes = [1], strides = [1]} : vector<16xi32> to vector<1xi32>
      %squeeze3A_910 = vector.extract %slice3A_909[0] : i32 from vector<1xi32>
      %sub3A_911 = vector.broadcast %squeeze3A : i32 to vector<16xi32>
      %sub3A_912 = arith.subi %sub3A_911, %add3A_455 : vector<16xi32>
      %shift_right_logical3A_913 = arith.constant 31 : i32
      %shift_right_logical3A_914 = vector.broadcast %shift_right_logical3A_913 : i32 to vector<16xi32>
      %shift_right_logical3A_915 = arith.shrui %sub3A_912, %shift_right_logical3A_914 : vector<16xi32>
      %add3A_916 = arith.addi %scan3A_880, %shift_right_logical3A_915 : vector<16xi32>
      %sub3A_917 = vector.broadcast %squeeze3A_910 : i32 to vector<16xi32>
      %sub3A_918 = arith.subi %sub3A_917, %get3A_87 : vector<16xi32>
      %shift_right_logical3A_919 = arith.constant 31 : i32
      %shift_right_logical3A_920 = vector.broadcast %shift_right_logical3A_919 : i32 to vector<16xi32>
      %shift_right_logical3A_921 = arith.shrui %sub3A_918, %shift_right_logical3A_920 : vector<16xi32>
      %add3A_922 = arith.addi %scan3A_888, %shift_right_logical3A_921 : vector<16xi32>
      %sub3A_923 = vector.broadcast %squeeze3A : i32 to vector<16xi32>
      %sub3A_924 = arith.subi %sub3A_923, %add3A_462 : vector<16xi32>
      %shift_right_logical3A_925 = arith.constant 31 : i32
      %shift_right_logical3A_926 = vector.broadcast %shift_right_logical3A_925 : i32 to vector<16xi32>
      %shift_right_logical3A_927 = arith.shrui %sub3A_924, %shift_right_logical3A_926 : vector<16xi32>
      %add3A_928 = arith.addi %scan3A_881, %shift_right_logical3A_927 : vector<16xi32>
      %sub3A_929 = vector.broadcast %squeeze3A_910 : i32 to vector<16xi32>
      %sub3A_930 = arith.subi %sub3A_929, %get3A_91 : vector<16xi32>
      %shift_right_logical3A_931 = arith.constant 31 : i32
      %shift_right_logical3A_932 = vector.broadcast %shift_right_logical3A_931 : i32 to vector<16xi32>
      %shift_right_logical3A_933 = arith.shrui %sub3A_930, %shift_right_logical3A_932 : vector<16xi32>
      %add3A_934 = arith.addi %scan3A_889, %shift_right_logical3A_933 : vector<16xi32>
      %sub3A_935 = vector.broadcast %squeeze3A : i32 to vector<16xi32>
      %sub3A_936 = arith.subi %sub3A_935, %add3A_469 : vector<16xi32>
      %shift_right_logical3A_937 = arith.constant 31 : i32
      %shift_right_logical3A_938 = vector.broadcast %shift_right_logical3A_937 : i32 to vector<16xi32>
      %shift_right_logical3A_939 = arith.shrui %sub3A_936, %shift_right_logical3A_938 : vector<16xi32>
      %add3A_940 = arith.addi %scan3A_882, %shift_right_logical3A_939 : vector<16xi32>
      %sub3A_941 = vector.broadcast %squeeze3A_910 : i32 to vector<16xi32>
      %sub3A_942 = arith.subi %sub3A_941, %get3A_95 : vector<16xi32>
      %shift_right_logical3A_943 = arith.constant 31 : i32
      %shift_right_logical3A_944 = vector.broadcast %shift_right_logical3A_943 : i32 to vector<16xi32>
      %shift_right_logical3A_945 = arith.shrui %sub3A_942, %shift_right_logical3A_944 : vector<16xi32>
      %add3A_946 = arith.addi %scan3A_890, %shift_right_logical3A_945 : vector<16xi32>
      %sub3A_947 = vector.broadcast %squeeze3A : i32 to vector<16xi32>
      %sub3A_948 = arith.subi %sub3A_947, %add3A_476 : vector<16xi32>
      %shift_right_logical3A_949 = arith.constant 31 : i32
      %shift_right_logical3A_950 = vector.broadcast %shift_right_logical3A_949 : i32 to vector<16xi32>
      %shift_right_logical3A_951 = arith.shrui %sub3A_948, %shift_right_logical3A_950 : vector<16xi32>
      %add3A_952 = arith.addi %scan3A_883, %shift_right_logical3A_951 : vector<16xi32>
      %sub3A_953 = vector.broadcast %squeeze3A_910 : i32 to vector<16xi32>
      %sub3A_954 = arith.subi %sub3A_953, %get3A_99 : vector<16xi32>
      %shift_right_logical3A_955 = arith.constant 31 : i32
      %shift_right_logical3A_956 = vector.broadcast %shift_right_logical3A_955 : i32 to vector<16xi32>
      %shift_right_logical3A_957 = arith.shrui %sub3A_954, %shift_right_logical3A_956 : vector<16xi32>
      %add3A_958 = arith.addi %scan3A_891, %shift_right_logical3A_957 : vector<16xi32>
      %sub3A_959 = vector.broadcast %squeeze3A : i32 to vector<16xi32>
      %sub3A_960 = arith.subi %sub3A_959, %add3A_483 : vector<16xi32>
      %shift_right_logical3A_961 = arith.constant 31 : i32
      %shift_right_logical3A_962 = vector.broadcast %shift_right_logical3A_961 : i32 to vector<16xi32>
      %shift_right_logical3A_963 = arith.shrui %sub3A_960, %shift_right_logical3A_962 : vector<16xi32>
      %add3A_964 = arith.addi %scan3A_884, %shift_right_logical3A_963 : vector<16xi32>
      %sub3A_965 = vector.broadcast %squeeze3A_910 : i32 to vector<16xi32>
      %sub3A_966 = arith.subi %sub3A_965, %get3A_103 : vector<16xi32>
      %shift_right_logical3A_967 = arith.constant 31 : i32
      %shift_right_logical3A_968 = vector.broadcast %shift_right_logical3A_967 : i32 to vector<16xi32>
      %shift_right_logical3A_969 = arith.shrui %sub3A_966, %shift_right_logical3A_968 : vector<16xi32>
      %add3A_970 = arith.addi %scan3A_892, %shift_right_logical3A_969 : vector<16xi32>
      %sub3A_971 = vector.broadcast %squeeze3A : i32 to vector<16xi32>
      %sub3A_972 = arith.subi %sub3A_971, %add3A_490 : vector<16xi32>
      %shift_right_logical3A_973 = arith.constant 31 : i32
      %shift_right_logical3A_974 = vector.broadcast %shift_right_logical3A_973 : i32 to vector<16xi32>
      %shift_right_logical3A_975 = arith.shrui %sub3A_972, %shift_right_logical3A_974 : vector<16xi32>
      %add3A_976 = arith.addi %scan3A_885, %shift_right_logical3A_975 : vector<16xi32>
      %sub3A_977 = vector.broadcast %squeeze3A_910 : i32 to vector<16xi32>
      %sub3A_978 = arith.subi %sub3A_977, %get3A_107 : vector<16xi32>
      %shift_right_logical3A_979 = arith.constant 31 : i32
      %shift_right_logical3A_980 = vector.broadcast %shift_right_logical3A_979 : i32 to vector<16xi32>
      %shift_right_logical3A_981 = arith.shrui %sub3A_978, %shift_right_logical3A_980 : vector<16xi32>
      %add3A_982 = arith.addi %scan3A_893, %shift_right_logical3A_981 : vector<16xi32>
      %sub3A_983 = vector.broadcast %squeeze3A : i32 to vector<16xi32>
      %sub3A_984 = arith.subi %sub3A_983, %add3A_497 : vector<16xi32>
      %shift_right_logical3A_985 = arith.constant 31 : i32
      %shift_right_logical3A_986 = vector.broadcast %shift_right_logical3A_985 : i32 to vector<16xi32>
      %shift_right_logical3A_987 = arith.shrui %sub3A_984, %shift_right_logical3A_986 : vector<16xi32>
      %add3A_988 = arith.addi %scan3A_886, %shift_right_logical3A_987 : vector<16xi32>
      %sub3A_989 = vector.broadcast %squeeze3A_910 : i32 to vector<16xi32>
      %sub3A_990 = arith.subi %sub3A_989, %get3A_111 : vector<16xi32>
      %shift_right_logical3A_991 = arith.constant 31 : i32
      %shift_right_logical3A_992 = vector.broadcast %shift_right_logical3A_991 : i32 to vector<16xi32>
      %shift_right_logical3A_993 = arith.shrui %sub3A_990, %shift_right_logical3A_992 : vector<16xi32>
      %add3A_994 = arith.addi %scan3A_894, %shift_right_logical3A_993 : vector<16xi32>
      %sub3A_995 = vector.broadcast %squeeze3A : i32 to vector<16xi32>
      %sub3A_996 = arith.subi %sub3A_995, %add3A_504 : vector<16xi32>
      %shift_right_logical3A_997 = arith.constant 31 : i32
      %shift_right_logical3A_998 = vector.broadcast %shift_right_logical3A_997 : i32 to vector<16xi32>
      %shift_right_logical3A_999 = arith.shrui %sub3A_996, %shift_right_logical3A_998 : vector<16xi32>
      %add3A_1000 = arith.addi %scan3A_887, %shift_right_logical3A_999 : vector<16xi32>
      %sub3A_1001 = vector.broadcast %squeeze3A_910 : i32 to vector<16xi32>
      %sub3A_1002 = arith.subi %sub3A_1001, %get3A_115 : vector<16xi32>
      %shift_right_logical3A_1003 = arith.constant 31 : i32
      %shift_right_logical3A_1004 = vector.broadcast %shift_right_logical3A_1003 : i32 to vector<16xi32>
      %shift_right_logical3A_1005 = arith.shrui %sub3A_1002, %shift_right_logical3A_1004 : vector<16xi32>
      %add3A_1006 = arith.addi %scan3A_895, %shift_right_logical3A_1005 : vector<16xi32>
      %slice3A_1007 = vector.extract_strided_slice %add3A_908 {offsets = [1], sizes = [1], strides = [1]} : vector<16xi32> to vector<1xi32>
      %squeeze3A_1008 = vector.extract %slice3A_1007[0] : i32 from vector<1xi32>
      %slice3A_1009 = vector.extract_strided_slice %get3A_900 {offsets = [1], sizes = [1], strides = [1]} : vector<16xi32> to vector<1xi32>
      %squeeze3A_1010 = vector.extract %slice3A_1009[0] : i32 from vector<1xi32>
      %sub3A_1011 = vector.broadcast %squeeze3A_1008 : i32 to vector<16xi32>
      %sub3A_1012 = arith.subi %sub3A_1011, %add3A_455 : vector<16xi32>
      %shift_right_logical3A_1013 = arith.constant 31 : i32
      %shift_right_logical3A_1014 = vector.broadcast %shift_right_logical3A_1013 : i32 to vector<16xi32>
      %shift_right_logical3A_1015 = arith.shrui %sub3A_1012, %shift_right_logical3A_1014 : vector<16xi32>
      %add3A_1016 = arith.addi %add3A_916, %shift_right_logical3A_1015 : vector<16xi32>
      %sub3A_1017 = vector.broadcast %squeeze3A_1010 : i32 to vector<16xi32>
      %sub3A_1018 = arith.subi %sub3A_1017, %get3A_87 : vector<16xi32>
      %shift_right_logical3A_1019 = arith.constant 31 : i32
      %shift_right_logical3A_1020 = vector.broadcast %shift_right_logical3A_1019 : i32 to vector<16xi32>
      %shift_right_logical3A_1021 = arith.shrui %sub3A_1018, %shift_right_logical3A_1020 : vector<16xi32>
      %add3A_1022 = arith.addi %add3A_922, %shift_right_logical3A_1021 : vector<16xi32>
      %sub3A_1023 = vector.broadcast %squeeze3A_1008 : i32 to vector<16xi32>
      %sub3A_1024 = arith.subi %sub3A_1023, %add3A_462 : vector<16xi32>
      %shift_right_logical3A_1025 = arith.constant 31 : i32
      %shift_right_logical3A_1026 = vector.broadcast %shift_right_logical3A_1025 : i32 to vector<16xi32>
      %shift_right_logical3A_1027 = arith.shrui %sub3A_1024, %shift_right_logical3A_1026 : vector<16xi32>
      %add3A_1028 = arith.addi %add3A_928, %shift_right_logical3A_1027 : vector<16xi32>
      %sub3A_1029 = vector.broadcast %squeeze3A_1010 : i32 to vector<16xi32>
      %sub3A_1030 = arith.subi %sub3A_1029, %get3A_91 : vector<16xi32>
      %shift_right_logical3A_1031 = arith.constant 31 : i32
      %shift_right_logical3A_1032 = vector.broadcast %shift_right_logical3A_1031 : i32 to vector<16xi32>
      %shift_right_logical3A_1033 = arith.shrui %sub3A_1030, %shift_right_logical3A_1032 : vector<16xi32>
      %add3A_1034 = arith.addi %add3A_934, %shift_right_logical3A_1033 : vector<16xi32>
      %sub3A_1035 = vector.broadcast %squeeze3A_1008 : i32 to vector<16xi32>
      %sub3A_1036 = arith.subi %sub3A_1035, %add3A_469 : vector<16xi32>
      %shift_right_logical3A_1037 = arith.constant 31 : i32
      %shift_right_logical3A_1038 = vector.broadcast %shift_right_logical3A_1037 : i32 to vector<16xi32>
      %shift_right_logical3A_1039 = arith.shrui %sub3A_1036, %shift_right_logical3A_1038 : vector<16xi32>
      %add3A_1040 = arith.addi %add3A_940, %shift_right_logical3A_1039 : vector<16xi32>
      %sub3A_1041 = vector.broadcast %squeeze3A_1010 : i32 to vector<16xi32>
      %sub3A_1042 = arith.subi %sub3A_1041, %get3A_95 : vector<16xi32>
      %shift_right_logical3A_1043 = arith.constant 31 : i32
      %shift_right_logical3A_1044 = vector.broadcast %shift_right_logical3A_1043 : i32 to vector<16xi32>
      %shift_right_logical3A_1045 = arith.shrui %sub3A_1042, %shift_right_logical3A_1044 : vector<16xi32>
      %add3A_1046 = arith.addi %add3A_946, %shift_right_logical3A_1045 : vector<16xi32>
      %sub3A_1047 = vector.broadcast %squeeze3A_1008 : i32 to vector<16xi32>
      %sub3A_1048 = arith.subi %sub3A_1047, %add3A_476 : vector<16xi32>
      %shift_right_logical3A_1049 = arith.constant 31 : i32
      %shift_right_logical3A_1050 = vector.broadcast %shift_right_logical3A_1049 : i32 to vector<16xi32>
      %shift_right_logical3A_1051 = arith.shrui %sub3A_1048, %shift_right_logical3A_1050 : vector<16xi32>
      %add3A_1052 = arith.addi %add3A_952, %shift_right_logical3A_1051 : vector<16xi32>
      %sub3A_1053 = vector.broadcast %squeeze3A_1010 : i32 to vector<16xi32>
      %sub3A_1054 = arith.subi %sub3A_1053, %get3A_99 : vector<16xi32>
      %shift_right_logical3A_1055 = arith.constant 31 : i32
      %shift_right_logical3A_1056 = vector.broadcast %shift_right_logical3A_1055 : i32 to vector<16xi32>
      %shift_right_logical3A_1057 = arith.shrui %sub3A_1054, %shift_right_logical3A_1056 : vector<16xi32>
      %add3A_1058 = arith.addi %add3A_958, %shift_right_logical3A_1057 : vector<16xi32>
      %sub3A_1059 = vector.broadcast %squeeze3A_1008 : i32 to vector<16xi32>
      %sub3A_1060 = arith.subi %sub3A_1059, %add3A_483 : vector<16xi32>
      %shift_right_logical3A_1061 = arith.constant 31 : i32
      %shift_right_logical3A_1062 = vector.broadcast %shift_right_logical3A_1061 : i32 to vector<16xi32>
      %shift_right_logical3A_1063 = arith.shrui %sub3A_1060, %shift_right_logical3A_1062 : vector<16xi32>
      %add3A_1064 = arith.addi %add3A_964, %shift_right_logical3A_1063 : vector<16xi32>
      %sub3A_1065 = vector.broadcast %squeeze3A_1010 : i32 to vector<16xi32>
      %sub3A_1066 = arith.subi %sub3A_1065, %get3A_103 : vector<16xi32>
      %shift_right_logical3A_1067 = arith.constant 31 : i32
      %shift_right_logical3A_1068 = vector.broadcast %shift_right_logical3A_1067 : i32 to vector<16xi32>
      %shift_right_logical3A_1069 = arith.shrui %sub3A_1066, %shift_right_logical3A_1068 : vector<16xi32>
      %add3A_1070 = arith.addi %add3A_970, %shift_right_logical3A_1069 : vector<16xi32>
      %sub3A_1071 = vector.broadcast %squeeze3A_1008 : i32 to vector<16xi32>
      %sub3A_1072 = arith.subi %sub3A_1071, %add3A_490 : vector<16xi32>
      %shift_right_logical3A_1073 = arith.constant 31 : i32
      %shift_right_logical3A_1074 = vector.broadcast %shift_right_logical3A_1073 : i32 to vector<16xi32>
      %shift_right_logical3A_1075 = arith.shrui %sub3A_1072, %shift_right_logical3A_1074 : vector<16xi32>
      %add3A_1076 = arith.addi %add3A_976, %shift_right_logical3A_1075 : vector<16xi32>
      %sub3A_1077 = vector.broadcast %squeeze3A_1010 : i32 to vector<16xi32>
      %sub3A_1078 = arith.subi %sub3A_1077, %get3A_107 : vector<16xi32>
      %shift_right_logical3A_1079 = arith.constant 31 : i32
      %shift_right_logical3A_1080 = vector.broadcast %shift_right_logical3A_1079 : i32 to vector<16xi32>
      %shift_right_logical3A_1081 = arith.shrui %sub3A_1078, %shift_right_logical3A_1080 : vector<16xi32>
      %add3A_1082 = arith.addi %add3A_982, %shift_right_logical3A_1081 : vector<16xi32>
      %sub3A_1083 = vector.broadcast %squeeze3A_1008 : i32 to vector<16xi32>
      %sub3A_1084 = arith.subi %sub3A_1083, %add3A_497 : vector<16xi32>
      %shift_right_logical3A_1085 = arith.constant 31 : i32
      %shift_right_logical3A_1086 = vector.broadcast %shift_right_logical3A_1085 : i32 to vector<16xi32>
      %shift_right_logical3A_1087 = arith.shrui %sub3A_1084, %shift_right_logical3A_1086 : vector<16xi32>
      %add3A_1088 = arith.addi %add3A_988, %shift_right_logical3A_1087 : vector<16xi32>
      %sub3A_1089 = vector.broadcast %squeeze3A_1010 : i32 to vector<16xi32>
      %sub3A_1090 = arith.subi %sub3A_1089, %get3A_111 : vector<16xi32>
      %shift_right_logical3A_1091 = arith.constant 31 : i32
      %shift_right_logical3A_1092 = vector.broadcast %shift_right_logical3A_1091 : i32 to vector<16xi32>
      %shift_right_logical3A_1093 = arith.shrui %sub3A_1090, %shift_right_logical3A_1092 : vector<16xi32>
      %add3A_1094 = arith.addi %add3A_994, %shift_right_logical3A_1093 : vector<16xi32>
      %sub3A_1095 = vector.broadcast %squeeze3A_1008 : i32 to vector<16xi32>
      %sub3A_1096 = arith.subi %sub3A_1095, %add3A_504 : vector<16xi32>
      %shift_right_logical3A_1097 = arith.constant 31 : i32
      %shift_right_logical3A_1098 = vector.broadcast %shift_right_logical3A_1097 : i32 to vector<16xi32>
      %shift_right_logical3A_1099 = arith.shrui %sub3A_1096, %shift_right_logical3A_1098 : vector<16xi32>
      %add3A_1100 = arith.addi %add3A_1000, %shift_right_logical3A_1099 : vector<16xi32>
      %sub3A_1101 = vector.broadcast %squeeze3A_1010 : i32 to vector<16xi32>
      %sub3A_1102 = arith.subi %sub3A_1101, %get3A_115 : vector<16xi32>
      %shift_right_logical3A_1103 = arith.constant 31 : i32
      %shift_right_logical3A_1104 = vector.broadcast %shift_right_logical3A_1103 : i32 to vector<16xi32>
      %shift_right_logical3A_1105 = arith.shrui %sub3A_1102, %shift_right_logical3A_1104 : vector<16xi32>
      %add3A_1106 = arith.addi %add3A_1006, %shift_right_logical3A_1105 : vector<16xi32>
      %slice3A_1107 = vector.extract_strided_slice %add3A_908 {offsets = [2], sizes = [1], strides = [1]} : vector<16xi32> to vector<1xi32>
      %squeeze3A_1108 = vector.extract %slice3A_1107[0] : i32 from vector<1xi32>
      %slice3A_1109 = vector.extract_strided_slice %get3A_900 {offsets = [2], sizes = [1], strides = [1]} : vector<16xi32> to vector<1xi32>
      %squeeze3A_1110 = vector.extract %slice3A_1109[0] : i32 from vector<1xi32>
      %sub3A_1111 = vector.broadcast %squeeze3A_1108 : i32 to vector<16xi32>
      %sub3A_1112 = arith.subi %sub3A_1111, %add3A_455 : vector<16xi32>
      %shift_right_logical3A_1113 = arith.constant 31 : i32
      %shift_right_logical3A_1114 = vector.broadcast %shift_right_logical3A_1113 : i32 to vector<16xi32>
      %shift_right_logical3A_1115 = arith.shrui %sub3A_1112, %shift_right_logical3A_1114 : vector<16xi32>
      %add3A_1116 = arith.addi %add3A_1016, %shift_right_logical3A_1115 : vector<16xi32>
      %sub3A_1117 = vector.broadcast %squeeze3A_1110 : i32 to vector<16xi32>
      %sub3A_1118 = arith.subi %sub3A_1117, %get3A_87 : vector<16xi32>
      %shift_right_logical3A_1119 = arith.constant 31 : i32
      %shift_right_logical3A_1120 = vector.broadcast %shift_right_logical3A_1119 : i32 to vector<16xi32>
      %shift_right_logical3A_1121 = arith.shrui %sub3A_1118, %shift_right_logical3A_1120 : vector<16xi32>
      %add3A_1122 = arith.addi %add3A_1022, %shift_right_logical3A_1121 : vector<16xi32>
      %sub3A_1123 = vector.broadcast %squeeze3A_1108 : i32 to vector<16xi32>
      %sub3A_1124 = arith.subi %sub3A_1123, %add3A_462 : vector<16xi32>
      %shift_right_logical3A_1125 = arith.constant 31 : i32
      %shift_right_logical3A_1126 = vector.broadcast %shift_right_logical3A_1125 : i32 to vector<16xi32>
      %shift_right_logical3A_1127 = arith.shrui %sub3A_1124, %shift_right_logical3A_1126 : vector<16xi32>
      %add3A_1128 = arith.addi %add3A_1028, %shift_right_logical3A_1127 : vector<16xi32>
      %sub3A_1129 = vector.broadcast %squeeze3A_1110 : i32 to vector<16xi32>
      %sub3A_1130 = arith.subi %sub3A_1129, %get3A_91 : vector<16xi32>
      %shift_right_logical3A_1131 = arith.constant 31 : i32
      %shift_right_logical3A_1132 = vector.broadcast %shift_right_logical3A_1131 : i32 to vector<16xi32>
      %shift_right_logical3A_1133 = arith.shrui %sub3A_1130, %shift_right_logical3A_1132 : vector<16xi32>
      %add3A_1134 = arith.addi %add3A_1034, %shift_right_logical3A_1133 : vector<16xi32>
      %sub3A_1135 = vector.broadcast %squeeze3A_1108 : i32 to vector<16xi32>
      %sub3A_1136 = arith.subi %sub3A_1135, %add3A_469 : vector<16xi32>
      %shift_right_logical3A_1137 = arith.constant 31 : i32
      %shift_right_logical3A_1138 = vector.broadcast %shift_right_logical3A_1137 : i32 to vector<16xi32>
      %shift_right_logical3A_1139 = arith.shrui %sub3A_1136, %shift_right_logical3A_1138 : vector<16xi32>
      %add3A_1140 = arith.addi %add3A_1040, %shift_right_logical3A_1139 : vector<16xi32>
      %sub3A_1141 = vector.broadcast %squeeze3A_1110 : i32 to vector<16xi32>
      %sub3A_1142 = arith.subi %sub3A_1141, %get3A_95 : vector<16xi32>
      %shift_right_logical3A_1143 = arith.constant 31 : i32
      %shift_right_logical3A_1144 = vector.broadcast %shift_right_logical3A_1143 : i32 to vector<16xi32>
      %shift_right_logical3A_1145 = arith.shrui %sub3A_1142, %shift_right_logical3A_1144 : vector<16xi32>
      %add3A_1146 = arith.addi %add3A_1046, %shift_right_logical3A_1145 : vector<16xi32>
      %sub3A_1147 = vector.broadcast %squeeze3A_1108 : i32 to vector<16xi32>
      %sub3A_1148 = arith.subi %sub3A_1147, %add3A_476 : vector<16xi32>
      %shift_right_logical3A_1149 = arith.constant 31 : i32
      %shift_right_logical3A_1150 = vector.broadcast %shift_right_logical3A_1149 : i32 to vector<16xi32>
      %shift_right_logical3A_1151 = arith.shrui %sub3A_1148, %shift_right_logical3A_1150 : vector<16xi32>
      %add3A_1152 = arith.addi %add3A_1052, %shift_right_logical3A_1151 : vector<16xi32>
      %sub3A_1153 = vector.broadcast %squeeze3A_1110 : i32 to vector<16xi32>
      %sub3A_1154 = arith.subi %sub3A_1153, %get3A_99 : vector<16xi32>
      %shift_right_logical3A_1155 = arith.constant 31 : i32
      %shift_right_logical3A_1156 = vector.broadcast %shift_right_logical3A_1155 : i32 to vector<16xi32>
      %shift_right_logical3A_1157 = arith.shrui %sub3A_1154, %shift_right_logical3A_1156 : vector<16xi32>
      %add3A_1158 = arith.addi %add3A_1058, %shift_right_logical3A_1157 : vector<16xi32>
      %sub3A_1159 = vector.broadcast %squeeze3A_1108 : i32 to vector<16xi32>
      %sub3A_1160 = arith.subi %sub3A_1159, %add3A_483 : vector<16xi32>
      %shift_right_logical3A_1161 = arith.constant 31 : i32
      %shift_right_logical3A_1162 = vector.broadcast %shift_right_logical3A_1161 : i32 to vector<16xi32>
      %shift_right_logical3A_1163 = arith.shrui %sub3A_1160, %shift_right_logical3A_1162 : vector<16xi32>
      %add3A_1164 = arith.addi %add3A_1064, %shift_right_logical3A_1163 : vector<16xi32>
      %sub3A_1165 = vector.broadcast %squeeze3A_1110 : i32 to vector<16xi32>
      %sub3A_1166 = arith.subi %sub3A_1165, %get3A_103 : vector<16xi32>
      %shift_right_logical3A_1167 = arith.constant 31 : i32
      %shift_right_logical3A_1168 = vector.broadcast %shift_right_logical3A_1167 : i32 to vector<16xi32>
      %shift_right_logical3A_1169 = arith.shrui %sub3A_1166, %shift_right_logical3A_1168 : vector<16xi32>
      %add3A_1170 = arith.addi %add3A_1070, %shift_right_logical3A_1169 : vector<16xi32>
      %sub3A_1171 = vector.broadcast %squeeze3A_1108 : i32 to vector<16xi32>
      %sub3A_1172 = arith.subi %sub3A_1171, %add3A_490 : vector<16xi32>
      %shift_right_logical3A_1173 = arith.constant 31 : i32
      %shift_right_logical3A_1174 = vector.broadcast %shift_right_logical3A_1173 : i32 to vector<16xi32>
      %shift_right_logical3A_1175 = arith.shrui %sub3A_1172, %shift_right_logical3A_1174 : vector<16xi32>
      %add3A_1176 = arith.addi %add3A_1076, %shift_right_logical3A_1175 : vector<16xi32>
      %sub3A_1177 = vector.broadcast %squeeze3A_1110 : i32 to vector<16xi32>
      %sub3A_1178 = arith.subi %sub3A_1177, %get3A_107 : vector<16xi32>
      %shift_right_logical3A_1179 = arith.constant 31 : i32
      %shift_right_logical3A_1180 = vector.broadcast %shift_right_logical3A_1179 : i32 to vector<16xi32>
      %shift_right_logical3A_1181 = arith.shrui %sub3A_1178, %shift_right_logical3A_1180 : vector<16xi32>
      %add3A_1182 = arith.addi %add3A_1082, %shift_right_logical3A_1181 : vector<16xi32>
      %sub3A_1183 = vector.broadcast %squeeze3A_1108 : i32 to vector<16xi32>
      %sub3A_1184 = arith.subi %sub3A_1183, %add3A_497 : vector<16xi32>
      %shift_right_logical3A_1185 = arith.constant 31 : i32
      %shift_right_logical3A_1186 = vector.broadcast %shift_right_logical3A_1185 : i32 to vector<16xi32>
      %shift_right_logical3A_1187 = arith.shrui %sub3A_1184, %shift_right_logical3A_1186 : vector<16xi32>
      %add3A_1188 = arith.addi %add3A_1088, %shift_right_logical3A_1187 : vector<16xi32>
      %sub3A_1189 = vector.broadcast %squeeze3A_1110 : i32 to vector<16xi32>
      %sub3A_1190 = arith.subi %sub3A_1189, %get3A_111 : vector<16xi32>
      %shift_right_logical3A_1191 = arith.constant 31 : i32
      %shift_right_logical3A_1192 = vector.broadcast %shift_right_logical3A_1191 : i32 to vector<16xi32>
      %shift_right_logical3A_1193 = arith.shrui %sub3A_1190, %shift_right_logical3A_1192 : vector<16xi32>
      %add3A_1194 = arith.addi %add3A_1094, %shift_right_logical3A_1193 : vector<16xi32>
      %sub3A_1195 = vector.broadcast %squeeze3A_1108 : i32 to vector<16xi32>
      %sub3A_1196 = arith.subi %sub3A_1195, %add3A_504 : vector<16xi32>
      %shift_right_logical3A_1197 = arith.constant 31 : i32
      %shift_right_logical3A_1198 = vector.broadcast %shift_right_logical3A_1197 : i32 to vector<16xi32>
      %shift_right_logical3A_1199 = arith.shrui %sub3A_1196, %shift_right_logical3A_1198 : vector<16xi32>
      %add3A_1200 = arith.addi %add3A_1100, %shift_right_logical3A_1199 : vector<16xi32>
      %sub3A_1201 = vector.broadcast %squeeze3A_1110 : i32 to vector<16xi32>
      %sub3A_1202 = arith.subi %sub3A_1201, %get3A_115 : vector<16xi32>
      %shift_right_logical3A_1203 = arith.constant 31 : i32
      %shift_right_logical3A_1204 = vector.broadcast %shift_right_logical3A_1203 : i32 to vector<16xi32>
      %shift_right_logical3A_1205 = arith.shrui %sub3A_1202, %shift_right_logical3A_1204 : vector<16xi32>
      %add3A_1206 = arith.addi %add3A_1106, %shift_right_logical3A_1205 : vector<16xi32>
      %slice3A_1207 = vector.extract_strided_slice %add3A_908 {offsets = [3], sizes = [1], strides = [1]} : vector<16xi32> to vector<1xi32>
      %squeeze3A_1208 = vector.extract %slice3A_1207[0] : i32 from vector<1xi32>
      %slice3A_1209 = vector.extract_strided_slice %get3A_900 {offsets = [3], sizes = [1], strides = [1]} : vector<16xi32> to vector<1xi32>
      %squeeze3A_1210 = vector.extract %slice3A_1209[0] : i32 from vector<1xi32>
      %sub3A_1211 = vector.broadcast %squeeze3A_1208 : i32 to vector<16xi32>
      %sub3A_1212 = arith.subi %sub3A_1211, %add3A_455 : vector<16xi32>
      %shift_right_logical3A_1213 = arith.constant 31 : i32
      %shift_right_logical3A_1214 = vector.broadcast %shift_right_logical3A_1213 : i32 to vector<16xi32>
      %shift_right_logical3A_1215 = arith.shrui %sub3A_1212, %shift_right_logical3A_1214 : vector<16xi32>
      %add3A_1216 = arith.addi %add3A_1116, %shift_right_logical3A_1215 : vector<16xi32>
      %sub3A_1217 = vector.broadcast %squeeze3A_1210 : i32 to vector<16xi32>
      %sub3A_1218 = arith.subi %sub3A_1217, %get3A_87 : vector<16xi32>
      %shift_right_logical3A_1219 = arith.constant 31 : i32
      %shift_right_logical3A_1220 = vector.broadcast %shift_right_logical3A_1219 : i32 to vector<16xi32>
      %shift_right_logical3A_1221 = arith.shrui %sub3A_1218, %shift_right_logical3A_1220 : vector<16xi32>
      %add3A_1222 = arith.addi %add3A_1122, %shift_right_logical3A_1221 : vector<16xi32>
      %sub3A_1223 = vector.broadcast %squeeze3A_1208 : i32 to vector<16xi32>
      %sub3A_1224 = arith.subi %sub3A_1223, %add3A_462 : vector<16xi32>
      %shift_right_logical3A_1225 = arith.constant 31 : i32
      %shift_right_logical3A_1226 = vector.broadcast %shift_right_logical3A_1225 : i32 to vector<16xi32>
      %shift_right_logical3A_1227 = arith.shrui %sub3A_1224, %shift_right_logical3A_1226 : vector<16xi32>
      %add3A_1228 = arith.addi %add3A_1128, %shift_right_logical3A_1227 : vector<16xi32>
      %sub3A_1229 = vector.broadcast %squeeze3A_1210 : i32 to vector<16xi32>
      %sub3A_1230 = arith.subi %sub3A_1229, %get3A_91 : vector<16xi32>
      %shift_right_logical3A_1231 = arith.constant 31 : i32
      %shift_right_logical3A_1232 = vector.broadcast %shift_right_logical3A_1231 : i32 to vector<16xi32>
      %shift_right_logical3A_1233 = arith.shrui %sub3A_1230, %shift_right_logical3A_1232 : vector<16xi32>
      %add3A_1234 = arith.addi %add3A_1134, %shift_right_logical3A_1233 : vector<16xi32>
      %sub3A_1235 = vector.broadcast %squeeze3A_1208 : i32 to vector<16xi32>
      %sub3A_1236 = arith.subi %sub3A_1235, %add3A_469 : vector<16xi32>
      %shift_right_logical3A_1237 = arith.constant 31 : i32
      %shift_right_logical3A_1238 = vector.broadcast %shift_right_logical3A_1237 : i32 to vector<16xi32>
      %shift_right_logical3A_1239 = arith.shrui %sub3A_1236, %shift_right_logical3A_1238 : vector<16xi32>
      %add3A_1240 = arith.addi %add3A_1140, %shift_right_logical3A_1239 : vector<16xi32>
      %sub3A_1241 = vector.broadcast %squeeze3A_1210 : i32 to vector<16xi32>
      %sub3A_1242 = arith.subi %sub3A_1241, %get3A_95 : vector<16xi32>
      %shift_right_logical3A_1243 = arith.constant 31 : i32
      %shift_right_logical3A_1244 = vector.broadcast %shift_right_logical3A_1243 : i32 to vector<16xi32>
      %shift_right_logical3A_1245 = arith.shrui %sub3A_1242, %shift_right_logical3A_1244 : vector<16xi32>
      %add3A_1246 = arith.addi %add3A_1146, %shift_right_logical3A_1245 : vector<16xi32>
      %sub3A_1247 = vector.broadcast %squeeze3A_1208 : i32 to vector<16xi32>
      %sub3A_1248 = arith.subi %sub3A_1247, %add3A_476 : vector<16xi32>
      %shift_right_logical3A_1249 = arith.constant 31 : i32
      %shift_right_logical3A_1250 = vector.broadcast %shift_right_logical3A_1249 : i32 to vector<16xi32>
      %shift_right_logical3A_1251 = arith.shrui %sub3A_1248, %shift_right_logical3A_1250 : vector<16xi32>
      %add3A_1252 = arith.addi %add3A_1152, %shift_right_logical3A_1251 : vector<16xi32>
      %sub3A_1253 = vector.broadcast %squeeze3A_1210 : i32 to vector<16xi32>
      %sub3A_1254 = arith.subi %sub3A_1253, %get3A_99 : vector<16xi32>
      %shift_right_logical3A_1255 = arith.constant 31 : i32
      %shift_right_logical3A_1256 = vector.broadcast %shift_right_logical3A_1255 : i32 to vector<16xi32>
      %shift_right_logical3A_1257 = arith.shrui %sub3A_1254, %shift_right_logical3A_1256 : vector<16xi32>
      %add3A_1258 = arith.addi %add3A_1158, %shift_right_logical3A_1257 : vector<16xi32>
      %sub3A_1259 = vector.broadcast %squeeze3A_1208 : i32 to vector<16xi32>
      %sub3A_1260 = arith.subi %sub3A_1259, %add3A_483 : vector<16xi32>
      %shift_right_logical3A_1261 = arith.constant 31 : i32
      %shift_right_logical3A_1262 = vector.broadcast %shift_right_logical3A_1261 : i32 to vector<16xi32>
      %shift_right_logical3A_1263 = arith.shrui %sub3A_1260, %shift_right_logical3A_1262 : vector<16xi32>
      %add3A_1264 = arith.addi %add3A_1164, %shift_right_logical3A_1263 : vector<16xi32>
      %sub3A_1265 = vector.broadcast %squeeze3A_1210 : i32 to vector<16xi32>
      %sub3A_1266 = arith.subi %sub3A_1265, %get3A_103 : vector<16xi32>
      %shift_right_logical3A_1267 = arith.constant 31 : i32
      %shift_right_logical3A_1268 = vector.broadcast %shift_right_logical3A_1267 : i32 to vector<16xi32>
      %shift_right_logical3A_1269 = arith.shrui %sub3A_1266, %shift_right_logical3A_1268 : vector<16xi32>
      %add3A_1270 = arith.addi %add3A_1170, %shift_right_logical3A_1269 : vector<16xi32>
      %sub3A_1271 = vector.broadcast %squeeze3A_1208 : i32 to vector<16xi32>
      %sub3A_1272 = arith.subi %sub3A_1271, %add3A_490 : vector<16xi32>
      %shift_right_logical3A_1273 = arith.constant 31 : i32
      %shift_right_logical3A_1274 = vector.broadcast %shift_right_logical3A_1273 : i32 to vector<16xi32>
      %shift_right_logical3A_1275 = arith.shrui %sub3A_1272, %shift_right_logical3A_1274 : vector<16xi32>
      %add3A_1276 = arith.addi %add3A_1176, %shift_right_logical3A_1275 : vector<16xi32>
      %sub3A_1277 = vector.broadcast %squeeze3A_1210 : i32 to vector<16xi32>
      %sub3A_1278 = arith.subi %sub3A_1277, %get3A_107 : vector<16xi32>
      %shift_right_logical3A_1279 = arith.constant 31 : i32
      %shift_right_logical3A_1280 = vector.broadcast %shift_right_logical3A_1279 : i32 to vector<16xi32>
      %shift_right_logical3A_1281 = arith.shrui %sub3A_1278, %shift_right_logical3A_1280 : vector<16xi32>
      %add3A_1282 = arith.addi %add3A_1182, %shift_right_logical3A_1281 : vector<16xi32>
      %sub3A_1283 = vector.broadcast %squeeze3A_1208 : i32 to vector<16xi32>
      %sub3A_1284 = arith.subi %sub3A_1283, %add3A_497 : vector<16xi32>
      %shift_right_logical3A_1285 = arith.constant 31 : i32
      %shift_right_logical3A_1286 = vector.broadcast %shift_right_logical3A_1285 : i32 to vector<16xi32>
      %shift_right_logical3A_1287 = arith.shrui %sub3A_1284, %shift_right_logical3A_1286 : vector<16xi32>
      %add3A_1288 = arith.addi %add3A_1188, %shift_right_logical3A_1287 : vector<16xi32>
      %sub3A_1289 = vector.broadcast %squeeze3A_1210 : i32 to vector<16xi32>
      %sub3A_1290 = arith.subi %sub3A_1289, %get3A_111 : vector<16xi32>
      %shift_right_logical3A_1291 = arith.constant 31 : i32
      %shift_right_logical3A_1292 = vector.broadcast %shift_right_logical3A_1291 : i32 to vector<16xi32>
      %shift_right_logical3A_1293 = arith.shrui %sub3A_1290, %shift_right_logical3A_1292 : vector<16xi32>
      %add3A_1294 = arith.addi %add3A_1194, %shift_right_logical3A_1293 : vector<16xi32>
      %sub3A_1295 = vector.broadcast %squeeze3A_1208 : i32 to vector<16xi32>
      %sub3A_1296 = arith.subi %sub3A_1295, %add3A_504 : vector<16xi32>
      %shift_right_logical3A_1297 = arith.constant 31 : i32
      %shift_right_logical3A_1298 = vector.broadcast %shift_right_logical3A_1297 : i32 to vector<16xi32>
      %shift_right_logical3A_1299 = arith.shrui %sub3A_1296, %shift_right_logical3A_1298 : vector<16xi32>
      %add3A_1300 = arith.addi %add3A_1200, %shift_right_logical3A_1299 : vector<16xi32>
      %sub3A_1301 = vector.broadcast %squeeze3A_1210 : i32 to vector<16xi32>
      %sub3A_1302 = arith.subi %sub3A_1301, %get3A_115 : vector<16xi32>
      %shift_right_logical3A_1303 = arith.constant 31 : i32
      %shift_right_logical3A_1304 = vector.broadcast %shift_right_logical3A_1303 : i32 to vector<16xi32>
      %shift_right_logical3A_1305 = arith.shrui %sub3A_1302, %shift_right_logical3A_1304 : vector<16xi32>
      %add3A_1306 = arith.addi %add3A_1206, %shift_right_logical3A_1305 : vector<16xi32>
      %slice3A_1307 = vector.extract_strided_slice %add3A_908 {offsets = [4], sizes = [1], strides = [1]} : vector<16xi32> to vector<1xi32>
      %squeeze3A_1308 = vector.extract %slice3A_1307[0] : i32 from vector<1xi32>
      %slice3A_1309 = vector.extract_strided_slice %get3A_900 {offsets = [4], sizes = [1], strides = [1]} : vector<16xi32> to vector<1xi32>
      %squeeze3A_1310 = vector.extract %slice3A_1309[0] : i32 from vector<1xi32>
      %sub3A_1311 = vector.broadcast %squeeze3A_1308 : i32 to vector<16xi32>
      %sub3A_1312 = arith.subi %sub3A_1311, %add3A_455 : vector<16xi32>
      %shift_right_logical3A_1313 = arith.constant 31 : i32
      %shift_right_logical3A_1314 = vector.broadcast %shift_right_logical3A_1313 : i32 to vector<16xi32>
      %shift_right_logical3A_1315 = arith.shrui %sub3A_1312, %shift_right_logical3A_1314 : vector<16xi32>
      %add3A_1316 = arith.addi %add3A_1216, %shift_right_logical3A_1315 : vector<16xi32>
      %sub3A_1317 = vector.broadcast %squeeze3A_1310 : i32 to vector<16xi32>
      %sub3A_1318 = arith.subi %sub3A_1317, %get3A_87 : vector<16xi32>
      %shift_right_logical3A_1319 = arith.constant 31 : i32
      %shift_right_logical3A_1320 = vector.broadcast %shift_right_logical3A_1319 : i32 to vector<16xi32>
      %shift_right_logical3A_1321 = arith.shrui %sub3A_1318, %shift_right_logical3A_1320 : vector<16xi32>
      %add3A_1322 = arith.addi %add3A_1222, %shift_right_logical3A_1321 : vector<16xi32>
      %sub3A_1323 = vector.broadcast %squeeze3A_1308 : i32 to vector<16xi32>
      %sub3A_1324 = arith.subi %sub3A_1323, %add3A_462 : vector<16xi32>
      %shift_right_logical3A_1325 = arith.constant 31 : i32
      %shift_right_logical3A_1326 = vector.broadcast %shift_right_logical3A_1325 : i32 to vector<16xi32>
      %shift_right_logical3A_1327 = arith.shrui %sub3A_1324, %shift_right_logical3A_1326 : vector<16xi32>
      %add3A_1328 = arith.addi %add3A_1228, %shift_right_logical3A_1327 : vector<16xi32>
      %sub3A_1329 = vector.broadcast %squeeze3A_1310 : i32 to vector<16xi32>
      %sub3A_1330 = arith.subi %sub3A_1329, %get3A_91 : vector<16xi32>
      %shift_right_logical3A_1331 = arith.constant 31 : i32
      %shift_right_logical3A_1332 = vector.broadcast %shift_right_logical3A_1331 : i32 to vector<16xi32>
      %shift_right_logical3A_1333 = arith.shrui %sub3A_1330, %shift_right_logical3A_1332 : vector<16xi32>
      %add3A_1334 = arith.addi %add3A_1234, %shift_right_logical3A_1333 : vector<16xi32>
      %sub3A_1335 = vector.broadcast %squeeze3A_1308 : i32 to vector<16xi32>
      %sub3A_1336 = arith.subi %sub3A_1335, %add3A_469 : vector<16xi32>
      %shift_right_logical3A_1337 = arith.constant 31 : i32
      %shift_right_logical3A_1338 = vector.broadcast %shift_right_logical3A_1337 : i32 to vector<16xi32>
      %shift_right_logical3A_1339 = arith.shrui %sub3A_1336, %shift_right_logical3A_1338 : vector<16xi32>
      %add3A_1340 = arith.addi %add3A_1240, %shift_right_logical3A_1339 : vector<16xi32>
      %sub3A_1341 = vector.broadcast %squeeze3A_1310 : i32 to vector<16xi32>
      %sub3A_1342 = arith.subi %sub3A_1341, %get3A_95 : vector<16xi32>
      %shift_right_logical3A_1343 = arith.constant 31 : i32
      %shift_right_logical3A_1344 = vector.broadcast %shift_right_logical3A_1343 : i32 to vector<16xi32>
      %shift_right_logical3A_1345 = arith.shrui %sub3A_1342, %shift_right_logical3A_1344 : vector<16xi32>
      %add3A_1346 = arith.addi %add3A_1246, %shift_right_logical3A_1345 : vector<16xi32>
      %sub3A_1347 = vector.broadcast %squeeze3A_1308 : i32 to vector<16xi32>
      %sub3A_1348 = arith.subi %sub3A_1347, %add3A_476 : vector<16xi32>
      %shift_right_logical3A_1349 = arith.constant 31 : i32
      %shift_right_logical3A_1350 = vector.broadcast %shift_right_logical3A_1349 : i32 to vector<16xi32>
      %shift_right_logical3A_1351 = arith.shrui %sub3A_1348, %shift_right_logical3A_1350 : vector<16xi32>
      %add3A_1352 = arith.addi %add3A_1252, %shift_right_logical3A_1351 : vector<16xi32>
      %sub3A_1353 = vector.broadcast %squeeze3A_1310 : i32 to vector<16xi32>
      %sub3A_1354 = arith.subi %sub3A_1353, %get3A_99 : vector<16xi32>
      %shift_right_logical3A_1355 = arith.constant 31 : i32
      %shift_right_logical3A_1356 = vector.broadcast %shift_right_logical3A_1355 : i32 to vector<16xi32>
      %shift_right_logical3A_1357 = arith.shrui %sub3A_1354, %shift_right_logical3A_1356 : vector<16xi32>
      %add3A_1358 = arith.addi %add3A_1258, %shift_right_logical3A_1357 : vector<16xi32>
      %sub3A_1359 = vector.broadcast %squeeze3A_1308 : i32 to vector<16xi32>
      %sub3A_1360 = arith.subi %sub3A_1359, %add3A_483 : vector<16xi32>
      %shift_right_logical3A_1361 = arith.constant 31 : i32
      %shift_right_logical3A_1362 = vector.broadcast %shift_right_logical3A_1361 : i32 to vector<16xi32>
      %shift_right_logical3A_1363 = arith.shrui %sub3A_1360, %shift_right_logical3A_1362 : vector<16xi32>
      %add3A_1364 = arith.addi %add3A_1264, %shift_right_logical3A_1363 : vector<16xi32>
      %sub3A_1365 = vector.broadcast %squeeze3A_1310 : i32 to vector<16xi32>
      %sub3A_1366 = arith.subi %sub3A_1365, %get3A_103 : vector<16xi32>
      %shift_right_logical3A_1367 = arith.constant 31 : i32
      %shift_right_logical3A_1368 = vector.broadcast %shift_right_logical3A_1367 : i32 to vector<16xi32>
      %shift_right_logical3A_1369 = arith.shrui %sub3A_1366, %shift_right_logical3A_1368 : vector<16xi32>
      %add3A_1370 = arith.addi %add3A_1270, %shift_right_logical3A_1369 : vector<16xi32>
      %sub3A_1371 = vector.broadcast %squeeze3A_1308 : i32 to vector<16xi32>
      %sub3A_1372 = arith.subi %sub3A_1371, %add3A_490 : vector<16xi32>
      %shift_right_logical3A_1373 = arith.constant 31 : i32
      %shift_right_logical3A_1374 = vector.broadcast %shift_right_logical3A_1373 : i32 to vector<16xi32>
      %shift_right_logical3A_1375 = arith.shrui %sub3A_1372, %shift_right_logical3A_1374 : vector<16xi32>
      %add3A_1376 = arith.addi %add3A_1276, %shift_right_logical3A_1375 : vector<16xi32>
      %sub3A_1377 = vector.broadcast %squeeze3A_1310 : i32 to vector<16xi32>
      %sub3A_1378 = arith.subi %sub3A_1377, %get3A_107 : vector<16xi32>
      %shift_right_logical3A_1379 = arith.constant 31 : i32
      %shift_right_logical3A_1380 = vector.broadcast %shift_right_logical3A_1379 : i32 to vector<16xi32>
      %shift_right_logical3A_1381 = arith.shrui %sub3A_1378, %shift_right_logical3A_1380 : vector<16xi32>
      %add3A_1382 = arith.addi %add3A_1282, %shift_right_logical3A_1381 : vector<16xi32>
      %sub3A_1383 = vector.broadcast %squeeze3A_1308 : i32 to vector<16xi32>
      %sub3A_1384 = arith.subi %sub3A_1383, %add3A_497 : vector<16xi32>
      %shift_right_logical3A_1385 = arith.constant 31 : i32
      %shift_right_logical3A_1386 = vector.broadcast %shift_right_logical3A_1385 : i32 to vector<16xi32>
      %shift_right_logical3A_1387 = arith.shrui %sub3A_1384, %shift_right_logical3A_1386 : vector<16xi32>
      %add3A_1388 = arith.addi %add3A_1288, %shift_right_logical3A_1387 : vector<16xi32>
      %sub3A_1389 = vector.broadcast %squeeze3A_1310 : i32 to vector<16xi32>
      %sub3A_1390 = arith.subi %sub3A_1389, %get3A_111 : vector<16xi32>
      %shift_right_logical3A_1391 = arith.constant 31 : i32
      %shift_right_logical3A_1392 = vector.broadcast %shift_right_logical3A_1391 : i32 to vector<16xi32>
      %shift_right_logical3A_1393 = arith.shrui %sub3A_1390, %shift_right_logical3A_1392 : vector<16xi32>
      %add3A_1394 = arith.addi %add3A_1294, %shift_right_logical3A_1393 : vector<16xi32>
      %sub3A_1395 = vector.broadcast %squeeze3A_1308 : i32 to vector<16xi32>
      %sub3A_1396 = arith.subi %sub3A_1395, %add3A_504 : vector<16xi32>
      %shift_right_logical3A_1397 = arith.constant 31 : i32
      %shift_right_logical3A_1398 = vector.broadcast %shift_right_logical3A_1397 : i32 to vector<16xi32>
      %shift_right_logical3A_1399 = arith.shrui %sub3A_1396, %shift_right_logical3A_1398 : vector<16xi32>
      %add3A_1400 = arith.addi %add3A_1300, %shift_right_logical3A_1399 : vector<16xi32>
      %sub3A_1401 = vector.broadcast %squeeze3A_1310 : i32 to vector<16xi32>
      %sub3A_1402 = arith.subi %sub3A_1401, %get3A_115 : vector<16xi32>
      %shift_right_logical3A_1403 = arith.constant 31 : i32
      %shift_right_logical3A_1404 = vector.broadcast %shift_right_logical3A_1403 : i32 to vector<16xi32>
      %shift_right_logical3A_1405 = arith.shrui %sub3A_1402, %shift_right_logical3A_1404 : vector<16xi32>
      %add3A_1406 = arith.addi %add3A_1306, %shift_right_logical3A_1405 : vector<16xi32>
      %slice3A_1407 = vector.extract_strided_slice %add3A_908 {offsets = [5], sizes = [1], strides = [1]} : vector<16xi32> to vector<1xi32>
      %squeeze3A_1408 = vector.extract %slice3A_1407[0] : i32 from vector<1xi32>
      %slice3A_1409 = vector.extract_strided_slice %get3A_900 {offsets = [5], sizes = [1], strides = [1]} : vector<16xi32> to vector<1xi32>
      %squeeze3A_1410 = vector.extract %slice3A_1409[0] : i32 from vector<1xi32>
      %sub3A_1411 = vector.broadcast %squeeze3A_1408 : i32 to vector<16xi32>
      %sub3A_1412 = arith.subi %sub3A_1411, %add3A_455 : vector<16xi32>
      %shift_right_logical3A_1413 = arith.constant 31 : i32
      %shift_right_logical3A_1414 = vector.broadcast %shift_right_logical3A_1413 : i32 to vector<16xi32>
      %shift_right_logical3A_1415 = arith.shrui %sub3A_1412, %shift_right_logical3A_1414 : vector<16xi32>
      %add3A_1416 = arith.addi %add3A_1316, %shift_right_logical3A_1415 : vector<16xi32>
      %sub3A_1417 = vector.broadcast %squeeze3A_1410 : i32 to vector<16xi32>
      %sub3A_1418 = arith.subi %sub3A_1417, %get3A_87 : vector<16xi32>
      %shift_right_logical3A_1419 = arith.constant 31 : i32
      %shift_right_logical3A_1420 = vector.broadcast %shift_right_logical3A_1419 : i32 to vector<16xi32>
      %shift_right_logical3A_1421 = arith.shrui %sub3A_1418, %shift_right_logical3A_1420 : vector<16xi32>
      %add3A_1422 = arith.addi %add3A_1322, %shift_right_logical3A_1421 : vector<16xi32>
      %sub3A_1423 = vector.broadcast %squeeze3A_1408 : i32 to vector<16xi32>
      %sub3A_1424 = arith.subi %sub3A_1423, %add3A_462 : vector<16xi32>
      %shift_right_logical3A_1425 = arith.constant 31 : i32
      %shift_right_logical3A_1426 = vector.broadcast %shift_right_logical3A_1425 : i32 to vector<16xi32>
      %shift_right_logical3A_1427 = arith.shrui %sub3A_1424, %shift_right_logical3A_1426 : vector<16xi32>
      %add3A_1428 = arith.addi %add3A_1328, %shift_right_logical3A_1427 : vector<16xi32>
      %sub3A_1429 = vector.broadcast %squeeze3A_1410 : i32 to vector<16xi32>
      %sub3A_1430 = arith.subi %sub3A_1429, %get3A_91 : vector<16xi32>
      %shift_right_logical3A_1431 = arith.constant 31 : i32
      %shift_right_logical3A_1432 = vector.broadcast %shift_right_logical3A_1431 : i32 to vector<16xi32>
      %shift_right_logical3A_1433 = arith.shrui %sub3A_1430, %shift_right_logical3A_1432 : vector<16xi32>
      %add3A_1434 = arith.addi %add3A_1334, %shift_right_logical3A_1433 : vector<16xi32>
      %sub3A_1435 = vector.broadcast %squeeze3A_1408 : i32 to vector<16xi32>
      %sub3A_1436 = arith.subi %sub3A_1435, %add3A_469 : vector<16xi32>
      %shift_right_logical3A_1437 = arith.constant 31 : i32
      %shift_right_logical3A_1438 = vector.broadcast %shift_right_logical3A_1437 : i32 to vector<16xi32>
      %shift_right_logical3A_1439 = arith.shrui %sub3A_1436, %shift_right_logical3A_1438 : vector<16xi32>
      %add3A_1440 = arith.addi %add3A_1340, %shift_right_logical3A_1439 : vector<16xi32>
      %sub3A_1441 = vector.broadcast %squeeze3A_1410 : i32 to vector<16xi32>
      %sub3A_1442 = arith.subi %sub3A_1441, %get3A_95 : vector<16xi32>
      %shift_right_logical3A_1443 = arith.constant 31 : i32
      %shift_right_logical3A_1444 = vector.broadcast %shift_right_logical3A_1443 : i32 to vector<16xi32>
      %shift_right_logical3A_1445 = arith.shrui %sub3A_1442, %shift_right_logical3A_1444 : vector<16xi32>
      %add3A_1446 = arith.addi %add3A_1346, %shift_right_logical3A_1445 : vector<16xi32>
      %sub3A_1447 = vector.broadcast %squeeze3A_1408 : i32 to vector<16xi32>
      %sub3A_1448 = arith.subi %sub3A_1447, %add3A_476 : vector<16xi32>
      %shift_right_logical3A_1449 = arith.constant 31 : i32
      %shift_right_logical3A_1450 = vector.broadcast %shift_right_logical3A_1449 : i32 to vector<16xi32>
      %shift_right_logical3A_1451 = arith.shrui %sub3A_1448, %shift_right_logical3A_1450 : vector<16xi32>
      %add3A_1452 = arith.addi %add3A_1352, %shift_right_logical3A_1451 : vector<16xi32>
      %sub3A_1453 = vector.broadcast %squeeze3A_1410 : i32 to vector<16xi32>
      %sub3A_1454 = arith.subi %sub3A_1453, %get3A_99 : vector<16xi32>
      %shift_right_logical3A_1455 = arith.constant 31 : i32
      %shift_right_logical3A_1456 = vector.broadcast %shift_right_logical3A_1455 : i32 to vector<16xi32>
      %shift_right_logical3A_1457 = arith.shrui %sub3A_1454, %shift_right_logical3A_1456 : vector<16xi32>
      %add3A_1458 = arith.addi %add3A_1358, %shift_right_logical3A_1457 : vector<16xi32>
      %sub3A_1459 = vector.broadcast %squeeze3A_1408 : i32 to vector<16xi32>
      %sub3A_1460 = arith.subi %sub3A_1459, %add3A_483 : vector<16xi32>
      %shift_right_logical3A_1461 = arith.constant 31 : i32
      %shift_right_logical3A_1462 = vector.broadcast %shift_right_logical3A_1461 : i32 to vector<16xi32>
      %shift_right_logical3A_1463 = arith.shrui %sub3A_1460, %shift_right_logical3A_1462 : vector<16xi32>
      %add3A_1464 = arith.addi %add3A_1364, %shift_right_logical3A_1463 : vector<16xi32>
      %sub3A_1465 = vector.broadcast %squeeze3A_1410 : i32 to vector<16xi32>
      %sub3A_1466 = arith.subi %sub3A_1465, %get3A_103 : vector<16xi32>
      %shift_right_logical3A_1467 = arith.constant 31 : i32
      %shift_right_logical3A_1468 = vector.broadcast %shift_right_logical3A_1467 : i32 to vector<16xi32>
      %shift_right_logical3A_1469 = arith.shrui %sub3A_1466, %shift_right_logical3A_1468 : vector<16xi32>
      %add3A_1470 = arith.addi %add3A_1370, %shift_right_logical3A_1469 : vector<16xi32>
      %sub3A_1471 = vector.broadcast %squeeze3A_1408 : i32 to vector<16xi32>
      %sub3A_1472 = arith.subi %sub3A_1471, %add3A_490 : vector<16xi32>
      %shift_right_logical3A_1473 = arith.constant 31 : i32
      %shift_right_logical3A_1474 = vector.broadcast %shift_right_logical3A_1473 : i32 to vector<16xi32>
      %shift_right_logical3A_1475 = arith.shrui %sub3A_1472, %shift_right_logical3A_1474 : vector<16xi32>
      %add3A_1476 = arith.addi %add3A_1376, %shift_right_logical3A_1475 : vector<16xi32>
      %sub3A_1477 = vector.broadcast %squeeze3A_1410 : i32 to vector<16xi32>
      %sub3A_1478 = arith.subi %sub3A_1477, %get3A_107 : vector<16xi32>
      %shift_right_logical3A_1479 = arith.constant 31 : i32
      %shift_right_logical3A_1480 = vector.broadcast %shift_right_logical3A_1479 : i32 to vector<16xi32>
      %shift_right_logical3A_1481 = arith.shrui %sub3A_1478, %shift_right_logical3A_1480 : vector<16xi32>
      %add3A_1482 = arith.addi %add3A_1382, %shift_right_logical3A_1481 : vector<16xi32>
      %sub3A_1483 = vector.broadcast %squeeze3A_1408 : i32 to vector<16xi32>
      %sub3A_1484 = arith.subi %sub3A_1483, %add3A_497 : vector<16xi32>
      %shift_right_logical3A_1485 = arith.constant 31 : i32
      %shift_right_logical3A_1486 = vector.broadcast %shift_right_logical3A_1485 : i32 to vector<16xi32>
      %shift_right_logical3A_1487 = arith.shrui %sub3A_1484, %shift_right_logical3A_1486 : vector<16xi32>
      %add3A_1488 = arith.addi %add3A_1388, %shift_right_logical3A_1487 : vector<16xi32>
      %sub3A_1489 = vector.broadcast %squeeze3A_1410 : i32 to vector<16xi32>
      %sub3A_1490 = arith.subi %sub3A_1489, %get3A_111 : vector<16xi32>
      %shift_right_logical3A_1491 = arith.constant 31 : i32
      %shift_right_logical3A_1492 = vector.broadcast %shift_right_logical3A_1491 : i32 to vector<16xi32>
      %shift_right_logical3A_1493 = arith.shrui %sub3A_1490, %shift_right_logical3A_1492 : vector<16xi32>
      %add3A_1494 = arith.addi %add3A_1394, %shift_right_logical3A_1493 : vector<16xi32>
      %sub3A_1495 = vector.broadcast %squeeze3A_1408 : i32 to vector<16xi32>
      %sub3A_1496 = arith.subi %sub3A_1495, %add3A_504 : vector<16xi32>
      %shift_right_logical3A_1497 = arith.constant 31 : i32
      %shift_right_logical3A_1498 = vector.broadcast %shift_right_logical3A_1497 : i32 to vector<16xi32>
      %shift_right_logical3A_1499 = arith.shrui %sub3A_1496, %shift_right_logical3A_1498 : vector<16xi32>
      %add3A_1500 = arith.addi %add3A_1400, %shift_right_logical3A_1499 : vector<16xi32>
      %sub3A_1501 = vector.broadcast %squeeze3A_1410 : i32 to vector<16xi32>
      %sub3A_1502 = arith.subi %sub3A_1501, %get3A_115 : vector<16xi32>
      %shift_right_logical3A_1503 = arith.constant 31 : i32
      %shift_right_logical3A_1504 = vector.broadcast %shift_right_logical3A_1503 : i32 to vector<16xi32>
      %shift_right_logical3A_1505 = arith.shrui %sub3A_1502, %shift_right_logical3A_1504 : vector<16xi32>
      %add3A_1506 = arith.addi %add3A_1406, %shift_right_logical3A_1505 : vector<16xi32>
      %slice3A_1507 = vector.extract_strided_slice %add3A_908 {offsets = [6], sizes = [1], strides = [1]} : vector<16xi32> to vector<1xi32>
      %squeeze3A_1508 = vector.extract %slice3A_1507[0] : i32 from vector<1xi32>
      %slice3A_1509 = vector.extract_strided_slice %get3A_900 {offsets = [6], sizes = [1], strides = [1]} : vector<16xi32> to vector<1xi32>
      %squeeze3A_1510 = vector.extract %slice3A_1509[0] : i32 from vector<1xi32>
      %sub3A_1511 = vector.broadcast %squeeze3A_1508 : i32 to vector<16xi32>
      %sub3A_1512 = arith.subi %sub3A_1511, %add3A_455 : vector<16xi32>
      %shift_right_logical3A_1513 = arith.constant 31 : i32
      %shift_right_logical3A_1514 = vector.broadcast %shift_right_logical3A_1513 : i32 to vector<16xi32>
      %shift_right_logical3A_1515 = arith.shrui %sub3A_1512, %shift_right_logical3A_1514 : vector<16xi32>
      %add3A_1516 = arith.addi %add3A_1416, %shift_right_logical3A_1515 : vector<16xi32>
      %sub3A_1517 = vector.broadcast %squeeze3A_1510 : i32 to vector<16xi32>
      %sub3A_1518 = arith.subi %sub3A_1517, %get3A_87 : vector<16xi32>
      %shift_right_logical3A_1519 = arith.constant 31 : i32
      %shift_right_logical3A_1520 = vector.broadcast %shift_right_logical3A_1519 : i32 to vector<16xi32>
      %shift_right_logical3A_1521 = arith.shrui %sub3A_1518, %shift_right_logical3A_1520 : vector<16xi32>
      %add3A_1522 = arith.addi %add3A_1422, %shift_right_logical3A_1521 : vector<16xi32>
      %sub3A_1523 = vector.broadcast %squeeze3A_1508 : i32 to vector<16xi32>
      %sub3A_1524 = arith.subi %sub3A_1523, %add3A_462 : vector<16xi32>
      %shift_right_logical3A_1525 = arith.constant 31 : i32
      %shift_right_logical3A_1526 = vector.broadcast %shift_right_logical3A_1525 : i32 to vector<16xi32>
      %shift_right_logical3A_1527 = arith.shrui %sub3A_1524, %shift_right_logical3A_1526 : vector<16xi32>
      %add3A_1528 = arith.addi %add3A_1428, %shift_right_logical3A_1527 : vector<16xi32>
      %sub3A_1529 = vector.broadcast %squeeze3A_1510 : i32 to vector<16xi32>
      %sub3A_1530 = arith.subi %sub3A_1529, %get3A_91 : vector<16xi32>
      %shift_right_logical3A_1531 = arith.constant 31 : i32
      %shift_right_logical3A_1532 = vector.broadcast %shift_right_logical3A_1531 : i32 to vector<16xi32>
      %shift_right_logical3A_1533 = arith.shrui %sub3A_1530, %shift_right_logical3A_1532 : vector<16xi32>
      %add3A_1534 = arith.addi %add3A_1434, %shift_right_logical3A_1533 : vector<16xi32>
      %sub3A_1535 = vector.broadcast %squeeze3A_1508 : i32 to vector<16xi32>
      %sub3A_1536 = arith.subi %sub3A_1535, %add3A_469 : vector<16xi32>
      %shift_right_logical3A_1537 = arith.constant 31 : i32
      %shift_right_logical3A_1538 = vector.broadcast %shift_right_logical3A_1537 : i32 to vector<16xi32>
      %shift_right_logical3A_1539 = arith.shrui %sub3A_1536, %shift_right_logical3A_1538 : vector<16xi32>
      %add3A_1540 = arith.addi %add3A_1440, %shift_right_logical3A_1539 : vector<16xi32>
      %sub3A_1541 = vector.broadcast %squeeze3A_1510 : i32 to vector<16xi32>
      %sub3A_1542 = arith.subi %sub3A_1541, %get3A_95 : vector<16xi32>
      %shift_right_logical3A_1543 = arith.constant 31 : i32
      %shift_right_logical3A_1544 = vector.broadcast %shift_right_logical3A_1543 : i32 to vector<16xi32>
      %shift_right_logical3A_1545 = arith.shrui %sub3A_1542, %shift_right_logical3A_1544 : vector<16xi32>
      %add3A_1546 = arith.addi %add3A_1446, %shift_right_logical3A_1545 : vector<16xi32>
      %sub3A_1547 = vector.broadcast %squeeze3A_1508 : i32 to vector<16xi32>
      %sub3A_1548 = arith.subi %sub3A_1547, %add3A_476 : vector<16xi32>
      %shift_right_logical3A_1549 = arith.constant 31 : i32
      %shift_right_logical3A_1550 = vector.broadcast %shift_right_logical3A_1549 : i32 to vector<16xi32>
      %shift_right_logical3A_1551 = arith.shrui %sub3A_1548, %shift_right_logical3A_1550 : vector<16xi32>
      %add3A_1552 = arith.addi %add3A_1452, %shift_right_logical3A_1551 : vector<16xi32>
      %sub3A_1553 = vector.broadcast %squeeze3A_1510 : i32 to vector<16xi32>
      %sub3A_1554 = arith.subi %sub3A_1553, %get3A_99 : vector<16xi32>
      %shift_right_logical3A_1555 = arith.constant 31 : i32
      %shift_right_logical3A_1556 = vector.broadcast %shift_right_logical3A_1555 : i32 to vector<16xi32>
      %shift_right_logical3A_1557 = arith.shrui %sub3A_1554, %shift_right_logical3A_1556 : vector<16xi32>
      %add3A_1558 = arith.addi %add3A_1458, %shift_right_logical3A_1557 : vector<16xi32>
      %sub3A_1559 = vector.broadcast %squeeze3A_1508 : i32 to vector<16xi32>
      %sub3A_1560 = arith.subi %sub3A_1559, %add3A_483 : vector<16xi32>
      %shift_right_logical3A_1561 = arith.constant 31 : i32
      %shift_right_logical3A_1562 = vector.broadcast %shift_right_logical3A_1561 : i32 to vector<16xi32>
      %shift_right_logical3A_1563 = arith.shrui %sub3A_1560, %shift_right_logical3A_1562 : vector<16xi32>
      %add3A_1564 = arith.addi %add3A_1464, %shift_right_logical3A_1563 : vector<16xi32>
      %sub3A_1565 = vector.broadcast %squeeze3A_1510 : i32 to vector<16xi32>
      %sub3A_1566 = arith.subi %sub3A_1565, %get3A_103 : vector<16xi32>
      %shift_right_logical3A_1567 = arith.constant 31 : i32
      %shift_right_logical3A_1568 = vector.broadcast %shift_right_logical3A_1567 : i32 to vector<16xi32>
      %shift_right_logical3A_1569 = arith.shrui %sub3A_1566, %shift_right_logical3A_1568 : vector<16xi32>
      %add3A_1570 = arith.addi %add3A_1470, %shift_right_logical3A_1569 : vector<16xi32>
      %sub3A_1571 = vector.broadcast %squeeze3A_1508 : i32 to vector<16xi32>
      %sub3A_1572 = arith.subi %sub3A_1571, %add3A_490 : vector<16xi32>
      %shift_right_logical3A_1573 = arith.constant 31 : i32
      %shift_right_logical3A_1574 = vector.broadcast %shift_right_logical3A_1573 : i32 to vector<16xi32>
      %shift_right_logical3A_1575 = arith.shrui %sub3A_1572, %shift_right_logical3A_1574 : vector<16xi32>
      %add3A_1576 = arith.addi %add3A_1476, %shift_right_logical3A_1575 : vector<16xi32>
      %sub3A_1577 = vector.broadcast %squeeze3A_1510 : i32 to vector<16xi32>
      %sub3A_1578 = arith.subi %sub3A_1577, %get3A_107 : vector<16xi32>
      %shift_right_logical3A_1579 = arith.constant 31 : i32
      %shift_right_logical3A_1580 = vector.broadcast %shift_right_logical3A_1579 : i32 to vector<16xi32>
      %shift_right_logical3A_1581 = arith.shrui %sub3A_1578, %shift_right_logical3A_1580 : vector<16xi32>
      %add3A_1582 = arith.addi %add3A_1482, %shift_right_logical3A_1581 : vector<16xi32>
      %sub3A_1583 = vector.broadcast %squeeze3A_1508 : i32 to vector<16xi32>
      %sub3A_1584 = arith.subi %sub3A_1583, %add3A_497 : vector<16xi32>
      %shift_right_logical3A_1585 = arith.constant 31 : i32
      %shift_right_logical3A_1586 = vector.broadcast %shift_right_logical3A_1585 : i32 to vector<16xi32>
      %shift_right_logical3A_1587 = arith.shrui %sub3A_1584, %shift_right_logical3A_1586 : vector<16xi32>
      %add3A_1588 = arith.addi %add3A_1488, %shift_right_logical3A_1587 : vector<16xi32>
      %sub3A_1589 = vector.broadcast %squeeze3A_1510 : i32 to vector<16xi32>
      %sub3A_1590 = arith.subi %sub3A_1589, %get3A_111 : vector<16xi32>
      %shift_right_logical3A_1591 = arith.constant 31 : i32
      %shift_right_logical3A_1592 = vector.broadcast %shift_right_logical3A_1591 : i32 to vector<16xi32>
      %shift_right_logical3A_1593 = arith.shrui %sub3A_1590, %shift_right_logical3A_1592 : vector<16xi32>
      %add3A_1594 = arith.addi %add3A_1494, %shift_right_logical3A_1593 : vector<16xi32>
      %sub3A_1595 = vector.broadcast %squeeze3A_1508 : i32 to vector<16xi32>
      %sub3A_1596 = arith.subi %sub3A_1595, %add3A_504 : vector<16xi32>
      %shift_right_logical3A_1597 = arith.constant 31 : i32
      %shift_right_logical3A_1598 = vector.broadcast %shift_right_logical3A_1597 : i32 to vector<16xi32>
      %shift_right_logical3A_1599 = arith.shrui %sub3A_1596, %shift_right_logical3A_1598 : vector<16xi32>
      %add3A_1600 = arith.addi %add3A_1500, %shift_right_logical3A_1599 : vector<16xi32>
      %sub3A_1601 = vector.broadcast %squeeze3A_1510 : i32 to vector<16xi32>
      %sub3A_1602 = arith.subi %sub3A_1601, %get3A_115 : vector<16xi32>
      %shift_right_logical3A_1603 = arith.constant 31 : i32
      %shift_right_logical3A_1604 = vector.broadcast %shift_right_logical3A_1603 : i32 to vector<16xi32>
      %shift_right_logical3A_1605 = arith.shrui %sub3A_1602, %shift_right_logical3A_1604 : vector<16xi32>
      %add3A_1606 = arith.addi %add3A_1506, %shift_right_logical3A_1605 : vector<16xi32>
      %slice3A_1607 = vector.extract_strided_slice %add3A_908 {offsets = [7], sizes = [1], strides = [1]} : vector<16xi32> to vector<1xi32>
      %squeeze3A_1608 = vector.extract %slice3A_1607[0] : i32 from vector<1xi32>
      %slice3A_1609 = vector.extract_strided_slice %get3A_900 {offsets = [7], sizes = [1], strides = [1]} : vector<16xi32> to vector<1xi32>
      %squeeze3A_1610 = vector.extract %slice3A_1609[0] : i32 from vector<1xi32>
      %sub3A_1611 = vector.broadcast %squeeze3A_1608 : i32 to vector<16xi32>
      %sub3A_1612 = arith.subi %sub3A_1611, %add3A_455 : vector<16xi32>
      %shift_right_logical3A_1613 = arith.constant 31 : i32
      %shift_right_logical3A_1614 = vector.broadcast %shift_right_logical3A_1613 : i32 to vector<16xi32>
      %shift_right_logical3A_1615 = arith.shrui %sub3A_1612, %shift_right_logical3A_1614 : vector<16xi32>
      %add3A_1616 = arith.addi %add3A_1516, %shift_right_logical3A_1615 : vector<16xi32>
      %sub3A_1617 = vector.broadcast %squeeze3A_1610 : i32 to vector<16xi32>
      %sub3A_1618 = arith.subi %sub3A_1617, %get3A_87 : vector<16xi32>
      %shift_right_logical3A_1619 = arith.constant 31 : i32
      %shift_right_logical3A_1620 = vector.broadcast %shift_right_logical3A_1619 : i32 to vector<16xi32>
      %shift_right_logical3A_1621 = arith.shrui %sub3A_1618, %shift_right_logical3A_1620 : vector<16xi32>
      %add3A_1622 = arith.addi %add3A_1522, %shift_right_logical3A_1621 : vector<16xi32>
      %sub3A_1623 = vector.broadcast %squeeze3A_1608 : i32 to vector<16xi32>
      %sub3A_1624 = arith.subi %sub3A_1623, %add3A_462 : vector<16xi32>
      %shift_right_logical3A_1625 = arith.constant 31 : i32
      %shift_right_logical3A_1626 = vector.broadcast %shift_right_logical3A_1625 : i32 to vector<16xi32>
      %shift_right_logical3A_1627 = arith.shrui %sub3A_1624, %shift_right_logical3A_1626 : vector<16xi32>
      %add3A_1628 = arith.addi %add3A_1528, %shift_right_logical3A_1627 : vector<16xi32>
      %sub3A_1629 = vector.broadcast %squeeze3A_1610 : i32 to vector<16xi32>
      %sub3A_1630 = arith.subi %sub3A_1629, %get3A_91 : vector<16xi32>
      %shift_right_logical3A_1631 = arith.constant 31 : i32
      %shift_right_logical3A_1632 = vector.broadcast %shift_right_logical3A_1631 : i32 to vector<16xi32>
      %shift_right_logical3A_1633 = arith.shrui %sub3A_1630, %shift_right_logical3A_1632 : vector<16xi32>
      %add3A_1634 = arith.addi %add3A_1534, %shift_right_logical3A_1633 : vector<16xi32>
      %sub3A_1635 = vector.broadcast %squeeze3A_1608 : i32 to vector<16xi32>
      %sub3A_1636 = arith.subi %sub3A_1635, %add3A_469 : vector<16xi32>
      %shift_right_logical3A_1637 = arith.constant 31 : i32
      %shift_right_logical3A_1638 = vector.broadcast %shift_right_logical3A_1637 : i32 to vector<16xi32>
      %shift_right_logical3A_1639 = arith.shrui %sub3A_1636, %shift_right_logical3A_1638 : vector<16xi32>
      %add3A_1640 = arith.addi %add3A_1540, %shift_right_logical3A_1639 : vector<16xi32>
      %sub3A_1641 = vector.broadcast %squeeze3A_1610 : i32 to vector<16xi32>
      %sub3A_1642 = arith.subi %sub3A_1641, %get3A_95 : vector<16xi32>
      %shift_right_logical3A_1643 = arith.constant 31 : i32
      %shift_right_logical3A_1644 = vector.broadcast %shift_right_logical3A_1643 : i32 to vector<16xi32>
      %shift_right_logical3A_1645 = arith.shrui %sub3A_1642, %shift_right_logical3A_1644 : vector<16xi32>
      %add3A_1646 = arith.addi %add3A_1546, %shift_right_logical3A_1645 : vector<16xi32>
      %sub3A_1647 = vector.broadcast %squeeze3A_1608 : i32 to vector<16xi32>
      %sub3A_1648 = arith.subi %sub3A_1647, %add3A_476 : vector<16xi32>
      %shift_right_logical3A_1649 = arith.constant 31 : i32
      %shift_right_logical3A_1650 = vector.broadcast %shift_right_logical3A_1649 : i32 to vector<16xi32>
      %shift_right_logical3A_1651 = arith.shrui %sub3A_1648, %shift_right_logical3A_1650 : vector<16xi32>
      %add3A_1652 = arith.addi %add3A_1552, %shift_right_logical3A_1651 : vector<16xi32>
      %sub3A_1653 = vector.broadcast %squeeze3A_1610 : i32 to vector<16xi32>
      %sub3A_1654 = arith.subi %sub3A_1653, %get3A_99 : vector<16xi32>
      %shift_right_logical3A_1655 = arith.constant 31 : i32
      %shift_right_logical3A_1656 = vector.broadcast %shift_right_logical3A_1655 : i32 to vector<16xi32>
      %shift_right_logical3A_1657 = arith.shrui %sub3A_1654, %shift_right_logical3A_1656 : vector<16xi32>
      %add3A_1658 = arith.addi %add3A_1558, %shift_right_logical3A_1657 : vector<16xi32>
      %sub3A_1659 = vector.broadcast %squeeze3A_1608 : i32 to vector<16xi32>
      %sub3A_1660 = arith.subi %sub3A_1659, %add3A_483 : vector<16xi32>
      %shift_right_logical3A_1661 = arith.constant 31 : i32
      %shift_right_logical3A_1662 = vector.broadcast %shift_right_logical3A_1661 : i32 to vector<16xi32>
      %shift_right_logical3A_1663 = arith.shrui %sub3A_1660, %shift_right_logical3A_1662 : vector<16xi32>
      %add3A_1664 = arith.addi %add3A_1564, %shift_right_logical3A_1663 : vector<16xi32>
      %sub3A_1665 = vector.broadcast %squeeze3A_1610 : i32 to vector<16xi32>
      %sub3A_1666 = arith.subi %sub3A_1665, %get3A_103 : vector<16xi32>
      %shift_right_logical3A_1667 = arith.constant 31 : i32
      %shift_right_logical3A_1668 = vector.broadcast %shift_right_logical3A_1667 : i32 to vector<16xi32>
      %shift_right_logical3A_1669 = arith.shrui %sub3A_1666, %shift_right_logical3A_1668 : vector<16xi32>
      %add3A_1670 = arith.addi %add3A_1570, %shift_right_logical3A_1669 : vector<16xi32>
      %sub3A_1671 = vector.broadcast %squeeze3A_1608 : i32 to vector<16xi32>
      %sub3A_1672 = arith.subi %sub3A_1671, %add3A_490 : vector<16xi32>
      %shift_right_logical3A_1673 = arith.constant 31 : i32
      %shift_right_logical3A_1674 = vector.broadcast %shift_right_logical3A_1673 : i32 to vector<16xi32>
      %shift_right_logical3A_1675 = arith.shrui %sub3A_1672, %shift_right_logical3A_1674 : vector<16xi32>
      %add3A_1676 = arith.addi %add3A_1576, %shift_right_logical3A_1675 : vector<16xi32>
      %sub3A_1677 = vector.broadcast %squeeze3A_1610 : i32 to vector<16xi32>
      %sub3A_1678 = arith.subi %sub3A_1677, %get3A_107 : vector<16xi32>
      %shift_right_logical3A_1679 = arith.constant 31 : i32
      %shift_right_logical3A_1680 = vector.broadcast %shift_right_logical3A_1679 : i32 to vector<16xi32>
      %shift_right_logical3A_1681 = arith.shrui %sub3A_1678, %shift_right_logical3A_1680 : vector<16xi32>
      %add3A_1682 = arith.addi %add3A_1582, %shift_right_logical3A_1681 : vector<16xi32>
      %sub3A_1683 = vector.broadcast %squeeze3A_1608 : i32 to vector<16xi32>
      %sub3A_1684 = arith.subi %sub3A_1683, %add3A_497 : vector<16xi32>
      %shift_right_logical3A_1685 = arith.constant 31 : i32
      %shift_right_logical3A_1686 = vector.broadcast %shift_right_logical3A_1685 : i32 to vector<16xi32>
      %shift_right_logical3A_1687 = arith.shrui %sub3A_1684, %shift_right_logical3A_1686 : vector<16xi32>
      %add3A_1688 = arith.addi %add3A_1588, %shift_right_logical3A_1687 : vector<16xi32>
      %sub3A_1689 = vector.broadcast %squeeze3A_1610 : i32 to vector<16xi32>
      %sub3A_1690 = arith.subi %sub3A_1689, %get3A_111 : vector<16xi32>
      %shift_right_logical3A_1691 = arith.constant 31 : i32
      %shift_right_logical3A_1692 = vector.broadcast %shift_right_logical3A_1691 : i32 to vector<16xi32>
      %shift_right_logical3A_1693 = arith.shrui %sub3A_1690, %shift_right_logical3A_1692 : vector<16xi32>
      %add3A_1694 = arith.addi %add3A_1594, %shift_right_logical3A_1693 : vector<16xi32>
      %sub3A_1695 = vector.broadcast %squeeze3A_1608 : i32 to vector<16xi32>
      %sub3A_1696 = arith.subi %sub3A_1695, %add3A_504 : vector<16xi32>
      %shift_right_logical3A_1697 = arith.constant 31 : i32
      %shift_right_logical3A_1698 = vector.broadcast %shift_right_logical3A_1697 : i32 to vector<16xi32>
      %shift_right_logical3A_1699 = arith.shrui %sub3A_1696, %shift_right_logical3A_1698 : vector<16xi32>
      %add3A_1700 = arith.addi %add3A_1600, %shift_right_logical3A_1699 : vector<16xi32>
      %sub3A_1701 = vector.broadcast %squeeze3A_1610 : i32 to vector<16xi32>
      %sub3A_1702 = arith.subi %sub3A_1701, %get3A_115 : vector<16xi32>
      %shift_right_logical3A_1703 = arith.constant 31 : i32
      %shift_right_logical3A_1704 = vector.broadcast %shift_right_logical3A_1703 : i32 to vector<16xi32>
      %shift_right_logical3A_1705 = arith.shrui %sub3A_1702, %shift_right_logical3A_1704 : vector<16xi32>
      %add3A_1706 = arith.addi %add3A_1606, %shift_right_logical3A_1705 : vector<16xi32>
      %slice3A_1707 = vector.extract_strided_slice %add3A_908 {offsets = [8], sizes = [1], strides = [1]} : vector<16xi32> to vector<1xi32>
      %squeeze3A_1708 = vector.extract %slice3A_1707[0] : i32 from vector<1xi32>
      %slice3A_1709 = vector.extract_strided_slice %get3A_900 {offsets = [8], sizes = [1], strides = [1]} : vector<16xi32> to vector<1xi32>
      %squeeze3A_1710 = vector.extract %slice3A_1709[0] : i32 from vector<1xi32>
      %sub3A_1711 = vector.broadcast %squeeze3A_1708 : i32 to vector<16xi32>
      %sub3A_1712 = arith.subi %sub3A_1711, %add3A_455 : vector<16xi32>
      %shift_right_logical3A_1713 = arith.constant 31 : i32
      %shift_right_logical3A_1714 = vector.broadcast %shift_right_logical3A_1713 : i32 to vector<16xi32>
      %shift_right_logical3A_1715 = arith.shrui %sub3A_1712, %shift_right_logical3A_1714 : vector<16xi32>
      %add3A_1716 = arith.addi %add3A_1616, %shift_right_logical3A_1715 : vector<16xi32>
      %sub3A_1717 = vector.broadcast %squeeze3A_1710 : i32 to vector<16xi32>
      %sub3A_1718 = arith.subi %sub3A_1717, %get3A_87 : vector<16xi32>
      %shift_right_logical3A_1719 = arith.constant 31 : i32
      %shift_right_logical3A_1720 = vector.broadcast %shift_right_logical3A_1719 : i32 to vector<16xi32>
      %shift_right_logical3A_1721 = arith.shrui %sub3A_1718, %shift_right_logical3A_1720 : vector<16xi32>
      %add3A_1722 = arith.addi %add3A_1622, %shift_right_logical3A_1721 : vector<16xi32>
      %sub3A_1723 = vector.broadcast %squeeze3A_1708 : i32 to vector<16xi32>
      %sub3A_1724 = arith.subi %sub3A_1723, %add3A_462 : vector<16xi32>
      %shift_right_logical3A_1725 = arith.constant 31 : i32
      %shift_right_logical3A_1726 = vector.broadcast %shift_right_logical3A_1725 : i32 to vector<16xi32>
      %shift_right_logical3A_1727 = arith.shrui %sub3A_1724, %shift_right_logical3A_1726 : vector<16xi32>
      %add3A_1728 = arith.addi %add3A_1628, %shift_right_logical3A_1727 : vector<16xi32>
      %sub3A_1729 = vector.broadcast %squeeze3A_1710 : i32 to vector<16xi32>
      %sub3A_1730 = arith.subi %sub3A_1729, %get3A_91 : vector<16xi32>
      %shift_right_logical3A_1731 = arith.constant 31 : i32
      %shift_right_logical3A_1732 = vector.broadcast %shift_right_logical3A_1731 : i32 to vector<16xi32>
      %shift_right_logical3A_1733 = arith.shrui %sub3A_1730, %shift_right_logical3A_1732 : vector<16xi32>
      %add3A_1734 = arith.addi %add3A_1634, %shift_right_logical3A_1733 : vector<16xi32>
      %sub3A_1735 = vector.broadcast %squeeze3A_1708 : i32 to vector<16xi32>
      %sub3A_1736 = arith.subi %sub3A_1735, %add3A_469 : vector<16xi32>
      %shift_right_logical3A_1737 = arith.constant 31 : i32
      %shift_right_logical3A_1738 = vector.broadcast %shift_right_logical3A_1737 : i32 to vector<16xi32>
      %shift_right_logical3A_1739 = arith.shrui %sub3A_1736, %shift_right_logical3A_1738 : vector<16xi32>
      %add3A_1740 = arith.addi %add3A_1640, %shift_right_logical3A_1739 : vector<16xi32>
      %sub3A_1741 = vector.broadcast %squeeze3A_1710 : i32 to vector<16xi32>
      %sub3A_1742 = arith.subi %sub3A_1741, %get3A_95 : vector<16xi32>
      %shift_right_logical3A_1743 = arith.constant 31 : i32
      %shift_right_logical3A_1744 = vector.broadcast %shift_right_logical3A_1743 : i32 to vector<16xi32>
      %shift_right_logical3A_1745 = arith.shrui %sub3A_1742, %shift_right_logical3A_1744 : vector<16xi32>
      %add3A_1746 = arith.addi %add3A_1646, %shift_right_logical3A_1745 : vector<16xi32>
      %sub3A_1747 = vector.broadcast %squeeze3A_1708 : i32 to vector<16xi32>
      %sub3A_1748 = arith.subi %sub3A_1747, %add3A_476 : vector<16xi32>
      %shift_right_logical3A_1749 = arith.constant 31 : i32
      %shift_right_logical3A_1750 = vector.broadcast %shift_right_logical3A_1749 : i32 to vector<16xi32>
      %shift_right_logical3A_1751 = arith.shrui %sub3A_1748, %shift_right_logical3A_1750 : vector<16xi32>
      %add3A_1752 = arith.addi %add3A_1652, %shift_right_logical3A_1751 : vector<16xi32>
      %sub3A_1753 = vector.broadcast %squeeze3A_1710 : i32 to vector<16xi32>
      %sub3A_1754 = arith.subi %sub3A_1753, %get3A_99 : vector<16xi32>
      %shift_right_logical3A_1755 = arith.constant 31 : i32
      %shift_right_logical3A_1756 = vector.broadcast %shift_right_logical3A_1755 : i32 to vector<16xi32>
      %shift_right_logical3A_1757 = arith.shrui %sub3A_1754, %shift_right_logical3A_1756 : vector<16xi32>
      %add3A_1758 = arith.addi %add3A_1658, %shift_right_logical3A_1757 : vector<16xi32>
      %sub3A_1759 = vector.broadcast %squeeze3A_1708 : i32 to vector<16xi32>
      %sub3A_1760 = arith.subi %sub3A_1759, %add3A_483 : vector<16xi32>
      %shift_right_logical3A_1761 = arith.constant 31 : i32
      %shift_right_logical3A_1762 = vector.broadcast %shift_right_logical3A_1761 : i32 to vector<16xi32>
      %shift_right_logical3A_1763 = arith.shrui %sub3A_1760, %shift_right_logical3A_1762 : vector<16xi32>
      %add3A_1764 = arith.addi %add3A_1664, %shift_right_logical3A_1763 : vector<16xi32>
      %sub3A_1765 = vector.broadcast %squeeze3A_1710 : i32 to vector<16xi32>
      %sub3A_1766 = arith.subi %sub3A_1765, %get3A_103 : vector<16xi32>
      %shift_right_logical3A_1767 = arith.constant 31 : i32
      %shift_right_logical3A_1768 = vector.broadcast %shift_right_logical3A_1767 : i32 to vector<16xi32>
      %shift_right_logical3A_1769 = arith.shrui %sub3A_1766, %shift_right_logical3A_1768 : vector<16xi32>
      %add3A_1770 = arith.addi %add3A_1670, %shift_right_logical3A_1769 : vector<16xi32>
      %sub3A_1771 = vector.broadcast %squeeze3A_1708 : i32 to vector<16xi32>
      %sub3A_1772 = arith.subi %sub3A_1771, %add3A_490 : vector<16xi32>
      %shift_right_logical3A_1773 = arith.constant 31 : i32
      %shift_right_logical3A_1774 = vector.broadcast %shift_right_logical3A_1773 : i32 to vector<16xi32>
      %shift_right_logical3A_1775 = arith.shrui %sub3A_1772, %shift_right_logical3A_1774 : vector<16xi32>
      %add3A_1776 = arith.addi %add3A_1676, %shift_right_logical3A_1775 : vector<16xi32>
      %sub3A_1777 = vector.broadcast %squeeze3A_1710 : i32 to vector<16xi32>
      %sub3A_1778 = arith.subi %sub3A_1777, %get3A_107 : vector<16xi32>
      %shift_right_logical3A_1779 = arith.constant 31 : i32
      %shift_right_logical3A_1780 = vector.broadcast %shift_right_logical3A_1779 : i32 to vector<16xi32>
      %shift_right_logical3A_1781 = arith.shrui %sub3A_1778, %shift_right_logical3A_1780 : vector<16xi32>
      %add3A_1782 = arith.addi %add3A_1682, %shift_right_logical3A_1781 : vector<16xi32>
      %sub3A_1783 = vector.broadcast %squeeze3A_1708 : i32 to vector<16xi32>
      %sub3A_1784 = arith.subi %sub3A_1783, %add3A_497 : vector<16xi32>
      %shift_right_logical3A_1785 = arith.constant 31 : i32
      %shift_right_logical3A_1786 = vector.broadcast %shift_right_logical3A_1785 : i32 to vector<16xi32>
      %shift_right_logical3A_1787 = arith.shrui %sub3A_1784, %shift_right_logical3A_1786 : vector<16xi32>
      %add3A_1788 = arith.addi %add3A_1688, %shift_right_logical3A_1787 : vector<16xi32>
      %sub3A_1789 = vector.broadcast %squeeze3A_1710 : i32 to vector<16xi32>
      %sub3A_1790 = arith.subi %sub3A_1789, %get3A_111 : vector<16xi32>
      %shift_right_logical3A_1791 = arith.constant 31 : i32
      %shift_right_logical3A_1792 = vector.broadcast %shift_right_logical3A_1791 : i32 to vector<16xi32>
      %shift_right_logical3A_1793 = arith.shrui %sub3A_1790, %shift_right_logical3A_1792 : vector<16xi32>
      %add3A_1794 = arith.addi %add3A_1694, %shift_right_logical3A_1793 : vector<16xi32>
      %sub3A_1795 = vector.broadcast %squeeze3A_1708 : i32 to vector<16xi32>
      %sub3A_1796 = arith.subi %sub3A_1795, %add3A_504 : vector<16xi32>
      %shift_right_logical3A_1797 = arith.constant 31 : i32
      %shift_right_logical3A_1798 = vector.broadcast %shift_right_logical3A_1797 : i32 to vector<16xi32>
      %shift_right_logical3A_1799 = arith.shrui %sub3A_1796, %shift_right_logical3A_1798 : vector<16xi32>
      %add3A_1800 = arith.addi %add3A_1700, %shift_right_logical3A_1799 : vector<16xi32>
      %sub3A_1801 = vector.broadcast %squeeze3A_1710 : i32 to vector<16xi32>
      %sub3A_1802 = arith.subi %sub3A_1801, %get3A_115 : vector<16xi32>
      %shift_right_logical3A_1803 = arith.constant 31 : i32
      %shift_right_logical3A_1804 = vector.broadcast %shift_right_logical3A_1803 : i32 to vector<16xi32>
      %shift_right_logical3A_1805 = arith.shrui %sub3A_1802, %shift_right_logical3A_1804 : vector<16xi32>
      %add3A_1806 = arith.addi %add3A_1706, %shift_right_logical3A_1805 : vector<16xi32>
      %slice3A_1807 = vector.extract_strided_slice %add3A_908 {offsets = [9], sizes = [1], strides = [1]} : vector<16xi32> to vector<1xi32>
      %squeeze3A_1808 = vector.extract %slice3A_1807[0] : i32 from vector<1xi32>
      %slice3A_1809 = vector.extract_strided_slice %get3A_900 {offsets = [9], sizes = [1], strides = [1]} : vector<16xi32> to vector<1xi32>
      %squeeze3A_1810 = vector.extract %slice3A_1809[0] : i32 from vector<1xi32>
      %sub3A_1811 = vector.broadcast %squeeze3A_1808 : i32 to vector<16xi32>
      %sub3A_1812 = arith.subi %sub3A_1811, %add3A_455 : vector<16xi32>
      %shift_right_logical3A_1813 = arith.constant 31 : i32
      %shift_right_logical3A_1814 = vector.broadcast %shift_right_logical3A_1813 : i32 to vector<16xi32>
      %shift_right_logical3A_1815 = arith.shrui %sub3A_1812, %shift_right_logical3A_1814 : vector<16xi32>
      %add3A_1816 = arith.addi %add3A_1716, %shift_right_logical3A_1815 : vector<16xi32>
      %sub3A_1817 = vector.broadcast %squeeze3A_1810 : i32 to vector<16xi32>
      %sub3A_1818 = arith.subi %sub3A_1817, %get3A_87 : vector<16xi32>
      %shift_right_logical3A_1819 = arith.constant 31 : i32
      %shift_right_logical3A_1820 = vector.broadcast %shift_right_logical3A_1819 : i32 to vector<16xi32>
      %shift_right_logical3A_1821 = arith.shrui %sub3A_1818, %shift_right_logical3A_1820 : vector<16xi32>
      %add3A_1822 = arith.addi %add3A_1722, %shift_right_logical3A_1821 : vector<16xi32>
      %sub3A_1823 = vector.broadcast %squeeze3A_1808 : i32 to vector<16xi32>
      %sub3A_1824 = arith.subi %sub3A_1823, %add3A_462 : vector<16xi32>
      %shift_right_logical3A_1825 = arith.constant 31 : i32
      %shift_right_logical3A_1826 = vector.broadcast %shift_right_logical3A_1825 : i32 to vector<16xi32>
      %shift_right_logical3A_1827 = arith.shrui %sub3A_1824, %shift_right_logical3A_1826 : vector<16xi32>
      %add3A_1828 = arith.addi %add3A_1728, %shift_right_logical3A_1827 : vector<16xi32>
      %sub3A_1829 = vector.broadcast %squeeze3A_1810 : i32 to vector<16xi32>
      %sub3A_1830 = arith.subi %sub3A_1829, %get3A_91 : vector<16xi32>
      %shift_right_logical3A_1831 = arith.constant 31 : i32
      %shift_right_logical3A_1832 = vector.broadcast %shift_right_logical3A_1831 : i32 to vector<16xi32>
      %shift_right_logical3A_1833 = arith.shrui %sub3A_1830, %shift_right_logical3A_1832 : vector<16xi32>
      %add3A_1834 = arith.addi %add3A_1734, %shift_right_logical3A_1833 : vector<16xi32>
      %sub3A_1835 = vector.broadcast %squeeze3A_1808 : i32 to vector<16xi32>
      %sub3A_1836 = arith.subi %sub3A_1835, %add3A_469 : vector<16xi32>
      %shift_right_logical3A_1837 = arith.constant 31 : i32
      %shift_right_logical3A_1838 = vector.broadcast %shift_right_logical3A_1837 : i32 to vector<16xi32>
      %shift_right_logical3A_1839 = arith.shrui %sub3A_1836, %shift_right_logical3A_1838 : vector<16xi32>
      %add3A_1840 = arith.addi %add3A_1740, %shift_right_logical3A_1839 : vector<16xi32>
      %sub3A_1841 = vector.broadcast %squeeze3A_1810 : i32 to vector<16xi32>
      %sub3A_1842 = arith.subi %sub3A_1841, %get3A_95 : vector<16xi32>
      %shift_right_logical3A_1843 = arith.constant 31 : i32
      %shift_right_logical3A_1844 = vector.broadcast %shift_right_logical3A_1843 : i32 to vector<16xi32>
      %shift_right_logical3A_1845 = arith.shrui %sub3A_1842, %shift_right_logical3A_1844 : vector<16xi32>
      %add3A_1846 = arith.addi %add3A_1746, %shift_right_logical3A_1845 : vector<16xi32>
      %sub3A_1847 = vector.broadcast %squeeze3A_1808 : i32 to vector<16xi32>
      %sub3A_1848 = arith.subi %sub3A_1847, %add3A_476 : vector<16xi32>
      %shift_right_logical3A_1849 = arith.constant 31 : i32
      %shift_right_logical3A_1850 = vector.broadcast %shift_right_logical3A_1849 : i32 to vector<16xi32>
      %shift_right_logical3A_1851 = arith.shrui %sub3A_1848, %shift_right_logical3A_1850 : vector<16xi32>
      %add3A_1852 = arith.addi %add3A_1752, %shift_right_logical3A_1851 : vector<16xi32>
      %sub3A_1853 = vector.broadcast %squeeze3A_1810 : i32 to vector<16xi32>
      %sub3A_1854 = arith.subi %sub3A_1853, %get3A_99 : vector<16xi32>
      %shift_right_logical3A_1855 = arith.constant 31 : i32
      %shift_right_logical3A_1856 = vector.broadcast %shift_right_logical3A_1855 : i32 to vector<16xi32>
      %shift_right_logical3A_1857 = arith.shrui %sub3A_1854, %shift_right_logical3A_1856 : vector<16xi32>
      %add3A_1858 = arith.addi %add3A_1758, %shift_right_logical3A_1857 : vector<16xi32>
      %sub3A_1859 = vector.broadcast %squeeze3A_1808 : i32 to vector<16xi32>
      %sub3A_1860 = arith.subi %sub3A_1859, %add3A_483 : vector<16xi32>
      %shift_right_logical3A_1861 = arith.constant 31 : i32
      %shift_right_logical3A_1862 = vector.broadcast %shift_right_logical3A_1861 : i32 to vector<16xi32>
      %shift_right_logical3A_1863 = arith.shrui %sub3A_1860, %shift_right_logical3A_1862 : vector<16xi32>
      %add3A_1864 = arith.addi %add3A_1764, %shift_right_logical3A_1863 : vector<16xi32>
      %sub3A_1865 = vector.broadcast %squeeze3A_1810 : i32 to vector<16xi32>
      %sub3A_1866 = arith.subi %sub3A_1865, %get3A_103 : vector<16xi32>
      %shift_right_logical3A_1867 = arith.constant 31 : i32
      %shift_right_logical3A_1868 = vector.broadcast %shift_right_logical3A_1867 : i32 to vector<16xi32>
      %shift_right_logical3A_1869 = arith.shrui %sub3A_1866, %shift_right_logical3A_1868 : vector<16xi32>
      %add3A_1870 = arith.addi %add3A_1770, %shift_right_logical3A_1869 : vector<16xi32>
      %sub3A_1871 = vector.broadcast %squeeze3A_1808 : i32 to vector<16xi32>
      %sub3A_1872 = arith.subi %sub3A_1871, %add3A_490 : vector<16xi32>
      %shift_right_logical3A_1873 = arith.constant 31 : i32
      %shift_right_logical3A_1874 = vector.broadcast %shift_right_logical3A_1873 : i32 to vector<16xi32>
      %shift_right_logical3A_1875 = arith.shrui %sub3A_1872, %shift_right_logical3A_1874 : vector<16xi32>
      %add3A_1876 = arith.addi %add3A_1776, %shift_right_logical3A_1875 : vector<16xi32>
      %sub3A_1877 = vector.broadcast %squeeze3A_1810 : i32 to vector<16xi32>
      %sub3A_1878 = arith.subi %sub3A_1877, %get3A_107 : vector<16xi32>
      %shift_right_logical3A_1879 = arith.constant 31 : i32
      %shift_right_logical3A_1880 = vector.broadcast %shift_right_logical3A_1879 : i32 to vector<16xi32>
      %shift_right_logical3A_1881 = arith.shrui %sub3A_1878, %shift_right_logical3A_1880 : vector<16xi32>
      %add3A_1882 = arith.addi %add3A_1782, %shift_right_logical3A_1881 : vector<16xi32>
      %sub3A_1883 = vector.broadcast %squeeze3A_1808 : i32 to vector<16xi32>
      %sub3A_1884 = arith.subi %sub3A_1883, %add3A_497 : vector<16xi32>
      %shift_right_logical3A_1885 = arith.constant 31 : i32
      %shift_right_logical3A_1886 = vector.broadcast %shift_right_logical3A_1885 : i32 to vector<16xi32>
      %shift_right_logical3A_1887 = arith.shrui %sub3A_1884, %shift_right_logical3A_1886 : vector<16xi32>
      %add3A_1888 = arith.addi %add3A_1788, %shift_right_logical3A_1887 : vector<16xi32>
      %sub3A_1889 = vector.broadcast %squeeze3A_1810 : i32 to vector<16xi32>
      %sub3A_1890 = arith.subi %sub3A_1889, %get3A_111 : vector<16xi32>
      %shift_right_logical3A_1891 = arith.constant 31 : i32
      %shift_right_logical3A_1892 = vector.broadcast %shift_right_logical3A_1891 : i32 to vector<16xi32>
      %shift_right_logical3A_1893 = arith.shrui %sub3A_1890, %shift_right_logical3A_1892 : vector<16xi32>
      %add3A_1894 = arith.addi %add3A_1794, %shift_right_logical3A_1893 : vector<16xi32>
      %sub3A_1895 = vector.broadcast %squeeze3A_1808 : i32 to vector<16xi32>
      %sub3A_1896 = arith.subi %sub3A_1895, %add3A_504 : vector<16xi32>
      %shift_right_logical3A_1897 = arith.constant 31 : i32
      %shift_right_logical3A_1898 = vector.broadcast %shift_right_logical3A_1897 : i32 to vector<16xi32>
      %shift_right_logical3A_1899 = arith.shrui %sub3A_1896, %shift_right_logical3A_1898 : vector<16xi32>
      %add3A_1900 = arith.addi %add3A_1800, %shift_right_logical3A_1899 : vector<16xi32>
      %sub3A_1901 = vector.broadcast %squeeze3A_1810 : i32 to vector<16xi32>
      %sub3A_1902 = arith.subi %sub3A_1901, %get3A_115 : vector<16xi32>
      %shift_right_logical3A_1903 = arith.constant 31 : i32
      %shift_right_logical3A_1904 = vector.broadcast %shift_right_logical3A_1903 : i32 to vector<16xi32>
      %shift_right_logical3A_1905 = arith.shrui %sub3A_1902, %shift_right_logical3A_1904 : vector<16xi32>
      %add3A_1906 = arith.addi %add3A_1806, %shift_right_logical3A_1905 : vector<16xi32>
      %slice3A_1907 = vector.extract_strided_slice %add3A_908 {offsets = [10], sizes = [1], strides = [1]} : vector<16xi32> to vector<1xi32>
      %squeeze3A_1908 = vector.extract %slice3A_1907[0] : i32 from vector<1xi32>
      %slice3A_1909 = vector.extract_strided_slice %get3A_900 {offsets = [10], sizes = [1], strides = [1]} : vector<16xi32> to vector<1xi32>
      %squeeze3A_1910 = vector.extract %slice3A_1909[0] : i32 from vector<1xi32>
      %sub3A_1911 = vector.broadcast %squeeze3A_1908 : i32 to vector<16xi32>
      %sub3A_1912 = arith.subi %sub3A_1911, %add3A_455 : vector<16xi32>
      %shift_right_logical3A_1913 = arith.constant 31 : i32
      %shift_right_logical3A_1914 = vector.broadcast %shift_right_logical3A_1913 : i32 to vector<16xi32>
      %shift_right_logical3A_1915 = arith.shrui %sub3A_1912, %shift_right_logical3A_1914 : vector<16xi32>
      %add3A_1916 = arith.addi %add3A_1816, %shift_right_logical3A_1915 : vector<16xi32>
      %sub3A_1917 = vector.broadcast %squeeze3A_1910 : i32 to vector<16xi32>
      %sub3A_1918 = arith.subi %sub3A_1917, %get3A_87 : vector<16xi32>
      %shift_right_logical3A_1919 = arith.constant 31 : i32
      %shift_right_logical3A_1920 = vector.broadcast %shift_right_logical3A_1919 : i32 to vector<16xi32>
      %shift_right_logical3A_1921 = arith.shrui %sub3A_1918, %shift_right_logical3A_1920 : vector<16xi32>
      %add3A_1922 = arith.addi %add3A_1822, %shift_right_logical3A_1921 : vector<16xi32>
      %sub3A_1923 = vector.broadcast %squeeze3A_1908 : i32 to vector<16xi32>
      %sub3A_1924 = arith.subi %sub3A_1923, %add3A_462 : vector<16xi32>
      %shift_right_logical3A_1925 = arith.constant 31 : i32
      %shift_right_logical3A_1926 = vector.broadcast %shift_right_logical3A_1925 : i32 to vector<16xi32>
      %shift_right_logical3A_1927 = arith.shrui %sub3A_1924, %shift_right_logical3A_1926 : vector<16xi32>
      %add3A_1928 = arith.addi %add3A_1828, %shift_right_logical3A_1927 : vector<16xi32>
      %sub3A_1929 = vector.broadcast %squeeze3A_1910 : i32 to vector<16xi32>
      %sub3A_1930 = arith.subi %sub3A_1929, %get3A_91 : vector<16xi32>
      %shift_right_logical3A_1931 = arith.constant 31 : i32
      %shift_right_logical3A_1932 = vector.broadcast %shift_right_logical3A_1931 : i32 to vector<16xi32>
      %shift_right_logical3A_1933 = arith.shrui %sub3A_1930, %shift_right_logical3A_1932 : vector<16xi32>
      %add3A_1934 = arith.addi %add3A_1834, %shift_right_logical3A_1933 : vector<16xi32>
      %sub3A_1935 = vector.broadcast %squeeze3A_1908 : i32 to vector<16xi32>
      %sub3A_1936 = arith.subi %sub3A_1935, %add3A_469 : vector<16xi32>
      %shift_right_logical3A_1937 = arith.constant 31 : i32
      %shift_right_logical3A_1938 = vector.broadcast %shift_right_logical3A_1937 : i32 to vector<16xi32>
      %shift_right_logical3A_1939 = arith.shrui %sub3A_1936, %shift_right_logical3A_1938 : vector<16xi32>
      %add3A_1940 = arith.addi %add3A_1840, %shift_right_logical3A_1939 : vector<16xi32>
      %sub3A_1941 = vector.broadcast %squeeze3A_1910 : i32 to vector<16xi32>
      %sub3A_1942 = arith.subi %sub3A_1941, %get3A_95 : vector<16xi32>
      %shift_right_logical3A_1943 = arith.constant 31 : i32
      %shift_right_logical3A_1944 = vector.broadcast %shift_right_logical3A_1943 : i32 to vector<16xi32>
      %shift_right_logical3A_1945 = arith.shrui %sub3A_1942, %shift_right_logical3A_1944 : vector<16xi32>
      %add3A_1946 = arith.addi %add3A_1846, %shift_right_logical3A_1945 : vector<16xi32>
      %sub3A_1947 = vector.broadcast %squeeze3A_1908 : i32 to vector<16xi32>
      %sub3A_1948 = arith.subi %sub3A_1947, %add3A_476 : vector<16xi32>
      %shift_right_logical3A_1949 = arith.constant 31 : i32
      %shift_right_logical3A_1950 = vector.broadcast %shift_right_logical3A_1949 : i32 to vector<16xi32>
      %shift_right_logical3A_1951 = arith.shrui %sub3A_1948, %shift_right_logical3A_1950 : vector<16xi32>
      %add3A_1952 = arith.addi %add3A_1852, %shift_right_logical3A_1951 : vector<16xi32>
      %sub3A_1953 = vector.broadcast %squeeze3A_1910 : i32 to vector<16xi32>
      %sub3A_1954 = arith.subi %sub3A_1953, %get3A_99 : vector<16xi32>
      %shift_right_logical3A_1955 = arith.constant 31 : i32
      %shift_right_logical3A_1956 = vector.broadcast %shift_right_logical3A_1955 : i32 to vector<16xi32>
      %shift_right_logical3A_1957 = arith.shrui %sub3A_1954, %shift_right_logical3A_1956 : vector<16xi32>
      %add3A_1958 = arith.addi %add3A_1858, %shift_right_logical3A_1957 : vector<16xi32>
      %sub3A_1959 = vector.broadcast %squeeze3A_1908 : i32 to vector<16xi32>
      %sub3A_1960 = arith.subi %sub3A_1959, %add3A_483 : vector<16xi32>
      %shift_right_logical3A_1961 = arith.constant 31 : i32
      %shift_right_logical3A_1962 = vector.broadcast %shift_right_logical3A_1961 : i32 to vector<16xi32>
      %shift_right_logical3A_1963 = arith.shrui %sub3A_1960, %shift_right_logical3A_1962 : vector<16xi32>
      %add3A_1964 = arith.addi %add3A_1864, %shift_right_logical3A_1963 : vector<16xi32>
      %sub3A_1965 = vector.broadcast %squeeze3A_1910 : i32 to vector<16xi32>
      %sub3A_1966 = arith.subi %sub3A_1965, %get3A_103 : vector<16xi32>
      %shift_right_logical3A_1967 = arith.constant 31 : i32
      %shift_right_logical3A_1968 = vector.broadcast %shift_right_logical3A_1967 : i32 to vector<16xi32>
      %shift_right_logical3A_1969 = arith.shrui %sub3A_1966, %shift_right_logical3A_1968 : vector<16xi32>
      %add3A_1970 = arith.addi %add3A_1870, %shift_right_logical3A_1969 : vector<16xi32>
      %sub3A_1971 = vector.broadcast %squeeze3A_1908 : i32 to vector<16xi32>
      %sub3A_1972 = arith.subi %sub3A_1971, %add3A_490 : vector<16xi32>
      %shift_right_logical3A_1973 = arith.constant 31 : i32
      %shift_right_logical3A_1974 = vector.broadcast %shift_right_logical3A_1973 : i32 to vector<16xi32>
      %shift_right_logical3A_1975 = arith.shrui %sub3A_1972, %shift_right_logical3A_1974 : vector<16xi32>
      %add3A_1976 = arith.addi %add3A_1876, %shift_right_logical3A_1975 : vector<16xi32>
      %sub3A_1977 = vector.broadcast %squeeze3A_1910 : i32 to vector<16xi32>
      %sub3A_1978 = arith.subi %sub3A_1977, %get3A_107 : vector<16xi32>
      %shift_right_logical3A_1979 = arith.constant 31 : i32
      %shift_right_logical3A_1980 = vector.broadcast %shift_right_logical3A_1979 : i32 to vector<16xi32>
      %shift_right_logical3A_1981 = arith.shrui %sub3A_1978, %shift_right_logical3A_1980 : vector<16xi32>
      %add3A_1982 = arith.addi %add3A_1882, %shift_right_logical3A_1981 : vector<16xi32>
      %sub3A_1983 = vector.broadcast %squeeze3A_1908 : i32 to vector<16xi32>
      %sub3A_1984 = arith.subi %sub3A_1983, %add3A_497 : vector<16xi32>
      %shift_right_logical3A_1985 = arith.constant 31 : i32
      %shift_right_logical3A_1986 = vector.broadcast %shift_right_logical3A_1985 : i32 to vector<16xi32>
      %shift_right_logical3A_1987 = arith.shrui %sub3A_1984, %shift_right_logical3A_1986 : vector<16xi32>
      %add3A_1988 = arith.addi %add3A_1888, %shift_right_logical3A_1987 : vector<16xi32>
      %sub3A_1989 = vector.broadcast %squeeze3A_1910 : i32 to vector<16xi32>
      %sub3A_1990 = arith.subi %sub3A_1989, %get3A_111 : vector<16xi32>
      %shift_right_logical3A_1991 = arith.constant 31 : i32
      %shift_right_logical3A_1992 = vector.broadcast %shift_right_logical3A_1991 : i32 to vector<16xi32>
      %shift_right_logical3A_1993 = arith.shrui %sub3A_1990, %shift_right_logical3A_1992 : vector<16xi32>
      %add3A_1994 = arith.addi %add3A_1894, %shift_right_logical3A_1993 : vector<16xi32>
      %sub3A_1995 = vector.broadcast %squeeze3A_1908 : i32 to vector<16xi32>
      %sub3A_1996 = arith.subi %sub3A_1995, %add3A_504 : vector<16xi32>
      %shift_right_logical3A_1997 = arith.constant 31 : i32
      %shift_right_logical3A_1998 = vector.broadcast %shift_right_logical3A_1997 : i32 to vector<16xi32>
      %shift_right_logical3A_1999 = arith.shrui %sub3A_1996, %shift_right_logical3A_1998 : vector<16xi32>
      %add3A_2000 = arith.addi %add3A_1900, %shift_right_logical3A_1999 : vector<16xi32>
      %sub3A_2001 = vector.broadcast %squeeze3A_1910 : i32 to vector<16xi32>
      %sub3A_2002 = arith.subi %sub3A_2001, %get3A_115 : vector<16xi32>
      %shift_right_logical3A_2003 = arith.constant 31 : i32
      %shift_right_logical3A_2004 = vector.broadcast %shift_right_logical3A_2003 : i32 to vector<16xi32>
      %shift_right_logical3A_2005 = arith.shrui %sub3A_2002, %shift_right_logical3A_2004 : vector<16xi32>
      %add3A_2006 = arith.addi %add3A_1906, %shift_right_logical3A_2005 : vector<16xi32>
      %slice3A_2007 = vector.extract_strided_slice %add3A_908 {offsets = [11], sizes = [1], strides = [1]} : vector<16xi32> to vector<1xi32>
      %squeeze3A_2008 = vector.extract %slice3A_2007[0] : i32 from vector<1xi32>
      %slice3A_2009 = vector.extract_strided_slice %get3A_900 {offsets = [11], sizes = [1], strides = [1]} : vector<16xi32> to vector<1xi32>
      %squeeze3A_2010 = vector.extract %slice3A_2009[0] : i32 from vector<1xi32>
      %sub3A_2011 = vector.broadcast %squeeze3A_2008 : i32 to vector<16xi32>
      %sub3A_2012 = arith.subi %sub3A_2011, %add3A_455 : vector<16xi32>
      %shift_right_logical3A_2013 = arith.constant 31 : i32
      %shift_right_logical3A_2014 = vector.broadcast %shift_right_logical3A_2013 : i32 to vector<16xi32>
      %shift_right_logical3A_2015 = arith.shrui %sub3A_2012, %shift_right_logical3A_2014 : vector<16xi32>
      %add3A_2016 = arith.addi %add3A_1916, %shift_right_logical3A_2015 : vector<16xi32>
      %sub3A_2017 = vector.broadcast %squeeze3A_2010 : i32 to vector<16xi32>
      %sub3A_2018 = arith.subi %sub3A_2017, %get3A_87 : vector<16xi32>
      %shift_right_logical3A_2019 = arith.constant 31 : i32
      %shift_right_logical3A_2020 = vector.broadcast %shift_right_logical3A_2019 : i32 to vector<16xi32>
      %shift_right_logical3A_2021 = arith.shrui %sub3A_2018, %shift_right_logical3A_2020 : vector<16xi32>
      %add3A_2022 = arith.addi %add3A_1922, %shift_right_logical3A_2021 : vector<16xi32>
      %sub3A_2023 = vector.broadcast %squeeze3A_2008 : i32 to vector<16xi32>
      %sub3A_2024 = arith.subi %sub3A_2023, %add3A_462 : vector<16xi32>
      %shift_right_logical3A_2025 = arith.constant 31 : i32
      %shift_right_logical3A_2026 = vector.broadcast %shift_right_logical3A_2025 : i32 to vector<16xi32>
      %shift_right_logical3A_2027 = arith.shrui %sub3A_2024, %shift_right_logical3A_2026 : vector<16xi32>
      %add3A_2028 = arith.addi %add3A_1928, %shift_right_logical3A_2027 : vector<16xi32>
      %sub3A_2029 = vector.broadcast %squeeze3A_2010 : i32 to vector<16xi32>
      %sub3A_2030 = arith.subi %sub3A_2029, %get3A_91 : vector<16xi32>
      %shift_right_logical3A_2031 = arith.constant 31 : i32
      %shift_right_logical3A_2032 = vector.broadcast %shift_right_logical3A_2031 : i32 to vector<16xi32>
      %shift_right_logical3A_2033 = arith.shrui %sub3A_2030, %shift_right_logical3A_2032 : vector<16xi32>
      %add3A_2034 = arith.addi %add3A_1934, %shift_right_logical3A_2033 : vector<16xi32>
      %sub3A_2035 = vector.broadcast %squeeze3A_2008 : i32 to vector<16xi32>
      %sub3A_2036 = arith.subi %sub3A_2035, %add3A_469 : vector<16xi32>
      %shift_right_logical3A_2037 = arith.constant 31 : i32
      %shift_right_logical3A_2038 = vector.broadcast %shift_right_logical3A_2037 : i32 to vector<16xi32>
      %shift_right_logical3A_2039 = arith.shrui %sub3A_2036, %shift_right_logical3A_2038 : vector<16xi32>
      %add3A_2040 = arith.addi %add3A_1940, %shift_right_logical3A_2039 : vector<16xi32>
      %sub3A_2041 = vector.broadcast %squeeze3A_2010 : i32 to vector<16xi32>
      %sub3A_2042 = arith.subi %sub3A_2041, %get3A_95 : vector<16xi32>
      %shift_right_logical3A_2043 = arith.constant 31 : i32
      %shift_right_logical3A_2044 = vector.broadcast %shift_right_logical3A_2043 : i32 to vector<16xi32>
      %shift_right_logical3A_2045 = arith.shrui %sub3A_2042, %shift_right_logical3A_2044 : vector<16xi32>
      %add3A_2046 = arith.addi %add3A_1946, %shift_right_logical3A_2045 : vector<16xi32>
      %sub3A_2047 = vector.broadcast %squeeze3A_2008 : i32 to vector<16xi32>
      %sub3A_2048 = arith.subi %sub3A_2047, %add3A_476 : vector<16xi32>
      %shift_right_logical3A_2049 = arith.constant 31 : i32
      %shift_right_logical3A_2050 = vector.broadcast %shift_right_logical3A_2049 : i32 to vector<16xi32>
      %shift_right_logical3A_2051 = arith.shrui %sub3A_2048, %shift_right_logical3A_2050 : vector<16xi32>
      %add3A_2052 = arith.addi %add3A_1952, %shift_right_logical3A_2051 : vector<16xi32>
      %sub3A_2053 = vector.broadcast %squeeze3A_2010 : i32 to vector<16xi32>
      %sub3A_2054 = arith.subi %sub3A_2053, %get3A_99 : vector<16xi32>
      %shift_right_logical3A_2055 = arith.constant 31 : i32
      %shift_right_logical3A_2056 = vector.broadcast %shift_right_logical3A_2055 : i32 to vector<16xi32>
      %shift_right_logical3A_2057 = arith.shrui %sub3A_2054, %shift_right_logical3A_2056 : vector<16xi32>
      %add3A_2058 = arith.addi %add3A_1958, %shift_right_logical3A_2057 : vector<16xi32>
      %sub3A_2059 = vector.broadcast %squeeze3A_2008 : i32 to vector<16xi32>
      %sub3A_2060 = arith.subi %sub3A_2059, %add3A_483 : vector<16xi32>
      %shift_right_logical3A_2061 = arith.constant 31 : i32
      %shift_right_logical3A_2062 = vector.broadcast %shift_right_logical3A_2061 : i32 to vector<16xi32>
      %shift_right_logical3A_2063 = arith.shrui %sub3A_2060, %shift_right_logical3A_2062 : vector<16xi32>
      %add3A_2064 = arith.addi %add3A_1964, %shift_right_logical3A_2063 : vector<16xi32>
      %sub3A_2065 = vector.broadcast %squeeze3A_2010 : i32 to vector<16xi32>
      %sub3A_2066 = arith.subi %sub3A_2065, %get3A_103 : vector<16xi32>
      %shift_right_logical3A_2067 = arith.constant 31 : i32
      %shift_right_logical3A_2068 = vector.broadcast %shift_right_logical3A_2067 : i32 to vector<16xi32>
      %shift_right_logical3A_2069 = arith.shrui %sub3A_2066, %shift_right_logical3A_2068 : vector<16xi32>
      %add3A_2070 = arith.addi %add3A_1970, %shift_right_logical3A_2069 : vector<16xi32>
      %sub3A_2071 = vector.broadcast %squeeze3A_2008 : i32 to vector<16xi32>
      %sub3A_2072 = arith.subi %sub3A_2071, %add3A_490 : vector<16xi32>
      %shift_right_logical3A_2073 = arith.constant 31 : i32
      %shift_right_logical3A_2074 = vector.broadcast %shift_right_logical3A_2073 : i32 to vector<16xi32>
      %shift_right_logical3A_2075 = arith.shrui %sub3A_2072, %shift_right_logical3A_2074 : vector<16xi32>
      %add3A_2076 = arith.addi %add3A_1976, %shift_right_logical3A_2075 : vector<16xi32>
      %sub3A_2077 = vector.broadcast %squeeze3A_2010 : i32 to vector<16xi32>
      %sub3A_2078 = arith.subi %sub3A_2077, %get3A_107 : vector<16xi32>
      %shift_right_logical3A_2079 = arith.constant 31 : i32
      %shift_right_logical3A_2080 = vector.broadcast %shift_right_logical3A_2079 : i32 to vector<16xi32>
      %shift_right_logical3A_2081 = arith.shrui %sub3A_2078, %shift_right_logical3A_2080 : vector<16xi32>
      %add3A_2082 = arith.addi %add3A_1982, %shift_right_logical3A_2081 : vector<16xi32>
      %sub3A_2083 = vector.broadcast %squeeze3A_2008 : i32 to vector<16xi32>
      %sub3A_2084 = arith.subi %sub3A_2083, %add3A_497 : vector<16xi32>
      %shift_right_logical3A_2085 = arith.constant 31 : i32
      %shift_right_logical3A_2086 = vector.broadcast %shift_right_logical3A_2085 : i32 to vector<16xi32>
      %shift_right_logical3A_2087 = arith.shrui %sub3A_2084, %shift_right_logical3A_2086 : vector<16xi32>
      %add3A_2088 = arith.addi %add3A_1988, %shift_right_logical3A_2087 : vector<16xi32>
      %sub3A_2089 = vector.broadcast %squeeze3A_2010 : i32 to vector<16xi32>
      %sub3A_2090 = arith.subi %sub3A_2089, %get3A_111 : vector<16xi32>
      %shift_right_logical3A_2091 = arith.constant 31 : i32
      %shift_right_logical3A_2092 = vector.broadcast %shift_right_logical3A_2091 : i32 to vector<16xi32>
      %shift_right_logical3A_2093 = arith.shrui %sub3A_2090, %shift_right_logical3A_2092 : vector<16xi32>
      %add3A_2094 = arith.addi %add3A_1994, %shift_right_logical3A_2093 : vector<16xi32>
      %sub3A_2095 = vector.broadcast %squeeze3A_2008 : i32 to vector<16xi32>
      %sub3A_2096 = arith.subi %sub3A_2095, %add3A_504 : vector<16xi32>
      %shift_right_logical3A_2097 = arith.constant 31 : i32
      %shift_right_logical3A_2098 = vector.broadcast %shift_right_logical3A_2097 : i32 to vector<16xi32>
      %shift_right_logical3A_2099 = arith.shrui %sub3A_2096, %shift_right_logical3A_2098 : vector<16xi32>
      %add3A_2100 = arith.addi %add3A_2000, %shift_right_logical3A_2099 : vector<16xi32>
      %sub3A_2101 = vector.broadcast %squeeze3A_2010 : i32 to vector<16xi32>
      %sub3A_2102 = arith.subi %sub3A_2101, %get3A_115 : vector<16xi32>
      %shift_right_logical3A_2103 = arith.constant 31 : i32
      %shift_right_logical3A_2104 = vector.broadcast %shift_right_logical3A_2103 : i32 to vector<16xi32>
      %shift_right_logical3A_2105 = arith.shrui %sub3A_2102, %shift_right_logical3A_2104 : vector<16xi32>
      %add3A_2106 = arith.addi %add3A_2006, %shift_right_logical3A_2105 : vector<16xi32>
      %slice3A_2107 = vector.extract_strided_slice %add3A_908 {offsets = [12], sizes = [1], strides = [1]} : vector<16xi32> to vector<1xi32>
      %squeeze3A_2108 = vector.extract %slice3A_2107[0] : i32 from vector<1xi32>
      %slice3A_2109 = vector.extract_strided_slice %get3A_900 {offsets = [12], sizes = [1], strides = [1]} : vector<16xi32> to vector<1xi32>
      %squeeze3A_2110 = vector.extract %slice3A_2109[0] : i32 from vector<1xi32>
      %sub3A_2111 = vector.broadcast %squeeze3A_2108 : i32 to vector<16xi32>
      %sub3A_2112 = arith.subi %sub3A_2111, %add3A_455 : vector<16xi32>
      %shift_right_logical3A_2113 = arith.constant 31 : i32
      %shift_right_logical3A_2114 = vector.broadcast %shift_right_logical3A_2113 : i32 to vector<16xi32>
      %shift_right_logical3A_2115 = arith.shrui %sub3A_2112, %shift_right_logical3A_2114 : vector<16xi32>
      %add3A_2116 = arith.addi %add3A_2016, %shift_right_logical3A_2115 : vector<16xi32>
      %sub3A_2117 = vector.broadcast %squeeze3A_2110 : i32 to vector<16xi32>
      %sub3A_2118 = arith.subi %sub3A_2117, %get3A_87 : vector<16xi32>
      %shift_right_logical3A_2119 = arith.constant 31 : i32
      %shift_right_logical3A_2120 = vector.broadcast %shift_right_logical3A_2119 : i32 to vector<16xi32>
      %shift_right_logical3A_2121 = arith.shrui %sub3A_2118, %shift_right_logical3A_2120 : vector<16xi32>
      %add3A_2122 = arith.addi %add3A_2022, %shift_right_logical3A_2121 : vector<16xi32>
      %sub3A_2123 = vector.broadcast %squeeze3A_2108 : i32 to vector<16xi32>
      %sub3A_2124 = arith.subi %sub3A_2123, %add3A_462 : vector<16xi32>
      %shift_right_logical3A_2125 = arith.constant 31 : i32
      %shift_right_logical3A_2126 = vector.broadcast %shift_right_logical3A_2125 : i32 to vector<16xi32>
      %shift_right_logical3A_2127 = arith.shrui %sub3A_2124, %shift_right_logical3A_2126 : vector<16xi32>
      %add3A_2128 = arith.addi %add3A_2028, %shift_right_logical3A_2127 : vector<16xi32>
      %sub3A_2129 = vector.broadcast %squeeze3A_2110 : i32 to vector<16xi32>
      %sub3A_2130 = arith.subi %sub3A_2129, %get3A_91 : vector<16xi32>
      %shift_right_logical3A_2131 = arith.constant 31 : i32
      %shift_right_logical3A_2132 = vector.broadcast %shift_right_logical3A_2131 : i32 to vector<16xi32>
      %shift_right_logical3A_2133 = arith.shrui %sub3A_2130, %shift_right_logical3A_2132 : vector<16xi32>
      %add3A_2134 = arith.addi %add3A_2034, %shift_right_logical3A_2133 : vector<16xi32>
      %sub3A_2135 = vector.broadcast %squeeze3A_2108 : i32 to vector<16xi32>
      %sub3A_2136 = arith.subi %sub3A_2135, %add3A_469 : vector<16xi32>
      %shift_right_logical3A_2137 = arith.constant 31 : i32
      %shift_right_logical3A_2138 = vector.broadcast %shift_right_logical3A_2137 : i32 to vector<16xi32>
      %shift_right_logical3A_2139 = arith.shrui %sub3A_2136, %shift_right_logical3A_2138 : vector<16xi32>
      %add3A_2140 = arith.addi %add3A_2040, %shift_right_logical3A_2139 : vector<16xi32>
      %sub3A_2141 = vector.broadcast %squeeze3A_2110 : i32 to vector<16xi32>
      %sub3A_2142 = arith.subi %sub3A_2141, %get3A_95 : vector<16xi32>
      %shift_right_logical3A_2143 = arith.constant 31 : i32
      %shift_right_logical3A_2144 = vector.broadcast %shift_right_logical3A_2143 : i32 to vector<16xi32>
      %shift_right_logical3A_2145 = arith.shrui %sub3A_2142, %shift_right_logical3A_2144 : vector<16xi32>
      %add3A_2146 = arith.addi %add3A_2046, %shift_right_logical3A_2145 : vector<16xi32>
      %sub3A_2147 = vector.broadcast %squeeze3A_2108 : i32 to vector<16xi32>
      %sub3A_2148 = arith.subi %sub3A_2147, %add3A_476 : vector<16xi32>
      %shift_right_logical3A_2149 = arith.constant 31 : i32
      %shift_right_logical3A_2150 = vector.broadcast %shift_right_logical3A_2149 : i32 to vector<16xi32>
      %shift_right_logical3A_2151 = arith.shrui %sub3A_2148, %shift_right_logical3A_2150 : vector<16xi32>
      %add3A_2152 = arith.addi %add3A_2052, %shift_right_logical3A_2151 : vector<16xi32>
      %sub3A_2153 = vector.broadcast %squeeze3A_2110 : i32 to vector<16xi32>
      %sub3A_2154 = arith.subi %sub3A_2153, %get3A_99 : vector<16xi32>
      %shift_right_logical3A_2155 = arith.constant 31 : i32
      %shift_right_logical3A_2156 = vector.broadcast %shift_right_logical3A_2155 : i32 to vector<16xi32>
      %shift_right_logical3A_2157 = arith.shrui %sub3A_2154, %shift_right_logical3A_2156 : vector<16xi32>
      %add3A_2158 = arith.addi %add3A_2058, %shift_right_logical3A_2157 : vector<16xi32>
      %sub3A_2159 = vector.broadcast %squeeze3A_2108 : i32 to vector<16xi32>
      %sub3A_2160 = arith.subi %sub3A_2159, %add3A_483 : vector<16xi32>
      %shift_right_logical3A_2161 = arith.constant 31 : i32
      %shift_right_logical3A_2162 = vector.broadcast %shift_right_logical3A_2161 : i32 to vector<16xi32>
      %shift_right_logical3A_2163 = arith.shrui %sub3A_2160, %shift_right_logical3A_2162 : vector<16xi32>
      %add3A_2164 = arith.addi %add3A_2064, %shift_right_logical3A_2163 : vector<16xi32>
      %sub3A_2165 = vector.broadcast %squeeze3A_2110 : i32 to vector<16xi32>
      %sub3A_2166 = arith.subi %sub3A_2165, %get3A_103 : vector<16xi32>
      %shift_right_logical3A_2167 = arith.constant 31 : i32
      %shift_right_logical3A_2168 = vector.broadcast %shift_right_logical3A_2167 : i32 to vector<16xi32>
      %shift_right_logical3A_2169 = arith.shrui %sub3A_2166, %shift_right_logical3A_2168 : vector<16xi32>
      %add3A_2170 = arith.addi %add3A_2070, %shift_right_logical3A_2169 : vector<16xi32>
      %sub3A_2171 = vector.broadcast %squeeze3A_2108 : i32 to vector<16xi32>
      %sub3A_2172 = arith.subi %sub3A_2171, %add3A_490 : vector<16xi32>
      %shift_right_logical3A_2173 = arith.constant 31 : i32
      %shift_right_logical3A_2174 = vector.broadcast %shift_right_logical3A_2173 : i32 to vector<16xi32>
      %shift_right_logical3A_2175 = arith.shrui %sub3A_2172, %shift_right_logical3A_2174 : vector<16xi32>
      %add3A_2176 = arith.addi %add3A_2076, %shift_right_logical3A_2175 : vector<16xi32>
      %sub3A_2177 = vector.broadcast %squeeze3A_2110 : i32 to vector<16xi32>
      %sub3A_2178 = arith.subi %sub3A_2177, %get3A_107 : vector<16xi32>
      %shift_right_logical3A_2179 = arith.constant 31 : i32
      %shift_right_logical3A_2180 = vector.broadcast %shift_right_logical3A_2179 : i32 to vector<16xi32>
      %shift_right_logical3A_2181 = arith.shrui %sub3A_2178, %shift_right_logical3A_2180 : vector<16xi32>
      %add3A_2182 = arith.addi %add3A_2082, %shift_right_logical3A_2181 : vector<16xi32>
      %sub3A_2183 = vector.broadcast %squeeze3A_2108 : i32 to vector<16xi32>
      %sub3A_2184 = arith.subi %sub3A_2183, %add3A_497 : vector<16xi32>
      %shift_right_logical3A_2185 = arith.constant 31 : i32
      %shift_right_logical3A_2186 = vector.broadcast %shift_right_logical3A_2185 : i32 to vector<16xi32>
      %shift_right_logical3A_2187 = arith.shrui %sub3A_2184, %shift_right_logical3A_2186 : vector<16xi32>
      %add3A_2188 = arith.addi %add3A_2088, %shift_right_logical3A_2187 : vector<16xi32>
      %sub3A_2189 = vector.broadcast %squeeze3A_2110 : i32 to vector<16xi32>
      %sub3A_2190 = arith.subi %sub3A_2189, %get3A_111 : vector<16xi32>
      %shift_right_logical3A_2191 = arith.constant 31 : i32
      %shift_right_logical3A_2192 = vector.broadcast %shift_right_logical3A_2191 : i32 to vector<16xi32>
      %shift_right_logical3A_2193 = arith.shrui %sub3A_2190, %shift_right_logical3A_2192 : vector<16xi32>
      %add3A_2194 = arith.addi %add3A_2094, %shift_right_logical3A_2193 : vector<16xi32>
      %sub3A_2195 = vector.broadcast %squeeze3A_2108 : i32 to vector<16xi32>
      %sub3A_2196 = arith.subi %sub3A_2195, %add3A_504 : vector<16xi32>
      %shift_right_logical3A_2197 = arith.constant 31 : i32
      %shift_right_logical3A_2198 = vector.broadcast %shift_right_logical3A_2197 : i32 to vector<16xi32>
      %shift_right_logical3A_2199 = arith.shrui %sub3A_2196, %shift_right_logical3A_2198 : vector<16xi32>
      %add3A_2200 = arith.addi %add3A_2100, %shift_right_logical3A_2199 : vector<16xi32>
      %sub3A_2201 = vector.broadcast %squeeze3A_2110 : i32 to vector<16xi32>
      %sub3A_2202 = arith.subi %sub3A_2201, %get3A_115 : vector<16xi32>
      %shift_right_logical3A_2203 = arith.constant 31 : i32
      %shift_right_logical3A_2204 = vector.broadcast %shift_right_logical3A_2203 : i32 to vector<16xi32>
      %shift_right_logical3A_2205 = arith.shrui %sub3A_2202, %shift_right_logical3A_2204 : vector<16xi32>
      %add3A_2206 = arith.addi %add3A_2106, %shift_right_logical3A_2205 : vector<16xi32>
      %slice3A_2207 = vector.extract_strided_slice %add3A_908 {offsets = [13], sizes = [1], strides = [1]} : vector<16xi32> to vector<1xi32>
      %squeeze3A_2208 = vector.extract %slice3A_2207[0] : i32 from vector<1xi32>
      %slice3A_2209 = vector.extract_strided_slice %get3A_900 {offsets = [13], sizes = [1], strides = [1]} : vector<16xi32> to vector<1xi32>
      %squeeze3A_2210 = vector.extract %slice3A_2209[0] : i32 from vector<1xi32>
      %sub3A_2211 = vector.broadcast %squeeze3A_2208 : i32 to vector<16xi32>
      %sub3A_2212 = arith.subi %sub3A_2211, %add3A_455 : vector<16xi32>
      %shift_right_logical3A_2213 = arith.constant 31 : i32
      %shift_right_logical3A_2214 = vector.broadcast %shift_right_logical3A_2213 : i32 to vector<16xi32>
      %shift_right_logical3A_2215 = arith.shrui %sub3A_2212, %shift_right_logical3A_2214 : vector<16xi32>
      %add3A_2216 = arith.addi %add3A_2116, %shift_right_logical3A_2215 : vector<16xi32>
      %sub3A_2217 = vector.broadcast %squeeze3A_2210 : i32 to vector<16xi32>
      %sub3A_2218 = arith.subi %sub3A_2217, %get3A_87 : vector<16xi32>
      %shift_right_logical3A_2219 = arith.constant 31 : i32
      %shift_right_logical3A_2220 = vector.broadcast %shift_right_logical3A_2219 : i32 to vector<16xi32>
      %shift_right_logical3A_2221 = arith.shrui %sub3A_2218, %shift_right_logical3A_2220 : vector<16xi32>
      %add3A_2222 = arith.addi %add3A_2122, %shift_right_logical3A_2221 : vector<16xi32>
      %sub3A_2223 = vector.broadcast %squeeze3A_2208 : i32 to vector<16xi32>
      %sub3A_2224 = arith.subi %sub3A_2223, %add3A_462 : vector<16xi32>
      %shift_right_logical3A_2225 = arith.constant 31 : i32
      %shift_right_logical3A_2226 = vector.broadcast %shift_right_logical3A_2225 : i32 to vector<16xi32>
      %shift_right_logical3A_2227 = arith.shrui %sub3A_2224, %shift_right_logical3A_2226 : vector<16xi32>
      %add3A_2228 = arith.addi %add3A_2128, %shift_right_logical3A_2227 : vector<16xi32>
      %sub3A_2229 = vector.broadcast %squeeze3A_2210 : i32 to vector<16xi32>
      %sub3A_2230 = arith.subi %sub3A_2229, %get3A_91 : vector<16xi32>
      %shift_right_logical3A_2231 = arith.constant 31 : i32
      %shift_right_logical3A_2232 = vector.broadcast %shift_right_logical3A_2231 : i32 to vector<16xi32>
      %shift_right_logical3A_2233 = arith.shrui %sub3A_2230, %shift_right_logical3A_2232 : vector<16xi32>
      %add3A_2234 = arith.addi %add3A_2134, %shift_right_logical3A_2233 : vector<16xi32>
      %sub3A_2235 = vector.broadcast %squeeze3A_2208 : i32 to vector<16xi32>
      %sub3A_2236 = arith.subi %sub3A_2235, %add3A_469 : vector<16xi32>
      %shift_right_logical3A_2237 = arith.constant 31 : i32
      %shift_right_logical3A_2238 = vector.broadcast %shift_right_logical3A_2237 : i32 to vector<16xi32>
      %shift_right_logical3A_2239 = arith.shrui %sub3A_2236, %shift_right_logical3A_2238 : vector<16xi32>
      %add3A_2240 = arith.addi %add3A_2140, %shift_right_logical3A_2239 : vector<16xi32>
      %sub3A_2241 = vector.broadcast %squeeze3A_2210 : i32 to vector<16xi32>
      %sub3A_2242 = arith.subi %sub3A_2241, %get3A_95 : vector<16xi32>
      %shift_right_logical3A_2243 = arith.constant 31 : i32
      %shift_right_logical3A_2244 = vector.broadcast %shift_right_logical3A_2243 : i32 to vector<16xi32>
      %shift_right_logical3A_2245 = arith.shrui %sub3A_2242, %shift_right_logical3A_2244 : vector<16xi32>
      %add3A_2246 = arith.addi %add3A_2146, %shift_right_logical3A_2245 : vector<16xi32>
      %sub3A_2247 = vector.broadcast %squeeze3A_2208 : i32 to vector<16xi32>
      %sub3A_2248 = arith.subi %sub3A_2247, %add3A_476 : vector<16xi32>
      %shift_right_logical3A_2249 = arith.constant 31 : i32
      %shift_right_logical3A_2250 = vector.broadcast %shift_right_logical3A_2249 : i32 to vector<16xi32>
      %shift_right_logical3A_2251 = arith.shrui %sub3A_2248, %shift_right_logical3A_2250 : vector<16xi32>
      %add3A_2252 = arith.addi %add3A_2152, %shift_right_logical3A_2251 : vector<16xi32>
      %sub3A_2253 = vector.broadcast %squeeze3A_2210 : i32 to vector<16xi32>
      %sub3A_2254 = arith.subi %sub3A_2253, %get3A_99 : vector<16xi32>
      %shift_right_logical3A_2255 = arith.constant 31 : i32
      %shift_right_logical3A_2256 = vector.broadcast %shift_right_logical3A_2255 : i32 to vector<16xi32>
      %shift_right_logical3A_2257 = arith.shrui %sub3A_2254, %shift_right_logical3A_2256 : vector<16xi32>
      %add3A_2258 = arith.addi %add3A_2158, %shift_right_logical3A_2257 : vector<16xi32>
      %sub3A_2259 = vector.broadcast %squeeze3A_2208 : i32 to vector<16xi32>
      %sub3A_2260 = arith.subi %sub3A_2259, %add3A_483 : vector<16xi32>
      %shift_right_logical3A_2261 = arith.constant 31 : i32
      %shift_right_logical3A_2262 = vector.broadcast %shift_right_logical3A_2261 : i32 to vector<16xi32>
      %shift_right_logical3A_2263 = arith.shrui %sub3A_2260, %shift_right_logical3A_2262 : vector<16xi32>
      %add3A_2264 = arith.addi %add3A_2164, %shift_right_logical3A_2263 : vector<16xi32>
      %sub3A_2265 = vector.broadcast %squeeze3A_2210 : i32 to vector<16xi32>
      %sub3A_2266 = arith.subi %sub3A_2265, %get3A_103 : vector<16xi32>
      %shift_right_logical3A_2267 = arith.constant 31 : i32
      %shift_right_logical3A_2268 = vector.broadcast %shift_right_logical3A_2267 : i32 to vector<16xi32>
      %shift_right_logical3A_2269 = arith.shrui %sub3A_2266, %shift_right_logical3A_2268 : vector<16xi32>
      %add3A_2270 = arith.addi %add3A_2170, %shift_right_logical3A_2269 : vector<16xi32>
      %sub3A_2271 = vector.broadcast %squeeze3A_2208 : i32 to vector<16xi32>
      %sub3A_2272 = arith.subi %sub3A_2271, %add3A_490 : vector<16xi32>
      %shift_right_logical3A_2273 = arith.constant 31 : i32
      %shift_right_logical3A_2274 = vector.broadcast %shift_right_logical3A_2273 : i32 to vector<16xi32>
      %shift_right_logical3A_2275 = arith.shrui %sub3A_2272, %shift_right_logical3A_2274 : vector<16xi32>
      %add3A_2276 = arith.addi %add3A_2176, %shift_right_logical3A_2275 : vector<16xi32>
      %sub3A_2277 = vector.broadcast %squeeze3A_2210 : i32 to vector<16xi32>
      %sub3A_2278 = arith.subi %sub3A_2277, %get3A_107 : vector<16xi32>
      %shift_right_logical3A_2279 = arith.constant 31 : i32
      %shift_right_logical3A_2280 = vector.broadcast %shift_right_logical3A_2279 : i32 to vector<16xi32>
      %shift_right_logical3A_2281 = arith.shrui %sub3A_2278, %shift_right_logical3A_2280 : vector<16xi32>
      %add3A_2282 = arith.addi %add3A_2182, %shift_right_logical3A_2281 : vector<16xi32>
      %sub3A_2283 = vector.broadcast %squeeze3A_2208 : i32 to vector<16xi32>
      %sub3A_2284 = arith.subi %sub3A_2283, %add3A_497 : vector<16xi32>
      %shift_right_logical3A_2285 = arith.constant 31 : i32
      %shift_right_logical3A_2286 = vector.broadcast %shift_right_logical3A_2285 : i32 to vector<16xi32>
      %shift_right_logical3A_2287 = arith.shrui %sub3A_2284, %shift_right_logical3A_2286 : vector<16xi32>
      %add3A_2288 = arith.addi %add3A_2188, %shift_right_logical3A_2287 : vector<16xi32>
      %sub3A_2289 = vector.broadcast %squeeze3A_2210 : i32 to vector<16xi32>
      %sub3A_2290 = arith.subi %sub3A_2289, %get3A_111 : vector<16xi32>
      %shift_right_logical3A_2291 = arith.constant 31 : i32
      %shift_right_logical3A_2292 = vector.broadcast %shift_right_logical3A_2291 : i32 to vector<16xi32>
      %shift_right_logical3A_2293 = arith.shrui %sub3A_2290, %shift_right_logical3A_2292 : vector<16xi32>
      %add3A_2294 = arith.addi %add3A_2194, %shift_right_logical3A_2293 : vector<16xi32>
      %sub3A_2295 = vector.broadcast %squeeze3A_2208 : i32 to vector<16xi32>
      %sub3A_2296 = arith.subi %sub3A_2295, %add3A_504 : vector<16xi32>
      %shift_right_logical3A_2297 = arith.constant 31 : i32
      %shift_right_logical3A_2298 = vector.broadcast %shift_right_logical3A_2297 : i32 to vector<16xi32>
      %shift_right_logical3A_2299 = arith.shrui %sub3A_2296, %shift_right_logical3A_2298 : vector<16xi32>
      %add3A_2300 = arith.addi %add3A_2200, %shift_right_logical3A_2299 : vector<16xi32>
      %sub3A_2301 = vector.broadcast %squeeze3A_2210 : i32 to vector<16xi32>
      %sub3A_2302 = arith.subi %sub3A_2301, %get3A_115 : vector<16xi32>
      %shift_right_logical3A_2303 = arith.constant 31 : i32
      %shift_right_logical3A_2304 = vector.broadcast %shift_right_logical3A_2303 : i32 to vector<16xi32>
      %shift_right_logical3A_2305 = arith.shrui %sub3A_2302, %shift_right_logical3A_2304 : vector<16xi32>
      %add3A_2306 = arith.addi %add3A_2206, %shift_right_logical3A_2305 : vector<16xi32>
      %slice3A_2307 = vector.extract_strided_slice %add3A_908 {offsets = [14], sizes = [1], strides = [1]} : vector<16xi32> to vector<1xi32>
      %squeeze3A_2308 = vector.extract %slice3A_2307[0] : i32 from vector<1xi32>
      %slice3A_2309 = vector.extract_strided_slice %get3A_900 {offsets = [14], sizes = [1], strides = [1]} : vector<16xi32> to vector<1xi32>
      %squeeze3A_2310 = vector.extract %slice3A_2309[0] : i32 from vector<1xi32>
      %sub3A_2311 = vector.broadcast %squeeze3A_2308 : i32 to vector<16xi32>
      %sub3A_2312 = arith.subi %sub3A_2311, %add3A_455 : vector<16xi32>
      %shift_right_logical3A_2313 = arith.constant 31 : i32
      %shift_right_logical3A_2314 = vector.broadcast %shift_right_logical3A_2313 : i32 to vector<16xi32>
      %shift_right_logical3A_2315 = arith.shrui %sub3A_2312, %shift_right_logical3A_2314 : vector<16xi32>
      %add3A_2316 = arith.addi %add3A_2216, %shift_right_logical3A_2315 : vector<16xi32>
      %sub3A_2317 = vector.broadcast %squeeze3A_2310 : i32 to vector<16xi32>
      %sub3A_2318 = arith.subi %sub3A_2317, %get3A_87 : vector<16xi32>
      %shift_right_logical3A_2319 = arith.constant 31 : i32
      %shift_right_logical3A_2320 = vector.broadcast %shift_right_logical3A_2319 : i32 to vector<16xi32>
      %shift_right_logical3A_2321 = arith.shrui %sub3A_2318, %shift_right_logical3A_2320 : vector<16xi32>
      %add3A_2322 = arith.addi %add3A_2222, %shift_right_logical3A_2321 : vector<16xi32>
      %sub3A_2323 = vector.broadcast %squeeze3A_2308 : i32 to vector<16xi32>
      %sub3A_2324 = arith.subi %sub3A_2323, %add3A_462 : vector<16xi32>
      %shift_right_logical3A_2325 = arith.constant 31 : i32
      %shift_right_logical3A_2326 = vector.broadcast %shift_right_logical3A_2325 : i32 to vector<16xi32>
      %shift_right_logical3A_2327 = arith.shrui %sub3A_2324, %shift_right_logical3A_2326 : vector<16xi32>
      %add3A_2328 = arith.addi %add3A_2228, %shift_right_logical3A_2327 : vector<16xi32>
      %sub3A_2329 = vector.broadcast %squeeze3A_2310 : i32 to vector<16xi32>
      %sub3A_2330 = arith.subi %sub3A_2329, %get3A_91 : vector<16xi32>
      %shift_right_logical3A_2331 = arith.constant 31 : i32
      %shift_right_logical3A_2332 = vector.broadcast %shift_right_logical3A_2331 : i32 to vector<16xi32>
      %shift_right_logical3A_2333 = arith.shrui %sub3A_2330, %shift_right_logical3A_2332 : vector<16xi32>
      %add3A_2334 = arith.addi %add3A_2234, %shift_right_logical3A_2333 : vector<16xi32>
      %sub3A_2335 = vector.broadcast %squeeze3A_2308 : i32 to vector<16xi32>
      %sub3A_2336 = arith.subi %sub3A_2335, %add3A_469 : vector<16xi32>
      %shift_right_logical3A_2337 = arith.constant 31 : i32
      %shift_right_logical3A_2338 = vector.broadcast %shift_right_logical3A_2337 : i32 to vector<16xi32>
      %shift_right_logical3A_2339 = arith.shrui %sub3A_2336, %shift_right_logical3A_2338 : vector<16xi32>
      %add3A_2340 = arith.addi %add3A_2240, %shift_right_logical3A_2339 : vector<16xi32>
      %sub3A_2341 = vector.broadcast %squeeze3A_2310 : i32 to vector<16xi32>
      %sub3A_2342 = arith.subi %sub3A_2341, %get3A_95 : vector<16xi32>
      %shift_right_logical3A_2343 = arith.constant 31 : i32
      %shift_right_logical3A_2344 = vector.broadcast %shift_right_logical3A_2343 : i32 to vector<16xi32>
      %shift_right_logical3A_2345 = arith.shrui %sub3A_2342, %shift_right_logical3A_2344 : vector<16xi32>
      %add3A_2346 = arith.addi %add3A_2246, %shift_right_logical3A_2345 : vector<16xi32>
      %sub3A_2347 = vector.broadcast %squeeze3A_2308 : i32 to vector<16xi32>
      %sub3A_2348 = arith.subi %sub3A_2347, %add3A_476 : vector<16xi32>
      %shift_right_logical3A_2349 = arith.constant 31 : i32
      %shift_right_logical3A_2350 = vector.broadcast %shift_right_logical3A_2349 : i32 to vector<16xi32>
      %shift_right_logical3A_2351 = arith.shrui %sub3A_2348, %shift_right_logical3A_2350 : vector<16xi32>
      %add3A_2352 = arith.addi %add3A_2252, %shift_right_logical3A_2351 : vector<16xi32>
      %sub3A_2353 = vector.broadcast %squeeze3A_2310 : i32 to vector<16xi32>
      %sub3A_2354 = arith.subi %sub3A_2353, %get3A_99 : vector<16xi32>
      %shift_right_logical3A_2355 = arith.constant 31 : i32
      %shift_right_logical3A_2356 = vector.broadcast %shift_right_logical3A_2355 : i32 to vector<16xi32>
      %shift_right_logical3A_2357 = arith.shrui %sub3A_2354, %shift_right_logical3A_2356 : vector<16xi32>
      %add3A_2358 = arith.addi %add3A_2258, %shift_right_logical3A_2357 : vector<16xi32>
      %sub3A_2359 = vector.broadcast %squeeze3A_2308 : i32 to vector<16xi32>
      %sub3A_2360 = arith.subi %sub3A_2359, %add3A_483 : vector<16xi32>
      %shift_right_logical3A_2361 = arith.constant 31 : i32
      %shift_right_logical3A_2362 = vector.broadcast %shift_right_logical3A_2361 : i32 to vector<16xi32>
      %shift_right_logical3A_2363 = arith.shrui %sub3A_2360, %shift_right_logical3A_2362 : vector<16xi32>
      %add3A_2364 = arith.addi %add3A_2264, %shift_right_logical3A_2363 : vector<16xi32>
      %sub3A_2365 = vector.broadcast %squeeze3A_2310 : i32 to vector<16xi32>
      %sub3A_2366 = arith.subi %sub3A_2365, %get3A_103 : vector<16xi32>
      %shift_right_logical3A_2367 = arith.constant 31 : i32
      %shift_right_logical3A_2368 = vector.broadcast %shift_right_logical3A_2367 : i32 to vector<16xi32>
      %shift_right_logical3A_2369 = arith.shrui %sub3A_2366, %shift_right_logical3A_2368 : vector<16xi32>
      %add3A_2370 = arith.addi %add3A_2270, %shift_right_logical3A_2369 : vector<16xi32>
      %sub3A_2371 = vector.broadcast %squeeze3A_2308 : i32 to vector<16xi32>
      %sub3A_2372 = arith.subi %sub3A_2371, %add3A_490 : vector<16xi32>
      %shift_right_logical3A_2373 = arith.constant 31 : i32
      %shift_right_logical3A_2374 = vector.broadcast %shift_right_logical3A_2373 : i32 to vector<16xi32>
      %shift_right_logical3A_2375 = arith.shrui %sub3A_2372, %shift_right_logical3A_2374 : vector<16xi32>
      %add3A_2376 = arith.addi %add3A_2276, %shift_right_logical3A_2375 : vector<16xi32>
      %sub3A_2377 = vector.broadcast %squeeze3A_2310 : i32 to vector<16xi32>
      %sub3A_2378 = arith.subi %sub3A_2377, %get3A_107 : vector<16xi32>
      %shift_right_logical3A_2379 = arith.constant 31 : i32
      %shift_right_logical3A_2380 = vector.broadcast %shift_right_logical3A_2379 : i32 to vector<16xi32>
      %shift_right_logical3A_2381 = arith.shrui %sub3A_2378, %shift_right_logical3A_2380 : vector<16xi32>
      %add3A_2382 = arith.addi %add3A_2282, %shift_right_logical3A_2381 : vector<16xi32>
      %sub3A_2383 = vector.broadcast %squeeze3A_2308 : i32 to vector<16xi32>
      %sub3A_2384 = arith.subi %sub3A_2383, %add3A_497 : vector<16xi32>
      %shift_right_logical3A_2385 = arith.constant 31 : i32
      %shift_right_logical3A_2386 = vector.broadcast %shift_right_logical3A_2385 : i32 to vector<16xi32>
      %shift_right_logical3A_2387 = arith.shrui %sub3A_2384, %shift_right_logical3A_2386 : vector<16xi32>
      %add3A_2388 = arith.addi %add3A_2288, %shift_right_logical3A_2387 : vector<16xi32>
      %sub3A_2389 = vector.broadcast %squeeze3A_2310 : i32 to vector<16xi32>
      %sub3A_2390 = arith.subi %sub3A_2389, %get3A_111 : vector<16xi32>
      %shift_right_logical3A_2391 = arith.constant 31 : i32
      %shift_right_logical3A_2392 = vector.broadcast %shift_right_logical3A_2391 : i32 to vector<16xi32>
      %shift_right_logical3A_2393 = arith.shrui %sub3A_2390, %shift_right_logical3A_2392 : vector<16xi32>
      %add3A_2394 = arith.addi %add3A_2294, %shift_right_logical3A_2393 : vector<16xi32>
      %sub3A_2395 = vector.broadcast %squeeze3A_2308 : i32 to vector<16xi32>
      %sub3A_2396 = arith.subi %sub3A_2395, %add3A_504 : vector<16xi32>
      %shift_right_logical3A_2397 = arith.constant 31 : i32
      %shift_right_logical3A_2398 = vector.broadcast %shift_right_logical3A_2397 : i32 to vector<16xi32>
      %shift_right_logical3A_2399 = arith.shrui %sub3A_2396, %shift_right_logical3A_2398 : vector<16xi32>
      %add3A_2400 = arith.addi %add3A_2300, %shift_right_logical3A_2399 : vector<16xi32>
      %sub3A_2401 = vector.broadcast %squeeze3A_2310 : i32 to vector<16xi32>
      %sub3A_2402 = arith.subi %sub3A_2401, %get3A_115 : vector<16xi32>
      %shift_right_logical3A_2403 = arith.constant 31 : i32
      %shift_right_logical3A_2404 = vector.broadcast %shift_right_logical3A_2403 : i32 to vector<16xi32>
      %shift_right_logical3A_2405 = arith.shrui %sub3A_2402, %shift_right_logical3A_2404 : vector<16xi32>
      %add3A_2406 = arith.addi %add3A_2306, %shift_right_logical3A_2405 : vector<16xi32>
      %slice3A_2407 = vector.extract_strided_slice %add3A_908 {offsets = [15], sizes = [1], strides = [1]} : vector<16xi32> to vector<1xi32>
      %squeeze3A_2408 = vector.extract %slice3A_2407[0] : i32 from vector<1xi32>
      %slice3A_2409 = vector.extract_strided_slice %get3A_900 {offsets = [15], sizes = [1], strides = [1]} : vector<16xi32> to vector<1xi32>
      %squeeze3A_2410 = vector.extract %slice3A_2409[0] : i32 from vector<1xi32>
      %sub3A_2411 = vector.broadcast %squeeze3A_2408 : i32 to vector<16xi32>
      %sub3A_2412 = arith.subi %sub3A_2411, %add3A_455 : vector<16xi32>
      %shift_right_logical3A_2413 = arith.constant 31 : i32
      %shift_right_logical3A_2414 = vector.broadcast %shift_right_logical3A_2413 : i32 to vector<16xi32>
      %shift_right_logical3A_2415 = arith.shrui %sub3A_2412, %shift_right_logical3A_2414 : vector<16xi32>
      %add3A_2416 = arith.addi %add3A_2316, %shift_right_logical3A_2415 : vector<16xi32>
      %sub3A_2417 = vector.broadcast %squeeze3A_2410 : i32 to vector<16xi32>
      %sub3A_2418 = arith.subi %sub3A_2417, %get3A_87 : vector<16xi32>
      %shift_right_logical3A_2419 = arith.constant 31 : i32
      %shift_right_logical3A_2420 = vector.broadcast %shift_right_logical3A_2419 : i32 to vector<16xi32>
      %shift_right_logical3A_2421 = arith.shrui %sub3A_2418, %shift_right_logical3A_2420 : vector<16xi32>
      %add3A_2422 = arith.addi %add3A_2322, %shift_right_logical3A_2421 : vector<16xi32>
      %sub3A_2423 = vector.broadcast %squeeze3A_2408 : i32 to vector<16xi32>
      %sub3A_2424 = arith.subi %sub3A_2423, %add3A_462 : vector<16xi32>
      %shift_right_logical3A_2425 = arith.constant 31 : i32
      %shift_right_logical3A_2426 = vector.broadcast %shift_right_logical3A_2425 : i32 to vector<16xi32>
      %shift_right_logical3A_2427 = arith.shrui %sub3A_2424, %shift_right_logical3A_2426 : vector<16xi32>
      %add3A_2428 = arith.addi %add3A_2328, %shift_right_logical3A_2427 : vector<16xi32>
      %sub3A_2429 = vector.broadcast %squeeze3A_2410 : i32 to vector<16xi32>
      %sub3A_2430 = arith.subi %sub3A_2429, %get3A_91 : vector<16xi32>
      %shift_right_logical3A_2431 = arith.constant 31 : i32
      %shift_right_logical3A_2432 = vector.broadcast %shift_right_logical3A_2431 : i32 to vector<16xi32>
      %shift_right_logical3A_2433 = arith.shrui %sub3A_2430, %shift_right_logical3A_2432 : vector<16xi32>
      %add3A_2434 = arith.addi %add3A_2334, %shift_right_logical3A_2433 : vector<16xi32>
      %sub3A_2435 = vector.broadcast %squeeze3A_2408 : i32 to vector<16xi32>
      %sub3A_2436 = arith.subi %sub3A_2435, %add3A_469 : vector<16xi32>
      %shift_right_logical3A_2437 = arith.constant 31 : i32
      %shift_right_logical3A_2438 = vector.broadcast %shift_right_logical3A_2437 : i32 to vector<16xi32>
      %shift_right_logical3A_2439 = arith.shrui %sub3A_2436, %shift_right_logical3A_2438 : vector<16xi32>
      %add3A_2440 = arith.addi %add3A_2340, %shift_right_logical3A_2439 : vector<16xi32>
      %sub3A_2441 = vector.broadcast %squeeze3A_2410 : i32 to vector<16xi32>
      %sub3A_2442 = arith.subi %sub3A_2441, %get3A_95 : vector<16xi32>
      %shift_right_logical3A_2443 = arith.constant 31 : i32
      %shift_right_logical3A_2444 = vector.broadcast %shift_right_logical3A_2443 : i32 to vector<16xi32>
      %shift_right_logical3A_2445 = arith.shrui %sub3A_2442, %shift_right_logical3A_2444 : vector<16xi32>
      %add3A_2446 = arith.addi %add3A_2346, %shift_right_logical3A_2445 : vector<16xi32>
      %sub3A_2447 = vector.broadcast %squeeze3A_2408 : i32 to vector<16xi32>
      %sub3A_2448 = arith.subi %sub3A_2447, %add3A_476 : vector<16xi32>
      %shift_right_logical3A_2449 = arith.constant 31 : i32
      %shift_right_logical3A_2450 = vector.broadcast %shift_right_logical3A_2449 : i32 to vector<16xi32>
      %shift_right_logical3A_2451 = arith.shrui %sub3A_2448, %shift_right_logical3A_2450 : vector<16xi32>
      %add3A_2452 = arith.addi %add3A_2352, %shift_right_logical3A_2451 : vector<16xi32>
      %sub3A_2453 = vector.broadcast %squeeze3A_2410 : i32 to vector<16xi32>
      %sub3A_2454 = arith.subi %sub3A_2453, %get3A_99 : vector<16xi32>
      %shift_right_logical3A_2455 = arith.constant 31 : i32
      %shift_right_logical3A_2456 = vector.broadcast %shift_right_logical3A_2455 : i32 to vector<16xi32>
      %shift_right_logical3A_2457 = arith.shrui %sub3A_2454, %shift_right_logical3A_2456 : vector<16xi32>
      %add3A_2458 = arith.addi %add3A_2358, %shift_right_logical3A_2457 : vector<16xi32>
      %sub3A_2459 = vector.broadcast %squeeze3A_2408 : i32 to vector<16xi32>
      %sub3A_2460 = arith.subi %sub3A_2459, %add3A_483 : vector<16xi32>
      %shift_right_logical3A_2461 = arith.constant 31 : i32
      %shift_right_logical3A_2462 = vector.broadcast %shift_right_logical3A_2461 : i32 to vector<16xi32>
      %shift_right_logical3A_2463 = arith.shrui %sub3A_2460, %shift_right_logical3A_2462 : vector<16xi32>
      %add3A_2464 = arith.addi %add3A_2364, %shift_right_logical3A_2463 : vector<16xi32>
      %sub3A_2465 = vector.broadcast %squeeze3A_2410 : i32 to vector<16xi32>
      %sub3A_2466 = arith.subi %sub3A_2465, %get3A_103 : vector<16xi32>
      %shift_right_logical3A_2467 = arith.constant 31 : i32
      %shift_right_logical3A_2468 = vector.broadcast %shift_right_logical3A_2467 : i32 to vector<16xi32>
      %shift_right_logical3A_2469 = arith.shrui %sub3A_2466, %shift_right_logical3A_2468 : vector<16xi32>
      %add3A_2470 = arith.addi %add3A_2370, %shift_right_logical3A_2469 : vector<16xi32>
      %sub3A_2471 = vector.broadcast %squeeze3A_2408 : i32 to vector<16xi32>
      %sub3A_2472 = arith.subi %sub3A_2471, %add3A_490 : vector<16xi32>
      %shift_right_logical3A_2473 = arith.constant 31 : i32
      %shift_right_logical3A_2474 = vector.broadcast %shift_right_logical3A_2473 : i32 to vector<16xi32>
      %shift_right_logical3A_2475 = arith.shrui %sub3A_2472, %shift_right_logical3A_2474 : vector<16xi32>
      %add3A_2476 = arith.addi %add3A_2376, %shift_right_logical3A_2475 : vector<16xi32>
      %sub3A_2477 = vector.broadcast %squeeze3A_2410 : i32 to vector<16xi32>
      %sub3A_2478 = arith.subi %sub3A_2477, %get3A_107 : vector<16xi32>
      %shift_right_logical3A_2479 = arith.constant 31 : i32
      %shift_right_logical3A_2480 = vector.broadcast %shift_right_logical3A_2479 : i32 to vector<16xi32>
      %shift_right_logical3A_2481 = arith.shrui %sub3A_2478, %shift_right_logical3A_2480 : vector<16xi32>
      %add3A_2482 = arith.addi %add3A_2382, %shift_right_logical3A_2481 : vector<16xi32>
      %sub3A_2483 = vector.broadcast %squeeze3A_2408 : i32 to vector<16xi32>
      %sub3A_2484 = arith.subi %sub3A_2483, %add3A_497 : vector<16xi32>
      %shift_right_logical3A_2485 = arith.constant 31 : i32
      %shift_right_logical3A_2486 = vector.broadcast %shift_right_logical3A_2485 : i32 to vector<16xi32>
      %shift_right_logical3A_2487 = arith.shrui %sub3A_2484, %shift_right_logical3A_2486 : vector<16xi32>
      %add3A_2488 = arith.addi %add3A_2388, %shift_right_logical3A_2487 : vector<16xi32>
      %sub3A_2489 = vector.broadcast %squeeze3A_2410 : i32 to vector<16xi32>
      %sub3A_2490 = arith.subi %sub3A_2489, %get3A_111 : vector<16xi32>
      %shift_right_logical3A_2491 = arith.constant 31 : i32
      %shift_right_logical3A_2492 = vector.broadcast %shift_right_logical3A_2491 : i32 to vector<16xi32>
      %shift_right_logical3A_2493 = arith.shrui %sub3A_2490, %shift_right_logical3A_2492 : vector<16xi32>
      %add3A_2494 = arith.addi %add3A_2394, %shift_right_logical3A_2493 : vector<16xi32>
      %sub3A_2495 = vector.broadcast %squeeze3A_2408 : i32 to vector<16xi32>
      %sub3A_2496 = arith.subi %sub3A_2495, %add3A_504 : vector<16xi32>
      %shift_right_logical3A_2497 = arith.constant 31 : i32
      %shift_right_logical3A_2498 = vector.broadcast %shift_right_logical3A_2497 : i32 to vector<16xi32>
      %shift_right_logical3A_2499 = arith.shrui %sub3A_2496, %shift_right_logical3A_2498 : vector<16xi32>
      %add3A_2500 = arith.addi %add3A_2400, %shift_right_logical3A_2499 : vector<16xi32>
      %sub3A_2501 = vector.broadcast %squeeze3A_2410 : i32 to vector<16xi32>
      %sub3A_2502 = arith.subi %sub3A_2501, %get3A_115 : vector<16xi32>
      %shift_right_logical3A_2503 = arith.constant 31 : i32
      %shift_right_logical3A_2504 = vector.broadcast %shift_right_logical3A_2503 : i32 to vector<16xi32>
      %shift_right_logical3A_2505 = arith.shrui %sub3A_2502, %shift_right_logical3A_2504 : vector<16xi32>
      %add3A_2506 = arith.addi %add3A_2406, %shift_right_logical3A_2505 : vector<16xi32>
      scf.yield %add3A_2416, %add3A_2428, %add3A_2440, %add3A_2452, %add3A_2464, %add3A_2476, %add3A_2488, %add3A_2500, %add3A_2422, %add3A_2434, %add3A_2446, %add3A_2458, %add3A_2470, %add3A_2482, %add3A_2494, %add3A_2506 : vector<16xi32>, vector<16xi32>, vector<16xi32>, vector<16xi32>, vector<16xi32>, vector<16xi32>, vector<16xi32>, vector<16xi32>, vector<16xi32>, vector<16xi32>, vector<16xi32>, vector<16xi32>, vector<16xi32>, vector<16xi32>, vector<16xi32>, vector<16xi32>
    }
    %scan3A_510 = arith.constant 8 : i32
    %and3A_511 = arith.constant 15 : i32
    %and3A_512 = vector.broadcast %and3A_511 : i32 to vector<16xi32>
    %and3A_513 = arith.andi %get3A_87, %and3A_512 : vector<16xi32>
    %shift_right_logical3A = arith.constant 4 : i32
    %shift_right_logical3A_514 = vector.broadcast %shift_right_logical3A : i32 to vector<16xi32>
    %shift_right_logical3A_515 = arith.shrui %get3A_87, %shift_right_logical3A_514 : vector<16xi32>
    %sub3A = arith.subi %get3A_87, %and3A_513 : vector<16xi32>
    %gather3A_516 = tpu.vector_load_idx %arg8[%shift_right_logical3A_515] : memref<256xi32, #tpu.memory_space<vmem>>[vector<16xi32>], vector<16xi32>,
    %add3A_517 = arith.addi %gather3A_516, %add3A_154 : vector<16xi32>
    %add3A_518 = arith.addi %add3A_517, %scan3A_509#0 : vector<16xi32>
    %sub3A_519 = arith.subi %add3A_518, %scan3A_509#8 : vector<16xi32>
    %scan3A_520 = arith.constant 0 : i32
    %scan3A_521 = arith.constant 16 : i32
    %scan3A_522 = arith.addi %scan3A_520, %scan3A_521 : i32
    %scan3A_523 = arith.constant 1 : i32
    %scan3A_524 = scf.for %scan3A_879 = %scan3A_520 to %scan3A_522 step %scan3A_523 iter_args(%scan3A_880 = %sub3A_519) -> (vector<16xi32>)  : i32 {
      %add3A_881 = arith.constant 0 : i32
      %add3A_882 = arith.addi %add3A_881, %scan3A_879 : i32
      %add3A_883 = vector.broadcast %add3A_882 : i32 to vector<16xi32>
      %add3A_884 = arith.addi %sub3A, %add3A_883 : vector<16xi32>
      %gather3A_885 = tpu.vector_load_idx %arg6[%add3A_884] : memref<32768xi32, #tpu.memory_space<vmem>>[vector<16xi32>], vector<16xi32>,
      %add3A_886 = arith.addi %mul3A_49, %gather3A_885 : vector<16xi32>
      %add3A_887 = arith.constant 4096 : i32
      %add3A_888 = arith.addi %add3A_887, %scan3A_879 : i32
      %add3A_889 = vector.broadcast %add3A_888 : i32 to vector<16xi32>
      %add3A_890 = arith.addi %sub3A, %add3A_889 : vector<16xi32>
      %gather3A_891 = tpu.vector_load_idx %arg6[%add3A_890] : memref<32768xi32, #tpu.memory_space<vmem>>[vector<16xi32>], vector<16xi32>,
      %add3A_892 = arith.addi %add3A_886, %gather3A_891 : vector<16xi32>
      %add3A_893 = arith.constant 8192 : i32
      %add3A_894 = arith.addi %add3A_893, %scan3A_879 : i32
      %add3A_895 = vector.broadcast %add3A_894 : i32 to vector<16xi32>
      %add3A_896 = arith.addi %sub3A, %add3A_895 : vector<16xi32>
      %gather3A_897 = tpu.vector_load_idx %arg6[%add3A_896] : memref<32768xi32, #tpu.memory_space<vmem>>[vector<16xi32>], vector<16xi32>,
      %add3A_898 = arith.addi %add3A_892, %gather3A_897 : vector<16xi32>
      %add3A_899 = arith.constant 12288 : i32
      %add3A_900 = arith.addi %add3A_899, %scan3A_879 : i32
      %add3A_901 = vector.broadcast %add3A_900 : i32 to vector<16xi32>
      %add3A_902 = arith.addi %sub3A, %add3A_901 : vector<16xi32>
      %gather3A_903 = tpu.vector_load_idx %arg6[%add3A_902] : memref<32768xi32, #tpu.memory_space<vmem>>[vector<16xi32>], vector<16xi32>,
      %add3A_904 = arith.addi %add3A_898, %gather3A_903 : vector<16xi32>
      %add3A_905 = arith.constant 16384 : i32
      %add3A_906 = arith.addi %add3A_905, %scan3A_879 : i32
      %add3A_907 = vector.broadcast %add3A_906 : i32 to vector<16xi32>
      %add3A_908 = arith.addi %sub3A, %add3A_907 : vector<16xi32>
      %gather3A_909 = tpu.vector_load_idx %arg6[%add3A_908] : memref<32768xi32, #tpu.memory_space<vmem>>[vector<16xi32>], vector<16xi32>,
      %add3A_910 = arith.addi %add3A_904, %gather3A_909 : vector<16xi32>
      %add3A_911 = arith.constant 20480 : i32
      %add3A_912 = arith.addi %add3A_911, %scan3A_879 : i32
      %add3A_913 = vector.broadcast %add3A_912 : i32 to vector<16xi32>
      %add3A_914 = arith.addi %sub3A, %add3A_913 : vector<16xi32>
      %gather3A_915 = tpu.vector_load_idx %arg6[%add3A_914] : memref<32768xi32, #tpu.memory_space<vmem>>[vector<16xi32>], vector<16xi32>,
      %add3A_916 = arith.addi %add3A_910, %gather3A_915 : vector<16xi32>
      %add3A_917 = arith.constant 24576 : i32
      %add3A_918 = arith.addi %add3A_917, %scan3A_879 : i32
      %add3A_919 = vector.broadcast %add3A_918 : i32 to vector<16xi32>
      %add3A_920 = arith.addi %sub3A, %add3A_919 : vector<16xi32>
      %gather3A_921 = tpu.vector_load_idx %arg6[%add3A_920] : memref<32768xi32, #tpu.memory_space<vmem>>[vector<16xi32>], vector<16xi32>,
      %add3A_922 = arith.addi %add3A_916, %gather3A_921 : vector<16xi32>
      %add3A_923 = arith.constant 28672 : i32
      %add3A_924 = arith.addi %add3A_923, %scan3A_879 : i32
      %add3A_925 = vector.broadcast %add3A_924 : i32 to vector<16xi32>
      %add3A_926 = arith.addi %sub3A, %add3A_925 : vector<16xi32>
      %gather3A_927 = tpu.vector_load_idx %arg6[%add3A_926] : memref<32768xi32, #tpu.memory_space<vmem>>[vector<16xi32>], vector<16xi32>,
      %add3A_928 = arith.addi %add3A_922, %gather3A_927 : vector<16xi32>
      %sub3A_929 = vector.broadcast %scan3A_879 : i32 to vector<16xi32>
      %sub3A_930 = arith.subi %sub3A_929, %and3A_513 : vector<16xi32>
      %shift_right_logical3A_931 = arith.constant 31 : i32
      %shift_right_logical3A_932 = vector.broadcast %shift_right_logical3A_931 : i32 to vector<16xi32>
      %shift_right_logical3A_933 = arith.shrui %sub3A_930, %shift_right_logical3A_932 : vector<16xi32>
      %mul3A_934 = arith.muli %add3A_928, %shift_right_logical3A_933 : vector<16xi32>
      %add3A_935 = arith.addi %scan3A_880, %mul3A_934 : vector<16xi32>
      scf.yield %add3A_935 : vector<16xi32>
    }
    %scan3A_525 = arith.constant 16 : i32
    %add3A_526 = arith.constant 0 : i32
    %add3A_527 = vector.broadcast %add3A_526 : i32 to vector<16xi32>
    %add3A_528 = arith.addi %add3A_527, %iota3A : vector<16xi32>
    tpu.vector_store_idx %arg9[%mul3A_49, %add3A_528], %scan3A_524 : memref<1x128xi32, #tpu.memory_space<vmem>>[vector<16xi32>, vector<16xi32>], vector<16xi32>,
    %and3A_529 = arith.constant 15 : i32
    %and3A_530 = vector.broadcast %and3A_529 : i32 to vector<16xi32>
    %and3A_531 = arith.andi %get3A_91, %and3A_530 : vector<16xi32>
    %shift_right_logical3A_532 = arith.constant 4 : i32
    %shift_right_logical3A_533 = vector.broadcast %shift_right_logical3A_532 : i32 to vector<16xi32>
    %shift_right_logical3A_534 = arith.shrui %get3A_91, %shift_right_logical3A_533 : vector<16xi32>
    %sub3A_535 = arith.subi %get3A_91, %and3A_531 : vector<16xi32>
    %gather3A_536 = tpu.vector_load_idx %arg8[%shift_right_logical3A_534] : memref<256xi32, #tpu.memory_space<vmem>>[vector<16xi32>], vector<16xi32>,
    %add3A_537 = arith.addi %gather3A_536, %add3A_194 : vector<16xi32>
    %add3A_538 = arith.addi %add3A_537, %scan3A_509#1 : vector<16xi32>
    %sub3A_539 = arith.subi %add3A_538, %scan3A_509#9 : vector<16xi32>
    %scan3A_540 = arith.constant 0 : i32
    %scan3A_541 = arith.constant 16 : i32
    %scan3A_542 = arith.addi %scan3A_540, %scan3A_541 : i32
    %scan3A_543 = arith.constant 1 : i32
    %scan3A_544 = scf.for %scan3A_879 = %scan3A_540 to %scan3A_542 step %scan3A_543 iter_args(%scan3A_880 = %sub3A_539) -> (vector<16xi32>)  : i32 {
      %add3A_881 = arith.constant 0 : i32
      %add3A_882 = arith.addi %add3A_881, %scan3A_879 : i32
      %add3A_883 = vector.broadcast %add3A_882 : i32 to vector<16xi32>
      %add3A_884 = arith.addi %sub3A_535, %add3A_883 : vector<16xi32>
      %gather3A_885 = tpu.vector_load_idx %arg6[%add3A_884] : memref<32768xi32, #tpu.memory_space<vmem>>[vector<16xi32>], vector<16xi32>,
      %add3A_886 = arith.addi %mul3A_49, %gather3A_885 : vector<16xi32>
      %add3A_887 = arith.constant 4096 : i32
      %add3A_888 = arith.addi %add3A_887, %scan3A_879 : i32
      %add3A_889 = vector.broadcast %add3A_888 : i32 to vector<16xi32>
      %add3A_890 = arith.addi %sub3A_535, %add3A_889 : vector<16xi32>
      %gather3A_891 = tpu.vector_load_idx %arg6[%add3A_890] : memref<32768xi32, #tpu.memory_space<vmem>>[vector<16xi32>], vector<16xi32>,
      %add3A_892 = arith.addi %add3A_886, %gather3A_891 : vector<16xi32>
      %add3A_893 = arith.constant 8192 : i32
      %add3A_894 = arith.addi %add3A_893, %scan3A_879 : i32
      %add3A_895 = vector.broadcast %add3A_894 : i32 to vector<16xi32>
      %add3A_896 = arith.addi %sub3A_535, %add3A_895 : vector<16xi32>
      %gather3A_897 = tpu.vector_load_idx %arg6[%add3A_896] : memref<32768xi32, #tpu.memory_space<vmem>>[vector<16xi32>], vector<16xi32>,
      %add3A_898 = arith.addi %add3A_892, %gather3A_897 : vector<16xi32>
      %add3A_899 = arith.constant 12288 : i32
      %add3A_900 = arith.addi %add3A_899, %scan3A_879 : i32
      %add3A_901 = vector.broadcast %add3A_900 : i32 to vector<16xi32>
      %add3A_902 = arith.addi %sub3A_535, %add3A_901 : vector<16xi32>
      %gather3A_903 = tpu.vector_load_idx %arg6[%add3A_902] : memref<32768xi32, #tpu.memory_space<vmem>>[vector<16xi32>], vector<16xi32>,
      %add3A_904 = arith.addi %add3A_898, %gather3A_903 : vector<16xi32>
      %add3A_905 = arith.constant 16384 : i32
      %add3A_906 = arith.addi %add3A_905, %scan3A_879 : i32
      %add3A_907 = vector.broadcast %add3A_906 : i32 to vector<16xi32>
      %add3A_908 = arith.addi %sub3A_535, %add3A_907 : vector<16xi32>
      %gather3A_909 = tpu.vector_load_idx %arg6[%add3A_908] : memref<32768xi32, #tpu.memory_space<vmem>>[vector<16xi32>], vector<16xi32>,
      %add3A_910 = arith.addi %add3A_904, %gather3A_909 : vector<16xi32>
      %add3A_911 = arith.constant 20480 : i32
      %add3A_912 = arith.addi %add3A_911, %scan3A_879 : i32
      %add3A_913 = vector.broadcast %add3A_912 : i32 to vector<16xi32>
      %add3A_914 = arith.addi %sub3A_535, %add3A_913 : vector<16xi32>
      %gather3A_915 = tpu.vector_load_idx %arg6[%add3A_914] : memref<32768xi32, #tpu.memory_space<vmem>>[vector<16xi32>], vector<16xi32>,
      %add3A_916 = arith.addi %add3A_910, %gather3A_915 : vector<16xi32>
      %add3A_917 = arith.constant 24576 : i32
      %add3A_918 = arith.addi %add3A_917, %scan3A_879 : i32
      %add3A_919 = vector.broadcast %add3A_918 : i32 to vector<16xi32>
      %add3A_920 = arith.addi %sub3A_535, %add3A_919 : vector<16xi32>
      %gather3A_921 = tpu.vector_load_idx %arg6[%add3A_920] : memref<32768xi32, #tpu.memory_space<vmem>>[vector<16xi32>], vector<16xi32>,
      %add3A_922 = arith.addi %add3A_916, %gather3A_921 : vector<16xi32>
      %add3A_923 = arith.constant 28672 : i32
      %add3A_924 = arith.addi %add3A_923, %scan3A_879 : i32
      %add3A_925 = vector.broadcast %add3A_924 : i32 to vector<16xi32>
      %add3A_926 = arith.addi %sub3A_535, %add3A_925 : vector<16xi32>
      %gather3A_927 = tpu.vector_load_idx %arg6[%add3A_926] : memref<32768xi32, #tpu.memory_space<vmem>>[vector<16xi32>], vector<16xi32>,
      %add3A_928 = arith.addi %add3A_922, %gather3A_927 : vector<16xi32>
      %sub3A_929 = vector.broadcast %scan3A_879 : i32 to vector<16xi32>
      %sub3A_930 = arith.subi %sub3A_929, %and3A_531 : vector<16xi32>
      %shift_right_logical3A_931 = arith.constant 31 : i32
      %shift_right_logical3A_932 = vector.broadcast %shift_right_logical3A_931 : i32 to vector<16xi32>
      %shift_right_logical3A_933 = arith.shrui %sub3A_930, %shift_right_logical3A_932 : vector<16xi32>
      %mul3A_934 = arith.muli %add3A_928, %shift_right_logical3A_933 : vector<16xi32>
      %add3A_935 = arith.addi %scan3A_880, %mul3A_934 : vector<16xi32>
      scf.yield %add3A_935 : vector<16xi32>
    }
    %scan3A_545 = arith.constant 16 : i32
    %add3A_546 = arith.constant 16 : i32
    %add3A_547 = vector.broadcast %add3A_546 : i32 to vector<16xi32>
    %add3A_548 = arith.addi %add3A_547, %iota3A : vector<16xi32>
    tpu.vector_store_idx %arg9[%mul3A_49, %add3A_548], %scan3A_544 : memref<1x128xi32, #tpu.memory_space<vmem>>[vector<16xi32>, vector<16xi32>], vector<16xi32>,
    %and3A_549 = arith.constant 15 : i32
    %and3A_550 = vector.broadcast %and3A_549 : i32 to vector<16xi32>
    %and3A_551 = arith.andi %get3A_95, %and3A_550 : vector<16xi32>
    %shift_right_logical3A_552 = arith.constant 4 : i32
    %shift_right_logical3A_553 = vector.broadcast %shift_right_logical3A_552 : i32 to vector<16xi32>
    %shift_right_logical3A_554 = arith.shrui %get3A_95, %shift_right_logical3A_553 : vector<16xi32>
    %sub3A_555 = arith.subi %get3A_95, %and3A_551 : vector<16xi32>
    %gather3A_556 = tpu.vector_load_idx %arg8[%shift_right_logical3A_554] : memref<256xi32, #tpu.memory_space<vmem>>[vector<16xi32>], vector<16xi32>,
    %add3A_557 = arith.addi %gather3A_556, %add3A_234 : vector<16xi32>
    %add3A_558 = arith.addi %add3A_557, %scan3A_509#2 : vector<16xi32>
    %sub3A_559 = arith.subi %add3A_558, %scan3A_509#10 : vector<16xi32>
    %scan3A_560 = arith.constant 0 : i32
    %scan3A_561 = arith.constant 16 : i32
    %scan3A_562 = arith.addi %scan3A_560, %scan3A_561 : i32
    %scan3A_563 = arith.constant 1 : i32
    %scan3A_564 = scf.for %scan3A_879 = %scan3A_560 to %scan3A_562 step %scan3A_563 iter_args(%scan3A_880 = %sub3A_559) -> (vector<16xi32>)  : i32 {
      %add3A_881 = arith.constant 0 : i32
      %add3A_882 = arith.addi %add3A_881, %scan3A_879 : i32
      %add3A_883 = vector.broadcast %add3A_882 : i32 to vector<16xi32>
      %add3A_884 = arith.addi %sub3A_555, %add3A_883 : vector<16xi32>
      %gather3A_885 = tpu.vector_load_idx %arg6[%add3A_884] : memref<32768xi32, #tpu.memory_space<vmem>>[vector<16xi32>], vector<16xi32>,
      %add3A_886 = arith.addi %mul3A_49, %gather3A_885 : vector<16xi32>
      %add3A_887 = arith.constant 4096 : i32
      %add3A_888 = arith.addi %add3A_887, %scan3A_879 : i32
      %add3A_889 = vector.broadcast %add3A_888 : i32 to vector<16xi32>
      %add3A_890 = arith.addi %sub3A_555, %add3A_889 : vector<16xi32>
      %gather3A_891 = tpu.vector_load_idx %arg6[%add3A_890] : memref<32768xi32, #tpu.memory_space<vmem>>[vector<16xi32>], vector<16xi32>,
      %add3A_892 = arith.addi %add3A_886, %gather3A_891 : vector<16xi32>
      %add3A_893 = arith.constant 8192 : i32
      %add3A_894 = arith.addi %add3A_893, %scan3A_879 : i32
      %add3A_895 = vector.broadcast %add3A_894 : i32 to vector<16xi32>
      %add3A_896 = arith.addi %sub3A_555, %add3A_895 : vector<16xi32>
      %gather3A_897 = tpu.vector_load_idx %arg6[%add3A_896] : memref<32768xi32, #tpu.memory_space<vmem>>[vector<16xi32>], vector<16xi32>,
      %add3A_898 = arith.addi %add3A_892, %gather3A_897 : vector<16xi32>
      %add3A_899 = arith.constant 12288 : i32
      %add3A_900 = arith.addi %add3A_899, %scan3A_879 : i32
      %add3A_901 = vector.broadcast %add3A_900 : i32 to vector<16xi32>
      %add3A_902 = arith.addi %sub3A_555, %add3A_901 : vector<16xi32>
      %gather3A_903 = tpu.vector_load_idx %arg6[%add3A_902] : memref<32768xi32, #tpu.memory_space<vmem>>[vector<16xi32>], vector<16xi32>,
      %add3A_904 = arith.addi %add3A_898, %gather3A_903 : vector<16xi32>
      %add3A_905 = arith.constant 16384 : i32
      %add3A_906 = arith.addi %add3A_905, %scan3A_879 : i32
      %add3A_907 = vector.broadcast %add3A_906 : i32 to vector<16xi32>
      %add3A_908 = arith.addi %sub3A_555, %add3A_907 : vector<16xi32>
      %gather3A_909 = tpu.vector_load_idx %arg6[%add3A_908] : memref<32768xi32, #tpu.memory_space<vmem>>[vector<16xi32>], vector<16xi32>,
      %add3A_910 = arith.addi %add3A_904, %gather3A_909 : vector<16xi32>
      %add3A_911 = arith.constant 20480 : i32
      %add3A_912 = arith.addi %add3A_911, %scan3A_879 : i32
      %add3A_913 = vector.broadcast %add3A_912 : i32 to vector<16xi32>
      %add3A_914 = arith.addi %sub3A_555, %add3A_913 : vector<16xi32>
      %gather3A_915 = tpu.vector_load_idx %arg6[%add3A_914] : memref<32768xi32, #tpu.memory_space<vmem>>[vector<16xi32>], vector<16xi32>,
      %add3A_916 = arith.addi %add3A_910, %gather3A_915 : vector<16xi32>
      %add3A_917 = arith.constant 24576 : i32
      %add3A_918 = arith.addi %add3A_917, %scan3A_879 : i32
      %add3A_919 = vector.broadcast %add3A_918 : i32 to vector<16xi32>
      %add3A_920 = arith.addi %sub3A_555, %add3A_919 : vector<16xi32>
      %gather3A_921 = tpu.vector_load_idx %arg6[%add3A_920] : memref<32768xi32, #tpu.memory_space<vmem>>[vector<16xi32>], vector<16xi32>,
      %add3A_922 = arith.addi %add3A_916, %gather3A_921 : vector<16xi32>
      %add3A_923 = arith.constant 28672 : i32
      %add3A_924 = arith.addi %add3A_923, %scan3A_879 : i32
      %add3A_925 = vector.broadcast %add3A_924 : i32 to vector<16xi32>
      %add3A_926 = arith.addi %sub3A_555, %add3A_925 : vector<16xi32>
      %gather3A_927 = tpu.vector_load_idx %arg6[%add3A_926] : memref<32768xi32, #tpu.memory_space<vmem>>[vector<16xi32>], vector<16xi32>,
      %add3A_928 = arith.addi %add3A_922, %gather3A_927 : vector<16xi32>
      %sub3A_929 = vector.broadcast %scan3A_879 : i32 to vector<16xi32>
      %sub3A_930 = arith.subi %sub3A_929, %and3A_551 : vector<16xi32>
      %shift_right_logical3A_931 = arith.constant 31 : i32
      %shift_right_logical3A_932 = vector.broadcast %shift_right_logical3A_931 : i32 to vector<16xi32>
      %shift_right_logical3A_933 = arith.shrui %sub3A_930, %shift_right_logical3A_932 : vector<16xi32>
      %mul3A_934 = arith.muli %add3A_928, %shift_right_logical3A_933 : vector<16xi32>
      %add3A_935 = arith.addi %scan3A_880, %mul3A_934 : vector<16xi32>
      scf.yield %add3A_935 : vector<16xi32>
    }
    %scan3A_565 = arith.constant 16 : i32
    %add3A_566 = arith.constant 32 : i32
    %add3A_567 = vector.broadcast %add3A_566 : i32 to vector<16xi32>
    %add3A_568 = arith.addi %add3A_567, %iota3A : vector<16xi32>
    tpu.vector_store_idx %arg9[%mul3A_49, %add3A_568], %scan3A_564 : memref<1x128xi32, #tpu.memory_space<vmem>>[vector<16xi32>, vector<16xi32>], vector<16xi32>,
    %and3A_569 = arith.constant 15 : i32
    %and3A_570 = vector.broadcast %and3A_569 : i32 to vector<16xi32>
    %and3A_571 = arith.andi %get3A_99, %and3A_570 : vector<16xi32>
    %shift_right_logical3A_572 = arith.constant 4 : i32
    %shift_right_logical3A_573 = vector.broadcast %shift_right_logical3A_572 : i32 to vector<16xi32>
    %shift_right_logical3A_574 = arith.shrui %get3A_99, %shift_right_logical3A_573 : vector<16xi32>
    %sub3A_575 = arith.subi %get3A_99, %and3A_571 : vector<16xi32>
    %gather3A_576 = tpu.vector_load_idx %arg8[%shift_right_logical3A_574] : memref<256xi32, #tpu.memory_space<vmem>>[vector<16xi32>], vector<16xi32>,
    %add3A_577 = arith.addi %gather3A_576, %add3A_274 : vector<16xi32>
    %add3A_578 = arith.addi %add3A_577, %scan3A_509#3 : vector<16xi32>
    %sub3A_579 = arith.subi %add3A_578, %scan3A_509#11 : vector<16xi32>
    %scan3A_580 = arith.constant 0 : i32
    %scan3A_581 = arith.constant 16 : i32
    %scan3A_582 = arith.addi %scan3A_580, %scan3A_581 : i32
    %scan3A_583 = arith.constant 1 : i32
    %scan3A_584 = scf.for %scan3A_879 = %scan3A_580 to %scan3A_582 step %scan3A_583 iter_args(%scan3A_880 = %sub3A_579) -> (vector<16xi32>)  : i32 {
      %add3A_881 = arith.constant 0 : i32
      %add3A_882 = arith.addi %add3A_881, %scan3A_879 : i32
      %add3A_883 = vector.broadcast %add3A_882 : i32 to vector<16xi32>
      %add3A_884 = arith.addi %sub3A_575, %add3A_883 : vector<16xi32>
      %gather3A_885 = tpu.vector_load_idx %arg6[%add3A_884] : memref<32768xi32, #tpu.memory_space<vmem>>[vector<16xi32>], vector<16xi32>,
      %add3A_886 = arith.addi %mul3A_49, %gather3A_885 : vector<16xi32>
      %add3A_887 = arith.constant 4096 : i32
      %add3A_888 = arith.addi %add3A_887, %scan3A_879 : i32
      %add3A_889 = vector.broadcast %add3A_888 : i32 to vector<16xi32>
      %add3A_890 = arith.addi %sub3A_575, %add3A_889 : vector<16xi32>
      %gather3A_891 = tpu.vector_load_idx %arg6[%add3A_890] : memref<32768xi32, #tpu.memory_space<vmem>>[vector<16xi32>], vector<16xi32>,
      %add3A_892 = arith.addi %add3A_886, %gather3A_891 : vector<16xi32>
      %add3A_893 = arith.constant 8192 : i32
      %add3A_894 = arith.addi %add3A_893, %scan3A_879 : i32
      %add3A_895 = vector.broadcast %add3A_894 : i32 to vector<16xi32>
      %add3A_896 = arith.addi %sub3A_575, %add3A_895 : vector<16xi32>
      %gather3A_897 = tpu.vector_load_idx %arg6[%add3A_896] : memref<32768xi32, #tpu.memory_space<vmem>>[vector<16xi32>], vector<16xi32>,
      %add3A_898 = arith.addi %add3A_892, %gather3A_897 : vector<16xi32>
      %add3A_899 = arith.constant 12288 : i32
      %add3A_900 = arith.addi %add3A_899, %scan3A_879 : i32
      %add3A_901 = vector.broadcast %add3A_900 : i32 to vector<16xi32>
      %add3A_902 = arith.addi %sub3A_575, %add3A_901 : vector<16xi32>
      %gather3A_903 = tpu.vector_load_idx %arg6[%add3A_902] : memref<32768xi32, #tpu.memory_space<vmem>>[vector<16xi32>], vector<16xi32>,
      %add3A_904 = arith.addi %add3A_898, %gather3A_903 : vector<16xi32>
      %add3A_905 = arith.constant 16384 : i32
      %add3A_906 = arith.addi %add3A_905, %scan3A_879 : i32
      %add3A_907 = vector.broadcast %add3A_906 : i32 to vector<16xi32>
      %add3A_908 = arith.addi %sub3A_575, %add3A_907 : vector<16xi32>
      %gather3A_909 = tpu.vector_load_idx %arg6[%add3A_908] : memref<32768xi32, #tpu.memory_space<vmem>>[vector<16xi32>], vector<16xi32>,
      %add3A_910 = arith.addi %add3A_904, %gather3A_909 : vector<16xi32>
      %add3A_911 = arith.constant 20480 : i32
      %add3A_912 = arith.addi %add3A_911, %scan3A_879 : i32
      %add3A_913 = vector.broadcast %add3A_912 : i32 to vector<16xi32>
      %add3A_914 = arith.addi %sub3A_575, %add3A_913 : vector<16xi32>
      %gather3A_915 = tpu.vector_load_idx %arg6[%add3A_914] : memref<32768xi32, #tpu.memory_space<vmem>>[vector<16xi32>], vector<16xi32>,
      %add3A_916 = arith.addi %add3A_910, %gather3A_915 : vector<16xi32>
      %add3A_917 = arith.constant 24576 : i32
      %add3A_918 = arith.addi %add3A_917, %scan3A_879 : i32
      %add3A_919 = vector.broadcast %add3A_918 : i32 to vector<16xi32>
      %add3A_920 = arith.addi %sub3A_575, %add3A_919 : vector<16xi32>
      %gather3A_921 = tpu.vector_load_idx %arg6[%add3A_920] : memref<32768xi32, #tpu.memory_space<vmem>>[vector<16xi32>], vector<16xi32>,
      %add3A_922 = arith.addi %add3A_916, %gather3A_921 : vector<16xi32>
      %add3A_923 = arith.constant 28672 : i32
      %add3A_924 = arith.addi %add3A_923, %scan3A_879 : i32
      %add3A_925 = vector.broadcast %add3A_924 : i32 to vector<16xi32>
      %add3A_926 = arith.addi %sub3A_575, %add3A_925 : vector<16xi32>
      %gather3A_927 = tpu.vector_load_idx %arg6[%add3A_926] : memref<32768xi32, #tpu.memory_space<vmem>>[vector<16xi32>], vector<16xi32>,
      %add3A_928 = arith.addi %add3A_922, %gather3A_927 : vector<16xi32>
      %sub3A_929 = vector.broadcast %scan3A_879 : i32 to vector<16xi32>
      %sub3A_930 = arith.subi %sub3A_929, %and3A_571 : vector<16xi32>
      %shift_right_logical3A_931 = arith.constant 31 : i32
      %shift_right_logical3A_932 = vector.broadcast %shift_right_logical3A_931 : i32 to vector<16xi32>
      %shift_right_logical3A_933 = arith.shrui %sub3A_930, %shift_right_logical3A_932 : vector<16xi32>
      %mul3A_934 = arith.muli %add3A_928, %shift_right_logical3A_933 : vector<16xi32>
      %add3A_935 = arith.addi %scan3A_880, %mul3A_934 : vector<16xi32>
      scf.yield %add3A_935 : vector<16xi32>
    }
    %scan3A_585 = arith.constant 16 : i32
    %add3A_586 = arith.constant 48 : i32
    %add3A_587 = vector.broadcast %add3A_586 : i32 to vector<16xi32>
    %add3A_588 = arith.addi %add3A_587, %iota3A : vector<16xi32>
    tpu.vector_store_idx %arg9[%mul3A_49, %add3A_588], %scan3A_584 : memref<1x128xi32, #tpu.memory_space<vmem>>[vector<16xi32>, vector<16xi32>], vector<16xi32>,
    %and3A_589 = arith.constant 15 : i32
    %and3A_590 = vector.broadcast %and3A_589 : i32 to vector<16xi32>
    %and3A_591 = arith.andi %get3A_103, %and3A_590 : vector<16xi32>
    %shift_right_logical3A_592 = arith.constant 4 : i32
    %shift_right_logical3A_593 = vector.broadcast %shift_right_logical3A_592 : i32 to vector<16xi32>
    %shift_right_logical3A_594 = arith.shrui %get3A_103, %shift_right_logical3A_593 : vector<16xi32>
    %sub3A_595 = arith.subi %get3A_103, %and3A_591 : vector<16xi32>
    %gather3A_596 = tpu.vector_load_idx %arg8[%shift_right_logical3A_594] : memref<256xi32, #tpu.memory_space<vmem>>[vector<16xi32>], vector<16xi32>,
    %add3A_597 = arith.addi %gather3A_596, %add3A_314 : vector<16xi32>
    %add3A_598 = arith.addi %add3A_597, %scan3A_509#4 : vector<16xi32>
    %sub3A_599 = arith.subi %add3A_598, %scan3A_509#12 : vector<16xi32>
    %scan3A_600 = arith.constant 0 : i32
    %scan3A_601 = arith.constant 16 : i32
    %scan3A_602 = arith.addi %scan3A_600, %scan3A_601 : i32
    %scan3A_603 = arith.constant 1 : i32
    %scan3A_604 = scf.for %scan3A_879 = %scan3A_600 to %scan3A_602 step %scan3A_603 iter_args(%scan3A_880 = %sub3A_599) -> (vector<16xi32>)  : i32 {
      %add3A_881 = arith.constant 0 : i32
      %add3A_882 = arith.addi %add3A_881, %scan3A_879 : i32
      %add3A_883 = vector.broadcast %add3A_882 : i32 to vector<16xi32>
      %add3A_884 = arith.addi %sub3A_595, %add3A_883 : vector<16xi32>
      %gather3A_885 = tpu.vector_load_idx %arg6[%add3A_884] : memref<32768xi32, #tpu.memory_space<vmem>>[vector<16xi32>], vector<16xi32>,
      %add3A_886 = arith.addi %mul3A_49, %gather3A_885 : vector<16xi32>
      %add3A_887 = arith.constant 4096 : i32
      %add3A_888 = arith.addi %add3A_887, %scan3A_879 : i32
      %add3A_889 = vector.broadcast %add3A_888 : i32 to vector<16xi32>
      %add3A_890 = arith.addi %sub3A_595, %add3A_889 : vector<16xi32>
      %gather3A_891 = tpu.vector_load_idx %arg6[%add3A_890] : memref<32768xi32, #tpu.memory_space<vmem>>[vector<16xi32>], vector<16xi32>,
      %add3A_892 = arith.addi %add3A_886, %gather3A_891 : vector<16xi32>
      %add3A_893 = arith.constant 8192 : i32
      %add3A_894 = arith.addi %add3A_893, %scan3A_879 : i32
      %add3A_895 = vector.broadcast %add3A_894 : i32 to vector<16xi32>
      %add3A_896 = arith.addi %sub3A_595, %add3A_895 : vector<16xi32>
      %gather3A_897 = tpu.vector_load_idx %arg6[%add3A_896] : memref<32768xi32, #tpu.memory_space<vmem>>[vector<16xi32>], vector<16xi32>,
      %add3A_898 = arith.addi %add3A_892, %gather3A_897 : vector<16xi32>
      %add3A_899 = arith.constant 12288 : i32
      %add3A_900 = arith.addi %add3A_899, %scan3A_879 : i32
      %add3A_901 = vector.broadcast %add3A_900 : i32 to vector<16xi32>
      %add3A_902 = arith.addi %sub3A_595, %add3A_901 : vector<16xi32>
      %gather3A_903 = tpu.vector_load_idx %arg6[%add3A_902] : memref<32768xi32, #tpu.memory_space<vmem>>[vector<16xi32>], vector<16xi32>,
      %add3A_904 = arith.addi %add3A_898, %gather3A_903 : vector<16xi32>
      %add3A_905 = arith.constant 16384 : i32
      %add3A_906 = arith.addi %add3A_905, %scan3A_879 : i32
      %add3A_907 = vector.broadcast %add3A_906 : i32 to vector<16xi32>
      %add3A_908 = arith.addi %sub3A_595, %add3A_907 : vector<16xi32>
      %gather3A_909 = tpu.vector_load_idx %arg6[%add3A_908] : memref<32768xi32, #tpu.memory_space<vmem>>[vector<16xi32>], vector<16xi32>,
      %add3A_910 = arith.addi %add3A_904, %gather3A_909 : vector<16xi32>
      %add3A_911 = arith.constant 20480 : i32
      %add3A_912 = arith.addi %add3A_911, %scan3A_879 : i32
      %add3A_913 = vector.broadcast %add3A_912 : i32 to vector<16xi32>
      %add3A_914 = arith.addi %sub3A_595, %add3A_913 : vector<16xi32>
      %gather3A_915 = tpu.vector_load_idx %arg6[%add3A_914] : memref<32768xi32, #tpu.memory_space<vmem>>[vector<16xi32>], vector<16xi32>,
      %add3A_916 = arith.addi %add3A_910, %gather3A_915 : vector<16xi32>
      %add3A_917 = arith.constant 24576 : i32
      %add3A_918 = arith.addi %add3A_917, %scan3A_879 : i32
      %add3A_919 = vector.broadcast %add3A_918 : i32 to vector<16xi32>
      %add3A_920 = arith.addi %sub3A_595, %add3A_919 : vector<16xi32>
      %gather3A_921 = tpu.vector_load_idx %arg6[%add3A_920] : memref<32768xi32, #tpu.memory_space<vmem>>[vector<16xi32>], vector<16xi32>,
      %add3A_922 = arith.addi %add3A_916, %gather3A_921 : vector<16xi32>
      %add3A_923 = arith.constant 28672 : i32
      %add3A_924 = arith.addi %add3A_923, %scan3A_879 : i32
      %add3A_925 = vector.broadcast %add3A_924 : i32 to vector<16xi32>
      %add3A_926 = arith.addi %sub3A_595, %add3A_925 : vector<16xi32>
      %gather3A_927 = tpu.vector_load_idx %arg6[%add3A_926] : memref<32768xi32, #tpu.memory_space<vmem>>[vector<16xi32>], vector<16xi32>,
      %add3A_928 = arith.addi %add3A_922, %gather3A_927 : vector<16xi32>
      %sub3A_929 = vector.broadcast %scan3A_879 : i32 to vector<16xi32>
      %sub3A_930 = arith.subi %sub3A_929, %and3A_591 : vector<16xi32>
      %shift_right_logical3A_931 = arith.constant 31 : i32
      %shift_right_logical3A_932 = vector.broadcast %shift_right_logical3A_931 : i32 to vector<16xi32>
      %shift_right_logical3A_933 = arith.shrui %sub3A_930, %shift_right_logical3A_932 : vector<16xi32>
      %mul3A_934 = arith.muli %add3A_928, %shift_right_logical3A_933 : vector<16xi32>
      %add3A_935 = arith.addi %scan3A_880, %mul3A_934 : vector<16xi32>
      scf.yield %add3A_935 : vector<16xi32>
    }
    %scan3A_605 = arith.constant 16 : i32
    %add3A_606 = arith.constant 64 : i32
    %add3A_607 = vector.broadcast %add3A_606 : i32 to vector<16xi32>
    %add3A_608 = arith.addi %add3A_607, %iota3A : vector<16xi32>
    tpu.vector_store_idx %arg9[%mul3A_49, %add3A_608], %scan3A_604 : memref<1x128xi32, #tpu.memory_space<vmem>>[vector<16xi32>, vector<16xi32>], vector<16xi32>,
    %and3A_609 = arith.constant 15 : i32
    %and3A_610 = vector.broadcast %and3A_609 : i32 to vector<16xi32>
    %and3A_611 = arith.andi %get3A_107, %and3A_610 : vector<16xi32>
    %shift_right_logical3A_612 = arith.constant 4 : i32
    %shift_right_logical3A_613 = vector.broadcast %shift_right_logical3A_612 : i32 to vector<16xi32>
    %shift_right_logical3A_614 = arith.shrui %get3A_107, %shift_right_logical3A_613 : vector<16xi32>
    %sub3A_615 = arith.subi %get3A_107, %and3A_611 : vector<16xi32>
    %gather3A_616 = tpu.vector_load_idx %arg8[%shift_right_logical3A_614] : memref<256xi32, #tpu.memory_space<vmem>>[vector<16xi32>], vector<16xi32>,
    %add3A_617 = arith.addi %gather3A_616, %add3A_354 : vector<16xi32>
    %add3A_618 = arith.addi %add3A_617, %scan3A_509#5 : vector<16xi32>
    %sub3A_619 = arith.subi %add3A_618, %scan3A_509#13 : vector<16xi32>
    %scan3A_620 = arith.constant 0 : i32
    %scan3A_621 = arith.constant 16 : i32
    %scan3A_622 = arith.addi %scan3A_620, %scan3A_621 : i32
    %scan3A_623 = arith.constant 1 : i32
    %scan3A_624 = scf.for %scan3A_879 = %scan3A_620 to %scan3A_622 step %scan3A_623 iter_args(%scan3A_880 = %sub3A_619) -> (vector<16xi32>)  : i32 {
      %add3A_881 = arith.constant 0 : i32
      %add3A_882 = arith.addi %add3A_881, %scan3A_879 : i32
      %add3A_883 = vector.broadcast %add3A_882 : i32 to vector<16xi32>
      %add3A_884 = arith.addi %sub3A_615, %add3A_883 : vector<16xi32>
      %gather3A_885 = tpu.vector_load_idx %arg6[%add3A_884] : memref<32768xi32, #tpu.memory_space<vmem>>[vector<16xi32>], vector<16xi32>,
      %add3A_886 = arith.addi %mul3A_49, %gather3A_885 : vector<16xi32>
      %add3A_887 = arith.constant 4096 : i32
      %add3A_888 = arith.addi %add3A_887, %scan3A_879 : i32
      %add3A_889 = vector.broadcast %add3A_888 : i32 to vector<16xi32>
      %add3A_890 = arith.addi %sub3A_615, %add3A_889 : vector<16xi32>
      %gather3A_891 = tpu.vector_load_idx %arg6[%add3A_890] : memref<32768xi32, #tpu.memory_space<vmem>>[vector<16xi32>], vector<16xi32>,
      %add3A_892 = arith.addi %add3A_886, %gather3A_891 : vector<16xi32>
      %add3A_893 = arith.constant 8192 : i32
      %add3A_894 = arith.addi %add3A_893, %scan3A_879 : i32
      %add3A_895 = vector.broadcast %add3A_894 : i32 to vector<16xi32>
      %add3A_896 = arith.addi %sub3A_615, %add3A_895 : vector<16xi32>
      %gather3A_897 = tpu.vector_load_idx %arg6[%add3A_896] : memref<32768xi32, #tpu.memory_space<vmem>>[vector<16xi32>], vector<16xi32>,
      %add3A_898 = arith.addi %add3A_892, %gather3A_897 : vector<16xi32>
      %add3A_899 = arith.constant 12288 : i32
      %add3A_900 = arith.addi %add3A_899, %scan3A_879 : i32
      %add3A_901 = vector.broadcast %add3A_900 : i32 to vector<16xi32>
      %add3A_902 = arith.addi %sub3A_615, %add3A_901 : vector<16xi32>
      %gather3A_903 = tpu.vector_load_idx %arg6[%add3A_902] : memref<32768xi32, #tpu.memory_space<vmem>>[vector<16xi32>], vector<16xi32>,
      %add3A_904 = arith.addi %add3A_898, %gather3A_903 : vector<16xi32>
      %add3A_905 = arith.constant 16384 : i32
      %add3A_906 = arith.addi %add3A_905, %scan3A_879 : i32
      %add3A_907 = vector.broadcast %add3A_906 : i32 to vector<16xi32>
      %add3A_908 = arith.addi %sub3A_615, %add3A_907 : vector<16xi32>
      %gather3A_909 = tpu.vector_load_idx %arg6[%add3A_908] : memref<32768xi32, #tpu.memory_space<vmem>>[vector<16xi32>], vector<16xi32>,
      %add3A_910 = arith.addi %add3A_904, %gather3A_909 : vector<16xi32>
      %add3A_911 = arith.constant 20480 : i32
      %add3A_912 = arith.addi %add3A_911, %scan3A_879 : i32
      %add3A_913 = vector.broadcast %add3A_912 : i32 to vector<16xi32>
      %add3A_914 = arith.addi %sub3A_615, %add3A_913 : vector<16xi32>
      %gather3A_915 = tpu.vector_load_idx %arg6[%add3A_914] : memref<32768xi32, #tpu.memory_space<vmem>>[vector<16xi32>], vector<16xi32>,
      %add3A_916 = arith.addi %add3A_910, %gather3A_915 : vector<16xi32>
      %add3A_917 = arith.constant 24576 : i32
      %add3A_918 = arith.addi %add3A_917, %scan3A_879 : i32
      %add3A_919 = vector.broadcast %add3A_918 : i32 to vector<16xi32>
      %add3A_920 = arith.addi %sub3A_615, %add3A_919 : vector<16xi32>
      %gather3A_921 = tpu.vector_load_idx %arg6[%add3A_920] : memref<32768xi32, #tpu.memory_space<vmem>>[vector<16xi32>], vector<16xi32>,
      %add3A_922 = arith.addi %add3A_916, %gather3A_921 : vector<16xi32>
      %add3A_923 = arith.constant 28672 : i32
      %add3A_924 = arith.addi %add3A_923, %scan3A_879 : i32
      %add3A_925 = vector.broadcast %add3A_924 : i32 to vector<16xi32>
      %add3A_926 = arith.addi %sub3A_615, %add3A_925 : vector<16xi32>
      %gather3A_927 = tpu.vector_load_idx %arg6[%add3A_926] : memref<32768xi32, #tpu.memory_space<vmem>>[vector<16xi32>], vector<16xi32>,
      %add3A_928 = arith.addi %add3A_922, %gather3A_927 : vector<16xi32>
      %sub3A_929 = vector.broadcast %scan3A_879 : i32 to vector<16xi32>
      %sub3A_930 = arith.subi %sub3A_929, %and3A_611 : vector<16xi32>
      %shift_right_logical3A_931 = arith.constant 31 : i32
      %shift_right_logical3A_932 = vector.broadcast %shift_right_logical3A_931 : i32 to vector<16xi32>
      %shift_right_logical3A_933 = arith.shrui %sub3A_930, %shift_right_logical3A_932 : vector<16xi32>
      %mul3A_934 = arith.muli %add3A_928, %shift_right_logical3A_933 : vector<16xi32>
      %add3A_935 = arith.addi %scan3A_880, %mul3A_934 : vector<16xi32>
      scf.yield %add3A_935 : vector<16xi32>
    }
    %scan3A_625 = arith.constant 16 : i32
    %add3A_626 = arith.constant 80 : i32
    %add3A_627 = vector.broadcast %add3A_626 : i32 to vector<16xi32>
    %add3A_628 = arith.addi %add3A_627, %iota3A : vector<16xi32>
    tpu.vector_store_idx %arg9[%mul3A_49, %add3A_628], %scan3A_624 : memref<1x128xi32, #tpu.memory_space<vmem>>[vector<16xi32>, vector<16xi32>], vector<16xi32>,
    %and3A_629 = arith.constant 15 : i32
    %and3A_630 = vector.broadcast %and3A_629 : i32 to vector<16xi32>
    %and3A_631 = arith.andi %get3A_111, %and3A_630 : vector<16xi32>
    %shift_right_logical3A_632 = arith.constant 4 : i32
    %shift_right_logical3A_633 = vector.broadcast %shift_right_logical3A_632 : i32 to vector<16xi32>
    %shift_right_logical3A_634 = arith.shrui %get3A_111, %shift_right_logical3A_633 : vector<16xi32>
    %sub3A_635 = arith.subi %get3A_111, %and3A_631 : vector<16xi32>
    %gather3A_636 = tpu.vector_load_idx %arg8[%shift_right_logical3A_634] : memref<256xi32, #tpu.memory_space<vmem>>[vector<16xi32>], vector<16xi32>,
    %add3A_637 = arith.addi %gather3A_636, %add3A_394 : vector<16xi32>
    %add3A_638 = arith.addi %add3A_637, %scan3A_509#6 : vector<16xi32>
    %sub3A_639 = arith.subi %add3A_638, %scan3A_509#14 : vector<16xi32>
    %scan3A_640 = arith.constant 0 : i32
    %scan3A_641 = arith.constant 16 : i32
    %scan3A_642 = arith.addi %scan3A_640, %scan3A_641 : i32
    %scan3A_643 = arith.constant 1 : i32
    %scan3A_644 = scf.for %scan3A_879 = %scan3A_640 to %scan3A_642 step %scan3A_643 iter_args(%scan3A_880 = %sub3A_639) -> (vector<16xi32>)  : i32 {
      %add3A_881 = arith.constant 0 : i32
      %add3A_882 = arith.addi %add3A_881, %scan3A_879 : i32
      %add3A_883 = vector.broadcast %add3A_882 : i32 to vector<16xi32>
      %add3A_884 = arith.addi %sub3A_635, %add3A_883 : vector<16xi32>
      %gather3A_885 = tpu.vector_load_idx %arg6[%add3A_884] : memref<32768xi32, #tpu.memory_space<vmem>>[vector<16xi32>], vector<16xi32>,
      %add3A_886 = arith.addi %mul3A_49, %gather3A_885 : vector<16xi32>
      %add3A_887 = arith.constant 4096 : i32
      %add3A_888 = arith.addi %add3A_887, %scan3A_879 : i32
      %add3A_889 = vector.broadcast %add3A_888 : i32 to vector<16xi32>
      %add3A_890 = arith.addi %sub3A_635, %add3A_889 : vector<16xi32>
      %gather3A_891 = tpu.vector_load_idx %arg6[%add3A_890] : memref<32768xi32, #tpu.memory_space<vmem>>[vector<16xi32>], vector<16xi32>,
      %add3A_892 = arith.addi %add3A_886, %gather3A_891 : vector<16xi32>
      %add3A_893 = arith.constant 8192 : i32
      %add3A_894 = arith.addi %add3A_893, %scan3A_879 : i32
      %add3A_895 = vector.broadcast %add3A_894 : i32 to vector<16xi32>
      %add3A_896 = arith.addi %sub3A_635, %add3A_895 : vector<16xi32>
      %gather3A_897 = tpu.vector_load_idx %arg6[%add3A_896] : memref<32768xi32, #tpu.memory_space<vmem>>[vector<16xi32>], vector<16xi32>,
      %add3A_898 = arith.addi %add3A_892, %gather3A_897 : vector<16xi32>
      %add3A_899 = arith.constant 12288 : i32
      %add3A_900 = arith.addi %add3A_899, %scan3A_879 : i32
      %add3A_901 = vector.broadcast %add3A_900 : i32 to vector<16xi32>
      %add3A_902 = arith.addi %sub3A_635, %add3A_901 : vector<16xi32>
      %gather3A_903 = tpu.vector_load_idx %arg6[%add3A_902] : memref<32768xi32, #tpu.memory_space<vmem>>[vector<16xi32>], vector<16xi32>,
      %add3A_904 = arith.addi %add3A_898, %gather3A_903 : vector<16xi32>
      %add3A_905 = arith.constant 16384 : i32
      %add3A_906 = arith.addi %add3A_905, %scan3A_879 : i32
      %add3A_907 = vector.broadcast %add3A_906 : i32 to vector<16xi32>
      %add3A_908 = arith.addi %sub3A_635, %add3A_907 : vector<16xi32>
      %gather3A_909 = tpu.vector_load_idx %arg6[%add3A_908] : memref<32768xi32, #tpu.memory_space<vmem>>[vector<16xi32>], vector<16xi32>,
      %add3A_910 = arith.addi %add3A_904, %gather3A_909 : vector<16xi32>
      %add3A_911 = arith.constant 20480 : i32
      %add3A_912 = arith.addi %add3A_911, %scan3A_879 : i32
      %add3A_913 = vector.broadcast %add3A_912 : i32 to vector<16xi32>
      %add3A_914 = arith.addi %sub3A_635, %add3A_913 : vector<16xi32>
      %gather3A_915 = tpu.vector_load_idx %arg6[%add3A_914] : memref<32768xi32, #tpu.memory_space<vmem>>[vector<16xi32>], vector<16xi32>,
      %add3A_916 = arith.addi %add3A_910, %gather3A_915 : vector<16xi32>
      %add3A_917 = arith.constant 24576 : i32
      %add3A_918 = arith.addi %add3A_917, %scan3A_879 : i32
      %add3A_919 = vector.broadcast %add3A_918 : i32 to vector<16xi32>
      %add3A_920 = arith.addi %sub3A_635, %add3A_919 : vector<16xi32>
      %gather3A_921 = tpu.vector_load_idx %arg6[%add3A_920] : memref<32768xi32, #tpu.memory_space<vmem>>[vector<16xi32>], vector<16xi32>,
      %add3A_922 = arith.addi %add3A_916, %gather3A_921 : vector<16xi32>
      %add3A_923 = arith.constant 28672 : i32
      %add3A_924 = arith.addi %add3A_923, %scan3A_879 : i32
      %add3A_925 = vector.broadcast %add3A_924 : i32 to vector<16xi32>
      %add3A_926 = arith.addi %sub3A_635, %add3A_925 : vector<16xi32>
      %gather3A_927 = tpu.vector_load_idx %arg6[%add3A_926] : memref<32768xi32, #tpu.memory_space<vmem>>[vector<16xi32>], vector<16xi32>,
      %add3A_928 = arith.addi %add3A_922, %gather3A_927 : vector<16xi32>
      %sub3A_929 = vector.broadcast %scan3A_879 : i32 to vector<16xi32>
      %sub3A_930 = arith.subi %sub3A_929, %and3A_631 : vector<16xi32>
      %shift_right_logical3A_931 = arith.constant 31 : i32
      %shift_right_logical3A_932 = vector.broadcast %shift_right_logical3A_931 : i32 to vector<16xi32>
      %shift_right_logical3A_933 = arith.shrui %sub3A_930, %shift_right_logical3A_932 : vector<16xi32>
      %mul3A_934 = arith.muli %add3A_928, %shift_right_logical3A_933 : vector<16xi32>
      %add3A_935 = arith.addi %scan3A_880, %mul3A_934 : vector<16xi32>
      scf.yield %add3A_935 : vector<16xi32>
    }
    %scan3A_645 = arith.constant 16 : i32
    %add3A_646 = arith.constant 96 : i32
    %add3A_647 = vector.broadcast %add3A_646 : i32 to vector<16xi32>
    %add3A_648 = arith.addi %add3A_647, %iota3A : vector<16xi32>
    tpu.vector_store_idx %arg9[%mul3A_49, %add3A_648], %scan3A_644 : memref<1x128xi32, #tpu.memory_space<vmem>>[vector<16xi32>, vector<16xi32>], vector<16xi32>,
    %and3A_649 = arith.constant 15 : i32
    %and3A_650 = vector.broadcast %and3A_649 : i32 to vector<16xi32>
    %and3A_651 = arith.andi %get3A_115, %and3A_650 : vector<16xi32>
    %shift_right_logical3A_652 = arith.constant 4 : i32
    %shift_right_logical3A_653 = vector.broadcast %shift_right_logical3A_652 : i32 to vector<16xi32>
    %shift_right_logical3A_654 = arith.shrui %get3A_115, %shift_right_logical3A_653 : vector<16xi32>
    %sub3A_655 = arith.subi %get3A_115, %and3A_651 : vector<16xi32>
    %gather3A_656 = tpu.vector_load_idx %arg8[%shift_right_logical3A_654] : memref<256xi32, #tpu.memory_space<vmem>>[vector<16xi32>], vector<16xi32>,
    %add3A_657 = arith.addi %gather3A_656, %add3A_434 : vector<16xi32>
    %add3A_658 = arith.addi %add3A_657, %scan3A_509#7 : vector<16xi32>
    %sub3A_659 = arith.subi %add3A_658, %scan3A_509#15 : vector<16xi32>
    %scan3A_660 = arith.constant 0 : i32
    %scan3A_661 = arith.constant 16 : i32
    %scan3A_662 = arith.addi %scan3A_660, %scan3A_661 : i32
    %scan3A_663 = arith.constant 1 : i32
    %scan3A_664 = scf.for %scan3A_879 = %scan3A_660 to %scan3A_662 step %scan3A_663 iter_args(%scan3A_880 = %sub3A_659) -> (vector<16xi32>)  : i32 {
      %add3A_881 = arith.constant 0 : i32
      %add3A_882 = arith.addi %add3A_881, %scan3A_879 : i32
      %add3A_883 = vector.broadcast %add3A_882 : i32 to vector<16xi32>
      %add3A_884 = arith.addi %sub3A_655, %add3A_883 : vector<16xi32>
      %gather3A_885 = tpu.vector_load_idx %arg6[%add3A_884] : memref<32768xi32, #tpu.memory_space<vmem>>[vector<16xi32>], vector<16xi32>,
      %add3A_886 = arith.addi %mul3A_49, %gather3A_885 : vector<16xi32>
      %add3A_887 = arith.constant 4096 : i32
      %add3A_888 = arith.addi %add3A_887, %scan3A_879 : i32
      %add3A_889 = vector.broadcast %add3A_888 : i32 to vector<16xi32>
      %add3A_890 = arith.addi %sub3A_655, %add3A_889 : vector<16xi32>
      %gather3A_891 = tpu.vector_load_idx %arg6[%add3A_890] : memref<32768xi32, #tpu.memory_space<vmem>>[vector<16xi32>], vector<16xi32>,
      %add3A_892 = arith.addi %add3A_886, %gather3A_891 : vector<16xi32>
      %add3A_893 = arith.constant 8192 : i32
      %add3A_894 = arith.addi %add3A_893, %scan3A_879 : i32
      %add3A_895 = vector.broadcast %add3A_894 : i32 to vector<16xi32>
      %add3A_896 = arith.addi %sub3A_655, %add3A_895 : vector<16xi32>
      %gather3A_897 = tpu.vector_load_idx %arg6[%add3A_896] : memref<32768xi32, #tpu.memory_space<vmem>>[vector<16xi32>], vector<16xi32>,
      %add3A_898 = arith.addi %add3A_892, %gather3A_897 : vector<16xi32>
      %add3A_899 = arith.constant 12288 : i32
      %add3A_900 = arith.addi %add3A_899, %scan3A_879 : i32
      %add3A_901 = vector.broadcast %add3A_900 : i32 to vector<16xi32>
      %add3A_902 = arith.addi %sub3A_655, %add3A_901 : vector<16xi32>
      %gather3A_903 = tpu.vector_load_idx %arg6[%add3A_902] : memref<32768xi32, #tpu.memory_space<vmem>>[vector<16xi32>], vector<16xi32>,
      %add3A_904 = arith.addi %add3A_898, %gather3A_903 : vector<16xi32>
      %add3A_905 = arith.constant 16384 : i32
      %add3A_906 = arith.addi %add3A_905, %scan3A_879 : i32
      %add3A_907 = vector.broadcast %add3A_906 : i32 to vector<16xi32>
      %add3A_908 = arith.addi %sub3A_655, %add3A_907 : vector<16xi32>
      %gather3A_909 = tpu.vector_load_idx %arg6[%add3A_908] : memref<32768xi32, #tpu.memory_space<vmem>>[vector<16xi32>], vector<16xi32>,
      %add3A_910 = arith.addi %add3A_904, %gather3A_909 : vector<16xi32>
      %add3A_911 = arith.constant 20480 : i32
      %add3A_912 = arith.addi %add3A_911, %scan3A_879 : i32
      %add3A_913 = vector.broadcast %add3A_912 : i32 to vector<16xi32>
      %add3A_914 = arith.addi %sub3A_655, %add3A_913 : vector<16xi32>
      %gather3A_915 = tpu.vector_load_idx %arg6[%add3A_914] : memref<32768xi32, #tpu.memory_space<vmem>>[vector<16xi32>], vector<16xi32>,
      %add3A_916 = arith.addi %add3A_910, %gather3A_915 : vector<16xi32>
      %add3A_917 = arith.constant 24576 : i32
      %add3A_918 = arith.addi %add3A_917, %scan3A_879 : i32
      %add3A_919 = vector.broadcast %add3A_918 : i32 to vector<16xi32>
      %add3A_920 = arith.addi %sub3A_655, %add3A_919 : vector<16xi32>
      %gather3A_921 = tpu.vector_load_idx %arg6[%add3A_920] : memref<32768xi32, #tpu.memory_space<vmem>>[vector<16xi32>], vector<16xi32>,
      %add3A_922 = arith.addi %add3A_916, %gather3A_921 : vector<16xi32>
      %add3A_923 = arith.constant 28672 : i32
      %add3A_924 = arith.addi %add3A_923, %scan3A_879 : i32
      %add3A_925 = vector.broadcast %add3A_924 : i32 to vector<16xi32>
      %add3A_926 = arith.addi %sub3A_655, %add3A_925 : vector<16xi32>
      %gather3A_927 = tpu.vector_load_idx %arg6[%add3A_926] : memref<32768xi32, #tpu.memory_space<vmem>>[vector<16xi32>], vector<16xi32>,
      %add3A_928 = arith.addi %add3A_922, %gather3A_927 : vector<16xi32>
      %sub3A_929 = vector.broadcast %scan3A_879 : i32 to vector<16xi32>
      %sub3A_930 = arith.subi %sub3A_929, %and3A_651 : vector<16xi32>
      %shift_right_logical3A_931 = arith.constant 31 : i32
      %shift_right_logical3A_932 = vector.broadcast %shift_right_logical3A_931 : i32 to vector<16xi32>
      %shift_right_logical3A_933 = arith.shrui %sub3A_930, %shift_right_logical3A_932 : vector<16xi32>
      %mul3A_934 = arith.muli %add3A_928, %shift_right_logical3A_933 : vector<16xi32>
      %add3A_935 = arith.addi %scan3A_880, %mul3A_934 : vector<16xi32>
      scf.yield %add3A_935 : vector<16xi32>
    }
    %scan3A_665 = arith.constant 16 : i32
    %add3A_666 = arith.constant 112 : i32
    %add3A_667 = vector.broadcast %add3A_666 : i32 to vector<16xi32>
    %add3A_668 = arith.addi %add3A_667, %iota3A : vector<16xi32>
    tpu.vector_store_idx %arg9[%mul3A_49, %add3A_668], %scan3A_664 : memref<1x128xi32, #tpu.memory_space<vmem>>[vector<16xi32>, vector<16xi32>], vector<16xi32>,
    %dma_wait3A = arith.constant 0 : i32
    %dma_wait3A_669 = arith.constant 0 : i32
    %dma_wait3A_670 = arith.constant 0 : i32
    %dma_wait3A_671 = tpu.memref_slice %arg10[%dma_wait3A, %dma_wait3A_669, %dma_wait3A_670] : memref<4x128x128xf32, #tpu.memory_space<vmem>> -> memref<1x128x128xf32, #tpu.memory_space<vmem>>
    %dma_wait3A_672 = tpu.memref_squeeze %dma_wait3A_671 : memref<1x128x128xf32, #tpu.memory_space<vmem>> -> memref<128x128xf32, #tpu.memory_space<vmem>>
    %dma_wait3A_673 = arith.constant 0 : i32
    %dma_wait3A_674 = arith.constant 0 : i32
    %dma_wait3A_675 = tpu.memref_slice %arg2[%dma_wait3A_673, %dma_wait3A_674] : memref<200704x128xf32, #tpu.memory_space<hbm>> -> memref<128x128xf32, #tpu.memory_space<hbm>>
    %dma_wait3A_676 = arith.constant 0 : i32
    %dma_wait3A_677 = arith.constant 0 : i32
    %dma_wait3A_678 = tpu.memref_slice %arg10[%dma_wait3A, %dma_wait3A_676, %dma_wait3A_677] : memref<4x128x128xf32, #tpu.memory_space<vmem>> -> memref<1x128x128xf32, #tpu.memory_space<vmem>>
    %dma_wait3A_679 = tpu.memref_squeeze %dma_wait3A_678 : memref<1x128x128xf32, #tpu.memory_space<vmem>> -> memref<128x128xf32, #tpu.memory_space<vmem>>
    %dma_wait3A_680 = arith.constant 0 : i32
    %dma_wait3A_681 = arith.constant 0 : i32
    %dma_wait3A_682 = tpu.memref_slice %arg2[%dma_wait3A_680, %dma_wait3A_681] : memref<200704x128xf32, #tpu.memory_space<hbm>> -> memref<128x128xf32, #tpu.memory_space<hbm>>
    tpu.wait_dma2 semaphore(%arg11 : memref<!tpu.dma_semaphore, #tpu.memory_space<semaphore_mem>>) src(%dma_wait3A_682 : memref<128x128xf32, #tpu.memory_space<hbm>>) dst(%dma_wait3A_679 : memref<128x128xf32, #tpu.memory_space<vmem>>)
    %dma_start3A_683 = arith.constant 0 : i32
    %dma_start3A_684 = arith.constant 0 : i32
    %dma_start3A_685 = arith.constant 0 : i32
    %dma_start3A_686 = arith.constant 0 : i32
    %dma_start3A_687 = arith.constant 0 : i32
    %dma_start3A_688 = tpu.memref_slice %arg10[%dma_start3A_683, %dma_start3A_686, %dma_start3A_687] : memref<4x128x128xf32, #tpu.memory_space<vmem>> -> memref<1x128x128xf32, #tpu.memory_space<vmem>>
    %dma_start3A_689 = tpu.memref_squeeze %dma_start3A_688 : memref<1x128x128xf32, #tpu.memory_space<vmem>> -> memref<128x128xf32, #tpu.memory_space<vmem>>
    %dma_start3A_690 = arith.constant 0 : i32
    %dma_start3A_691 = tpu.memref_slice %arg9[%dma_start3A_685, %dma_start3A_690] : memref<1x128xi32, #tpu.memory_space<vmem>> -> memref<1x128xi32, #tpu.memory_space<vmem>>
    %dma_start3A_692 = tpu.memref_squeeze %dma_start3A_691 : memref<1x128xi32, #tpu.memory_space<vmem>> -> memref<128xi32, #tpu.memory_space<vmem>>
    %dma_start3A_693 = arith.constant 0 : i32
    %dma_start3A_694 = arith.constant 0 : i32
    %dma_start3A_695 = tpu.memref_slice %arg4[%dma_start3A_684, %dma_start3A_693, %dma_start3A_694] : memref<49x4096x128xf32, #tpu.memory_space<hbm>> -> memref<1x4096x128xf32, #tpu.memory_space<hbm>>
    %dma_start3A_696 = tpu.memref_squeeze %dma_start3A_695 : memref<1x4096x128xf32, #tpu.memory_space<hbm>> -> memref<4096x128xf32, #tpu.memory_space<hbm>>
    %dma_start3A_697 = arith.constant 0 : i32
    %dma_start3A_698 = arith.constant 0 : i32
    %dma_start3A_699 = tpu.memref_slice %dma_start3A_696[%dma_start3A_697, %dma_start3A_698] : memref<4096x128xf32, #tpu.memory_space<hbm>> -> memref<4096x128xf32, #tpu.memory_space<hbm>>
    tpu.enqueue_indirect_dma source(%dma_start3A_689 : memref<128x128xf32, #tpu.memory_space<vmem>>) target(%dma_start3A_699 : memref<4096x128xf32, #tpu.memory_space<hbm>>) offsets(%dma_start3A_692 : memref<128xi32, #tpu.memory_space<vmem>>) semaphore(%arg12 : memref<!tpu.dma_semaphore, #tpu.memory_space<semaphore_mem>>)
    %add3A_700 = arith.constant 12288 : i32
    %add3A_701 = arith.addi %add3A_700, %mul3A_2 : i32
    %dma_start3A_702 = arith.constant 3 : i32
    %dma_start3A_703 = arith.constant 0 : i32
    %dma_start3A_704 = arith.constant 0 : i32
    %dma_start3A_705 = tpu.memref_slice %arg10[%dma_start3A_702, %dma_start3A_703, %dma_start3A_704] : memref<4x128x128xf32, #tpu.memory_space<vmem>> -> memref<1x128x128xf32, #tpu.memory_space<vmem>>
    %dma_start3A_706 = tpu.memref_squeeze %dma_start3A_705 : memref<1x128x128xf32, #tpu.memory_space<vmem>> -> memref<128x128xf32, #tpu.memory_space<vmem>>
    %dma_start3A_707 = arith.constant 0 : i32
    %dma_start3A_708 = tpu.memref_slice %arg2[%add3A_701, %dma_start3A_707] : memref<200704x128xf32, #tpu.memory_space<hbm>> -> memref<128x128xf32, #tpu.memory_space<hbm>>
    %dma_start3A_709 = arith.constant 0 : i32
    %dma_start3A_710 = arith.constant 0 : i32
    %dma_start3A_711 = tpu.memref_slice %arg10[%dma_start3A_702, %dma_start3A_709, %dma_start3A_710] : memref<4x128x128xf32, #tpu.memory_space<vmem>> -> memref<1x128x128xf32, #tpu.memory_space<vmem>>
    %dma_start3A_712 = tpu.memref_squeeze %dma_start3A_711 : memref<1x128x128xf32, #tpu.memory_space<vmem>> -> memref<128x128xf32, #tpu.memory_space<vmem>>
    %dma_start3A_713 = arith.constant 0 : i32
    %dma_start3A_714 = tpu.memref_slice %arg2[%add3A_701, %dma_start3A_713] : memref<200704x128xf32, #tpu.memory_space<hbm>> -> memref<128x128xf32, #tpu.memory_space<hbm>>
    tpu.enqueue_dma source(%dma_start3A_714 : memref<128x128xf32, #tpu.memory_space<hbm>>) target(%dma_start3A_712 : memref<128x128xf32, #tpu.memory_space<vmem>>) target_semaphore(%arg11 : memref<!tpu.dma_semaphore, #tpu.memory_space<semaphore_mem>>)
    %scan3A_715 = arith.constant 0 : i32
    %scan3A_716 = arith.constant 0 : i32
    %scan3A_717 = arith.constant 1 : i32
    %scan3A_718 = arith.constant 45 : i32
    %scan3A_719 = arith.addi %scan3A_717, %scan3A_718 : i32
    %scan3A_720 = arith.constant 1 : i32
    %scan3A_721 = scf.for %scan3A_879 = %scan3A_717 to %scan3A_719 step %scan3A_720 iter_args(%scan3A_880 = %scan3A_716) -> (i32)  : i32 {
      %jit3A = arith.constant 4 : i32
      %eq3A = arith.constant 0 : i32
      %eq3A_881 = arith.cmpi eq, %jit3A, %eq3A : i32
      %jit3A_882 = arith.constant 1 : i32
      %select_n3A = arith.select %eq3A_881, %jit3A_882, %jit3A : i32
      %rem3A = arith.remsi %scan3A_879, %select_n3A : i32
      %ne3A = arith.constant 0 : i32
      %ne3A_883 = arith.cmpi ne, %rem3A, %ne3A : i32
      %lt3A_884 = arith.constant 0 : i32
      %lt3A_885 = arith.cmpi slt, %rem3A, %lt3A_884 : i32
      %lt3A_886 = arith.constant 0 : i32
      %lt3A_887 = arith.cmpi slt, %select_n3A, %lt3A_886 : i32
      %ne3A_888 = arith.xori %lt3A_885, %lt3A_887 : i1
      %and3A_889 = arith.andi %ne3A_888, %ne3A_883 : i1
      %add3A_890 = arith.addi %rem3A, %select_n3A : i32
      %select_n3A_891 = arith.select %and3A_889, %add3A_890, %rem3A : i32
      %dma_wait3A_892 = arith.constant 0 : i32
      %dma_wait3A_893 = arith.constant 0 : i32
      %dma_wait3A_894 = tpu.memref_slice %arg10[%select_n3A_891, %dma_wait3A_892, %dma_wait3A_893] : memref<4x128x128xf32, #tpu.memory_space<vmem>> -> memref<1x128x128xf32, #tpu.memory_space<vmem>>
      %dma_wait3A_895 = tpu.memref_squeeze %dma_wait3A_894 : memref<1x128x128xf32, #tpu.memory_space<vmem>> -> memref<128x128xf32, #tpu.memory_space<vmem>>
      %dma_wait3A_896 = arith.constant 0 : i32
      %dma_wait3A_897 = arith.constant 0 : i32
      %dma_wait3A_898 = tpu.memref_slice %arg2[%dma_wait3A_896, %dma_wait3A_897] : memref<200704x128xf32, #tpu.memory_space<hbm>> -> memref<128x128xf32, #tpu.memory_space<hbm>>
      %dma_wait3A_899 = arith.constant 0 : i32
      %dma_wait3A_900 = arith.constant 0 : i32
      %dma_wait3A_901 = tpu.memref_slice %arg10[%select_n3A_891, %dma_wait3A_899, %dma_wait3A_900] : memref<4x128x128xf32, #tpu.memory_space<vmem>> -> memref<1x128x128xf32, #tpu.memory_space<vmem>>
      %dma_wait3A_902 = tpu.memref_squeeze %dma_wait3A_901 : memref<1x128x128xf32, #tpu.memory_space<vmem>> -> memref<128x128xf32, #tpu.memory_space<vmem>>
      %dma_wait3A_903 = arith.constant 0 : i32
      %dma_wait3A_904 = arith.constant 0 : i32
      %dma_wait3A_905 = tpu.memref_slice %arg2[%dma_wait3A_903, %dma_wait3A_904] : memref<200704x128xf32, #tpu.memory_space<hbm>> -> memref<128x128xf32, #tpu.memory_space<hbm>>
      tpu.wait_dma2 semaphore(%arg11 : memref<!tpu.dma_semaphore, #tpu.memory_space<semaphore_mem>>) src(%dma_wait3A_905 : memref<128x128xf32, #tpu.memory_space<hbm>>) dst(%dma_wait3A_902 : memref<128x128xf32, #tpu.memory_space<vmem>>)
      %dma_start3A_906 = arith.constant 0 : i32
      %dma_start3A_907 = arith.constant 0 : i32
      %dma_start3A_908 = tpu.memref_slice %arg10[%select_n3A_891, %dma_start3A_906, %dma_start3A_907] : memref<4x128x128xf32, #tpu.memory_space<vmem>> -> memref<1x128x128xf32, #tpu.memory_space<vmem>>
      %dma_start3A_909 = tpu.memref_squeeze %dma_start3A_908 : memref<1x128x128xf32, #tpu.memory_space<vmem>> -> memref<128x128xf32, #tpu.memory_space<vmem>>
      %dma_start3A_910 = arith.constant 0 : i32
      %dma_start3A_911 = tpu.memref_slice %arg9[%scan3A_715, %dma_start3A_910] : memref<1x128xi32, #tpu.memory_space<vmem>> -> memref<1x128xi32, #tpu.memory_space<vmem>>
      %dma_start3A_912 = tpu.memref_squeeze %dma_start3A_911 : memref<1x128xi32, #tpu.memory_space<vmem>> -> memref<128xi32, #tpu.memory_space<vmem>>
      %dma_start3A_913 = arith.constant 0 : i32
      %dma_start3A_914 = arith.constant 0 : i32
      %dma_start3A_915 = tpu.memref_slice %arg4[%scan3A_879, %dma_start3A_913, %dma_start3A_914] : memref<49x4096x128xf32, #tpu.memory_space<hbm>> -> memref<1x4096x128xf32, #tpu.memory_space<hbm>>
      %dma_start3A_916 = tpu.memref_squeeze %dma_start3A_915 : memref<1x4096x128xf32, #tpu.memory_space<hbm>> -> memref<4096x128xf32, #tpu.memory_space<hbm>>
      %dma_start3A_917 = arith.constant 0 : i32
      %dma_start3A_918 = arith.constant 0 : i32
      %dma_start3A_919 = tpu.memref_slice %dma_start3A_916[%dma_start3A_917, %dma_start3A_918] : memref<4096x128xf32, #tpu.memory_space<hbm>> -> memref<4096x128xf32, #tpu.memory_space<hbm>>
      tpu.enqueue_indirect_dma source(%dma_start3A_909 : memref<128x128xf32, #tpu.memory_space<vmem>>) target(%dma_start3A_919 : memref<4096x128xf32, #tpu.memory_space<hbm>>) offsets(%dma_start3A_912 : memref<128xi32, #tpu.memory_space<vmem>>) semaphore(%arg12 : memref<!tpu.dma_semaphore, #tpu.memory_space<semaphore_mem>>)
      %sub3A_920 = arith.constant 1 : i32
      %sub3A_921 = arith.subi %scan3A_879, %sub3A_920 : i32
      %jit3A_922 = arith.constant 4 : i32
      %eq3A_923 = arith.constant 0 : i32
      %eq3A_924 = arith.cmpi eq, %jit3A_922, %eq3A_923 : i32
      %jit3A_925 = arith.constant 1 : i32
      %select_n3A_926 = arith.select %eq3A_924, %jit3A_925, %jit3A_922 : i32
      %rem3A_927 = arith.remsi %sub3A_921, %select_n3A_926 : i32
      %ne3A_928 = arith.constant 0 : i32
      %ne3A_929 = arith.cmpi ne, %rem3A_927, %ne3A_928 : i32
      %lt3A_930 = arith.constant 0 : i32
      %lt3A_931 = arith.cmpi slt, %rem3A_927, %lt3A_930 : i32
      %lt3A_932 = arith.constant 0 : i32
      %lt3A_933 = arith.cmpi slt, %select_n3A_926, %lt3A_932 : i32
      %ne3A_934 = arith.xori %lt3A_931, %lt3A_933 : i1
      %and3A_935 = arith.andi %ne3A_934, %ne3A_929 : i1
      %add3A_936 = arith.addi %rem3A_927, %select_n3A_926 : i32
      %select_n3A_937 = arith.select %and3A_935, %add3A_936, %rem3A_927 : i32
      %dma_wait3A_938 = arith.constant 0 : i32
      %dma_wait3A_939 = arith.constant 0 : i32
      %dma_wait3A_940 = tpu.memref_slice %arg10[%select_n3A_937, %dma_wait3A_938, %dma_wait3A_939] : memref<4x128x128xf32, #tpu.memory_space<vmem>> -> memref<1x128x128xf32, #tpu.memory_space<vmem>>
      %dma_wait3A_941 = tpu.memref_squeeze %dma_wait3A_940 : memref<1x128x128xf32, #tpu.memory_space<vmem>> -> memref<128x128xf32, #tpu.memory_space<vmem>>
      %dma_wait3A_942 = arith.constant 0 : i32
      %dma_wait3A_943 = arith.constant 0 : i32
      %dma_wait3A_944 = tpu.memref_slice %arg2[%dma_wait3A_942, %dma_wait3A_943] : memref<200704x128xf32, #tpu.memory_space<hbm>> -> memref<128x128xf32, #tpu.memory_space<hbm>>
      %dma_wait3A_945 = arith.constant 0 : i32
      %dma_wait3A_946 = arith.constant 0 : i32
      %dma_wait3A_947 = tpu.memref_slice %arg10[%select_n3A_937, %dma_wait3A_945, %dma_wait3A_946] : memref<4x128x128xf32, #tpu.memory_space<vmem>> -> memref<1x128x128xf32, #tpu.memory_space<vmem>>
      %dma_wait3A_948 = tpu.memref_squeeze %dma_wait3A_947 : memref<1x128x128xf32, #tpu.memory_space<vmem>> -> memref<128x128xf32, #tpu.memory_space<vmem>>
      %dma_wait3A_949 = arith.constant 0 : i32
      %dma_wait3A_950 = arith.constant 0 : i32
      %dma_wait3A_951 = tpu.memref_slice %arg2[%dma_wait3A_949, %dma_wait3A_950] : memref<200704x128xf32, #tpu.memory_space<hbm>> -> memref<128x128xf32, #tpu.memory_space<hbm>>
      tpu.wait_dma2 semaphore(%arg12 : memref<!tpu.dma_semaphore, #tpu.memory_space<semaphore_mem>>) src(%dma_wait3A_951 : memref<128x128xf32, #tpu.memory_space<hbm>>) dst(%dma_wait3A_948 : memref<128x128xf32, #tpu.memory_space<vmem>>)
      %add3A_952 = arith.constant 3 : i32
      %add3A_953 = arith.addi %scan3A_879, %add3A_952 : i32
      %mul3A_954 = arith.constant 4096 : i32
      %mul3A_955 = arith.muli %add3A_953, %mul3A_954 : i32
      %add3A_956 = arith.addi %mul3A_955, %mul3A_2 : i32
      %add3A_957 = arith.constant 3 : i32
      %add3A_958 = arith.addi %scan3A_879, %add3A_957 : i32
      %jit3A_959 = arith.constant 4 : i32
      %eq3A_960 = arith.constant 0 : i32
      %eq3A_961 = arith.cmpi eq, %jit3A_959, %eq3A_960 : i32
      %jit3A_962 = arith.constant 1 : i32
      %select_n3A_963 = arith.select %eq3A_961, %jit3A_962, %jit3A_959 : i32
      %rem3A_964 = arith.remsi %add3A_958, %select_n3A_963 : i32
      %ne3A_965 = arith.constant 0 : i32
      %ne3A_966 = arith.cmpi ne, %rem3A_964, %ne3A_965 : i32
      %lt3A_967 = arith.constant 0 : i32
      %lt3A_968 = arith.cmpi slt, %rem3A_964, %lt3A_967 : i32
      %lt3A_969 = arith.constant 0 : i32
      %lt3A_970 = arith.cmpi slt, %select_n3A_963, %lt3A_969 : i32
      %ne3A_971 = arith.xori %lt3A_968, %lt3A_970 : i1
      %and3A_972 = arith.andi %ne3A_971, %ne3A_966 : i1
      %add3A_973 = arith.addi %rem3A_964, %select_n3A_963 : i32
      %select_n3A_974 = arith.select %and3A_972, %add3A_973, %rem3A_964 : i32
      %dma_start3A_975 = arith.constant 0 : i32
      %dma_start3A_976 = arith.constant 0 : i32
      %dma_start3A_977 = tpu.memref_slice %arg10[%select_n3A_974, %dma_start3A_975, %dma_start3A_976] : memref<4x128x128xf32, #tpu.memory_space<vmem>> -> memref<1x128x128xf32, #tpu.memory_space<vmem>>
      %dma_start3A_978 = tpu.memref_squeeze %dma_start3A_977 : memref<1x128x128xf32, #tpu.memory_space<vmem>> -> memref<128x128xf32, #tpu.memory_space<vmem>>
      %dma_start3A_979 = arith.constant 0 : i32
      %dma_start3A_980 = tpu.memref_slice %arg2[%add3A_956, %dma_start3A_979] : memref<200704x128xf32, #tpu.memory_space<hbm>> -> memref<128x128xf32, #tpu.memory_space<hbm>>
      %dma_start3A_981 = arith.constant 0 : i32
      %dma_start3A_982 = arith.constant 0 : i32
      %dma_start3A_983 = tpu.memref_slice %arg10[%select_n3A_974, %dma_start3A_981, %dma_start3A_982] : memref<4x128x128xf32, #tpu.memory_space<vmem>> -> memref<1x128x128xf32, #tpu.memory_space<vmem>>
      %dma_start3A_984 = tpu.memref_squeeze %dma_start3A_983 : memref<1x128x128xf32, #tpu.memory_space<vmem>> -> memref<128x128xf32, #tpu.memory_space<vmem>>
      %dma_start3A_985 = arith.constant 0 : i32
      %dma_start3A_986 = tpu.memref_slice %arg2[%add3A_956, %dma_start3A_985] : memref<200704x128xf32, #tpu.memory_space<hbm>> -> memref<128x128xf32, #tpu.memory_space<hbm>>
      tpu.enqueue_dma source(%dma_start3A_986 : memref<128x128xf32, #tpu.memory_space<hbm>>) target(%dma_start3A_984 : memref<128x128xf32, #tpu.memory_space<vmem>>) target_semaphore(%arg11 : memref<!tpu.dma_semaphore, #tpu.memory_space<semaphore_mem>>)
      %scan3A_987 = arith.constant 0 : i32
      scf.yield %scan3A_987 : i32
    }
    %scan3A_722 = arith.constant 45 : i32
    %dma_wait3A_723 = arith.constant 2 : i32
    %dma_wait3A_724 = arith.constant 0 : i32
    %dma_wait3A_725 = arith.constant 0 : i32
    %dma_wait3A_726 = tpu.memref_slice %arg10[%dma_wait3A_723, %dma_wait3A_724, %dma_wait3A_725] : memref<4x128x128xf32, #tpu.memory_space<vmem>> -> memref<1x128x128xf32, #tpu.memory_space<vmem>>
    %dma_wait3A_727 = tpu.memref_squeeze %dma_wait3A_726 : memref<1x128x128xf32, #tpu.memory_space<vmem>> -> memref<128x128xf32, #tpu.memory_space<vmem>>
    %dma_wait3A_728 = arith.constant 0 : i32
    %dma_wait3A_729 = arith.constant 0 : i32
    %dma_wait3A_730 = tpu.memref_slice %arg2[%dma_wait3A_728, %dma_wait3A_729] : memref<200704x128xf32, #tpu.memory_space<hbm>> -> memref<128x128xf32, #tpu.memory_space<hbm>>
    %dma_wait3A_731 = arith.constant 0 : i32
    %dma_wait3A_732 = arith.constant 0 : i32
    %dma_wait3A_733 = tpu.memref_slice %arg10[%dma_wait3A_723, %dma_wait3A_731, %dma_wait3A_732] : memref<4x128x128xf32, #tpu.memory_space<vmem>> -> memref<1x128x128xf32, #tpu.memory_space<vmem>>
    %dma_wait3A_734 = tpu.memref_squeeze %dma_wait3A_733 : memref<1x128x128xf32, #tpu.memory_space<vmem>> -> memref<128x128xf32, #tpu.memory_space<vmem>>
    %dma_wait3A_735 = arith.constant 0 : i32
    %dma_wait3A_736 = arith.constant 0 : i32
    %dma_wait3A_737 = tpu.memref_slice %arg2[%dma_wait3A_735, %dma_wait3A_736] : memref<200704x128xf32, #tpu.memory_space<hbm>> -> memref<128x128xf32, #tpu.memory_space<hbm>>
    tpu.wait_dma2 semaphore(%arg11 : memref<!tpu.dma_semaphore, #tpu.memory_space<semaphore_mem>>) src(%dma_wait3A_737 : memref<128x128xf32, #tpu.memory_space<hbm>>) dst(%dma_wait3A_734 : memref<128x128xf32, #tpu.memory_space<vmem>>)
    %dma_start3A_738 = arith.constant 2 : i32
    %dma_start3A_739 = arith.constant 46 : i32
    %dma_start3A_740 = arith.constant 0 : i32
    %dma_start3A_741 = arith.constant 0 : i32
    %dma_start3A_742 = arith.constant 0 : i32
    %dma_start3A_743 = tpu.memref_slice %arg10[%dma_start3A_738, %dma_start3A_741, %dma_start3A_742] : memref<4x128x128xf32, #tpu.memory_space<vmem>> -> memref<1x128x128xf32, #tpu.memory_space<vmem>>
    %dma_start3A_744 = tpu.memref_squeeze %dma_start3A_743 : memref<1x128x128xf32, #tpu.memory_space<vmem>> -> memref<128x128xf32, #tpu.memory_space<vmem>>
    %dma_start3A_745 = arith.constant 0 : i32
    %dma_start3A_746 = tpu.memref_slice %arg9[%dma_start3A_740, %dma_start3A_745] : memref<1x128xi32, #tpu.memory_space<vmem>> -> memref<1x128xi32, #tpu.memory_space<vmem>>
    %dma_start3A_747 = tpu.memref_squeeze %dma_start3A_746 : memref<1x128xi32, #tpu.memory_space<vmem>> -> memref<128xi32, #tpu.memory_space<vmem>>
    %dma_start3A_748 = arith.constant 0 : i32
    %dma_start3A_749 = arith.constant 0 : i32
    %dma_start3A_750 = tpu.memref_slice %arg4[%dma_start3A_739, %dma_start3A_748, %dma_start3A_749] : memref<49x4096x128xf32, #tpu.memory_space<hbm>> -> memref<1x4096x128xf32, #tpu.memory_space<hbm>>
    %dma_start3A_751 = tpu.memref_squeeze %dma_start3A_750 : memref<1x4096x128xf32, #tpu.memory_space<hbm>> -> memref<4096x128xf32, #tpu.memory_space<hbm>>
    %dma_start3A_752 = arith.constant 0 : i32
    %dma_start3A_753 = arith.constant 0 : i32
    %dma_start3A_754 = tpu.memref_slice %dma_start3A_751[%dma_start3A_752, %dma_start3A_753] : memref<4096x128xf32, #tpu.memory_space<hbm>> -> memref<4096x128xf32, #tpu.memory_space<hbm>>
    tpu.enqueue_indirect_dma source(%dma_start3A_744 : memref<128x128xf32, #tpu.memory_space<vmem>>) target(%dma_start3A_754 : memref<4096x128xf32, #tpu.memory_space<hbm>>) offsets(%dma_start3A_747 : memref<128xi32, #tpu.memory_space<vmem>>) semaphore(%arg12 : memref<!tpu.dma_semaphore, #tpu.memory_space<semaphore_mem>>)
    %dma_wait3A_755 = arith.constant 1 : i32
    %dma_wait3A_756 = arith.constant 0 : i32
    %dma_wait3A_757 = arith.constant 0 : i32
    %dma_wait3A_758 = tpu.memref_slice %arg10[%dma_wait3A_755, %dma_wait3A_756, %dma_wait3A_757] : memref<4x128x128xf32, #tpu.memory_space<vmem>> -> memref<1x128x128xf32, #tpu.memory_space<vmem>>
    %dma_wait3A_759 = tpu.memref_squeeze %dma_wait3A_758 : memref<1x128x128xf32, #tpu.memory_space<vmem>> -> memref<128x128xf32, #tpu.memory_space<vmem>>
    %dma_wait3A_760 = arith.constant 0 : i32
    %dma_wait3A_761 = arith.constant 0 : i32
    %dma_wait3A_762 = tpu.memref_slice %arg2[%dma_wait3A_760, %dma_wait3A_761] : memref<200704x128xf32, #tpu.memory_space<hbm>> -> memref<128x128xf32, #tpu.memory_space<hbm>>
    %dma_wait3A_763 = arith.constant 0 : i32
    %dma_wait3A_764 = arith.constant 0 : i32
    %dma_wait3A_765 = tpu.memref_slice %arg10[%dma_wait3A_755, %dma_wait3A_763, %dma_wait3A_764] : memref<4x128x128xf32, #tpu.memory_space<vmem>> -> memref<1x128x128xf32, #tpu.memory_space<vmem>>
    %dma_wait3A_766 = tpu.memref_squeeze %dma_wait3A_765 : memref<1x128x128xf32, #tpu.memory_space<vmem>> -> memref<128x128xf32, #tpu.memory_space<vmem>>
    %dma_wait3A_767 = arith.constant 0 : i32
    %dma_wait3A_768 = arith.constant 0 : i32
    %dma_wait3A_769 = tpu.memref_slice %arg2[%dma_wait3A_767, %dma_wait3A_768] : memref<200704x128xf32, #tpu.memory_space<hbm>> -> memref<128x128xf32, #tpu.memory_space<hbm>>
    tpu.wait_dma2 semaphore(%arg12 : memref<!tpu.dma_semaphore, #tpu.memory_space<semaphore_mem>>) src(%dma_wait3A_769 : memref<128x128xf32, #tpu.memory_space<hbm>>) dst(%dma_wait3A_766 : memref<128x128xf32, #tpu.memory_space<vmem>>)
    %dma_wait3A_770 = arith.constant 3 : i32
    %dma_wait3A_771 = arith.constant 0 : i32
    %dma_wait3A_772 = arith.constant 0 : i32
    %dma_wait3A_773 = tpu.memref_slice %arg10[%dma_wait3A_770, %dma_wait3A_771, %dma_wait3A_772] : memref<4x128x128xf32, #tpu.memory_space<vmem>> -> memref<1x128x128xf32, #tpu.memory_space<vmem>>
    %dma_wait3A_774 = tpu.memref_squeeze %dma_wait3A_773 : memref<1x128x128xf32, #tpu.memory_space<vmem>> -> memref<128x128xf32, #tpu.memory_space<vmem>>
    %dma_wait3A_775 = arith.constant 0 : i32
    %dma_wait3A_776 = arith.constant 0 : i32
    %dma_wait3A_777 = tpu.memref_slice %arg2[%dma_wait3A_775, %dma_wait3A_776] : memref<200704x128xf32, #tpu.memory_space<hbm>> -> memref<128x128xf32, #tpu.memory_space<hbm>>
    %dma_wait3A_778 = arith.constant 0 : i32
    %dma_wait3A_779 = arith.constant 0 : i32
    %dma_wait3A_780 = tpu.memref_slice %arg10[%dma_wait3A_770, %dma_wait3A_778, %dma_wait3A_779] : memref<4x128x128xf32, #tpu.memory_space<vmem>> -> memref<1x128x128xf32, #tpu.memory_space<vmem>>
    %dma_wait3A_781 = tpu.memref_squeeze %dma_wait3A_780 : memref<1x128x128xf32, #tpu.memory_space<vmem>> -> memref<128x128xf32, #tpu.memory_space<vmem>>
    %dma_wait3A_782 = arith.constant 0 : i32
    %dma_wait3A_783 = arith.constant 0 : i32
    %dma_wait3A_784 = tpu.memref_slice %arg2[%dma_wait3A_782, %dma_wait3A_783] : memref<200704x128xf32, #tpu.memory_space<hbm>> -> memref<128x128xf32, #tpu.memory_space<hbm>>
    tpu.wait_dma2 semaphore(%arg11 : memref<!tpu.dma_semaphore, #tpu.memory_space<semaphore_mem>>) src(%dma_wait3A_784 : memref<128x128xf32, #tpu.memory_space<hbm>>) dst(%dma_wait3A_781 : memref<128x128xf32, #tpu.memory_space<vmem>>)
    %dma_start3A_785 = arith.constant 3 : i32
    %dma_start3A_786 = arith.constant 47 : i32
    %dma_start3A_787 = arith.constant 0 : i32
    %dma_start3A_788 = arith.constant 0 : i32
    %dma_start3A_789 = arith.constant 0 : i32
    %dma_start3A_790 = tpu.memref_slice %arg10[%dma_start3A_785, %dma_start3A_788, %dma_start3A_789] : memref<4x128x128xf32, #tpu.memory_space<vmem>> -> memref<1x128x128xf32, #tpu.memory_space<vmem>>
    %dma_start3A_791 = tpu.memref_squeeze %dma_start3A_790 : memref<1x128x128xf32, #tpu.memory_space<vmem>> -> memref<128x128xf32, #tpu.memory_space<vmem>>
    %dma_start3A_792 = arith.constant 0 : i32
    %dma_start3A_793 = tpu.memref_slice %arg9[%dma_start3A_787, %dma_start3A_792] : memref<1x128xi32, #tpu.memory_space<vmem>> -> memref<1x128xi32, #tpu.memory_space<vmem>>
    %dma_start3A_794 = tpu.memref_squeeze %dma_start3A_793 : memref<1x128xi32, #tpu.memory_space<vmem>> -> memref<128xi32, #tpu.memory_space<vmem>>
    %dma_start3A_795 = arith.constant 0 : i32
    %dma_start3A_796 = arith.constant 0 : i32
    %dma_start3A_797 = tpu.memref_slice %arg4[%dma_start3A_786, %dma_start3A_795, %dma_start3A_796] : memref<49x4096x128xf32, #tpu.memory_space<hbm>> -> memref<1x4096x128xf32, #tpu.memory_space<hbm>>
    %dma_start3A_798 = tpu.memref_squeeze %dma_start3A_797 : memref<1x4096x128xf32, #tpu.memory_space<hbm>> -> memref<4096x128xf32, #tpu.memory_space<hbm>>
    %dma_start3A_799 = arith.constant 0 : i32
    %dma_start3A_800 = arith.constant 0 : i32
    %dma_start3A_801 = tpu.memref_slice %dma_start3A_798[%dma_start3A_799, %dma_start3A_800] : memref<4096x128xf32, #tpu.memory_space<hbm>> -> memref<4096x128xf32, #tpu.memory_space<hbm>>
    tpu.enqueue_indirect_dma source(%dma_start3A_791 : memref<128x128xf32, #tpu.memory_space<vmem>>) target(%dma_start3A_801 : memref<4096x128xf32, #tpu.memory_space<hbm>>) offsets(%dma_start3A_794 : memref<128xi32, #tpu.memory_space<vmem>>) semaphore(%arg12 : memref<!tpu.dma_semaphore, #tpu.memory_space<semaphore_mem>>)
    %dma_wait3A_802 = arith.constant 2 : i32
    %dma_wait3A_803 = arith.constant 0 : i32
    %dma_wait3A_804 = arith.constant 0 : i32
    %dma_wait3A_805 = tpu.memref_slice %arg10[%dma_wait3A_802, %dma_wait3A_803, %dma_wait3A_804] : memref<4x128x128xf32, #tpu.memory_space<vmem>> -> memref<1x128x128xf32, #tpu.memory_space<vmem>>
    %dma_wait3A_806 = tpu.memref_squeeze %dma_wait3A_805 : memref<1x128x128xf32, #tpu.memory_space<vmem>> -> memref<128x128xf32, #tpu.memory_space<vmem>>
    %dma_wait3A_807 = arith.constant 0 : i32
    %dma_wait3A_808 = arith.constant 0 : i32
    %dma_wait3A_809 = tpu.memref_slice %arg2[%dma_wait3A_807, %dma_wait3A_808] : memref<200704x128xf32, #tpu.memory_space<hbm>> -> memref<128x128xf32, #tpu.memory_space<hbm>>
    %dma_wait3A_810 = arith.constant 0 : i32
    %dma_wait3A_811 = arith.constant 0 : i32
    %dma_wait3A_812 = tpu.memref_slice %arg10[%dma_wait3A_802, %dma_wait3A_810, %dma_wait3A_811] : memref<4x128x128xf32, #tpu.memory_space<vmem>> -> memref<1x128x128xf32, #tpu.memory_space<vmem>>
    %dma_wait3A_813 = tpu.memref_squeeze %dma_wait3A_812 : memref<1x128x128xf32, #tpu.memory_space<vmem>> -> memref<128x128xf32, #tpu.memory_space<vmem>>
    %dma_wait3A_814 = arith.constant 0 : i32
    %dma_wait3A_815 = arith.constant 0 : i32
    %dma_wait3A_816 = tpu.memref_slice %arg2[%dma_wait3A_814, %dma_wait3A_815] : memref<200704x128xf32, #tpu.memory_space<hbm>> -> memref<128x128xf32, #tpu.memory_space<hbm>>
    tpu.wait_dma2 semaphore(%arg12 : memref<!tpu.dma_semaphore, #tpu.memory_space<semaphore_mem>>) src(%dma_wait3A_816 : memref<128x128xf32, #tpu.memory_space<hbm>>) dst(%dma_wait3A_813 : memref<128x128xf32, #tpu.memory_space<vmem>>)
    %dma_wait3A_817 = arith.constant 0 : i32
    %dma_wait3A_818 = arith.constant 0 : i32
    %dma_wait3A_819 = arith.constant 0 : i32
    %dma_wait3A_820 = tpu.memref_slice %arg10[%dma_wait3A_817, %dma_wait3A_818, %dma_wait3A_819] : memref<4x128x128xf32, #tpu.memory_space<vmem>> -> memref<1x128x128xf32, #tpu.memory_space<vmem>>
    %dma_wait3A_821 = tpu.memref_squeeze %dma_wait3A_820 : memref<1x128x128xf32, #tpu.memory_space<vmem>> -> memref<128x128xf32, #tpu.memory_space<vmem>>
    %dma_wait3A_822 = arith.constant 0 : i32
    %dma_wait3A_823 = arith.constant 0 : i32
    %dma_wait3A_824 = tpu.memref_slice %arg2[%dma_wait3A_822, %dma_wait3A_823] : memref<200704x128xf32, #tpu.memory_space<hbm>> -> memref<128x128xf32, #tpu.memory_space<hbm>>
    %dma_wait3A_825 = arith.constant 0 : i32
    %dma_wait3A_826 = arith.constant 0 : i32
    %dma_wait3A_827 = tpu.memref_slice %arg10[%dma_wait3A_817, %dma_wait3A_825, %dma_wait3A_826] : memref<4x128x128xf32, #tpu.memory_space<vmem>> -> memref<1x128x128xf32, #tpu.memory_space<vmem>>
    %dma_wait3A_828 = tpu.memref_squeeze %dma_wait3A_827 : memref<1x128x128xf32, #tpu.memory_space<vmem>> -> memref<128x128xf32, #tpu.memory_space<vmem>>
    %dma_wait3A_829 = arith.constant 0 : i32
    %dma_wait3A_830 = arith.constant 0 : i32
    %dma_wait3A_831 = tpu.memref_slice %arg2[%dma_wait3A_829, %dma_wait3A_830] : memref<200704x128xf32, #tpu.memory_space<hbm>> -> memref<128x128xf32, #tpu.memory_space<hbm>>
    tpu.wait_dma2 semaphore(%arg11 : memref<!tpu.dma_semaphore, #tpu.memory_space<semaphore_mem>>) src(%dma_wait3A_831 : memref<128x128xf32, #tpu.memory_space<hbm>>) dst(%dma_wait3A_828 : memref<128x128xf32, #tpu.memory_space<vmem>>)
    %dma_start3A_832 = arith.constant 0 : i32
    %dma_start3A_833 = arith.constant 48 : i32
    %dma_start3A_834 = arith.constant 0 : i32
    %dma_start3A_835 = arith.constant 0 : i32
    %dma_start3A_836 = arith.constant 0 : i32
    %dma_start3A_837 = tpu.memref_slice %arg10[%dma_start3A_832, %dma_start3A_835, %dma_start3A_836] : memref<4x128x128xf32, #tpu.memory_space<vmem>> -> memref<1x128x128xf32, #tpu.memory_space<vmem>>
    %dma_start3A_838 = tpu.memref_squeeze %dma_start3A_837 : memref<1x128x128xf32, #tpu.memory_space<vmem>> -> memref<128x128xf32, #tpu.memory_space<vmem>>
    %dma_start3A_839 = arith.constant 0 : i32
    %dma_start3A_840 = tpu.memref_slice %arg9[%dma_start3A_834, %dma_start3A_839] : memref<1x128xi32, #tpu.memory_space<vmem>> -> memref<1x128xi32, #tpu.memory_space<vmem>>
    %dma_start3A_841 = tpu.memref_squeeze %dma_start3A_840 : memref<1x128xi32, #tpu.memory_space<vmem>> -> memref<128xi32, #tpu.memory_space<vmem>>
    %dma_start3A_842 = arith.constant 0 : i32
    %dma_start3A_843 = arith.constant 0 : i32
    %dma_start3A_844 = tpu.memref_slice %arg4[%dma_start3A_833, %dma_start3A_842, %dma_start3A_843] : memref<49x4096x128xf32, #tpu.memory_space<hbm>> -> memref<1x4096x128xf32, #tpu.memory_space<hbm>>
    %dma_start3A_845 = tpu.memref_squeeze %dma_start3A_844 : memref<1x4096x128xf32, #tpu.memory_space<hbm>> -> memref<4096x128xf32, #tpu.memory_space<hbm>>
    %dma_start3A_846 = arith.constant 0 : i32
    %dma_start3A_847 = arith.constant 0 : i32
    %dma_start3A_848 = tpu.memref_slice %dma_start3A_845[%dma_start3A_846, %dma_start3A_847] : memref<4096x128xf32, #tpu.memory_space<hbm>> -> memref<4096x128xf32, #tpu.memory_space<hbm>>
    tpu.enqueue_indirect_dma source(%dma_start3A_838 : memref<128x128xf32, #tpu.memory_space<vmem>>) target(%dma_start3A_848 : memref<4096x128xf32, #tpu.memory_space<hbm>>) offsets(%dma_start3A_841 : memref<128xi32, #tpu.memory_space<vmem>>) semaphore(%arg12 : memref<!tpu.dma_semaphore, #tpu.memory_space<semaphore_mem>>)
    %dma_wait3A_849 = arith.constant 3 : i32
    %dma_wait3A_850 = arith.constant 0 : i32
    %dma_wait3A_851 = arith.constant 0 : i32
    %dma_wait3A_852 = tpu.memref_slice %arg10[%dma_wait3A_849, %dma_wait3A_850, %dma_wait3A_851] : memref<4x128x128xf32, #tpu.memory_space<vmem>> -> memref<1x128x128xf32, #tpu.memory_space<vmem>>
    %dma_wait3A_853 = tpu.memref_squeeze %dma_wait3A_852 : memref<1x128x128xf32, #tpu.memory_space<vmem>> -> memref<128x128xf32, #tpu.memory_space<vmem>>
    %dma_wait3A_854 = arith.constant 0 : i32
    %dma_wait3A_855 = arith.constant 0 : i32
    %dma_wait3A_856 = tpu.memref_slice %arg2[%dma_wait3A_854, %dma_wait3A_855] : memref<200704x128xf32, #tpu.memory_space<hbm>> -> memref<128x128xf32, #tpu.memory_space<hbm>>
    %dma_wait3A_857 = arith.constant 0 : i32
    %dma_wait3A_858 = arith.constant 0 : i32
    %dma_wait3A_859 = tpu.memref_slice %arg10[%dma_wait3A_849, %dma_wait3A_857, %dma_wait3A_858] : memref<4x128x128xf32, #tpu.memory_space<vmem>> -> memref<1x128x128xf32, #tpu.memory_space<vmem>>
    %dma_wait3A_860 = tpu.memref_squeeze %dma_wait3A_859 : memref<1x128x128xf32, #tpu.memory_space<vmem>> -> memref<128x128xf32, #tpu.memory_space<vmem>>
    %dma_wait3A_861 = arith.constant 0 : i32
    %dma_wait3A_862 = arith.constant 0 : i32
    %dma_wait3A_863 = tpu.memref_slice %arg2[%dma_wait3A_861, %dma_wait3A_862] : memref<200704x128xf32, #tpu.memory_space<hbm>> -> memref<128x128xf32, #tpu.memory_space<hbm>>
    tpu.wait_dma2 semaphore(%arg12 : memref<!tpu.dma_semaphore, #tpu.memory_space<semaphore_mem>>) src(%dma_wait3A_863 : memref<128x128xf32, #tpu.memory_space<hbm>>) dst(%dma_wait3A_860 : memref<128x128xf32, #tpu.memory_space<vmem>>)
    %dma_wait3A_864 = arith.constant 0 : i32
    %dma_wait3A_865 = arith.constant 0 : i32
    %dma_wait3A_866 = arith.constant 0 : i32
    %dma_wait3A_867 = tpu.memref_slice %arg10[%dma_wait3A_864, %dma_wait3A_865, %dma_wait3A_866] : memref<4x128x128xf32, #tpu.memory_space<vmem>> -> memref<1x128x128xf32, #tpu.memory_space<vmem>>
    %dma_wait3A_868 = tpu.memref_squeeze %dma_wait3A_867 : memref<1x128x128xf32, #tpu.memory_space<vmem>> -> memref<128x128xf32, #tpu.memory_space<vmem>>
    %dma_wait3A_869 = arith.constant 0 : i32
    %dma_wait3A_870 = arith.constant 0 : i32
    %dma_wait3A_871 = tpu.memref_slice %arg2[%dma_wait3A_869, %dma_wait3A_870] : memref<200704x128xf32, #tpu.memory_space<hbm>> -> memref<128x128xf32, #tpu.memory_space<hbm>>
    %dma_wait3A_872 = arith.constant 0 : i32
    %dma_wait3A_873 = arith.constant 0 : i32
    %dma_wait3A_874 = tpu.memref_slice %arg10[%dma_wait3A_864, %dma_wait3A_872, %dma_wait3A_873] : memref<4x128x128xf32, #tpu.memory_space<vmem>> -> memref<1x128x128xf32, #tpu.memory_space<vmem>>
    %dma_wait3A_875 = tpu.memref_squeeze %dma_wait3A_874 : memref<1x128x128xf32, #tpu.memory_space<vmem>> -> memref<128x128xf32, #tpu.memory_space<vmem>>
    %dma_wait3A_876 = arith.constant 0 : i32
    %dma_wait3A_877 = arith.constant 0 : i32
    %dma_wait3A_878 = tpu.memref_slice %arg2[%dma_wait3A_876, %dma_wait3A_877] : memref<200704x128xf32, #tpu.memory_space<hbm>> -> memref<128x128xf32, #tpu.memory_space<hbm>>
    tpu.wait_dma2 semaphore(%arg12 : memref<!tpu.dma_semaphore, #tpu.memory_space<semaphore_mem>>) src(%dma_wait3A_878 : memref<128x128xf32, #tpu.memory_space<hbm>>) dst(%dma_wait3A_875 : memref<128x128xf32, #tpu.memory_space<vmem>>)
    return
  }
}

</mosaic_0001>

<sc_bundles>
// kernel: kernel.3.cloned.1.call-start
scs
__scs_entry_jumppad:
0x0: {  	(pc) =	sbr.rel $0x88, $3  }
0x1: {  	(tag) =	ssettag $0x0;
	lr =	simm.s32 $0x1  }
0x2: {  	[smem:$0x3F9F] =	sst lr;
	_ =	strace $0xD0000000  }
0x3: {  	_ = 	snop  }
0x4: {  	_ = 	snop  }
0x5: {  	_ = 	snop  }
0x6: {  	_ = 	snop  }
0x7: {  	_ = 	snop  }
__scs_overlays_trampoline_lowered:
0x8: {  	[smem:$0x3FAE] =	sst s0  }
0x9: {  	[smem:$0x3FAF] =	sst s1  }
0xa: {  	[smem:$0x3FB0] =	sst s2  }
0xb: {  	[smem:$0x3FB1] =	sst s3  }
0xc: {  	[smem:$0x3FB2] =	sst s4  }
0xd: {  	[smem:$0x3FB3] =	sst s5  }
0xe: {  	[smem:$0x3FB4] =	sst s6  }
0xf: {  	[smem:$0x3FB5] =	sst s7  }
0x10: {  	[smem:$0x3FB6] =	sst s8  }
0x11: {  	[smem:$0x3FB7] =	sst s9;
	s0 =	simm.s32 @!p0 $0x0  }
0x12: {  	s1 =	sld [smem:$0x3F9D];
	s0 =	simm.s32 @p0 $0x1  }
0x13: {  	[smem:$0x3FB8] =	sst s0;
	s0 =	simm.s32 @!p1 $0x0  }
0x14: {  	s2 =	sld [smem:$0x3F9C];
	s0 =	simm.s32 @p1 $0x1  }
0x15: {  	[smem:$0x3FB9] =	sst s0;
	s0 =	simm.s32 @!p2 $0x0  }
0x16: {  	s3 =	sld [smem:$0x3FDB];
	s0 =	simm.s32 @p2 $0x1  }
0x17: {  	s4 =	simm.s32 $0x1BF5;
	[smem:$0x3FBB] =	sst s0  }
0x18: {  	s0 =	sld [smem:$0x3F9E];
	_ =	swait.ge [sflag:s4], $0x0  }
0x19: {  	s7 =	sld [smem:$0x3F9F]  }
0x1a: {  	s8 =	sadd.s32 $0xFFFFE003, lr  }
0x1b: {  	s9 =	sadd.s32 $0xFFFFFEF7, lr;
	s5 =	simm.s32 $0xFFFFFFFF;
	p2 =	slt.u32 s8, $0xFFFFF086  }
0x1c: {  	p1 =	slt.u32 s9, $0xF7A;
	s5 =	simm.s32 @!p2 $0x0  }
0x1d: {  	s5 =	simm.s32 @p1 $0x1;
	p0 =	seq.s32 s7, s2  }
0x1e: {  	s7 =	smul.u32 @!p0 $0xF7A, s2;
	p2 =	seq.s32 @!p0 s5, $0x0  }
0x1f: {  	s9 =	smul.u32 $0xF7A, s1;
	s8 =	simm.s32 @!p0 $0x1BF5;
	p2 =	por !p2, p0  }
0x20: {  	[sflag:s8] =	ssyncset.s32 @!p0 $0xFFFFF086;
	s6 =	sadd.s32 @!p0 s3, s7;
	s7 =	simm.s32 @!p0 $0x108  }
0x21: {  	s3 =	sadd.s32 s3, s9;
	s6 =	sadd.s32 @!p0 $0x88, s6;
	s7 =	simm.s32 @p2 $0x1082  }
0x22: {  	[simem:s7], [sflag:s8] =	dma.local @!p0 [hbm:s6], $0xF7A  }
0x23: {  	s9 =	sor.u32 $0xD0000000, s2;
	s6 =	simm.s32 $0x108;
	_ =	swait.ge @!p0 [sflag:s8], $0x0  }
0x24: {  	s3 =	sadd.s32 $0x88, s3;
	s6 =	simm.s32 @!p1 $0x1082;
	[sflag:s4] =	ssyncset.s32 $0xFFFFF086  }
0x25: {  	[simem:s6], [sflag:s4] =	dma.local [hbm:s3], $0xF7A  }
0x26: {  	[smem:$0x3F9F] =	sst s1;
	(tag) =	ssettag s2;
	_ =	strace s9  }
0x27: {  	s1 =	sld [smem:$0x3FAF]  }
0x28: {  	s2 =	sld [smem:$0x3FB0]  }
0x29: {  	s4 =	sld [smem:$0x3FB2]  }
0x2a: {  	p0 =	seq.s32 s5, $0x0;
	s5 =	sld [smem:$0x3FB3]  }
0x2b: {  	s6 =	sld [smem:$0x3FB4]  }
0x2c: {  	s7 =	sld [smem:$0x3FB5]  }
0x2d: {  	s3 =	simm.s32 $0x108;
	s8 =	sld [smem:$0x3FB6]  }
0x2e: {  	s3 =	simm.s32 @!p0 $0x1082;
	s9 =	sld [smem:$0x3FB7]  }
0x2f: {  	lr =	sadd.s32 s0, s3;
	s0 =	sld [smem:$0x3FAE]  }
0x30: {  	s3 =	sld [smem:$0x3FB1]  }
0x31: {  	[smem:$0x3FBA] =	sst s10  }
0x32: {  	s10 =	sld [smem:$0x3FB8];
	_ =	sdelay $0x3  }
0x33: {  	p0 =	seq.s32 s10, $0x1;
	s10 =	sld [smem:$0x3FBA];
	_ =	sdelay $0x3  }
0x34: {  	[smem:$0x3FBA] =	sst s10  }
0x35: {  	s10 =	sld [smem:$0x3FB9];
	_ =	sdelay $0x3  }
0x36: {  	p1 =	seq.s32 s10, $0x1;
	s10 =	sld [smem:$0x3FBA];
	_ =	sdelay $0x3  }
0x37: {  	[smem:$0x3FBA] =	sst s10  }
0x38: {  	s10 =	sld [smem:$0x3FBB]  }
0x39: {  	_ = 	snop;
	(pc) =	sbr.ind lr, $3  }
0x3a: {  	_ = 	snop  }
0x3b: {  	_ = 	snop  }
0x3c: {  	p2 =	seq.s32 s10, $0x1;
	s10 =	sld [smem:$0x3FBA]  }
0x3d: {  	_ =	shalt  }
0x3e: {  	_ =	shalt  }
0x3f: {  	_ =	shalt  }
0x40: {  	_ =	shalt  }
0x41: {  	_ =	shalt  }
0x42: {  	_ =	shalt  }
0x43: {  	_ =	shalt  }
0x44: {  	_ =	shalt  }
0x45: {  	_ =	shalt  }
0x46: {  	_ =	shalt  }
0x47: {  	_ =	shalt  }
0x48: {  	_ =	shalt  }
0x49: {  	_ =	shalt  }
0x4a: {  	_ =	shalt  }
0x4b: {  	_ =	shalt  }
0x4c: {  	_ =	shalt  }
0x4d: {  	_ =	shalt  }
0x4e: {  	_ =	shalt  }
0x4f: {  	_ =	shalt  }
0x50: {  	_ =	shalt  }
0x51: {  	_ =	shalt  }
0x52: {  	_ =	shalt  }
0x53: {  	_ =	shalt  }
0x54: {  	_ =	shalt  }
0x55: {  	_ =	shalt  }
0x56: {  	_ =	shalt  }
0x57: {  	_ =	shalt  }
0x58: {  	_ =	shalt  }
0x59: {  	_ =	shalt  }
0x5a: {  	_ =	shalt  }
0x5b: {  	_ =	shalt  }
0x5c: {  	_ =	shalt  }
0x5d: {  	_ =	shalt  }
0x5e: {  	_ =	shalt  }
0x5f: {  	_ =	shalt  }
0x60: {  	_ =	shalt  }
0x61: {  	_ =	shalt  }
0x62: {  	_ =	shalt  }
0x63: {  	_ =	shalt  }
0x64: {  	_ =	shalt  }
0x65: {  	_ =	shalt  }
0x66: {  	_ =	shalt  }
0x67: {  	_ =	shalt  }
0x68: {  	_ =	shalt  }
0x69: {  	_ =	shalt  }
0x6a: {  	_ =	shalt  }
0x6b: {  	_ =	shalt  }
0x6c: {  	_ =	shalt  }
0x6d: {  	_ =	shalt  }
0x6e: {  	_ =	shalt  }
0x6f: {  	_ =	shalt  }
0x70: {  	_ =	shalt  }
0x71: {  	_ =	shalt  }
0x72: {  	_ =	shalt  }
0x73: {  	_ =	shalt  }
0x74: {  	_ =	shalt  }
0x75: {  	_ =	shalt  }
0x76: {  	_ =	shalt  }
0x77: {  	_ =	shalt  }
0x78: {  	_ =	shalt  }
0x79: {  	_ =	shalt  }
0x7a: {  	_ =	shalt  }
0x7b: {  	_ =	shalt  }
0x7c: {  	_ =	shalt  }
0x7d: {  	_ =	shalt  }
0x7e: {  	_ =	shalt  }
0x7f: {  	_ =	shalt  }
0x80: {  	_ =	shalt  }
0x81: {  	_ =	shalt  }
0x82: {  	_ =	shalt  }
0x83: {  	_ =	shalt  }
0x84: {  	_ =	shalt  }
0x85: {  	_ =	shalt  }
0x86: {  	_ =	shalt  }
0x87: {  	_ =	shalt  }
.Lfunc_end0:
.L_simem_size_0:
called_computation_lowered:
.L_overlay_start_0:
0x88: {  	s2 =	sld [smem:$0x3FD9]  }
0x89: {  	s3 =	sld [smem:$0x3FFE];
	_ =	sdelay $0x1  }
0x8a: {  	s1 =	srdreg.scid  }
0x8b: {  	s0 =	sand.u32 $0x1, s1  }
0x8c: {  	s18 =	sshll.u32 s0, $0xA;
	s2 =	sadd.s32 s3, s2  }
0x8d: {  	s2 =	sadd.s32 s2, s18  }
0x8e: {  	[smem:$0x3FC6] =	sst s2  }
0x8f: {  	_ = 	snop  }
0x90: {  	s2 =	sld [smem:$0x3FC9]  }
0x91: {  	s19 =	sld [smem:$0x3FC8]  }
0x92: {  	s4 =	sld [smem:$0x3FD0];
	(tm) =	ssettm $0x1  }
0x93: {  	s5 =	sld [smem:$0x3FFB];
	_ =	sdelay $0x3  }
0x94: {  	_ =	strace s5  }
0x95: {  	s5 =	sld [smem:$0x3FFC];
	_ =	sdelay $0x3  }
0x96: {  	_ =	strace s5  }
0x97: {  	s5 =	sld [smem:$0x3FFD];
	_ =	sdelay $0x3  }
0x98: {  	_ =	strace s5  }
0x99: {  	_ =	strace $0x8FFFFFFF  }
0x9a: {  	s20 =	sld [smem:$0x3FDB];
	_ =	sdelay $0x1  }
0x9b: {  	s6 =	simm.s32 $_scs_section_size  }
0x9c: {  	s7 =	simm.s32 $_size__tile_overlayer_lowered;
	s8 =	simm.s32 $_tile_overlayer_lowered  }
0x9d: {  	s23 =	simm.s32 $0x1BFF;
	s22 =	sshll.u32 s8, $0x1;
	s5 =	sadd.s32 s6, s20  }
0x9e: {  	s9 =	simm.s32 $0x0;
	s21 =	sshll.u32 s7, $0x1;
	s7 =	sadd.s32 s22, s5  }
0x9f: {  	[timem:s9], [sflag:s23] =	dma.local [hbm:s7], s21  }
0xa0: {  	_ =	swait.ge [sflag:s23], s21  }
0xa1: {  	s6 =	ssub.s32 $0x0, s21;
	[sflag:s23] =	ssyncset.done $0x0  }
0xa2: {  	[sflag:s23] =	ssyncadd.s32 s6;
	_ =	sdelay $0x1  }
0xa3: {  	s24 =	simm.s32 $0x1B8B  }
0xa4: {  	_ =	swait.ge [sflag:s24], $0x1  }
0xa5: {  	[sflag:s24] =	ssyncset.done $0x0  }
0xa6: {  	s25 =	simm.s32 $0x1B8E;
	[sflag:s24] =	ssyncadd.s32 $0xFFFFFFFF  }
0xa7: {  	s26 =	simm.s32 $execute0_lowered;
	[smem:$0x3FD2] =	sst s25  }
0xa8: {  	s6 =	sshll.u32 s26, $0x1;
	_ =	strace $0x80000046;
	[dreg:$0x1] =	wrdreg $0xFFFFFFFF  }
0xa9: {  	s28 =	simm.s32 $_size_execute0_lowered;
	s5 =	sadd.s32 s5, s6;
	[dreg:$0x0] =	wrdreg $0x0  }
0xaa: {  	s6 =	sshll.u32 s28, $0x1;
	[dreg:$0x2] =	wrdreg s5  }
0xab: {  	[dreg:$0x3] =	wrdreg s6  }
0xac: {  	[dreg:$0x4] =	wrdreg $0xC0  }
0xad: {  	_ =	task [dreg:s9], $0x5FFFF  }
0xae: {  	[dreg:$0x1] =	wrdreg $0xFFFFFFFF  }
0xaf: {  	[dreg:$0x0] =	wrdreg $0x60  }
0xb0: {  	[dreg:$0x2] =	wrdreg s2  }
0xb1: {  	[dreg:$0x3] =	wrdreg s19  }
0xb2: {  	[dreg:$0x4] =	wrdreg s4  }
0xb3: {  	[dreg:$0x5] =	wrdreg $0x9  }
0xb4: {  	_ =	task.clear_ibuf [dreg:s9], $0x6FFFF;
	_ =	strace $0x90000046  }
0xb5: {  	s29 =	simm.s32 $0x9;
	_ =	strace $0x80000048  }
0xb6: {  	_ =	swait.ge [sflag:s29], $0x1  }
0xb7: {  	[sflag:s29] =	ssyncadd.s32 $0xFFFFFFFF  }
0xb8: {  	_ =	strace $0x90000048  }
0xb9: {  	_ =	sfence  }
0xba: {  	s30 =	sld [smem:$0x0];
	_ =	sdelay $0x2  }
0xbb: {  	s31 =	sshll.u32 s1, $0xD;
	s1 =	sshrl.u32 s1, $0x2  }
0xbc: {  	s3 =	sand.u32 $0x4000, s31;
	s1 =	sadd.s32 s1, s30  }
0xbd: {  	s0 =	sor.u32 s3, s0;
	s1 =	sshll.u32 s1, $0x11  }
0xbe: {  	s0 =	sor.u32 s1, s0  }
0xbf: {  	s0 =	sadd.s32 $0x8F2B, s0  }
0xc0: {  	[sflag:s0] =	ssyncadd.remote.s32 $0x1  }
0xc1: {  	_ =	sfence.sel $0xFFFF  }
0xc2: {  	[dreg:$0x0] =	wrdreg $0xFFFFFFFF;
	(pc) =	sbr.abs _section_cstart, $3  }
0xc3: {  	[dreg:$0x1] =	wrdreg $0xFFFFFFFF  }
0xc4: {  	_ =	task.clear_ibuf [dreg:s9], $0x2FFFF;
	_ =	strace $0x9FFFFFFF  }
0xc5: {  	(tm) =	ssettm $0x7FFFFFFF  }
tec
execute0_lowered:
.L_overlay_start_1:
0x0: {  	(tag) =	ssettag $0x1  }
0x1: {  	s0 =	rddreg [dreg:$0x0]  }
0x2: {  	s1 =	srdreg.scid;
	s16 =	rddreg [dreg:$0x2]  }
0x3: {  	s3 =	stileid.u32;
	s4 =	simm.s32 $0x0;
	s17 =	simm.s32 $0x3  }
0x4: {  	s18 =	simm.s32 $0xA180;
	s20 =	simm.s32 $0x12180;
	s21 =	simm.s32 $0x1000  }
0x5: {  	s22 =	simm.s32 $0x9000;
	s23 =	simm.s32 $0xA000;
	s24 =	simm.s32 $0xA100  }
0x6: {  	s25 =	simm.s32 $0x1;
	s26 =	simm.s32 $0x80;
	s28 =	simm.s32 $0x16180  }
0x7: {  	s29 =	simm.s32 $0x2;
	s30 =	simm.s32 $0x0;
	s1 =	sand.u32 $0x1, s1  }
0x8: {  	s2 =	sshll.u32 s3, $0x8;
	[smem:$0x7FF] =	sst s4;
	s10 =	sadd.s32 $0x2E0000, s16  }
0x9: {  	s11 =	sadd.s32 $0x2F0000, s16;
	s12 =	sadd.s32 $0x300000, s16;
	s13 =	sshll.u32 s3, $0xA  }
0xa: {  	s15 =	sshll.u32 s3, $0xC;
	s5 =	sshll.u32 s1, $0x7;
	s6 =	ssub.s32 $0x2, s1  }
0xb: {  	v26 =	vlaneseq.u32;
	_ =	strace $0x80000047;
	s14 =	sshll.u32 s1, $0x9;
	s15 =	sadd.s32 s15, s0  }
0xc: {  	v0 =	vand.u32 $0x7, v26;
	v3 =	vmul.u32 $0x100, v26;
	s1 =	sshll.u32 s1, $0xB;
	s5 =	sor.u32 s5, s2;
	s31 =	sshrl.u32 s6, $0x1  }
0xd: {  	v6 =	vmul.u32 $0x1000, v0;
	s14 =	sor.u32 s14, s13;
	s1 =	sadd.s32 s1, s15;
	s15 =	sadd.s32 $0x10000, s16  }
0xe: {  	[tilespmem:$0x1FFF0] =	vst v3;
	s7 =	sshll.u32 s5, $0x4;
	s2 =	ssub.s32 s6, s31;
	s16 =	sadd.s32 $0x40000, s1  }
0xf: {  	v1 =	vimm.s32 $0x0;
	v5 =	vmov s5;
	[tilespmem:$0x1FFE0] =	vst v6;
	s6 =	sadd.s32 s0, s7;
	s13 =	smax.u32 s2, $0x1;
	s0 =	sshrl.u32 s14, $0x2  }
0x10: {  	vm0 =	vmmov $0xff;
	v7 =	vimm.s32 $0x1;
	vm1 =	vcmask $0x3F20;
	[tilespmem:$0x1FFD0] =	vst v5;
	s7 =	sadd.s32 $0x10000, s6;
	s8 =	sadd.s32 $0x20000, s6;
	s9 =	sadd.s32 $0x30000, s6  }
.LBB2_1:
0x11: {  	s1 =	rddreg [dreg:$0x1]  }
0x12: {  	[tilespmem:s4], [sflag:$0x3] =	stream.linear.gather [hbm4b:s1+s4], $0x1000, $0x38;
	[tilespmem:$0x1A180] =	vst v63  }
0x13: {  	_ =	swait.ge [sflag:s17], $0x1000  }
0x14: {  	[sflag:s17] =	ssyncset.done $0x0  }
0x15: {  	[sflag:s17] =	ssyncadd.s32 $0xFFFFF000  }
0x16: {  	[tilespmem:s18], [sflag:$0x1] =	stream.linear.gather [hbm4b:s6+s4], $0x4000, $0x38;
	[tilespmem:$0x1A180] =	vst v63  }
0x17: {  	s31 =	simm.s32 $0xE180  }
0x18: {  	[tilespmem:s31], [sflag:$0x1] =	stream.linear.gather [hbm4b:s7+s4], $0x4000, $0x38;
	[tilespmem:$0x1A180] =	vst v63  }
0x19: {  	s2 =	simm.s32 $0x0;
	s1 =	simm.s32 $0x400  }
0x1a: {  	[tilespmem:s20], [sflag:$0x1] =	stream.linear.gather [hbm4b:s8+s4], $0x4000, $0x38;
	[tilespmem:$0x1A180] =	vst v63  }
.LBB2_2:
0x1b: {  	p0 =	sne.s32 s1, $0x1FC00;
	[tilespmem:s2+$0x10F0] =	vst v1  }
0x1c: {  	[tilespmem:s2+$0x1000] =	vst v1  }
0x1d: {  	[tilespmem:s2+$0x1010] =	vst v1  }
0x1e: {  	[tilespmem:s2+$0x1020] =	vst v1  }
0x1f: {  	[tilespmem:s2+$0x1030] =	vst v1  }
0x20: {  	[tilespmem:s2+$0x1040] =	vst v1  }
0x21: {  	[tilespmem:s2+$0x1050] =	vst v1  }
0x22: {  	[tilespmem:s2+$0x1060] =	vst v1  }
0x23: {  	[tilespmem:s2+$0x1070] =	vst v1  }
0x24: {  	[tilespmem:s2+$0x1080] =	vst v1  }
0x25: {  	[tilespmem:s2+$0x1090] =	vst v1  }
.Ltmp0:
0x26: {  	[tilespmem:s2+$0x10A0] =	vst v1;
	(pc) =	sbr.rel @p0 .LBB2_2-.Ltmp0, $4  }
0x27: {  	[tilespmem:s2+$0x10B0] =	vst v1  }
0x28: {  	[tilespmem:s2+$0x10C0] =	vst v1  }
0x29: {  	[tilespmem:s2+$0x10D0] =	vst v1  }
0x2a: {  	[tilespmem:s2+$0x10E0] =	vst v1;
	s2 =	sshra.s32 s1, $0x2;
	s1 =	sadd.s32 $0x400, s1  }
0x2b: {  	[tilespmem:s2+$0x10F0] =	vst v1  }
0x2c: {  	[tilespmem:s2+$0x1000] =	vst v1  }
0x2d: {  	[tilespmem:s2+$0x1010] =	vst v1  }
0x2e: {  	[tilespmem:s2+$0x1020] =	vst v1  }
0x2f: {  	[tilespmem:s2+$0x1030] =	vst v1  }
0x30: {  	[tilespmem:s2+$0x1040] =	vst v1  }
0x31: {  	[tilespmem:s2+$0x1050] =	vst v1  }
0x32: {  	[tilespmem:s2+$0x1060] =	vst v1  }
0x33: {  	[tilespmem:s2+$0x1070] =	vst v1  }
0x34: {  	[tilespmem:s2+$0x1080] =	vst v1  }
0x35: {  	[tilespmem:s2+$0x1090] =	vst v1  }
0x36: {  	[tilespmem:s2+$0x10A0] =	vst v1  }
0x37: {  	[tilespmem:s2+$0x10B0] =	vst v1  }
0x38: {  	[tilespmem:s2+$0x10C0] =	vst v1  }
0x39: {  	[tilespmem:s2+$0x10D0] =	vst v1  }
0x3a: {  	s1 =	simm.s32 $0x0;
	[tilespmem:s2+$0x10E0] =	vst v1;
	s14 =	simm.s32 $0x100;
	s2 =	simm.s32 $0x0  }
.LBB2_4:
0x3b: {  	p0 =	sne.s32 s14, $0x3F00;
	[tilespmem:s2+$0x9030] =	vst v1;
	s19 =	smov.u32 s14;
	s14 =	sadd.s32 $0x100, s14  }
.Ltmp1:
0x3c: {  	[tilespmem:s2+$0x9020] =	vst v1;
	(pc) =	sbr.rel @p0 .LBB2_4-.Ltmp1, $3  }
0x3d: {  	[tilespmem:s2+$0x9000] =	vst v1  }
0x3e: {  	[tilespmem:s2+$0x9010] =	vst v1;
	_ =	sdelay $0x1  }
0x3f: {  	s2 =	sshra.s32 s19, $0x2  }
0x40: {  	[tilespmem:s2+$0x9030] =	vst v1  }
0x41: {  	[tilespmem:s2+$0x9020] =	vst v1  }
0x42: {  	[tilespmem:s2+$0x9000] =	vst v1  }
0x43: {  	[tilespmem:s2+$0x9010] =	vst v1  }
0x44: {  	s2 =	simm.s32 $0x10;
	s14 =	simm.s32 $0x0;
	v0 =	vld [tilespmem:s1+$0x0]  }
.LBB2_6:
0x45: {  	p0 =	sne.s32 s2, $0xFF0;
	_ =	sdelay $0x1  }
0x46: {  	v1 =	vor.u32 s1, v26;
	s1 =	smov.u32 s2  }
0x47: {  	vm2 =	vlt.u32 v1, v5  }
0x48: {  	vm3 =	vmand vm2, vm0;
	v1 =	vshrl.u32 v0, $0x4  }
0x49: {  	vm2 =	vmand vm2, vm1;
	v0 =	vadd.s32 v6, v0;
	v2 =	vadd.s32 v3, v1  }
0x4a: {  	v1 =	vand.u32 $0x7F, v1;
	v2 =	vand.u32 $0x1FFFFF80, v2  }
0x4b: {  	v1 =	vor.u32 v1, v2;
	_ =	sdelay $0x1  }
.Ltmp2:
0x4c: {  	(pc) =	sbr.rel @p0 .LBB2_6-.Ltmp2, $4  }
0x4d: {  	[tilespmem:v0+s21+$0x0] =	vst.idx.add.s32.msk vm3, v7  }
0x4e: {  	[tilespmem:v0+s21+$0x0] =	vst.idx.add.s32.msk vm2, v7  }
0x4f: {  	s14 =	sadd.s32 $0x10, s14;
	[tilespmem:v1+s22+$0x0] =	vst.idx.add.s32.msk $0xffff, v7  }
0x50: {  	s2 =	sadd.s32 $0x10, s2;
	v0 =	vld [tilespmem:s14+$0x0]  }
0x51: {  	_ =	sdelay $0x1  }
0x52: {  	v1 =	vor.u32 s1, v26  }
0x53: {  	vm2 =	vlt.u32 v1, v5  }
0x54: {  	vm3 =	vmand vm2, vm0;
	v44 =	vshrl.u32 v0, $0x4  }
0x55: {  	vm2 =	vmand vm2, vm1;
	v45 =	vadd.s32 v6, v0;
	v2 =	vadd.s32 v3, v44  }
0x56: {  	v1 =	vand.u32 $0x7F, v44;
	v2 =	vand.u32 $0x1FFFFF80, v2  }
0x57: {  	v1 =	vor.u32 v1, v2;
	_ =	sdelay $0x2  }
0x58: {  	[tilespmem:v45+s21+$0x0] =	vst.idx.add.s32.msk vm3, v7  }
0x59: {  	[tilespmem:v45+s21+$0x0] =	vst.idx.add.s32.msk vm2, v7  }
0x5a: {  	[tilespmem:v1+s22+$0x0] =	vst.idx.add.s32.msk $0xffff, v7  }
0x5b: {  	v63 =	vld [tilespmem:s5+$0x0];
	_ =	sdelay $0x4  }
0x5c: {  	v3 =	vadd.s32 $0x4000, v63  }
0x5d: {  	v4 =	vadd.s32 $0x5000, v63;
	_ =	sdelay $0x2  }
0x5e: {  	v62 =	vld [tilespmem:s5+$0x10]  }
0x5f: {  	v3 =	vld.idx.msk [tilespmem:v3+s21+$0x0], $0xffff  }
0x60: {  	v4 =	vld.idx.msk [tilespmem:v4+s21+$0x0], $0xffff;
	_ =	sdelay $0x3  }
0x61: {  	[tilespmem:$0x1FC00] =	vst v3;
	v3 =	vadd.s32 $0x2000, v62  }
0x62: {  	[tilespmem:$0x1FC10] =	vst v4;
	v4 =	vadd.s32 $0x3000, v62;
	_ =	sdelay $0x2  }
0x63: {  	v61 =	vld [tilespmem:s5+$0x20]  }
0x64: {  	v3 =	vld.idx.msk [tilespmem:v3+s21+$0x0], $0xffff  }
0x65: {  	v4 =	vld.idx.msk [tilespmem:v4+s21+$0x0], $0xffff;
	_ =	sdelay $0x3  }
0x66: {  	[tilespmem:$0x1FC50] =	vst v3;
	v3 =	vadd.s32 $0x7000, v62  }
0x67: {  	[tilespmem:$0x1FC60] =	vst v4;
	v4 =	vadd.s32 $0x1000, v61;
	_ =	sdelay $0x3  }
0x68: {  	v3 =	vld.idx.msk [tilespmem:v3+s21+$0x0], $0xffff  }
0x69: {  	v4 =	vld.idx.msk [tilespmem:v4+s21+$0x0], $0xffff;
	_ =	sdelay $0x3  }
0x6a: {  	[tilespmem:$0x1FCA0] =	vst v3;
	v3 =	vadd.s32 $0x5000, v61  }
0x6b: {  	[tilespmem:$0x1FCB0] =	vst v4;
	v4 =	vadd.s32 $0x6000, v61;
	_ =	sdelay $0x2  }
0x6c: {  	v60 =	vld [tilespmem:s5+$0x30]  }
0x6d: {  	v3 =	vld.idx.msk [tilespmem:v3+s21+$0x0], $0xffff  }
0x6e: {  	v4 =	vld.idx.msk [tilespmem:v4+s21+$0x0], $0xffff;
	_ =	sdelay $0x3  }
0x6f: {  	[tilespmem:$0x1FCF0] =	vst v3;
	v3 =	vadd.s32 $0x3000, v60  }
0x70: {  	[tilespmem:$0x1FD00] =	vst v4;
	v4 =	vadd.s32 $0x4000, v60;
	_ =	sdelay $0x2  }
0x71: {  	v59 =	vld [tilespmem:s5+$0x40];
	v46 =	vadd.s32 $0x1000, v63  }
0x72: {  	v3 =	vld.idx.msk [tilespmem:v3+s21+$0x0], $0xffff  }
0x73: {  	v4 =	vld.idx.msk [tilespmem:v4+s21+$0x0], $0xffff;
	_ =	sdelay $0x1  }
0x74: {  	v47 =	vadd.s32 $0x2000, v63  }
0x75: {  	v10 =	vadd.s32 $0x6000, v63;
	v0 =	vld.idx.msk [tilespmem:v46+s21+$0x0], $0xffff  }
0x76: {  	[tilespmem:$0x1FD40] =	vst v3;
	v3 =	vadd.s32 $0x1000, v59  }
0x77: {  	v58 =	vld [tilespmem:s5+$0x50];
	[tilespmem:$0x1FD50] =	vst v4;
	v4 =	vadd.s32 $0x2000, v59  }
0x78: {  	v54 =	vld [tilespmem:s5+$0x60];
	v9 =	vadd.s32 $0x3000, v63  }
0x79: {  	v11 =	vadd.s32 $0x7000, v63;
	v1 =	vld.idx.msk [tilespmem:v47+s21+$0x0], $0xffff  }
0x7a: {  	v13 =	vadd.s32 $0x4000, v62;
	[tilespmem:$0x1FBD0] =	vst v0;
	v0 =	vld.idx.msk [tilespmem:v10+s21+$0x0], $0xffff  }
0x7b: {  	v3 =	vld.idx.msk [tilespmem:v3+s21+$0x0], $0xffff  }
0x7c: {  	v4 =	vld.idx.msk [tilespmem:v4+s21+$0x0], $0xffff  }
0x7d: {  	v12 =	vadd.s32 $0x1000, v62;
	v2 =	vld.idx.msk [tilespmem:v9+s21+$0x0], $0xffff  }
0x7e: {  	v14 =	vadd.s32 $0x5000, v62;
	[tilespmem:$0x1FBE0] =	vst v1;
	v1 =	vld.idx.msk [tilespmem:v11+s21+$0x0], $0xffff  }
0x7f: {  	v16 =	vadd.s32 $0x2000, v61;
	[tilespmem:$0x1FC20] =	vst v0;
	v0 =	vld.idx.msk [tilespmem:v13+s21+$0x0], $0xffff  }
0x80: {  	v49 =	vld [tilespmem:s5+$0x70];
	[tilespmem:$0x1FD90] =	vst v3;
	v3 =	vadd.s32 $0x6000, v59  }
0x81: {  	v48 =	vld.idx.msk [tilespmem:v63+s21+$0x0], $0xffff;
	[tilespmem:$0x1FDA0] =	vst v4;
	v4 =	vadd.s32 $0x7000, v59  }
0x82: {  	v15 =	vadd.s32 $0x6000, v62;
	[tilespmem:$0x1FBF0] =	vst v2;
	v2 =	vld.idx.msk [tilespmem:v12+s21+$0x0], $0xffff  }
0x83: {  	v17 =	vadd.s32 $0x3000, v61;
	[tilespmem:$0x1FC30] =	vst v1;
	v1 =	vld.idx.msk [tilespmem:v14+s21+$0x0], $0xffff  }
0x84: {  	v19 =	vadd.s32 $0x7000, v61;
	[tilespmem:$0x1FC70] =	vst v0;
	v0 =	vld.idx.msk [tilespmem:v16+s21+$0x0], $0xffff  }
0x85: {  	v3 =	vld.idx.msk [tilespmem:v3+s21+$0x0], $0xffff  }
0x86: {  	[tilespmem:$0x1FF50] =	vst v48;
	v4 =	vld.idx.msk [tilespmem:v4+s21+$0x0], $0xffff  }
0x87: {  	v18 =	vadd.s32 $0x4000, v61;
	[tilespmem:$0x1FC40] =	vst v2;
	v2 =	vld.idx.msk [tilespmem:v15+s21+$0x0], $0xffff  }
0x88: {  	v20 =	vadd.s32 $0x1000, v60;
	[tilespmem:$0x1FC80] =	vst v1;
	v1 =	vld.idx.msk [tilespmem:v17+s21+$0x0], $0xffff  }
0x89: {  	v22 =	vadd.s32 $0x5000, v60;
	[tilespmem:$0x1FCC0] =	vst v0;
	v0 =	vld.idx.msk [tilespmem:v19+s21+$0x0], $0xffff  }
0x8a: {  	v50 =	vld.idx.msk [tilespmem:v62+s21+$0x0], $0xffff;
	[tilespmem:$0x1FDE0] =	vst v3;
	v3 =	vadd.s32 $0x4000, v58  }
0x8b: {  	v51 =	vld.idx.msk [tilespmem:v61+s21+$0x0], $0xffff;
	[tilespmem:$0x1FDF0] =	vst v4;
	v4 =	vadd.s32 $0x5000, v58  }
0x8c: {  	v21 =	vadd.s32 $0x2000, v60;
	[tilespmem:$0x1FC90] =	vst v2;
	v2 =	vld.idx.msk [tilespmem:v18+s21+$0x0], $0xffff  }
0x8d: {  	v23 =	vadd.s32 $0x6000, v60;
	[tilespmem:$0x1FCD0] =	vst v1;
	v1 =	vld.idx.msk [tilespmem:v20+s21+$0x0], $0xffff  }
0x8e: {  	v29 =	vadd.s32 $0x3000, v59;
	[tilespmem:$0x1FD10] =	vst v0;
	v0 =	vld.idx.msk [tilespmem:v22+s21+$0x0], $0xffff  }
0x8f: {  	[tilespmem:$0x1FF60] =	vst v50;
	v3 =	vld.idx.msk [tilespmem:v3+s21+$0x0], $0xffff  }
0x90: {  	[tilespmem:$0x1FF70] =	vst v51;
	v4 =	vld.idx.msk [tilespmem:v4+s21+$0x0], $0xffff  }
0x91: {  	v28 =	vadd.s32 $0x7000, v60;
	[tilespmem:$0x1FCE0] =	vst v2;
	v2 =	vld.idx.msk [tilespmem:v21+s21+$0x0], $0xffff  }
0x92: {  	v30 =	vadd.s32 $0x4000, v59;
	[tilespmem:$0x1FD20] =	vst v1;
	v1 =	vld.idx.msk [tilespmem:v23+s21+$0x0], $0xffff  }
0x93: {  	v32 =	vadd.s32 $0x1000, v58;
	[tilespmem:$0x1FD60] =	vst v0;
	v0 =	vld.idx.msk [tilespmem:v29+s21+$0x0], $0xffff  }
0x94: {  	v52 =	vld.idx.msk [tilespmem:v60+s21+$0x0], $0xffff;
	[tilespmem:$0x1FE30] =	vst v3;
	v3 =	vadd.s32 $0x2000, v54  }
0x95: {  	v53 =	vld.idx.msk [tilespmem:v59+s21+$0x0], $0xffff;
	[tilespmem:$0x1FE40] =	vst v4;
	v4 =	vadd.s32 $0x3000, v54  }
0x96: {  	v31 =	vadd.s32 $0x5000, v59;
	[tilespmem:$0x1FD30] =	vst v2;
	v2 =	vld.idx.msk [tilespmem:v28+s21+$0x0], $0xffff  }
0x97: {  	v33 =	vadd.s32 $0x2000, v58;
	[tilespmem:$0x1FD70] =	vst v1;
	v1 =	vld.idx.msk [tilespmem:v30+s21+$0x0], $0xffff  }
0x98: {  	v35 =	vadd.s32 $0x6000, v58;
	[tilespmem:$0x1FDB0] =	vst v0;
	v0 =	vld.idx.msk [tilespmem:v32+s21+$0x0], $0xffff  }
0x99: {  	[tilespmem:$0x1FF80] =	vst v52;
	v3 =	vld.idx.msk [tilespmem:v3+s21+$0x0], $0xffff  }
0x9a: {  	[tilespmem:$0x1FF90] =	vst v53;
	v4 =	vld.idx.msk [tilespmem:v4+s21+$0x0], $0xffff  }
0x9b: {  	v34 =	vadd.s32 $0x3000, v58;
	[tilespmem:$0x1FD80] =	vst v2;
	v2 =	vld.idx.msk [tilespmem:v31+s21+$0x0], $0xffff  }
0x9c: {  	v36 =	vadd.s32 $0x7000, v58;
	[tilespmem:$0x1FDC0] =	vst v1;
	v1 =	vld.idx.msk [tilespmem:v33+s21+$0x0], $0xffff  }
0x9d: {  	v38 =	vadd.s32 $0x4000, v54;
	[tilespmem:$0x1FE00] =	vst v0;
	v0 =	vld.idx.msk [tilespmem:v35+s21+$0x0], $0xffff  }
0x9e: {  	v55 =	vld.idx.msk [tilespmem:v58+s21+$0x0], $0xffff;
	[tilespmem:$0x1FE80] =	vst v3;
	v3 =	vadd.s32 $0x7000, v54  }
0x9f: {  	v56 =	vld.idx.msk [tilespmem:v54+s21+$0x0], $0xffff;
	[tilespmem:$0x1FE90] =	vst v4;
	v4 =	vadd.s32 $0x1000, v49  }
0xa0: {  	v37 =	vadd.s32 $0x1000, v54;
	[tilespmem:$0x1FDD0] =	vst v2;
	v2 =	vld.idx.msk [tilespmem:v34+s21+$0x0], $0xffff  }
0xa1: {  	v39 =	vadd.s32 $0x5000, v54;
	[tilespmem:$0x1FE10] =	vst v1;
	v1 =	vld.idx.msk [tilespmem:v36+s21+$0x0], $0xffff  }
0xa2: {  	v41 =	vadd.s32 $0x2000, v49;
	[tilespmem:$0x1FE50] =	vst v0;
	v0 =	vld.idx.msk [tilespmem:v38+s21+$0x0], $0xffff  }
0xa3: {  	[tilespmem:$0x1FFA0] =	vst v55;
	v3 =	vld.idx.msk [tilespmem:v3+s21+$0x0], $0xffff  }
0xa4: {  	v43 =	vadd.s32 $0x4000, v49;
	[tilespmem:$0x1FFB0] =	vst v56;
	v4 =	vld.idx.msk [tilespmem:v4+s21+$0x0], $0xffff  }
0xa5: {  	v40 =	vadd.s32 $0x6000, v54;
	[tilespmem:$0x1FE20] =	vst v2;
	v2 =	vld.idx.msk [tilespmem:v37+s21+$0x0], $0xffff  }
0xa6: {  	v42 =	vadd.s32 $0x3000, v49;
	[tilespmem:$0x1FE60] =	vst v1;
	v1 =	vld.idx.msk [tilespmem:v39+s21+$0x0], $0xffff  }
0xa7: {  	v44 =	vadd.s32 $0x7000, v49;
	[tilespmem:$0x1FEA0] =	vst v0;
	v0 =	vld.idx.msk [tilespmem:v41+s21+$0x0], $0xffff  }
0xa8: {  	v57 =	vld.idx.msk [tilespmem:v49+s21+$0x0], $0xffff;
	[tilespmem:$0x1FED0] =	vst v3;
	v3 =	vadd.s32 $0x5000, v49  }
0xa9: {  	v45 =	vld.idx.msk [tilespmem:v43+s21+$0x0], $0xffff;
	[tilespmem:$0x1FEE0] =	vst v4;
	v4 =	vadd.s32 $0x6000, v49  }
0xaa: {  	[tilespmem:$0x1FE70] =	vst v2;
	v2 =	vld.idx.msk [tilespmem:v40+s21+$0x0], $0xffff  }
0xab: {  	[tilespmem:$0x1FEB0] =	vst v1;
	v1 =	vld.idx.msk [tilespmem:v42+s21+$0x0], $0xffff  }
0xac: {  	[tilespmem:$0x1FEF0] =	vst v0;
	v0 =	vld.idx.msk [tilespmem:v44+s21+$0x0], $0xffff  }
0xad: {  	[tilespmem:$0x1FFC0] =	vst v57;
	v46 =	vld.idx.msk [tilespmem:v3+s21+$0x0], $0xffff  }
0xae: {  	[tilespmem:$0x1FF10] =	vst v45;
	v47 =	vld.idx.msk [tilespmem:v4+s21+$0x0], $0xffff  }
0xaf: {  	[tilespmem:$0x1FEC0] =	vst v2  }
0xb0: {  	[tilespmem:$0x1FF00] =	vst v1  }
0xb1: {  	[tilespmem:$0x1FF40] =	vst v0  }
0xb2: {  	[tilespmem:$0x1FF20] =	vst v46  }
0xb3: {  	s14 =	simm.s32 $0x0;
	s1 =	simm.s32 $0x0;
	s2 =	simm.s32 $0x0;
	[tilespmem:$0x1FF30] =	vst v47  }
.LBB2_8:
0xb4: {  	v0 =	vld [tilespmem:s1+$0x0];
	_ =	sdelay $0x1  }
0xb5: {  	v1 =	vor.u32 s2, v26  }
0xb6: {  	vm2 =	vge.u32 v1, v5  }
0xb7: {  	vm3 =	vmand vm2, vm0  }
0xb8: {  	vm2 =	vmand vm2, vm1;
	v0 =	vadd.s32 v6, v0  }
0xb9: {  	p0 =	sne.s32 s2, $0xFF0  }
.Ltmp3:
0xba: {  	_ = 	snop;
	(pc) =	sbr.rel @p0 .LBB2_8-.Ltmp3, $3  }
0xbb: {  	_ =	sdelay $0x1  }
0xbc: {  	[tilespmem:v0+s21+$0x0] =	vst.idx.add.s32.msk vm3, v7  }
0xbd: {  	s1 =	sadd.s32 $0x10, s1;
	s2 =	sadd.s32 $0x10, s2;
	[tilespmem:v0+s21+$0x0] =	vst.idx.add.s32.msk vm2, v7  }
0xbe: {  	s1 =	sand.u32 $0xF0, s14  }
0xbf: {  	s2 =	simm.s32 $0x9000;
	v0 =	vld [tilespmem:s1+$0x9100]  }
0xc0: {  	v1 =	vld [tilespmem:s2+$0x0]  }
0xc1: {  	v2 =	vld [tilespmem:s1+$0x9200]  }
0xc2: {  	v3 =	vld [tilespmem:s1+$0x9300]  }
0xc3: {  	v4 =	vld [tilespmem:s1+$0x9400]  }
0xc4: {  	v5 =	vld [tilespmem:s1+$0x9500]  }
0xc5: {  	v0 =	vadd.s32 v1, v0;
	v1 =	vld [tilespmem:s1+$0x9600]  }
0xc6: {  	v0 =	vadd.s32 v2, v0;
	v2 =	vld [tilespmem:s1+$0x9700]  }
0xc7: {  	v0 =	vadd.s32 v3, v0;
	v3 =	vld [tilespmem:s1+$0x9800]  }
0xc8: {  	v53 =	vld [tilespmem:s1+$0x9900];
	v0 =	vadd.s32 v4, v0  }
0xc9: {  	v55 =	vld [tilespmem:s1+$0x9A00];
	v0 =	vadd.s32 v5, v0  }
0xca: {  	v0 =	vadd.s32 v1, v0;
	v1 =	vld [tilespmem:s1+$0x9B00]  }
0xcb: {  	v0 =	vadd.s32 v2, v0;
	v2 =	vld [tilespmem:s1+$0x9C00]  }
0xcc: {  	v0 =	vadd.s32 v3, v0;
	v3 =	vld [tilespmem:s1+$0x9D00]  }
0xcd: {  	v56 =	vld [tilespmem:s1+$0x9E00];
	v0 =	vadd.s32 v53, v0  }
0xce: {  	v57 =	vld [tilespmem:s1+$0x9F00];
	v0 =	vadd.s32 v55, v0  }
0xcf: {  	v0 =	vadd.s32 v1, v0  }
0xd0: {  	v0 =	vadd.s32 v2, v0  }
0xd1: {  	v0 =	vadd.s32 v3, v0  }
0xd2: {  	v0 =	vadd.s32 v56, v0  }
0xd3: {  	v0 =	vadd.s32 v57, v0  }
0xd4: {  	(xrf0) =	vadd.scan.msk.s32 $0xffff, v0;
	_ =	sdelay $0x5  }
0xd5: {  	v0 =	vsub.s32 s14, v0;
	v1, _, _ =	vpop (xrf0)  }
0xd6: {  	s31 =	simm.s32 $0xA000;
	s19 =	simm.s32 $0x10;
	v0 =	vadd.s32 v1, v0;
	(v2sf) =	vpush v1, $0xF  }
0xd7: {  	s1 =	sand.u32 $0xF0, s19;
	[tilespmem:s31+$0x0] =	vst v0  }
0xd8: {  	s2 =	simm.s32 $0x9010;
	s19 =	simm.s32 $0x20;
	v0 =	vld [tilespmem:s1+$0x9100]  }
.LBB2_10:
0xd9: {  	p0 =	sne.s32 s19, $0xF0;
	v1 =	vld [tilespmem:s2+$0x0]  }
0xda: {  	v2 =	vld [tilespmem:s1+$0x9200]  }
0xdb: {  	v3 =	vld [tilespmem:s1+$0x9300]  }
0xdc: {  	v4 =	vld [tilespmem:s1+$0x9400]  }
0xdd: {  	v5 =	vld [tilespmem:s1+$0x9500]  }
0xde: {  	v0 =	vadd.s32 v1, v0;
	v1 =	vld [tilespmem:s1+$0x9600]  }
0xdf: {  	v0 =	vadd.s32 v2, v0;
	v2 =	vld [tilespmem:s1+$0x9700]  }
0xe0: {  	v0 =	vadd.s32 v3, v0;
	v3 =	vld [tilespmem:s1+$0x9800]  }
0xe1: {  	v0 =	vadd.s32 v4, v0;
	v4 =	vld [tilespmem:s1+$0x9900]  }
0xe2: {  	v0 =	vadd.s32 v5, v0;
	v5 =	vld [tilespmem:s1+$0x9A00]  }
0xe3: {  	v0 =	vadd.s32 v1, v0;
	v1 =	vld [tilespmem:s1+$0x9B00]  }
0xe4: {  	v0 =	vadd.s32 v2, v0;
	v2 =	vld [tilespmem:s1+$0x9C00]  }
0xe5: {  	v0 =	vadd.s32 v3, v0;
	v3 =	vld [tilespmem:s1+$0x9D00];
	s3 =	spop (v2sf)  }
0xe6: {  	v0 =	vadd.s32 v4, v0;
	v4 =	vld [tilespmem:s1+$0x9E00];
	s14 =	sadd.s32 s14, s3  }
0xe7: {  	v0 =	vadd.s32 v5, v0;
	v5 =	vld [tilespmem:s1+$0x9F00]  }
0xe8: {  	v0 =	vadd.s32 v1, v0  }
0xe9: {  	v0 =	vadd.s32 v2, v0  }
0xea: {  	v0 =	vadd.s32 v3, v0  }
0xeb: {  	v0 =	vadd.s32 v4, v0  }
0xec: {  	v0 =	vadd.s32 v5, v0  }
0xed: {  	v1 =	vsub.s32 s14, v0;
	(xrf0) =	vadd.scan.msk.s32 $0xffff, v0;
	_ =	sdelay $0x4  }
.Ltmp4:
0xee: {  	(pc) =	sbr.rel @p0 .LBB2_10-.Ltmp4, $4  }
0xef: {  	v0, _, _ =	vpop (xrf0)  }
0xf0: {  	s31 =	sadd.s32 $0x10, s31;
	v1 =	vadd.s32 v0, v1;
	(v2sf) =	vpush v0, $0xF  }
0xf1: {  	s1 =	sand.u32 $0xF0, s19;
	[tilespmem:s31+$0x0] =	vst v1  }
0xf2: {  	s2 =	sadd.s32 $0x10, s2;
	s19 =	sadd.s32 $0x10, s19;
	v0 =	vld [tilespmem:s1+$0x9100]  }
0xf3: {  	v1 =	vld [tilespmem:s2+$0x0]  }
0xf4: {  	v2 =	vld [tilespmem:s1+$0x9200]  }
0xf5: {  	v3 =	vld [tilespmem:s1+$0x9300]  }
0xf6: {  	v4 =	vld [tilespmem:s1+$0x9400]  }
0xf7: {  	v5 =	vld [tilespmem:s1+$0x9500]  }
0xf8: {  	v0 =	vadd.s32 v1, v0;
	v1 =	vld [tilespmem:s1+$0x9600]  }
0xf9: {  	v0 =	vadd.s32 v2, v0;
	v2 =	vld [tilespmem:s1+$0x9700]  }
0xfa: {  	v0 =	vadd.s32 v3, v0;
	v3 =	vld [tilespmem:s1+$0x9800]  }
0xfb: {  	v0 =	vadd.s32 v4, v0;
	v4 =	vld [tilespmem:s1+$0x9900]  }
0xfc: {  	v0 =	vadd.s32 v5, v0;
	v5 =	vld [tilespmem:s1+$0x9A00]  }
0xfd: {  	v0 =	vadd.s32 v1, v0;
	v1 =	vld [tilespmem:s1+$0x9B00]  }
0xfe: {  	v0 =	vadd.s32 v2, v0;
	v2 =	vld [tilespmem:s1+$0x9C00]  }
0xff: {  	v0 =	vadd.s32 v3, v0;
	v3 =	vld [tilespmem:s1+$0x9D00]  }
0x100: {  	v0 =	vadd.s32 v4, v0;
	v4 =	vld [tilespmem:s1+$0x9E00]  }
0x101: {  	v0 =	vadd.s32 v5, v0;
	v5 =	vld [tilespmem:s1+$0x9F00]  }
0x102: {  	v0 =	vadd.s32 v1, v0  }
0x103: {  	v0 =	vadd.s32 v2, v0  }
0x104: {  	v0 =	vadd.s32 v3, v0  }
0x105: {  	v0 =	vadd.s32 v4, v0  }
0x106: {  	v0 =	vadd.s32 v5, v0  }
0x107: {  	(xrf0) =	vadd.scan.msk.s32 $0xffff, v0;
	_ =	sdelay $0x3  }
0x108: {  	s2 =	spop (v2sf)  }
0x109: {  	s1 =	sadd.s32 s14, s2  }
0x10a: {  	v0 =	vsub.s32 s1, v0;
	v1, _, _ =	vpop (xrf0)  }
0x10b: {  	s3 =	sadd.s32 $0x10, s31;
	v0 =	vadd.s32 v1, v0  }
0x10c: {  	v39 =	vimm.s32 $0x0;
	[tilespmem:s3+$0x0] =	vst v0  }
0x10d: {  	v15 =	vlaneseq.u32;
	(v2sf) =	vpush v1, $0xF;
	v0 =	vshll.u32 v63, $0x7;
	v2 =	vld [tilespmem:s0+$0x0]  }
0x10e: {  	v1 =	vor.u32 $0x10, v26;
	v34 =	vor.u32 v26, v0;
	v0 =	vshll.u32 v62, $0x7  }
0x10f: {  	[tilespmem:$0x1F620] =	vst v1;
	v35 =	vor.u32 v1, v0;
	v0 =	vshll.u32 v61, $0x7;
	v1 =	vor.u32 $0x20, v26  }
0x110: {  	[tilespmem:$0x1F630] =	vst v1;
	v36 =	vor.u32 v1, v0;
	v0 =	vshll.u32 v60, $0x7;
	v1 =	vor.u32 $0x30, v26  }
0x111: {  	[tilespmem:$0x1F640] =	vst v1;
	v37 =	vor.u32 v1, v0;
	v0 =	vshll.u32 v59, $0x7;
	v1 =	vor.u32 $0x40, v26  }
0x112: {  	v38 =	vor.u32 v1, v0;
	v17 =	vbroadcast v2, $0xE;
	v19 =	vbroadcast v2, $0xF  }
0x113: {  	v0 =	vshll.u32 v58, $0x7;
	v14 =	vbroadcast v2, $0xC;
	v18 =	vbroadcast v2, $0xD  }
0x114: {  	[tilespmem:$0x1F650] =	vst v1;
	v1 =	vor.u32 $0x50, v26;
	v24 =	vbroadcast v2, $0xA;
	v12 =	vbroadcast v2, $0xB  }
0x115: {  	v47 =	vor.u32 v1, v0;
	v10 =	vbroadcast v2, $0x8;
	v13 =	vbroadcast v2, $0x9  }
0x116: {  	v0 =	vshll.u32 v54, $0x7;
	v4 =	vbroadcast v2, $0x6;
	v11 =	vbroadcast v2, $0x7  }
0x117: {  	[tilespmem:$0x1F660] =	vst v1;
	v1 =	vor.u32 $0x60, v26;
	v3 =	vbroadcast v2, $0x4;
	v9 =	vbroadcast v2, $0x5  }
0x118: {  	v7 =	vbroadcast v2, $0x3;
	v6 =	vshll.u32 v2, $0x7;
	v5 =	vbroadcast v2, $0x1  }
0x119: {  	[tilespmem:$0x1F670] =	vst v1;
	v48 =	vor.u32 v1, v0;
	v0 =	vshll.u32 v49, $0x7;
	v1 =	vor.u32 $0x70, v26  }
0x11a: {  	s14 =	simm.s32 $0x0;
	[tilespmem:$0x1F680] =	vst v1;
	v50 =	vor.u32 v1, v0;
	v0 =	vbroadcast v2, $0x2;
	v1 =	vbroadcast v2, $0x0  }
0x11b: {  	v2 =	vadd.s32 s14, v6;
	v8 =	vsub.s32 v19, v63;
	v16 =	vsub.s32 v19, v62  }
0x11c: {  	v22 =	vsub.s32 v19, v61;
	v6 =	vsub.s32 v19, v60;
	v20 =	vsub.s32 v17, v63  }
0x11d: {  	v25 =	vsub.s32 v17, v62;
	v21 =	vsub.s32 v17, v61;
	v23 =	vsub.s32 v17, v60  }
0x11e: {  	v28 =	vsub.s32 v5, v63;
	v29 =	vsub.s32 v5, v62;
	v26 =	vadd.s32 v15, v2  }
0x11f: {  	[tilespmem:$0x1F730] =	vst v6;
	v6 =	vsub.s32 v19, v59;
	v28 =	vshrl.u32 v28, $0x1F;
	v2 =	vbroadcast v26, $0xE  }
0x120: {  	v29 =	vshrl.u32 v29, $0x1F;
	v52 =	vbroadcast v26, $0xD;
	v15 =	vbroadcast v26, $0xC  }
0x121: {  	v20 =	vshrl.u32 v20, $0x1F;
	[tilespmem:$0x1F740] =	vst v6;
	v6 =	vbroadcast v26, $0xB;
	v56 =	vbroadcast v26, $0xA  }
0x122: {  	v8 =	vshrl.u32 v8, $0x1F;
	v55 =	vbroadcast v26, $0x9;
	v53 =	vbroadcast v26, $0x8  }
0x123: {  	v16 =	vshrl.u32 v16, $0x1F;
	v51 =	vbroadcast v26, $0x7;
	v45 =	vbroadcast v26, $0x6  }
0x124: {  	v25 =	vshrl.u32 v25, $0x1F;
	v40 =	vbroadcast v26, $0x0;
	v44 =	vbroadcast v26, $0x5  }
0x125: {  	v27 =	vsub.s32 v0, v63;
	v41 =	vbroadcast v26, $0x1;
	v42 =	vbroadcast v26, $0x2  }
0x126: {  	v43 =	vbroadcast v26, $0x4;
	v46 =	vbroadcast v26, $0x3;
	v30 =	vsub.s32 v40, v34  }
0x127: {  	v31 =	vsub.s32 v41, v34;
	v32 =	vsub.s32 v42, v34;
	v30 =	vshrl.u32 v30, $0x1F  }
0x128: {  	v33 =	vsub.s32 v46, v34;
	v31 =	vshrl.u32 v31, $0x1F;
	v30 =	vadd.s32 v39, v30  }
0x129: {  	v57 =	vsub.s32 v43, v34;
	v30 =	vadd.s32 v31, v30;
	v31 =	vshrl.u32 v32, $0x1F  }
0x12a: {  	v33 =	vshrl.u32 v33, $0x1F;
	v32 =	vshrl.u32 v57, $0x1F;
	v30 =	vadd.s32 v31, v30  }
0x12b: {  	v57 =	vsub.s32 v51, v34;
	v31 =	vsub.s32 v44, v34;
	v30 =	vadd.s32 v33, v30  }
0x12c: {  	v33 =	vsub.s32 v45, v34;
	v31 =	vshrl.u32 v31, $0x1F;
	v30 =	vadd.s32 v32, v30  }
0x12d: {  	v33 =	vshrl.u32 v33, $0x1F;
	v32 =	vshrl.u32 v57, $0x1F;
	v30 =	vadd.s32 v31, v30  }
0x12e: {  	v57 =	vsub.s32 v56, v34;
	v31 =	vsub.s32 v53, v34;
	v30 =	vadd.s32 v33, v30  }
0x12f: {  	v33 =	vsub.s32 v55, v34;
	v31 =	vshrl.u32 v31, $0x1F;
	v30 =	vadd.s32 v32, v30  }
0x130: {  	v33 =	vshrl.u32 v33, $0x1F;
	v32 =	vshrl.u32 v57, $0x1F;
	v30 =	vadd.s32 v31, v30  }
0x131: {  	v57 =	vsub.s32 v52, v34;
	v31 =	vsub.s32 v6, v34;
	v30 =	vadd.s32 v33, v30  }
0x132: {  	v33 =	vsub.s32 v15, v34;
	v31 =	vshrl.u32 v31, $0x1F;
	v30 =	vadd.s32 v32, v30  }
0x133: {  	v33 =	vshrl.u32 v33, $0x1F;
	v32 =	vshrl.u32 v57, $0x1F;
	v30 =	vadd.s32 v31, v30  }
0x134: {  	v57 =	vbroadcast v26, $0xF;
	v26 =	vsub.s32 v2, v34;
	v30 =	vadd.s32 v33, v30  }
0x135: {  	v27 =	vshrl.u32 v27, $0x1F;
	v26 =	vshrl.u32 v26, $0x1F;
	v30 =	vadd.s32 v32, v30  }
0x136: {  	v31 =	vsub.s32 v1, v63;
	v26 =	vadd.s32 v26, v30;
	v30 =	vsub.s32 v57, v34  }
0x137: {  	v31 =	vshrl.u32 v31, $0x1F;
	v32 =	vsub.s32 v1, v62;
	v30 =	vshrl.u32 v30, $0x1F  }
0x138: {  	v32 =	vshrl.u32 v32, $0x1F;
	v26 =	vadd.s32 v30, v26;
	v30 =	vadd.s32 v39, v31  }
0x139: {  	v31 =	vadd.s32 v39, v32;
	v32 =	vsub.s32 v18, v62;
	[tilespmem:$0x1F6A0] =	vst v26;
	v26 =	vsub.s32 v40, v35  }
0x13a: {  	v28 =	vadd.s32 v28, v30;
	v30 =	vsub.s32 v41, v35;
	v29 =	vadd.s32 v29, v31  }
0x13b: {  	v31 =	vsub.s32 v7, v63;
	v26 =	vshrl.u32 v26, $0x1F;
	v30 =	vshrl.u32 v30, $0x1F  }
0x13c: {  	v27 =	vadd.s32 v27, v28;
	v28 =	vsub.s32 v0, v62;
	v31 =	vshrl.u32 v31, $0x1F  }
0x13d: {  	v26 =	vadd.s32 v39, v26;
	v28 =	vshrl.u32 v28, $0x1F;
	v27 =	vadd.s32 v31, v27  }
0x13e: {  	v31 =	vsub.s32 v3, v63;
	v26 =	vadd.s32 v30, v26;
	v30 =	vsub.s32 v42, v35  }
0x13f: {  	v28 =	vadd.s32 v28, v29;
	v29 =	vsub.s32 v46, v35;
	v31 =	vshrl.u32 v31, $0x1F  }
0x140: {  	v30 =	vshrl.u32 v30, $0x1F;
	v29 =	vshrl.u32 v29, $0x1F;
	v27 =	vadd.s32 v31, v27  }
0x141: {  	v31 =	vsub.s32 v3, v62;
	v26 =	vadd.s32 v30, v26;
	v30 =	vsub.s32 v7, v62  }
0x142: {  	v30 =	vshrl.u32 v30, $0x1F;
	v26 =	vadd.s32 v29, v26;
	v29 =	vsub.s32 v43, v35  }
0x143: {  	v31 =	vshrl.u32 v31, $0x1F;
	v28 =	vadd.s32 v30, v28;
	v29 =	vshrl.u32 v29, $0x1F  }
0x144: {  	v30 =	vsub.s32 v9, v63;
	v26 =	vadd.s32 v29, v26;
	v29 =	vsub.s32 v9, v62  }
0x145: {  	v30 =	vshrl.u32 v30, $0x1F;
	v28 =	vadd.s32 v31, v28;
	v31 =	vsub.s32 v44, v35  }
0x146: {  	v27 =	vadd.s32 v30, v27;
	v30 =	vsub.s32 v4, v63;
	v31 =	vshrl.u32 v31, $0x1F  }
0x147: {  	v29 =	vshrl.u32 v29, $0x1F;
	v26 =	vadd.s32 v31, v26;
	v31 =	vsub.s32 v45, v35  }
0x148: {  	v28 =	vadd.s32 v29, v28;
	v29 =	vsub.s32 v11, v63;
	v30 =	vshrl.u32 v30, $0x1F  }
0x149: {  	v31 =	vshrl.u32 v31, $0x1F;
	v27 =	vadd.s32 v30, v27;
	v30 =	vsub.s32 v4, v62  }
0x14a: {  	v29 =	vshrl.u32 v29, $0x1F;
	v26 =	vadd.s32 v31, v26;
	v31 =	vsub.s32 v11, v62  }
0x14b: {  	v30 =	vshrl.u32 v30, $0x1F;
	v27 =	vadd.s32 v29, v27;
	v29 =	vsub.s32 v10, v63  }
0x14c: {  	v28 =	vadd.s32 v30, v28;
	v30 =	vsub.s32 v51, v35;
	v31 =	vshrl.u32 v31, $0x1F  }
0x14d: {  	v29 =	vshrl.u32 v29, $0x1F;
	v30 =	vshrl.u32 v30, $0x1F;
	v28 =	vadd.s32 v31, v28  }
0x14e: {  	v31 =	vsub.s32 v13, v63;
	v27 =	vadd.s32 v29, v27;
	v29 =	vsub.s32 v10, v62  }
0x14f: {  	v26 =	vadd.s32 v30, v26;
	v30 =	vsub.s32 v53, v35;
	v29 =	vshrl.u32 v29, $0x1F  }
0x150: {  	v31 =	vshrl.u32 v31, $0x1F;
	v30 =	vshrl.u32 v30, $0x1F;
	v28 =	vadd.s32 v29, v28  }
0x151: {  	v29 =	vsub.s32 v55, v35;
	v27 =	vadd.s32 v31, v27;
	v31 =	vsub.s32 v24, v63  }
0x152: {  	v26 =	vadd.s32 v30, v26;
	v30 =	vsub.s32 v13, v62;
	v29 =	vshrl.u32 v29, $0x1F  }
0x153: {  	v31 =	vshrl.u32 v31, $0x1F;
	v30 =	vshrl.u32 v30, $0x1F;
	v26 =	vadd.s32 v29, v26  }
0x154: {  	v29 =	vsub.s32 v56, v35;
	v27 =	vadd.s32 v31, v27;
	v31 =	vsub.s32 v24, v62  }
0x155: {  	v28 =	vadd.s32 v30, v28;
	v30 =	vsub.s32 v12, v63;
	v29 =	vshrl.u32 v29, $0x1F  }
0x156: {  	v31 =	vshrl.u32 v31, $0x1F;
	v26 =	vadd.s32 v29, v26;
	v29 =	vsub.s32 v12, v62  }
0x157: {  	v30 =	vshrl.u32 v30, $0x1F;
	v28 =	vadd.s32 v31, v28;
	v31 =	vsub.s32 v6, v35  }
0x158: {  	v27 =	vadd.s32 v30, v27;
	v30 =	vsub.s32 v14, v63;
	v31 =	vshrl.u32 v31, $0x1F  }
0x159: {  	v29 =	vshrl.u32 v29, $0x1F;
	v26 =	vadd.s32 v31, v26;
	v31 =	vsub.s32 v15, v35  }
0x15a: {  	v28 =	vadd.s32 v29, v28;
	v29 =	vsub.s32 v18, v63;
	v30 =	vshrl.u32 v30, $0x1F  }
0x15b: {  	v31 =	vshrl.u32 v31, $0x1F;
	v27 =	vadd.s32 v30, v27;
	v30 =	vsub.s32 v14, v62  }
0x15c: {  	v31 =	vadd.s32 v31, v26;
	v26 =	vshrl.u32 v29, $0x1F;
	v29 =	vshrl.u32 v30, $0x1F  }
0x15d: {  	v23 =	vshrl.u32 v23, $0x1F;
	v30 =	vshrl.u32 v32, $0x1F;
	v28 =	vadd.s32 v29, v28  }
0x15e: {  	v29 =	vsub.s32 v52, v35;
	v27 =	vadd.s32 v26, v27;
	v26 =	vsub.s32 v18, v61  }
0x15f: {  	v29 =	vshrl.u32 v29, $0x1F;
	v28 =	vadd.s32 v30, v28;
	v30 =	vsub.s32 v0, v61  }
0x160: {  	v20 =	vadd.s32 v20, v27;
	v27 =	vsub.s32 v5, v61;
	v26 =	vshrl.u32 v26, $0x1F  }
0x161: {  	v29 =	vadd.s32 v29, v31;
	v31 =	vsub.s32 v2, v35;
	v30 =	vshrl.u32 v30, $0x1F  }
0x162: {  	v27 =	vshrl.u32 v27, $0x1F;
	v25 =	vadd.s32 v25, v28;
	v8 =	vadd.s32 v8, v20  }
0x163: {  	v28 =	vsub.s32 v57, v35;
	v31 =	vshrl.u32 v31, $0x1F;
	[tilespmem:$0x1F6C0] =	vst v8;
	v8 =	vsub.s32 v40, v36  }
0x164: {  	v20 =	vshrl.u32 v28, $0x1F;
	v16 =	vadd.s32 v16, v25;
	v28 =	vsub.s32 v7, v61  }
0x165: {  	v29 =	vadd.s32 v31, v29;
	v31 =	vsub.s32 v1, v61;
	v8 =	vshrl.u32 v8, $0x1F  }
0x166: {  	[tilespmem:$0x1F6E0] =	vst v16;
	v16 =	vsub.s32 v40, v37;
	v28 =	vshrl.u32 v28, $0x1F;
	v31 =	vshrl.u32 v31, $0x1F  }
0x167: {  	v20 =	vadd.s32 v20, v29;
	v8 =	vadd.s32 v39, v8;
	v16 =	vshrl.u32 v16, $0x1F  }
0x168: {  	[tilespmem:$0x1F6D0] =	vst v20;
	v20 =	vsub.s32 v41, v36;
	v25 =	vadd.s32 v39, v31;
	v16 =	vadd.s32 v39, v16  }
0x169: {  	v20 =	vshrl.u32 v20, $0x1F;
	v25 =	vadd.s32 v27, v25;
	v27 =	vsub.s32 v42, v36  }
0x16a: {  	v8 =	vadd.s32 v20, v8;
	v20 =	vsub.s32 v41, v37;
	v27 =	vshrl.u32 v27, $0x1F  }
0x16b: {  	v25 =	vadd.s32 v30, v25;
	v20 =	vshrl.u32 v20, $0x1F;
	v8 =	vadd.s32 v27, v8  }
0x16c: {  	v27 =	vsub.s32 v42, v37;
	v25 =	vadd.s32 v28, v25;
	v28 =	vsub.s32 v43, v36  }
0x16d: {  	v16 =	vadd.s32 v20, v16;
	v20 =	vsub.s32 v46, v36;
	v27 =	vshrl.u32 v27, $0x1F  }
0x16e: {  	v20 =	vshrl.u32 v20, $0x1F;
	v16 =	vadd.s32 v27, v16;
	v27 =	vsub.s32 v46, v37  }
0x16f: {  	v28 =	vshrl.u32 v28, $0x1F;
	v8 =	vadd.s32 v20, v8;
	v27 =	vshrl.u32 v27, $0x1F  }
0x170: {  	v20 =	vsub.s32 v9, v61;
	v16 =	vadd.s32 v27, v16;
	v27 =	vsub.s32 v3, v61  }
0x171: {  	v8 =	vadd.s32 v28, v8;
	v28 =	vsub.s32 v43, v37;
	v27 =	vshrl.u32 v27, $0x1F  }
0x172: {  	v20 =	vshrl.u32 v20, $0x1F;
	v28 =	vshrl.u32 v28, $0x1F;
	v25 =	vadd.s32 v27, v25  }
0x173: {  	v27 =	vsub.s32 v44, v36;
	v16 =	vadd.s32 v28, v16;
	v28 =	vsub.s32 v45, v36  }
0x174: {  	v27 =	vshrl.u32 v27, $0x1F;
	v20 =	vadd.s32 v20, v25;
	v25 =	vsub.s32 v4, v61  }
0x175: {  	v28 =	vshrl.u32 v28, $0x1F;
	v8 =	vadd.s32 v27, v8;
	v27 =	vsub.s32 v44, v37  }
0x176: {  	v25 =	vshrl.u32 v25, $0x1F;
	v27 =	vshrl.u32 v27, $0x1F;
	v8 =	vadd.s32 v28, v8  }
0x177: {  	v28 =	vsub.s32 v10, v61;
	v20 =	vadd.s32 v25, v20;
	v25 =	vsub.s32 v51, v36  }
0x178: {  	v16 =	vadd.s32 v27, v16;
	v27 =	vsub.s32 v45, v37;
	v25 =	vshrl.u32 v25, $0x1F  }
0x179: {  	v27 =	vshrl.u32 v27, $0x1F;
	v8 =	vadd.s32 v25, v8;
	v25 =	vsub.s32 v51, v37  }
0x17a: {  	v16 =	vadd.s32 v27, v16;
	v27 =	vsub.s32 v11, v61;
	v25 =	vshrl.u32 v25, $0x1F  }
0x17b: {  	v28 =	vshrl.u32 v28, $0x1F;
	v27 =	vshrl.u32 v27, $0x1F;
	v16 =	vadd.s32 v25, v16  }
0x17c: {  	v25 =	vsub.s32 v55, v36;
	v20 =	vadd.s32 v27, v20;
	v27 =	vsub.s32 v53, v36  }
0x17d: {  	v25 =	vshrl.u32 v25, $0x1F;
	v27 =	vshrl.u32 v27, $0x1F;
	v20 =	vadd.s32 v28, v20  }
0x17e: {  	v28 =	vsub.s32 v13, v61;
	v8 =	vadd.s32 v27, v8;
	v27 =	vsub.s32 v53, v37  }
0x17f: {  	v28 =	vshrl.u32 v28, $0x1F;
	v27 =	vshrl.u32 v27, $0x1F;
	v8 =	vadd.s32 v25, v8  }
0x180: {  	v25 =	vsub.s32 v12, v61;
	v20 =	vadd.s32 v28, v20;
	v28 =	vsub.s32 v56, v36  }
0x181: {  	v16 =	vadd.s32 v27, v16;
	v27 =	vsub.s32 v55, v37;
	v28 =	vshrl.u32 v28, $0x1F  }
0x182: {  	v27 =	vshrl.u32 v27, $0x1F;
	v8 =	vadd.s32 v28, v8;
	v28 =	vsub.s32 v56, v37  }
0x183: {  	v16 =	vadd.s32 v27, v16;
	v27 =	vsub.s32 v24, v61;
	v28 =	vshrl.u32 v28, $0x1F  }
0x184: {  	v25 =	vshrl.u32 v25, $0x1F;
	v27 =	vshrl.u32 v27, $0x1F;
	v16 =	vadd.s32 v28, v16  }
0x185: {  	v28 =	vsub.s32 v15, v36;
	v20 =	vadd.s32 v27, v20;
	v27 =	vsub.s32 v6, v36  }
0x186: {  	v28 =	vshrl.u32 v28, $0x1F;
	v27 =	vshrl.u32 v27, $0x1F;
	v20 =	vadd.s32 v25, v20  }
0x187: {  	v25 =	vsub.s32 v14, v61;
	v8 =	vadd.s32 v27, v8;
	v27 =	vsub.s32 v6, v37  }
0x188: {  	[tilespmem:$0x1FA30] =	vst v6;
	v30 =	vmovc v6;
	v25 =	vshrl.u32 v25, $0x1F;
	v6 =	vshrl.u32 v22, $0x1F;
	v27 =	vshrl.u32 v27, $0x1F  }
0x189: {  	v8 =	vadd.s32 v28, v8;
	v28 =	vsub.s32 v0, v60;
	v20 =	vadd.s32 v25, v20  }
0x18a: {  	v25 =	vsub.s32 v52, v36;
	v16 =	vadd.s32 v27, v16;
	v27 =	vsub.s32 v15, v37  }
0x18b: {  	[tilespmem:$0x1FA20] =	vst v15;
	v31 =	vmovc v15;
	v15 =	vshrl.u32 v21, $0x1F;
	v25 =	vshrl.u32 v25, $0x1F;
	v20 =	vadd.s32 v26, v20  }
0x18c: {  	v26 =	vsub.s32 v2, v36;
	v27 =	vshrl.u32 v27, $0x1F;
	v8 =	vadd.s32 v25, v8  }
0x18d: {  	v22 =	vld [tilespmem:$0x1F740];
	v25 =	vsub.s32 v52, v37;
	v26 =	vshrl.u32 v26, $0x1F;
	v15 =	vadd.s32 v15, v20  }
0x18e: {  	v20 =	vsub.s32 v5, v59;
	v16 =	vadd.s32 v27, v16;
	v27 =	vsub.s32 v5, v60  }
0x18f: {  	v25 =	vshrl.u32 v25, $0x1F;
	v8 =	vadd.s32 v26, v8;
	v26 =	vsub.s32 v2, v37  }
0x190: {  	v21 =	vld [tilespmem:$0x1F730];
	v20 =	vshrl.u32 v20, $0x1F;
	v6 =	vadd.s32 v6, v15;
	v16 =	vadd.s32 v25, v16  }
0x191: {  	v25 =	vsub.s32 v57, v36;
	v26 =	vshrl.u32 v26, $0x1F;
	[tilespmem:$0x1F710] =	vst v6;
	v6 =	vsub.s32 v57, v37  }
0x192: {  	v22 =	vshrl.u32 v22, $0x1F;
	v25 =	vshrl.u32 v25, $0x1F;
	v16 =	vadd.s32 v26, v16  }
0x193: {  	v26 =	vsub.s32 v1, v60;
	v6 =	vshrl.u32 v6, $0x1F;
	v8 =	vadd.s32 v25, v8  }
0x194: {  	[tilespmem:$0x1FA50] =	vst v55;
	v29 =	vmovc v55;
	v25 =	vshrl.u32 v27, $0x1F;
	v15 =	vshrl.u32 v26, $0x1F;
	v55 =	vadd.s32 v6, v16  }
0x195: {  	v6 =	vsub.s32 v40, v38;
	v16 =	vsub.s32 v41, v38;
	v21 =	vshrl.u32 v21, $0x1F  }
0x196: {  	[tilespmem:$0x1F700] =	vst v8;
	v8 =	vsub.s32 v1, v59;
	v15 =	vadd.s32 v39, v15;
	v6 =	vshrl.u32 v6, $0x1F  }
0x197: {  	v16 =	vshrl.u32 v16, $0x1F;
	v8 =	vshrl.u32 v8, $0x1F;
	v15 =	vadd.s32 v25, v15  }
0x198: {  	v6 =	vadd.s32 v39, v6;
	v25 =	vshrl.u32 v28, $0x1F;
	v8 =	vadd.s32 v39, v8  }
0x199: {  	v6 =	vadd.s32 v16, v6;
	v16 =	vsub.s32 v42, v38;
	v15 =	vadd.s32 v25, v15  }
0x19a: {  	v25 =	vsub.s32 v0, v59;
	v8 =	vadd.s32 v20, v8;
	v16 =	vshrl.u32 v16, $0x1F  }
0x19b: {  	v20 =	vsub.s32 v7, v60;
	v25 =	vshrl.u32 v25, $0x1F;
	v6 =	vadd.s32 v16, v6  }
0x19c: {  	v20 =	vshrl.u32 v20, $0x1F;
	v8 =	vadd.s32 v25, v8;
	v25 =	vsub.s32 v46, v38  }
0x19d: {  	v16 =	vsub.s32 v7, v59;
	v15 =	vadd.s32 v20, v15;
	v25 =	vshrl.u32 v25, $0x1F  }
0x19e: {  	v20 =	vsub.s32 v3, v60;
	v16 =	vshrl.u32 v16, $0x1F;
	v6 =	vadd.s32 v25, v6  }
0x19f: {  	v25 =	vsub.s32 v43, v38;
	v8 =	vadd.s32 v16, v8;
	v20 =	vshrl.u32 v20, $0x1F  }
0x1a0: {  	v16 =	vsub.s32 v9, v60;
	v25 =	vshrl.u32 v25, $0x1F;
	v15 =	vadd.s32 v20, v15  }
0x1a1: {  	v20 =	vsub.s32 v3, v59;
	v16 =	vshrl.u32 v16, $0x1F;
	v6 =	vadd.s32 v25, v6  }
0x1a2: {  	v25 =	vsub.s32 v9, v59;
	v20 =	vshrl.u32 v20, $0x1F;
	v15 =	vadd.s32 v16, v15  }
0x1a3: {  	v16 =	vsub.s32 v4, v60;
	v8 =	vadd.s32 v20, v8;
	v20 =	vsub.s32 v44, v38  }
0x1a4: {  	[tilespmem:$0x1FAA0] =	vst v44;
	v25 =	vshrl.u32 v25, $0x1F;
	v16 =	vshrl.u32 v16, $0x1F;
	v44 =	vsub.s32 v0, v54  }
0x1a5: {  	v20 =	vshrl.u32 v20, $0x1F;
	v8 =	vadd.s32 v25, v8;
	v25 =	vsub.s32 v11, v60  }
0x1a6: {  	v15 =	vadd.s32 v16, v15;
	v16 =	vsub.s32 v4, v59;
	v6 =	vadd.s32 v20, v6  }
0x1a7: {  	v20 =	vsub.s32 v45, v38;
	v25 =	vshrl.u32 v25, $0x1F;
	v16 =	vshrl.u32 v16, $0x1F  }
0x1a8: {  	[tilespmem:$0x1FA80] =	vst v45;
	v45 =	vsub.s32 v5, v54;
	v20 =	vshrl.u32 v20, $0x1F;
	v8 =	vadd.s32 v16, v8  }
0x1a9: {  	v16 =	vsub.s32 v51, v38;
	v15 =	vadd.s32 v25, v15;
	v25 =	vsub.s32 v10, v60  }
0x1aa: {  	v6 =	vadd.s32 v20, v6;
	v20 =	vsub.s32 v11, v59;
	v16 =	vshrl.u32 v16, $0x1F  }
0x1ab: {  	v25 =	vshrl.u32 v25, $0x1F;
	v20 =	vshrl.u32 v20, $0x1F;
	v6 =	vadd.s32 v16, v6  }
0x1ac: {  	v16 =	vsub.s32 v53, v38;
	v15 =	vadd.s32 v25, v15;
	v25 =	vsub.s32 v10, v59  }
0x1ad: {  	v8 =	vadd.s32 v20, v8;
	v20 =	vsub.s32 v13, v60;
	v16 =	vshrl.u32 v16, $0x1F  }
0x1ae: {  	v25 =	vshrl.u32 v25, $0x1F;
	v6 =	vadd.s32 v16, v6;
	v16 =	vsub.s32 v13, v59  }
0x1af: {  	v20 =	vshrl.u32 v20, $0x1F;
	v8 =	vadd.s32 v25, v8;
	v25 =	vsub.s32 v29, v38  }
0x1b0: {  	v15 =	vadd.s32 v20, v15;
	v20 =	vsub.s32 v24, v60;
	v25 =	vshrl.u32 v25, $0x1F  }
0x1b1: {  	v16 =	vshrl.u32 v16, $0x1F;
	v6 =	vadd.s32 v25, v6;
	v25 =	vsub.s32 v56, v38  }
0x1b2: {  	v8 =	vadd.s32 v16, v8;
	v16 =	vsub.s32 v12, v60;
	v20 =	vshrl.u32 v20, $0x1F  }
0x1b3: {  	v25 =	vshrl.u32 v25, $0x1F;
	v15 =	vadd.s32 v20, v15;
	v20 =	vsub.s32 v24, v59  }
0x1b4: {  	v16 =	vshrl.u32 v16, $0x1F;
	v6 =	vadd.s32 v25, v6;
	v25 =	vsub.s32 v12, v59  }
0x1b5: {  	v20 =	vshrl.u32 v20, $0x1F;
	v15 =	vadd.s32 v16, v15;
	v16 =	vsub.s32 v14, v60  }
0x1b6: {  	v8 =	vadd.s32 v20, v8;
	v20 =	vsub.s32 v30, v38;
	v25 =	vshrl.u32 v25, $0x1F  }
0x1b7: {  	v16 =	vshrl.u32 v16, $0x1F;
	v20 =	vshrl.u32 v20, $0x1F;
	v8 =	vadd.s32 v25, v8  }
0x1b8: {  	v25 =	vsub.s32 v18, v60;
	v15 =	vadd.s32 v16, v15;
	v16 =	vsub.s32 v14, v59  }
0x1b9: {  	v6 =	vadd.s32 v20, v6;
	v20 =	vsub.s32 v31, v38;
	v16 =	vshrl.u32 v16, $0x1F  }
0x1ba: {  	v25 =	vshrl.u32 v25, $0x1F;
	v20 =	vshrl.u32 v20, $0x1F;
	v8 =	vadd.s32 v16, v8  }
0x1bb: {  	v16 =	vsub.s32 v52, v38;
	v15 =	vadd.s32 v25, v15;
	v25 =	vsub.s32 v17, v59  }
0x1bc: {  	v6 =	vadd.s32 v20, v6;
	v20 =	vsub.s32 v18, v59;
	v16 =	vshrl.u32 v16, $0x1F  }
0x1bd: {  	v15 =	vadd.s32 v23, v15;
	v23 =	vsub.s32 v5, v58;
	v25 =	vshrl.u32 v25, $0x1F  }
0x1be: {  	v20 =	vshrl.u32 v20, $0x1F;
	v6 =	vadd.s32 v16, v6;
	v16 =	vsub.s32 v2, v38  }
0x1bf: {  	[tilespmem:$0x1FA40] =	vst v56;
	v23 =	vshrl.u32 v23, $0x1F;
	v56 =	vadd.s32 v21, v15;
	v15 =	vsub.s32 v40, v47  }
0x1c0: {  	v8 =	vadd.s32 v20, v8;
	v20 =	vsub.s32 v0, v58;
	v16 =	vshrl.u32 v16, $0x1F  }
0x1c1: {  	v15 =	vshrl.u32 v15, $0x1F;
	v0 =	vsub.s32 v0, v49;
	v6 =	vadd.s32 v16, v6  }
0x1c2: {  	[tilespmem:$0x1F750] =	vst v38;
	v16 =	vsub.s32 v1, v58;
	v20 =	vshrl.u32 v20, $0x1F;
	v8 =	vadd.s32 v25, v8  }
0x1c3: {  	[tilespmem:$0x1FA70] =	vst v51;
	v25 =	vsub.s32 v57, v38;
	v38 =	vsub.s32 v4, v58;
	v0 =	vshrl.u32 v0, $0x1F  }
0x1c4: {  	[tilespmem:$0x1FA60] =	vst v53;
	v16 =	vshrl.u32 v16, $0x1F;
	v21 =	vshrl.u32 v25, $0x1F;
	v53 =	vadd.s32 v22, v8  }
0x1c5: {  	[tilespmem:$0x1FB10] =	vst v40;
	v8 =	vadd.s32 v39, v15;
	v15 =	vsub.s32 v40, v48;
	v22 =	vimm.s32 $0x0  }
0x1c6: {  	v40 =	vsub.s32 v9, v58;
	[tilespmem:$0x1F9D0] =	vst v0;
	v0 =	vshrl.u32 v45, $0x1F;
	v51 =	vadd.s32 v21, v6  }
0x1c7: {  	v6 =	vsub.s32 v41, v47;
	v16 =	vadd.s32 v39, v16;
	v15 =	vshrl.u32 v15, $0x1F  }
0x1c8: {  	v21 =	vsub.s32 v42, v47;
	[tilespmem:$0x1F760] =	vst v22;
	v22 =	vsub.s32 v19, v58;
	v6 =	vshrl.u32 v6, $0x1F  }
0x1c9: {  	v16 =	vadd.s32 v23, v16;
	v15 =	vadd.s32 v39, v15;
	v21 =	vshrl.u32 v21, $0x1F  }
0x1ca: {  	v39 =	vsub.s32 v4, v54;
	v4 =	vsub.s32 v4, v49;
	v6 =	vadd.s32 v6, v8  }
0x1cb: {  	[tilespmem:$0x1F690] =	vst v34;
	v8 =	vsub.s32 v41, v48;
	v16 =	vadd.s32 v20, v16;
	v20 =	vsub.s32 v7, v58  }
0x1cc: {  	[tilespmem:$0x1FAF0] =	vst v41;
	v41 =	vsub.s32 v9, v54;
	v4 =	vshrl.u32 v4, $0x1F;
	v8 =	vshrl.u32 v8, $0x1F  }
0x1cd: {  	[tilespmem:$0x1F6B0] =	vst v35;
	v6 =	vadd.s32 v21, v6;
	v21 =	vsub.s32 v42, v48;
	v20 =	vshrl.u32 v20, $0x1F  }
0x1ce: {  	[tilespmem:$0x1F940] =	vst v4;
	v4 =	vshrl.u32 v40, $0x1F;
	v8 =	vadd.s32 v8, v15;
	v15 =	vsub.s32 v46, v47  }
0x1cf: {  	[tilespmem:$0x1F6F0] =	vst v36;
	v21 =	vshrl.u32 v21, $0x1F;
	v16 =	vadd.s32 v20, v16;
	v20 =	vsub.s32 v43, v47  }
0x1d0: {  	[tilespmem:$0x1F720] =	vst v37;
	v15 =	vshrl.u32 v15, $0x1F;
	v8 =	vadd.s32 v21, v8;
	v21 =	vsub.s32 v46, v48  }
0x1d1: {  	[tilespmem:$0x1F950] =	vst v4;
	v4 =	vshrl.u32 v41, $0x1F;
	v6 =	vadd.s32 v15, v6;
	v21 =	vshrl.u32 v21, $0x1F  }
0x1d2: {  	[tilespmem:$0x1FAE0] =	vst v42;
	v15 =	vsub.s32 v3, v58;
	v21 =	vadd.s32 v21, v8;
	v8 =	vshrl.u32 v20, $0x1F  }
0x1d3: {  	[tilespmem:$0x1FAD0] =	vst v46;
	v15 =	vshrl.u32 v15, $0x1F;
	v8 =	vadd.s32 v8, v6;
	v6 =	vsub.s32 v43, v48  }
0x1d4: {  	[tilespmem:$0x1FAC0] =	vst v43;
	v20 =	vsub.s32 v19, v49;
	v16 =	vadd.s32 v15, v16;
	v6 =	vshrl.u32 v6, $0x1F  }
0x1d5: {  	[tilespmem:$0x1F9E0] =	vst v0;
	v15 =	vsub.s32 v19, v54;
	v19 =	vadd.s32 v6, v21;
	v6 =	vsub.s32 v17, v58  }
0x1d6: {  	[tilespmem:$0x1F960] =	vst v4;
	v21 =	vsub.s32 v17, v54;
	v6 =	vshrl.u32 v6, $0x1F  }
0x1d7: {  	v17 =	vsub.s32 v17, v49;
	[tilespmem:$0x1F7A0] =	vst v6;
	v6 =	vshrl.u32 v21, $0x1F  }
0x1d8: {  	v23 =	vsub.s32 v18, v58;
	[tilespmem:$0x1F7B0] =	vst v6;
	v6 =	vshrl.u32 v17, $0x1F  }
0x1d9: {  	v25 =	vsub.s32 v18, v54;
	[tilespmem:$0x1F7C0] =	vst v6;
	v6 =	vshrl.u32 v23, $0x1F  }
0x1da: {  	v18 =	vsub.s32 v18, v49;
	[tilespmem:$0x1F7D0] =	vst v6;
	v6 =	vshrl.u32 v25, $0x1F  }
0x1db: {  	v26 =	vsub.s32 v14, v58;
	[tilespmem:$0x1F7E0] =	vst v6;
	v6 =	vshrl.u32 v18, $0x1F  }
0x1dc: {  	v27 =	vsub.s32 v14, v54;
	[tilespmem:$0x1F7F0] =	vst v6;
	v6 =	vshrl.u32 v26, $0x1F  }
0x1dd: {  	v14 =	vsub.s32 v14, v49;
	[tilespmem:$0x1F800] =	vst v6;
	v6 =	vshrl.u32 v27, $0x1F  }
0x1de: {  	v28 =	vsub.s32 v12, v58;
	[tilespmem:$0x1F810] =	vst v6;
	v6 =	vshrl.u32 v14, $0x1F  }
0x1df: {  	v29 =	vsub.s32 v12, v54;
	[tilespmem:$0x1F820] =	vst v6;
	v6 =	vshrl.u32 v28, $0x1F  }
0x1e0: {  	v12 =	vsub.s32 v12, v49;
	[tilespmem:$0x1F830] =	vst v6;
	v6 =	vshrl.u32 v29, $0x1F  }
0x1e1: {  	v30 =	vsub.s32 v24, v58;
	[tilespmem:$0x1F840] =	vst v6;
	v6 =	vshrl.u32 v12, $0x1F  }
0x1e2: {  	v31 =	vsub.s32 v24, v54;
	[tilespmem:$0x1F850] =	vst v6;
	v6 =	vshrl.u32 v30, $0x1F  }
0x1e3: {  	v24 =	vsub.s32 v24, v49;
	[tilespmem:$0x1F860] =	vst v6;
	v6 =	vshrl.u32 v31, $0x1F  }
0x1e4: {  	v32 =	vsub.s32 v13, v58;
	v27 =	vld [tilespmem:$0x1FA70];
	[tilespmem:$0x1F870] =	vst v6;
	v6 =	vshrl.u32 v24, $0x1F  }
0x1e5: {  	v33 =	vsub.s32 v13, v54;
	[tilespmem:$0x1F880] =	vst v6;
	v6 =	vshrl.u32 v32, $0x1F  }
0x1e6: {  	v13 =	vsub.s32 v13, v49;
	[tilespmem:$0x1F890] =	vst v6;
	v6 =	vshrl.u32 v33, $0x1F  }
0x1e7: {  	v34 =	vsub.s32 v10, v58;
	[tilespmem:$0x1F8A0] =	vst v6;
	v6 =	vshrl.u32 v13, $0x1F  }
0x1e8: {  	v35 =	vsub.s32 v10, v54;
	v36 =	vsub.s32 v11, v58;
	[tilespmem:$0x1F8B0] =	vst v6;
	v6 =	vshrl.u32 v34, $0x1F  }
0x1e9: {  	v10 =	vsub.s32 v10, v49;
	v30 =	vsub.s32 v27, v47;
	[tilespmem:$0x1F8C0] =	vst v6;
	v6 =	vshrl.u32 v35, $0x1F  }
0x1ea: {  	v33 =	vsub.s32 v27, v48;
	v35 =	vsub.s32 v27, v50;
	v27 =	vld [tilespmem:$0x1FA80];
	[tilespmem:$0x1F8D0] =	vst v6;
	v6 =	vshrl.u32 v10, $0x1F  }
0x1eb: {  	v37 =	vsub.s32 v11, v54;
	[tilespmem:$0x1F8E0] =	vst v6;
	v6 =	vshrl.u32 v36, $0x1F  }
0x1ec: {  	v11 =	vsub.s32 v11, v49;
	v5 =	vsub.s32 v5, v49;
	[tilespmem:$0x1F8F0] =	vst v6;
	v6 =	vshrl.u32 v37, $0x1F  }
0x1ed: {  	v0 =	vshrl.u32 v5, $0x1F;
	v9 =	vsub.s32 v9, v49;
	[tilespmem:$0x1F900] =	vst v6;
	v6 =	vshrl.u32 v11, $0x1F  }
0x1ee: {  	v42 =	vsub.s32 v3, v54;
	v4 =	vshrl.u32 v9, $0x1F;
	[tilespmem:$0x1F910] =	vst v6;
	v6 =	vshrl.u32 v38, $0x1F  }
0x1ef: {  	[tilespmem:$0x1F9F0] =	vst v0;
	v36 =	vsub.s32 v27, v47;
	v37 =	vsub.s32 v27, v48;
	v38 =	vsub.s32 v27, v50;
	v27 =	vld [tilespmem:$0x1FAA0]  }
0x1f0: {  	v46 =	vsub.s32 v1, v54;
	[tilespmem:$0x1F970] =	vst v4;
	v4 =	vshrl.u32 v42, $0x1F  }
0x1f1: {  	v0 =	vshrl.u32 v46, $0x1F;
	[tilespmem:$0x1F980] =	vst v4  }
0x1f2: {  	v1 =	vsub.s32 v1, v49;
	v3 =	vsub.s32 v3, v49;
	[tilespmem:$0x1FA00] =	vst v0  }
0x1f3: {  	v3 =	vshrl.u32 v3, $0x1F;
	v0 =	vshrl.u32 v1, $0x1F;
	[tilespmem:$0x1F920] =	vst v6;
	v6 =	vshrl.u32 v39, $0x1F  }
0x1f4: {  	[tilespmem:$0x1F990] =	vst v3;
	v39 =	vsub.s32 v27, v47;
	v40 =	vsub.s32 v27, v48;
	v41 =	vsub.s32 v27, v50;
	v27 =	vld [tilespmem:$0x1FAC0]  }
0x1f5: {  	v5 =	vsub.s32 v2, v48;
	[tilespmem:$0x1FA10] =	vst v0;
	v15 =	vshrl.u32 v15, $0x1F  }
0x1f6: {  	v22 =	vshrl.u32 v22, $0x1F;
	v43 =	vsub.s32 v7, v54;
	[tilespmem:$0x1F780] =	vst v15;
	v15 =	vshrl.u32 v20, $0x1F;
	v20 =	vld [tilespmem:$0x1FA40]  }
0x1f7: {  	v9 =	vsub.s32 v52, v50;
	v7 =	vsub.s32 v7, v49;
	v3 =	vshrl.u32 v43, $0x1F;
	[tilespmem:$0x1F790] =	vst v15;
	v15 =	vld [tilespmem:$0x1FA30]  }
0x1f8: {  	v1 =	vsub.s32 v57, v48;
	v4 =	vsub.s32 v2, v47;
	[tilespmem:$0x1F9A0] =	vst v3;
	v3 =	vshrl.u32 v7, $0x1F;
	v23 =	vld [tilespmem:$0x1FA50]  }
0x1f9: {  	v0 =	vsub.s32 v57, v47;
	[tilespmem:$0x1F9B0] =	vst v3;
	v3 =	vshrl.u32 v44, $0x1F;
	v42 =	vsub.s32 v27, v50;
	v27 =	vld [tilespmem:$0x1FAD0]  }
0x1fa: {  	[tilespmem:$0x1F9C0] =	vst v3;
	v3 =	vsub.s32 v57, v50;
	v57 =	vshrl.u32 v0, $0x1F;
	v0 =	vshrl.u32 v1, $0x1F;
	v26 =	vld [tilespmem:$0x1FA60]  }
0x1fb: {  	v2 =	vsub.s32 v2, v50;
	v7 =	vsub.s32 v52, v48;
	[tilespmem:$0x1FB20] =	vst v0;
	v0 =	vshrl.u32 v4, $0x1F  }
0x1fc: {  	[tilespmem:$0x1FB30] =	vst v0;
	v0 =	vshrl.u32 v5, $0x1F;
	v17 =	vsub.s32 v20, v47;
	v18 =	vsub.s32 v20, v48;
	v12 =	vld [tilespmem:$0x1FA20]  }
0x1fd: {  	v20 =	vsub.s32 v20, v50;
	v14 =	vsub.s32 v15, v48;
	v21 =	vsub.s32 v23, v47  }
0x1fe: {  	[tilespmem:$0x1F770] =	vst v22;
	v22 =	vsub.s32 v23, v48;
	v23 =	vsub.s32 v23, v50;
	v43 =	vsub.s32 v27, v50;
	v27 =	vld [tilespmem:$0x1FAE0]  }
0x1ff: {  	v29 =	vshrl.u32 v22, $0x1F;
	v25 =	vsub.s32 v26, v48;
	v24 =	vsub.s32 v26, v47  }
0x200: {  	v26 =	vsub.s32 v26, v50;
	v32 =	vshrl.u32 v21, $0x1F;
	v13 =	vsub.s32 v15, v47  }
0x201: {  	[tilespmem:$0x1FAB0] =	vst v48;
	v15 =	vsub.s32 v15, v50;
	v34 =	vshrl.u32 v33, $0x1F;
	v10 =	vsub.s32 v12, v47  }
0x202: {  	v22 =	vshrl.u32 v35, $0x1F;
	v11 =	vsub.s32 v12, v48;
	[tilespmem:$0x1F930] =	vst v6;
	v6 =	vsub.s32 v52, v47  }
0x203: {  	[tilespmem:$0x1FB40] =	vst v0;
	v12 =	vsub.s32 v12, v50;
	v0 =	vshrl.u32 v6, $0x1F;
	v44 =	vsub.s32 v27, v50;
	v27 =	vld [tilespmem:$0x1FAF0]  }
0x204: {  	v52 =	vshrl.u32 v9, $0x1F;
	v9 =	vimm.s32 $0x0;
	[tilespmem:$0x1FB50] =	vst v0;
	v0 =	vshrl.u32 v7, $0x1F  }
0x205: {  	v7 =	vimm.s32 $0x0;
	v48 =	vshrl.u32 v3, $0x1F;
	[tilespmem:$0x1FB60] =	vst v0;
	v0 =	vshrl.u32 v10, $0x1F  }
0x206: {  	v10 =	vshrl.u32 v12, $0x1F;
	v12 =	vshrl.u32 v30, $0x1F;
	[tilespmem:$0x1FB70] =	vst v0;
	v0 =	vshrl.u32 v11, $0x1F  }
0x207: {  	v11 =	vshrl.u32 v15, $0x1F;
	v21 =	vshrl.u32 v39, $0x1F;
	[tilespmem:$0x1FB80] =	vst v0;
	v0 =	vshrl.u32 v13, $0x1F  }
0x208: {  	v5 =	vshrl.u32 v40, $0x1F;
	[tilespmem:$0x1FB90] =	vst v0;
	v0 =	vshrl.u32 v14, $0x1F;
	v45 =	vsub.s32 v27, v50;
	v27 =	vld [tilespmem:$0x1FB10]  }
0x209: {  	v13 =	vshrl.u32 v36, $0x1F;
	v14 =	vshrl.u32 v37, $0x1F;
	[tilespmem:$0x1FBA0] =	vst v0;
	v0 =	vshrl.u32 v17, $0x1F  }
0x20a: {  	v17 =	vshrl.u32 v20, $0x1F;
	v20 =	vshrl.u32 v26, $0x1F;
	[tilespmem:$0x1FBB0] =	vst v0;
	v0 =	vshrl.u32 v18, $0x1F  }
0x20b: {  	v18 =	vshrl.u32 v23, $0x1F;
	v23 =	vshrl.u32 v24, $0x1F;
	v24 =	vshrl.u32 v25, $0x1F  }
0x20c: {  	[tilespmem:$0x1FA90] =	vst v47;
	v25 =	vshrl.u32 v38, $0x1F;
	v26 =	vshrl.u32 v42, $0x1F;
	v6 =	vshrl.u32 v43, $0x1F  }
0x20d: {  	[tilespmem:$0x1FB00] =	vst v50;
	v46 =	vshrl.u32 v44, $0x1F;
	v15 =	vshrl.u32 v45, $0x1F;
	v47 =	vsub.s32 v27, v50  }
0x20e: {  	s31 =	simm.s32 $0x10;
	s14 =	smov.u32 s0;
	s19 =	spop (v2sf);
	v39 =	vmovc v49;
	[tilespmem:$0x1FBC0] =	vst v0;
	v50 =	vshrl.u32 v2, $0x1F;
	v27 =	vshrl.u32 v41, $0x1F;
	v0 =	vshrl.u32 v47, $0x1F  }
.LBB2_12:
0x20f: {  	v2 =	vld [tilespmem:$0x1F950]  }
0x210: {  	v4 =	vld [tilespmem:$0x1F920];
	_ =	sdelay $0x3  }
0x211: {  	v2 =	vadd.s32 v2, v16  }
0x212: {  	v2 =	vadd.s32 v4, v2;
	v4 =	vld [tilespmem:$0x1F8F0];
	_ =	sdelay $0x4  }
0x213: {  	v2 =	vadd.s32 v4, v2;
	v4 =	vld [tilespmem:$0x1F8C0];
	_ =	sdelay $0x4  }
0x214: {  	v2 =	vadd.s32 v4, v2;
	v4 =	vld [tilespmem:$0x1F890];
	_ =	sdelay $0x4  }
0x215: {  	v1 =	vadd.s32 v21, v8;
	v2 =	vadd.s32 v4, v2;
	v4 =	vld [tilespmem:$0x1FBB0]  }
0x216: {  	v1 =	vadd.s32 v13, v1  }
0x217: {  	v1 =	vadd.s32 v12, v1  }
0x218: {  	v1 =	vadd.s32 v23, v1  }
0x219: {  	v1 =	vadd.s32 v32, v1  }
0x21a: {  	v1 =	vadd.s32 v4, v1;
	v4 =	vld [tilespmem:$0x1F860];
	_ =	sdelay $0x4  }
0x21b: {  	v3 =	vadd.s32 v5, v19;
	v2 =	vadd.s32 v4, v2;
	v4 =	vld [tilespmem:$0x1FBC0]  }
0x21c: {  	v3 =	vadd.s32 v14, v3  }
0x21d: {  	v3 =	vadd.s32 v34, v3  }
0x21e: {  	v3 =	vadd.s32 v24, v3  }
0x21f: {  	v3 =	vadd.s32 v29, v3  }
0x220: {  	v3 =	vadd.s32 v4, v3;
	v4 =	vld [tilespmem:$0x1FB90];
	_ =	sdelay $0x4  }
0x221: {  	v1 =	vadd.s32 v4, v1;
	v4 =	vld [tilespmem:$0x1F830];
	_ =	sdelay $0x4  }
0x222: {  	v2 =	vadd.s32 v4, v2;
	v4 =	vld [tilespmem:$0x1FBA0];
	_ =	sdelay $0x4  }
0x223: {  	v3 =	vadd.s32 v4, v3;
	v4 =	vld [tilespmem:$0x1FB70];
	_ =	sdelay $0x4  }
0x224: {  	v1 =	vadd.s32 v4, v1;
	v4 =	vld [tilespmem:$0x1F800];
	_ =	sdelay $0x4  }
0x225: {  	v2 =	vadd.s32 v4, v2;
	v4 =	vld [tilespmem:$0x1FB80];
	_ =	sdelay $0x4  }
0x226: {  	v3 =	vadd.s32 v4, v3;
	v4 =	vld [tilespmem:$0x1FB50];
	_ =	sdelay $0x4  }
0x227: {  	v1 =	vadd.s32 v4, v1;
	v4 =	vld [tilespmem:$0x1F7D0];
	_ =	sdelay $0x4  }
0x228: {  	v2 =	vadd.s32 v4, v2;
	v4 =	vld [tilespmem:$0x1FB60];
	_ =	sdelay $0x4  }
0x229: {  	v3 =	vadd.s32 v4, v3;
	v4 =	vld [tilespmem:$0x1FB30];
	_ =	sdelay $0x4  }
0x22a: {  	v1 =	vadd.s32 v4, v1  }
0x22b: {  	v4 =	vld [tilespmem:$0x1F7A0];
	v1 =	vadd.s32 v57, v1  }
0x22c: {  	[tilespmem:$0x1F510] =	vst v1;
	v1 =	vld [tilespmem:$0x1F770];
	_ =	sdelay $0x3  }
0x22d: {  	v2 =	vadd.s32 v4, v2  }
0x22e: {  	v4 =	vld [tilespmem:$0x1FB40];
	v1 =	vadd.s32 v1, v2  }
0x22f: {  	[tilespmem:$0x1F530] =	vst v1;
	v1 =	vld [tilespmem:$0x1FB20];
	_ =	sdelay $0x3  }
0x230: {  	v3 =	vadd.s32 v4, v3  }
0x231: {  	v2 =	vld [tilespmem:$0x1FA00];
	v1 =	vadd.s32 v1, v3  }
0x232: {  	[tilespmem:$0x1F550] =	vst v1;
	v1 =	vld [tilespmem:$0x1F760]  }
0x233: {  	v3 =	vld [tilespmem:$0x1F9E0];
	_ =	sdelay $0x3  }
0x234: {  	v1 =	vadd.s32 v1, v2;
	v2 =	vld [tilespmem:$0x1FA10]  }
0x235: {  	v1 =	vadd.s32 v3, v1;
	v3 =	vld [tilespmem:$0x1F9F0];
	_ =	sdelay $0x3  }
0x236: {  	v2 =	vadd.s32 v9, v2  }
0x237: {  	v2 =	vadd.s32 v3, v2;
	v3 =	vld [tilespmem:$0x1F9C0];
	_ =	sdelay $0x4  }
0x238: {  	v1 =	vadd.s32 v3, v1;
	v3 =	vld [tilespmem:$0x1F9D0];
	_ =	sdelay $0x4  }
0x239: {  	v2 =	vadd.s32 v3, v2;
	v3 =	vld [tilespmem:$0x1F9A0];
	_ =	sdelay $0x4  }
0x23a: {  	v1 =	vadd.s32 v3, v1;
	v3 =	vld [tilespmem:$0x1F9B0];
	_ =	sdelay $0x4  }
0x23b: {  	v2 =	vadd.s32 v3, v2;
	v3 =	vld [tilespmem:$0x1F980];
	_ =	sdelay $0x4  }
0x23c: {  	v1 =	vadd.s32 v3, v1;
	v3 =	vld [tilespmem:$0x1F990];
	_ =	sdelay $0x4  }
0x23d: {  	v2 =	vadd.s32 v3, v2;
	v3 =	vld [tilespmem:$0x1F960];
	_ =	sdelay $0x4  }
0x23e: {  	v1 =	vadd.s32 v3, v1;
	v3 =	vld [tilespmem:$0x1F970];
	_ =	sdelay $0x4  }
0x23f: {  	v2 =	vadd.s32 v3, v2;
	v3 =	vld [tilespmem:$0x1F930];
	_ =	sdelay $0x4  }
0x240: {  	v1 =	vadd.s32 v3, v1;
	v3 =	vld [tilespmem:$0x1F940];
	_ =	sdelay $0x4  }
0x241: {  	v2 =	vadd.s32 v3, v2;
	v3 =	vld [tilespmem:$0x1F900];
	_ =	sdelay $0x4  }
0x242: {  	v1 =	vadd.s32 v3, v1;
	v3 =	vld [tilespmem:$0x1F910];
	_ =	sdelay $0x4  }
0x243: {  	v2 =	vadd.s32 v3, v2;
	v3 =	vld [tilespmem:$0x1F8D0];
	_ =	sdelay $0x4  }
0x244: {  	v1 =	vadd.s32 v3, v1;
	v3 =	vld [tilespmem:$0x1F8E0];
	_ =	sdelay $0x4  }
0x245: {  	v2 =	vadd.s32 v3, v2;
	v3 =	vld [tilespmem:$0x1F8A0];
	_ =	sdelay $0x4  }
0x246: {  	v1 =	vadd.s32 v3, v1;
	v3 =	vld [tilespmem:$0x1F8B0];
	_ =	sdelay $0x4  }
0x247: {  	v2 =	vadd.s32 v3, v2;
	v3 =	vld [tilespmem:$0x1F870]  }
0x248: {  	v4 =	vld [tilespmem:$0x1F840];
	_ =	sdelay $0x3  }
0x249: {  	v1 =	vadd.s32 v3, v1;
	v3 =	vld [tilespmem:$0x1F880]  }
0x24a: {  	v1 =	vadd.s32 v4, v1;
	v4 =	vld [tilespmem:$0x1F850];
	_ =	sdelay $0x3  }
0x24b: {  	v0 =	vadd.s32 v7, v0;
	v2 =	vadd.s32 v3, v2  }
0x24c: {  	v0 =	vadd.s32 v15, v0;
	v2 =	vadd.s32 v4, v2;
	v4 =	vld [tilespmem:$0x1F810]  }
0x24d: {  	v0 =	vadd.s32 v46, v0  }
0x24e: {  	v0 =	vadd.s32 v6, v0  }
0x24f: {  	v0 =	vadd.s32 v26, v0  }
0x250: {  	v0 =	vadd.s32 v27, v0  }
0x251: {  	v0 =	vadd.s32 v25, v0;
	v1 =	vadd.s32 v4, v1;
	v4 =	vld [tilespmem:$0x1F820]  }
0x252: {  	v0 =	vadd.s32 v22, v0  }
0x253: {  	v0 =	vadd.s32 v20, v0  }
0x254: {  	s14 =	sadd.s32 $0x10, s14;
	v0 =	vadd.s32 v18, v0  }
0x255: {  	v0 =	vadd.s32 v17, v0;
	v3 =	vld [tilespmem:s14+$0x0]  }
0x256: {  	v0 =	vadd.s32 v11, v0;
	v2 =	vadd.s32 v4, v2;
	v4 =	vld [tilespmem:$0x1F7E0]  }
0x257: {  	v0 =	vadd.s32 v10, v0  }
0x258: {  	v0 =	vadd.s32 v52, v0  }
0x259: {  	v0 =	vadd.s32 v50, v0  }
0x25a: {  	v0 =	vadd.s32 v48, v0;
	v5 =	vbroadcast v3, $0xE  }
0x25b: {  	[tilespmem:$0x1EF90] =	vst v55;
	v40 =	vbroadcast v3, $0xA;
	v55 =	vbroadcast v3, $0x9;
	v1 =	vadd.s32 v4, v1;
	v4 =	vld [tilespmem:$0x1F7F0]  }
0x25c: {  	[tilespmem:$0x1F240] =	vst v53;
	v23 =	vsub.s32 v5, v63;
	v24 =	vsub.s32 v5, v62;
	v25 =	vsub.s32 v5, v61  }
0x25d: {  	[tilespmem:$0x1F230] =	vst v51;
	v26 =	vsub.s32 v5, v60;
	v27 =	vsub.s32 v5, v59;
	v28 =	vsub.s32 v5, v58  }
0x25e: {  	[tilespmem:$0x1F290] =	vst v0;
	v29 =	vsub.s32 v5, v54;
	v30 =	vsub.s32 v5, v39;
	v5 =	vsub.s32 v40, v63  }
0x25f: {  	v53 =	vsub.s32 v40, v54;
	[tilespmem:$0x1E330] =	vst v5  }
0x260: {  	[tilespmem:$0x1E360] =	vst v53;
	v53 =	vsub.s32 v55, v63;
	v2 =	vadd.s32 v4, v2;
	v4 =	vld [tilespmem:$0x1F7B0]  }
0x261: {  	[tilespmem:$0x1E370] =	vst v53;
	v53 =	vsub.s32 v55, v62  }
0x262: {  	[tilespmem:$0x1E380] =	vst v53;
	v53 =	vsub.s32 v55, v61  }
0x263: {  	[tilespmem:$0x1E390] =	vst v53;
	v53 =	vsub.s32 v55, v60  }
0x264: {  	[tilespmem:$0x1E3A0] =	vst v53;
	v53 =	vsub.s32 v55, v59  }
0x265: {  	v57 =	vbroadcast v3, $0x8;
	[tilespmem:$0x1E3B0] =	vst v53;
	v53 =	vsub.s32 v55, v58;
	v1 =	vadd.s32 v4, v1;
	v4 =	vld [tilespmem:$0x1F7C0]  }
0x266: {  	v0 =	vld [tilespmem:$0x1F790];
	[tilespmem:$0x1E3C0] =	vst v53;
	v53 =	vsub.s32 v55, v54  }
0x267: {  	[tilespmem:$0x1E3D0] =	vst v53;
	v53 =	vsub.s32 v55, v39;
	v55 =	vsub.s32 v57, v63  }
0x268: {  	[tilespmem:$0x1E3E0] =	vst v55;
	v55 =	vsub.s32 v57, v62  }
0x269: {  	[tilespmem:$0x1E3F0] =	vst v55;
	v55 =	vsub.s32 v57, v61  }
0x26a: {  	[tilespmem:$0x1E400] =	vst v55;
	v55 =	vsub.s32 v57, v60;
	v2 =	vadd.s32 v4, v2;
	v4 =	vld [tilespmem:$0x1F780]  }
0x26b: {  	[tilespmem:$0x1E410] =	vst v55;
	v0 =	vadd.s32 v0, v2  }
0x26c: {  	v55 =	vsub.s32 v57, v59;
	[tilespmem:$0x1F200] =	vst v0;
	v0 =	vbroadcast v3, $0x7  }
0x26d: {  	[tilespmem:$0x1E420] =	vst v55;
	v55 =	vsub.s32 v57, v58  }
0x26e: {  	[tilespmem:$0x1E430] =	vst v55;
	v55 =	vsub.s32 v0, v63  }
0x26f: {  	v1 =	vadd.s32 v4, v1;
	[tilespmem:$0x1E460] =	vst v55  }
0x270: {  	v55 =	vsub.s32 v57, v54;
	[tilespmem:$0x1F760] =	vst v1  }
0x271: {  	v57 =	vsub.s32 v57, v39;
	[tilespmem:$0x1E440] =	vst v55  }
0x272: {  	[tilespmem:$0x1E450] =	vst v57;
	v57 =	vsub.s32 v0, v62  }
0x273: {  	[tilespmem:$0x1E470] =	vst v57;
	v57 =	vsub.s32 v0, v60  }
0x274: {  	[tilespmem:$0x1E480] =	vst v57;
	v57 =	vsub.s32 v0, v59  }
0x275: {  	v1 =	vbroadcast v3, $0x6;
	[tilespmem:$0x1E490] =	vst v57;
	v57 =	vsub.s32 v0, v58  }
0x276: {  	[tilespmem:$0x1E4A0] =	vst v57;
	v57 =	vsub.s32 v0, v54  }
0x277: {  	[tilespmem:$0x1E4B0] =	vst v57;
	v57 =	vsub.s32 v1, v63  }
0x278: {  	[tilespmem:$0x1E4C0] =	vst v57;
	v57 =	vsub.s32 v1, v62  }
0x279: {  	v55 =	vsub.s32 v0, v61;
	[tilespmem:$0x1E4D0] =	vst v57;
	v57 =	vsub.s32 v0, v39;
	v0 =	vsub.s32 v1, v61  }
0x27a: {  	[tilespmem:$0x1E4E0] =	vst v0;
	v0 =	vsub.s32 v1, v60  }
0x27b: {  	v6 =	vbroadcast v3, $0xF;
	[tilespmem:$0x1E4F0] =	vst v0;
	v0 =	vsub.s32 v1, v59  }
0x27c: {  	[tilespmem:$0x1E500] =	vst v0;
	v0 =	vsub.s32 v1, v58  }
0x27d: {  	v31 =	vsub.s32 v6, v63;
	[tilespmem:$0x1E510] =	vst v0;
	v0 =	vsub.s32 v1, v54  }
0x27e: {  	v32 =	vsub.s32 v6, v62;
	[tilespmem:$0x1E520] =	vst v0;
	v0 =	vsub.s32 v1, v39;
	v1 =	vshrl.u32 v31, $0x1F  }
0x27f: {  	v33 =	vsub.s32 v6, v61;
	[tilespmem:$0x1EF50] =	vst v1;
	v1 =	vshrl.u32 v32, $0x1F  }
0x280: {  	v34 =	vsub.s32 v6, v60;
	[tilespmem:$0x1EF70] =	vst v1;
	v1 =	vshrl.u32 v33, $0x1F  }
0x281: {  	v35 =	vsub.s32 v6, v59;
	[tilespmem:$0x1F1E0] =	vst v1;
	v1 =	vshrl.u32 v34, $0x1F  }
0x282: {  	v36 =	vsub.s32 v6, v58;
	[tilespmem:$0x1F4E0] =	vst v1;
	v1 =	vshrl.u32 v35, $0x1F  }
0x283: {  	v37 =	vsub.s32 v6, v54;
	[tilespmem:$0x1F500] =	vst v1;
	v1 =	vshrl.u32 v36, $0x1F  }
0x284: {  	v38 =	vsub.s32 v6, v39;
	[tilespmem:$0x1F770] =	vst v1;
	v1 =	vshrl.u32 v37, $0x1F  }
0x285: {  	[tilespmem:$0x1F780] =	vst v1;
	v1 =	vshrl.u32 v38, $0x1F  }
0x286: {  	[tilespmem:$0x1F790] =	vst v1;
	v1 =	vshrl.u32 v23, $0x1F  }
0x287: {  	[tilespmem:$0x1EF20] =	vst v1;
	v1 =	vshrl.u32 v24, $0x1F  }
0x288: {  	[tilespmem:$0x1EF40] =	vst v1;
	v1 =	vshrl.u32 v25, $0x1F  }
0x289: {  	v9 =	vbroadcast v3, $0xD;
	[tilespmem:$0x1F1B0] =	vst v1;
	v1 =	vshrl.u32 v26, $0x1F  }
0x28a: {  	[tilespmem:$0x1F4B0] =	vst v1;
	v1 =	vshrl.u32 v27, $0x1F  }
0x28b: {  	v15 =	vsub.s32 v9, v63;
	[tilespmem:$0x1F4D0] =	vst v1;
	v1 =	vshrl.u32 v28, $0x1F  }
0x28c: {  	[tilespmem:$0x1F7A0] =	vst v1;
	v1 =	vshrl.u32 v15, $0x1F  }
0x28d: {  	[tilespmem:$0x1EEF0] =	vst v1;
	v1 =	vshrl.u32 v29, $0x1F  }
0x28e: {  	v16 =	vsub.s32 v9, v62;
	[tilespmem:$0x1F7B0] =	vst v1;
	v1 =	vshrl.u32 v30, $0x1F  }
0x28f: {  	v17 =	vsub.s32 v9, v61;
	[tilespmem:$0x1F7C0] =	vst v1;
	v1 =	vshrl.u32 v16, $0x1F  }
0x290: {  	v18 =	vsub.s32 v9, v60;
	[tilespmem:$0x1EF10] =	vst v1;
	v1 =	vshrl.u32 v17, $0x1F  }
0x291: {  	v19 =	vsub.s32 v9, v59;
	[tilespmem:$0x1F180] =	vst v1;
	v1 =	vshrl.u32 v18, $0x1F  }
0x292: {  	v14 =	vbroadcast v3, $0xC;
	v20 =	vsub.s32 v9, v58;
	[tilespmem:$0x1F480] =	vst v1;
	v1 =	vshrl.u32 v19, $0x1F  }
0x293: {  	v21 =	vsub.s32 v9, v54;
	[tilespmem:$0x1F4A0] =	vst v1;
	v1 =	vshrl.u32 v20, $0x1F  }
0x294: {  	v44 =	vsub.s32 v14, v63;
	[tilespmem:$0x1F7D0] =	vst v1;
	v1 =	vshrl.u32 v21, $0x1F  }
0x295: {  	v45 =	vsub.s32 v14, v62;
	[tilespmem:$0x1F7E0] =	vst v1;
	v1 =	vshrl.u32 v44, $0x1F  }
0x296: {  	v22 =	vsub.s32 v9, v39;
	[tilespmem:$0x1EEC0] =	vst v1;
	v1 =	vshrl.u32 v45, $0x1F  }
0x297: {  	v9 =	vsub.s32 v14, v61;
	[tilespmem:$0x1EEE0] =	vst v1;
	v1 =	vshrl.u32 v22, $0x1F  }
0x298: {  	v11 =	vshll.u32 v3, $0x7;
	v46 =	vsub.s32 v14, v60;
	[tilespmem:$0x1F7F0] =	vst v1;
	v1 =	vshrl.u32 v9, $0x1F  }
0x299: {  	v47 =	vadd.s32 s31, v11;
	v11 =	vsub.s32 v14, v59;
	[tilespmem:$0x1F150] =	vst v1;
	v1 =	vshrl.u32 v46, $0x1F  }
0x29a: {  	v12 =	vsub.s32 v14, v58;
	[tilespmem:$0x1F450] =	vst v1;
	v1 =	vshrl.u32 v11, $0x1F  }
0x29b: {  	v43 =	vbroadcast v3, $0xB;
	v13 =	vsub.s32 v14, v54;
	[tilespmem:$0x1F470] =	vst v1;
	v1 =	vshrl.u32 v12, $0x1F  }
0x29c: {  	v14 =	vsub.s32 v14, v39;
	[tilespmem:$0x1F800] =	vst v1;
	v1 =	vshrl.u32 v13, $0x1F  }
0x29d: {  	v41 =	vsub.s32 v43, v63;
	[tilespmem:$0x1F810] =	vst v1;
	v1 =	vshrl.u32 v14, $0x1F  }
0x29e: {  	v42 =	vsub.s32 v43, v62;
	[tilespmem:$0x1F820] =	vst v1;
	v1 =	vshrl.u32 v41, $0x1F  }
0x29f: {  	v50 =	vsub.s32 v43, v61;
	[tilespmem:$0x1EEA0] =	vst v1;
	v1 =	vshrl.u32 v42, $0x1F  }
0x2a0: {  	v48 =	vsub.s32 v43, v60;
	[tilespmem:$0x1EEB0] =	vst v1;
	v1 =	vshrl.u32 v50, $0x1F  }
0x2a1: {  	v49 =	vsub.s32 v43, v59;
	[tilespmem:$0x1F120] =	vst v1;
	v1 =	vshrl.u32 v48, $0x1F  }
0x2a2: {  	v51 =	vsub.s32 v43, v58;
	[tilespmem:$0x1F420] =	vst v1;
	v1 =	vshrl.u32 v49, $0x1F  }
0x2a3: {  	v5 =	vsub.s32 v43, v54;
	[tilespmem:$0x1F440] =	vst v1;
	v1 =	vshrl.u32 v51, $0x1F  }
0x2a4: {  	v6 =	vsub.s32 v43, v39;
	[tilespmem:$0x1F830] =	vst v1;
	v1 =	vshrl.u32 v5, $0x1F  }
0x2a5: {  	[tilespmem:$0x1F840] =	vst v1;
	v1 =	vshrl.u32 v6, $0x1F  }
0x2a6: {  	[tilespmem:$0x1F850] =	vst v1;
	v1 =	vld [tilespmem:$0x1E330];
	_ =	sdelay $0x3  }
0x2a7: {  	[tilespmem:$0x1F210] =	vst v56;
	v56 =	vsub.s32 v40, v61  }
0x2a8: {  	v43 =	vsub.s32 v40, v62;
	[tilespmem:$0x1E340] =	vst v56;
	v1 =	vshrl.u32 v1, $0x1F  }
0x2a9: {  	[tilespmem:$0x1EE80] =	vst v1;
	v1 =	vshrl.u32 v43, $0x1F  }
0x2aa: {  	[tilespmem:$0x1EE90] =	vst v1;
	v1 =	vld [tilespmem:$0x1E340];
	_ =	sdelay $0x3  }
0x2ab: {  	v56 =	vsub.s32 v40, v60  }
0x2ac: {  	[tilespmem:$0x1E350] =	vst v56;
	v1 =	vshrl.u32 v1, $0x1F  }
0x2ad: {  	[tilespmem:$0x1F0F0] =	vst v1;
	v1 =	vld [tilespmem:$0x1E350];
	_ =	sdelay $0x4  }
0x2ae: {  	v52 =	vsub.s32 v40, v59;
	v1 =	vshrl.u32 v1, $0x1F  }
0x2af: {  	v56 =	vsub.s32 v40, v58;
	[tilespmem:$0x1F3F0] =	vst v1;
	v1 =	vshrl.u32 v52, $0x1F  }
0x2b0: {  	[tilespmem:$0x1F410] =	vst v1;
	v1 =	vshrl.u32 v56, $0x1F  }
0x2b1: {  	[tilespmem:$0x1F860] =	vst v1;
	v1 =	vld [tilespmem:$0x1E360];
	_ =	sdelay $0x4  }
0x2b2: {  	v40 =	vsub.s32 v40, v39;
	v1 =	vshrl.u32 v1, $0x1F  }
0x2b3: {  	[tilespmem:$0x1F870] =	vst v1;
	v1 =	vshrl.u32 v40, $0x1F  }
0x2b4: {  	[tilespmem:$0x1F880] =	vst v1;
	v1 =	vld [tilespmem:$0x1E370];
	_ =	sdelay $0x4  }
0x2b5: {  	v1 =	vshrl.u32 v1, $0x1F  }
0x2b6: {  	[tilespmem:$0x1EE50] =	vst v1;
	v1 =	vld [tilespmem:$0x1E380];
	_ =	sdelay $0x4  }
0x2b7: {  	v1 =	vshrl.u32 v1, $0x1F  }
0x2b8: {  	[tilespmem:$0x1EE70] =	vst v1;
	v1 =	vld [tilespmem:$0x1E390];
	_ =	sdelay $0x4  }
0x2b9: {  	v1 =	vshrl.u32 v1, $0x1F  }
0x2ba: {  	[tilespmem:$0x1F0C0] =	vst v1;
	v1 =	vld [tilespmem:$0x1E3A0];
	_ =	sdelay $0x4  }
0x2bb: {  	v1 =	vshrl.u32 v1, $0x1F  }
0x2bc: {  	[tilespmem:$0x1F3C0] =	vst v1;
	v1 =	vld [tilespmem:$0x1E3B0];
	_ =	sdelay $0x4  }
0x2bd: {  	v1 =	vshrl.u32 v1, $0x1F  }
0x2be: {  	[tilespmem:$0x1F3E0] =	vst v1;
	v1 =	vld [tilespmem:$0x1E3C0];
	_ =	sdelay $0x4  }
0x2bf: {  	v1 =	vshrl.u32 v1, $0x1F  }
0x2c0: {  	[tilespmem:$0x1F890] =	vst v1;
	v1 =	vld [tilespmem:$0x1E3D0];
	_ =	sdelay $0x4  }
0x2c1: {  	v1 =	vshrl.u32 v1, $0x1F  }
0x2c2: {  	[tilespmem:$0x1F8A0] =	vst v1;
	v1 =	vshrl.u32 v53, $0x1F  }
0x2c3: {  	[tilespmem:$0x1F8B0] =	vst v1;
	v1 =	vld [tilespmem:$0x1E3E0];
	_ =	sdelay $0x4  }
0x2c4: {  	v1 =	vshrl.u32 v1, $0x1F  }
0x2c5: {  	[tilespmem:$0x1EE20] =	vst v1;
	v1 =	vld [tilespmem:$0x1E3F0];
	_ =	sdelay $0x4  }
0x2c6: {  	v1 =	vshrl.u32 v1, $0x1F  }
0x2c7: {  	[tilespmem:$0x1EE40] =	vst v1;
	v1 =	vld [tilespmem:$0x1E400];
	_ =	sdelay $0x4  }
0x2c8: {  	v1 =	vshrl.u32 v1, $0x1F  }
0x2c9: {  	[tilespmem:$0x1F090] =	vst v1;
	v1 =	vld [tilespmem:$0x1E410];
	_ =	sdelay $0x4  }
0x2ca: {  	v1 =	vshrl.u32 v1, $0x1F  }
0x2cb: {  	[tilespmem:$0x1F390] =	vst v1;
	v1 =	vld [tilespmem:$0x1E420];
	_ =	sdelay $0x4  }
0x2cc: {  	v1 =	vshrl.u32 v1, $0x1F  }
0x2cd: {  	v2 =	vbroadcast v3, $0x5;
	[tilespmem:$0x1F3B0] =	vst v1;
	v1 =	vld [tilespmem:$0x1E430];
	_ =	sdelay $0x1  }
0x2ce: {  	[tilespmem:$0x1E530] =	vst v0;
	v0 =	vsub.s32 v2, v63  }
0x2cf: {  	[tilespmem:$0x1E540] =	vst v0;
	v0 =	vsub.s32 v2, v62  }
0x2d0: {  	[tilespmem:$0x1E550] =	vst v0;
	v0 =	vsub.s32 v2, v61  }
0x2d1: {  	[tilespmem:$0x1E560] =	vst v0;
	v1 =	vshrl.u32 v1, $0x1F  }
0x2d2: {  	v0 =	vsub.s32 v2, v60;
	[tilespmem:$0x1F8C0] =	vst v1;
	v1 =	vld [tilespmem:$0x1E440]  }
0x2d3: {  	v4 =	vbroadcast v3, $0x4;
	[tilespmem:$0x1E570] =	vst v0;
	v0 =	vsub.s32 v2, v59  }
0x2d4: {  	[tilespmem:$0x1E580] =	vst v0;
	v0 =	vsub.s32 v2, v58  }
0x2d5: {  	[tilespmem:$0x1E590] =	vst v0;
	v0 =	vsub.s32 v4, v63  }
0x2d6: {  	[tilespmem:$0x1E5C0] =	vst v0;
	v0 =	vsub.s32 v2, v54  }
0x2d7: {  	[tilespmem:$0x1E5A0] =	vst v0;
	v1 =	vshrl.u32 v1, $0x1F  }
0x2d8: {  	v0 =	vsub.s32 v2, v39;
	[tilespmem:$0x1F8D0] =	vst v1;
	v1 =	vld [tilespmem:$0x1E450]  }
0x2d9: {  	[tilespmem:$0x1E5B0] =	vst v0;
	v0 =	vsub.s32 v4, v62  }
0x2da: {  	[tilespmem:$0x1E5D0] =	vst v0;
	v0 =	vsub.s32 v4, v61  }
0x2db: {  	[tilespmem:$0x1E5E0] =	vst v0;
	v0 =	vsub.s32 v4, v60  }
0x2dc: {  	[tilespmem:$0x1E5F0] =	vst v0;
	v0 =	vsub.s32 v4, v59  }
0x2dd: {  	[tilespmem:$0x1E600] =	vst v0;
	v1 =	vshrl.u32 v1, $0x1F  }
0x2de: {  	v7 =	vbroadcast v3, $0x3;
	v0 =	vsub.s32 v4, v58;
	[tilespmem:$0x1F8E0] =	vst v1;
	v1 =	vld [tilespmem:$0x1E460]  }
0x2df: {  	[tilespmem:$0x1E610] =	vst v0;
	v0 =	vsub.s32 v4, v54  }
0x2e0: {  	[tilespmem:$0x1E620] =	vst v0;
	v0 =	vsub.s32 v7, v63  }
0x2e1: {  	[tilespmem:$0x1E640] =	vst v0;
	v0 =	vsub.s32 v7, v62  }
0x2e2: {  	[tilespmem:$0x1E650] =	vst v0;
	v0 =	vsub.s32 v4, v39  }
0x2e3: {  	[tilespmem:$0x1E630] =	vst v0;
	v1 =	vshrl.u32 v1, $0x1F  }
0x2e4: {  	v0 =	vsub.s32 v7, v61;
	[tilespmem:$0x1EE00] =	vst v1;
	v1 =	vld [tilespmem:$0x1E470]  }
0x2e5: {  	[tilespmem:$0x1E660] =	vst v0;
	v0 =	vsub.s32 v7, v60  }
0x2e6: {  	[tilespmem:$0x1E670] =	vst v0;
	v0 =	vsub.s32 v7, v59  }
0x2e7: {  	[tilespmem:$0x1E680] =	vst v0;
	v0 =	vsub.s32 v7, v58  }
0x2e8: {  	[tilespmem:$0x1E690] =	vst v0;
	v0 =	vsub.s32 v7, v54  }
0x2e9: {  	[tilespmem:$0x1E6A0] =	vst v0;
	v1 =	vshrl.u32 v1, $0x1F  }
0x2ea: {  	v8 =	vbroadcast v3, $0x2;
	[tilespmem:$0x1EE10] =	vst v1;
	v1 =	vshrl.u32 v55, $0x1F  }
0x2eb: {  	v0 =	vsub.s32 v7, v39;
	[tilespmem:$0x1F060] =	vst v1;
	v1 =	vld [tilespmem:$0x1E480]  }
0x2ec: {  	[tilespmem:$0x1E6B0] =	vst v0;
	v0 =	vsub.s32 v8, v63  }
0x2ed: {  	[tilespmem:$0x1E6C0] =	vst v0;
	v0 =	vsub.s32 v8, v62  }
0x2ee: {  	[tilespmem:$0x1E6D0] =	vst v0;
	v0 =	vsub.s32 v8, v61  }
0x2ef: {  	[tilespmem:$0x1E6E0] =	vst v0;
	v0 =	vsub.s32 v8, v60  }
0x2f0: {  	[tilespmem:$0x1E6F0] =	vst v0;
	v1 =	vshrl.u32 v1, $0x1F  }
0x2f1: {  	v10 =	vbroadcast v3, $0x0;
	v3 =	vbroadcast v3, $0x1;
	v0 =	vsub.s32 v8, v59;
	[tilespmem:$0x1F360] =	vst v1;
	v1 =	vld [tilespmem:$0x1E490]  }
0x2f2: {  	[tilespmem:$0x1E700] =	vst v0;
	v0 =	vsub.s32 v8, v58  }
0x2f3: {  	[tilespmem:$0x1E710] =	vst v0;
	v0 =	vsub.s32 v3, v63  }
0x2f4: {  	[tilespmem:$0x1E740] =	vst v0;
	v0 =	vsub.s32 v8, v54  }
0x2f5: {  	[tilespmem:$0x1E720] =	vst v0;
	v0 =	vsub.s32 v8, v39  }
0x2f6: {  	[tilespmem:$0x1E730] =	vst v0;
	v1 =	vshrl.u32 v1, $0x1F  }
0x2f7: {  	v0 =	vsub.s32 v3, v62;
	[tilespmem:$0x1F380] =	vst v1;
	v1 =	vld [tilespmem:$0x1E4A0]  }
0x2f8: {  	[tilespmem:$0x1E750] =	vst v0;
	v0 =	vsub.s32 v3, v61  }
0x2f9: {  	[tilespmem:$0x1E760] =	vst v0;
	v0 =	vsub.s32 v3, v60  }
0x2fa: {  	[tilespmem:$0x1E770] =	vst v0;
	v0 =	vsub.s32 v3, v59  }
0x2fb: {  	[tilespmem:$0x1E780] =	vst v0;
	v0 =	vsub.s32 v3, v58  }
0x2fc: {  	[tilespmem:$0x1E790] =	vst v0;
	v1 =	vshrl.u32 v1, $0x1F  }
0x2fd: {  	v0 =	vsub.s32 v3, v54;
	[tilespmem:$0x1F8F0] =	vst v1;
	v1 =	vld [tilespmem:$0x1E4B0]  }
0x2fe: {  	[tilespmem:$0x1E7A0] =	vst v0;
	v0 =	vsub.s32 v3, v39  }
0x2ff: {  	[tilespmem:$0x1E7B0] =	vst v0;
	v0 =	vsub.s32 v10, v59  }
0x300: {  	[tilespmem:$0x1E7C0] =	vst v0;
	v0 =	vsub.s32 v10, v58  }
0x301: {  	[tilespmem:$0x1E7D0] =	vst v0;
	v0 =	vsub.s32 v10, v54  }
0x302: {  	[tilespmem:$0x1E7E0] =	vst v0;
	v1 =	vshrl.u32 v1, $0x1F  }
0x303: {  	[tilespmem:$0x1F900] =	vst v1;
	v1 =	vshrl.u32 v57, $0x1F  }
0x304: {  	[tilespmem:$0x1F910] =	vst v1;
	v1 =	vld [tilespmem:$0x1E4C0];
	_ =	sdelay $0x4  }
0x305: {  	v1 =	vshrl.u32 v1, $0x1F  }
0x306: {  	[tilespmem:$0x1EDE0] =	vst v1;
	v1 =	vld [tilespmem:$0x1E4D0];
	_ =	sdelay $0x4  }
0x307: {  	v1 =	vshrl.u32 v1, $0x1F  }
0x308: {  	[tilespmem:$0x1EDF0] =	vst v1;
	v1 =	vld [tilespmem:$0x1E4E0];
	_ =	sdelay $0x4  }
0x309: {  	v1 =	vshrl.u32 v1, $0x1F  }
0x30a: {  	[tilespmem:$0x1F030] =	vst v1;
	v1 =	vld [tilespmem:$0x1E4F0];
	_ =	sdelay $0x4  }
0x30b: {  	v1 =	vshrl.u32 v1, $0x1F  }
0x30c: {  	[tilespmem:$0x1F330] =	vst v1;
	v1 =	vld [tilespmem:$0x1E500];
	_ =	sdelay $0x4  }
0x30d: {  	v1 =	vshrl.u32 v1, $0x1F  }
0x30e: {  	[tilespmem:$0x1F350] =	vst v1;
	v1 =	vld [tilespmem:$0x1E510];
	_ =	sdelay $0x4  }
0x30f: {  	v1 =	vshrl.u32 v1, $0x1F  }
0x310: {  	[tilespmem:$0x1F920] =	vst v1;
	v1 =	vld [tilespmem:$0x1E520];
	_ =	sdelay $0x4  }
0x311: {  	v1 =	vshrl.u32 v1, $0x1F  }
0x312: {  	[tilespmem:$0x1F930] =	vst v1;
	v1 =	vld [tilespmem:$0x1E530];
	_ =	sdelay $0x4  }
0x313: {  	v1 =	vshrl.u32 v1, $0x1F  }
0x314: {  	[tilespmem:$0x1F940] =	vst v1;
	v1 =	vld [tilespmem:$0x1E540];
	_ =	sdelay $0x4  }
0x315: {  	v1 =	vshrl.u32 v1, $0x1F  }
0x316: {  	[tilespmem:$0x1EDC0] =	vst v1;
	v1 =	vld [tilespmem:$0x1E550];
	_ =	sdelay $0x4  }
0x317: {  	v1 =	vshrl.u32 v1, $0x1F  }
0x318: {  	[tilespmem:$0x1EDD0] =	vst v1;
	v1 =	vld [tilespmem:$0x1E560];
	_ =	sdelay $0x4  }
0x319: {  	v1 =	vshrl.u32 v1, $0x1F  }
0x31a: {  	[tilespmem:$0x1EFF0] =	vst v1;
	v1 =	vld [tilespmem:$0x1E570];
	_ =	sdelay $0x4  }
0x31b: {  	v1 =	vshrl.u32 v1, $0x1F  }
0x31c: {  	[tilespmem:$0x1F300] =	vst v1;
	v1 =	vld [tilespmem:$0x1E580];
	_ =	sdelay $0x4  }
0x31d: {  	v1 =	vshrl.u32 v1, $0x1F  }
0x31e: {  	[tilespmem:$0x1F320] =	vst v1;
	v1 =	vld [tilespmem:$0x1E590];
	_ =	sdelay $0x4  }
0x31f: {  	v1 =	vshrl.u32 v1, $0x1F  }
0x320: {  	[tilespmem:$0x1F950] =	vst v1;
	v1 =	vld [tilespmem:$0x1E5A0];
	_ =	sdelay $0x4  }
0x321: {  	v1 =	vshrl.u32 v1, $0x1F  }
0x322: {  	[tilespmem:$0x1F960] =	vst v1;
	v1 =	vld [tilespmem:$0x1E5B0];
	_ =	sdelay $0x4  }
0x323: {  	v1 =	vshrl.u32 v1, $0x1F  }
0x324: {  	[tilespmem:$0x1F970] =	vst v1;
	v1 =	vld [tilespmem:$0x1E5C0];
	_ =	sdelay $0x4  }
0x325: {  	v1 =	vshrl.u32 v1, $0x1F  }
0x326: {  	[tilespmem:$0x1EDA0] =	vst v1;
	v1 =	vld [tilespmem:$0x1E5D0];
	_ =	sdelay $0x4  }
0x327: {  	v1 =	vshrl.u32 v1, $0x1F  }
0x328: {  	[tilespmem:$0x1EDB0] =	vst v1;
	v1 =	vld [tilespmem:$0x1E5E0];
	_ =	sdelay $0x4  }
0x329: {  	v1 =	vshrl.u32 v1, $0x1F  }
0x32a: {  	[tilespmem:$0x1EFE0] =	vst v1;
	v1 =	vld [tilespmem:$0x1E5F0];
	_ =	sdelay $0x4  }
0x32b: {  	v1 =	vshrl.u32 v1, $0x1F  }
0x32c: {  	[tilespmem:$0x1F2D0] =	vst v1;
	v1 =	vld [tilespmem:$0x1E600];
	_ =	sdelay $0x4  }
0x32d: {  	v1 =	vshrl.u32 v1, $0x1F  }
0x32e: {  	[tilespmem:$0x1F2F0] =	vst v1;
	v1 =	vld [tilespmem:$0x1E610];
	_ =	sdelay $0x4  }
0x32f: {  	v1 =	vshrl.u32 v1, $0x1F  }
0x330: {  	[tilespmem:$0x1F600] =	vst v1;
	v1 =	vld [tilespmem:$0x1E620];
	_ =	sdelay $0x4  }
0x331: {  	v1 =	vshrl.u32 v1, $0x1F  }
0x332: {  	[tilespmem:$0x1F980] =	vst v1;
	v1 =	vld [tilespmem:$0x1E630];
	_ =	sdelay $0x4  }
0x333: {  	v1 =	vshrl.u32 v1, $0x1F  }
0x334: {  	[tilespmem:$0x1F990] =	vst v1;
	v1 =	vld [tilespmem:$0x1E640];
	_ =	sdelay $0x4  }
0x335: {  	v1 =	vshrl.u32 v1, $0x1F  }
0x336: {  	[tilespmem:$0x1ED80] =	vst v1;
	v1 =	vld [tilespmem:$0x1E650];
	_ =	sdelay $0x4  }
0x337: {  	v1 =	vshrl.u32 v1, $0x1F  }
0x338: {  	[tilespmem:$0x1ED90] =	vst v1;
	v1 =	vld [tilespmem:$0x1E660];
	_ =	sdelay $0x4  }
0x339: {  	v1 =	vshrl.u32 v1, $0x1F  }
0x33a: {  	[tilespmem:$0x1EFD0] =	vst v1;
	v1 =	vld [tilespmem:$0x1E670];
	_ =	sdelay $0x4  }
0x33b: {  	v1 =	vshrl.u32 v1, $0x1F  }
0x33c: {  	[tilespmem:$0x1F2B0] =	vst v1;
	v1 =	vld [tilespmem:$0x1E680];
	_ =	sdelay $0x4  }
0x33d: {  	v1 =	vshrl.u32 v1, $0x1F  }
0x33e: {  	[tilespmem:$0x1F2C0] =	vst v1;
	v1 =	vld [tilespmem:$0x1E690];
	_ =	sdelay $0x4  }
0x33f: {  	v1 =	vshrl.u32 v1, $0x1F  }
0x340: {  	[tilespmem:$0x1F5D0] =	vst v1;
	v1 =	vld [tilespmem:$0x1E6A0];
	_ =	sdelay $0x4  }
0x341: {  	v1 =	vshrl.u32 v1, $0x1F  }
0x342: {  	[tilespmem:$0x1F9A0] =	vst v1;
	v1 =	vld [tilespmem:$0x1E6B0];
	_ =	sdelay $0x4  }
0x343: {  	v1 =	vshrl.u32 v1, $0x1F  }
0x344: {  	[tilespmem:$0x1F9B0] =	vst v1;
	v1 =	vld [tilespmem:$0x1E6C0];
	_ =	sdelay $0x4  }
0x345: {  	v1 =	vshrl.u32 v1, $0x1F  }
0x346: {  	[tilespmem:$0x1ED60] =	vst v1;
	v1 =	vld [tilespmem:$0x1E6D0];
	_ =	sdelay $0x4  }
0x347: {  	v1 =	vshrl.u32 v1, $0x1F  }
0x348: {  	[tilespmem:$0x1ED70] =	vst v1;
	v1 =	vld [tilespmem:$0x1E6E0];
	_ =	sdelay $0x4  }
0x349: {  	v1 =	vshrl.u32 v1, $0x1F  }
0x34a: {  	[tilespmem:$0x1EFC0] =	vst v1;
	v1 =	vld [tilespmem:$0x1E6F0];
	_ =	sdelay $0x4  }
0x34b: {  	v1 =	vshrl.u32 v1, $0x1F  }
0x34c: {  	[tilespmem:$0x1F280] =	vst v1;
	v1 =	vld [tilespmem:$0x1E700];
	_ =	sdelay $0x4  }
0x34d: {  	v1 =	vshrl.u32 v1, $0x1F  }
0x34e: {  	[tilespmem:$0x1F2A0] =	vst v1;
	v1 =	vld [tilespmem:$0x1E710];
	_ =	sdelay $0x4  }
0x34f: {  	v1 =	vshrl.u32 v1, $0x1F  }
0x350: {  	[tilespmem:$0x1F5A0] =	vst v1;
	v1 =	vld [tilespmem:$0x1E720];
	_ =	sdelay $0x4  }
0x351: {  	v1 =	vshrl.u32 v1, $0x1F  }
0x352: {  	[tilespmem:$0x1F9C0] =	vst v1;
	v1 =	vld [tilespmem:$0x1E730];
	_ =	sdelay $0x4  }
0x353: {  	v1 =	vshrl.u32 v1, $0x1F  }
0x354: {  	[tilespmem:$0x1F9D0] =	vst v1;
	v1 =	vld [tilespmem:$0x1E740];
	_ =	sdelay $0x4  }
0x355: {  	v1 =	vshrl.u32 v1, $0x1F  }
0x356: {  	[tilespmem:$0x1ED40] =	vst v1;
	v1 =	vld [tilespmem:$0x1E750];
	_ =	sdelay $0x4  }
0x357: {  	v1 =	vshrl.u32 v1, $0x1F  }
0x358: {  	[tilespmem:$0x1ED50] =	vst v1;
	v1 =	vld [tilespmem:$0x1E760];
	_ =	sdelay $0x4  }
0x359: {  	v1 =	vshrl.u32 v1, $0x1F  }
0x35a: {  	[tilespmem:$0x1EFA0] =	vst v1;
	v1 =	vld [tilespmem:$0x1E770];
	_ =	sdelay $0x4  }
0x35b: {  	v1 =	vshrl.u32 v1, $0x1F  }
0x35c: {  	[tilespmem:$0x1F260] =	vst v1;
	v1 =	vld [tilespmem:$0x1E780];
	_ =	sdelay $0x4  }
0x35d: {  	v1 =	vshrl.u32 v1, $0x1F  }
0x35e: {  	[tilespmem:$0x1F270] =	vst v1;
	v1 =	vld [tilespmem:$0x1E790];
	_ =	sdelay $0x4  }
0x35f: {  	v1 =	vshrl.u32 v1, $0x1F  }
0x360: {  	[tilespmem:$0x1F570] =	vst v1;
	v1 =	vld [tilespmem:$0x1E7A0];
	_ =	sdelay $0x4  }
0x361: {  	v1 =	vshrl.u32 v1, $0x1F  }
0x362: {  	[tilespmem:$0x1F9E0] =	vst v1;
	v1 =	vld [tilespmem:$0x1E7B0];
	_ =	sdelay $0x4  }
0x363: {  	v4 =	vsub.s32 v10, v63;
	v1 =	vshrl.u32 v1, $0x1F  }
0x364: {  	v7 =	vsub.s32 v10, v62;
	[tilespmem:$0x1F9F0] =	vst v1;
	v1 =	vshrl.u32 v4, $0x1F  }
0x365: {  	v3 =	vsub.s32 v10, v61;
	[tilespmem:$0x1ED20] =	vst v1;
	v1 =	vshrl.u32 v7, $0x1F  }
0x366: {  	v8 =	vsub.s32 v10, v60;
	[tilespmem:$0x1ED30] =	vst v1;
	v1 =	vshrl.u32 v3, $0x1F  }
0x367: {  	[tilespmem:$0x1EF80] =	vst v1;
	v1 =	vshrl.u32 v8, $0x1F  }
0x368: {  	[tilespmem:$0x1F220] =	vst v1;
	v1 =	vld [tilespmem:$0x1E7C0];
	_ =	sdelay $0x4  }
0x369: {  	v0 =	vlaneseq.u32;
	v1 =	vshrl.u32 v1, $0x1F  }
0x36a: {  	v0 =	vadd.s32 v0, v47;
	[tilespmem:$0x1F250] =	vst v1;
	v1 =	vld [tilespmem:$0x1E7D0]  }
0x36b: {  	v13 =	vbroadcast v0, $0xF;
	v11 =	vbroadcast v0, $0xE  }
0x36c: {  	v20 =	vbroadcast v0, $0xD;
	v22 =	vbroadcast v0, $0xC  }
0x36d: {  	v24 =	vbroadcast v0, $0xB;
	v16 =	vbroadcast v0, $0xA  }
0x36e: {  	v12 =	vbroadcast v0, $0x9;
	v18 =	vbroadcast v0, $0x8  }
0x36f: {  	v17 =	vbroadcast v0, $0x7;
	v19 =	vbroadcast v0, $0x6;
	v3 =	vld [tilespmem:$0x1F720];
	v1 =	vshrl.u32 v1, $0x1F  }
0x370: {  	v33 =	vbroadcast v0, $0x5;
	v9 =	vbroadcast v0, $0x4;
	[tilespmem:$0x1F540] =	vst v1;
	v1 =	vld [tilespmem:$0x1E7E0]  }
0x371: {  	v2 =	vsub.s32 v10, v39;
	v14 =	vbroadcast v0, $0x1;
	v10 =	vbroadcast v0, $0x2  }
0x372: {  	v15 =	vbroadcast v0, $0x0;
	v8 =	vbroadcast v0, $0x3;
	v0 =	vld [tilespmem:$0x1F690];
	_ =	sdelay $0x1  }
0x373: {  	v4 =	vsub.s32 v13, v3  }
0x374: {  	[tilespmem:$0x1E810] =	vst v4;
	v1 =	vshrl.u32 v1, $0x1F  }
0x375: {  	v6 =	vld [tilespmem:$0x1FAB0];
	[tilespmem:$0x1FA00] =	vst v1;
	v1 =	vshrl.u32 v2, $0x1F  }
0x376: {  	v4 =	vld [tilespmem:$0x1F750];
	[tilespmem:$0x1FA10] =	vst v1;
	v1 =	vsub.s32 v13, v0  }
0x377: {  	[tilespmem:$0x1E7F0] =	vst v1;
	v1 =	vld [tilespmem:$0x1F6B0];
	_ =	sdelay $0x2  }
0x378: {  	v7 =	vsub.s32 v13, v6  }
0x379: {  	[tilespmem:$0x1E830] =	vst v7;
	v7 =	vld [tilespmem:$0x1FB00];
	v5 =	vsub.s32 v13, v4  }
0x37a: {  	[tilespmem:$0x1E820] =	vst v5;
	v5 =	vld [tilespmem:$0x1FA90];
	v2 =	vsub.s32 v13, v1  }
0x37b: {  	[tilespmem:$0x1E800] =	vst v2;
	v2 =	vld [tilespmem:$0x1F6F0];
	_ =	sdelay $0x2  }
0x37c: {  	v27 =	vsub.s32 v33, v7  }
0x37d: {  	[tilespmem:$0x1EAF0] =	vst v27;
	v21 =	vsub.s32 v11, v1  }
0x37e: {  	v32 =	vsub.s32 v13, v5;
	[tilespmem:$0x1E850] =	vst v21;
	v31 =	vsub.s32 v13, v2;
	v13 =	vsub.s32 v13, v7  }
0x37f: {  	v21 =	vsub.s32 v11, v2;
	[tilespmem:$0x1E840] =	vst v13  }
0x380: {  	v45 =	vsub.s32 v9, v2;
	[tilespmem:$0x1E860] =	vst v21  }
0x381: {  	v21 =	vsub.s32 v11, v4;
	[tilespmem:$0x1EB00] =	vst v45  }
0x382: {  	v45 =	vsub.s32 v9, v3;
	[tilespmem:$0x1E870] =	vst v21  }
0x383: {  	v23 =	vsub.s32 v11, v6;
	v21 =	vsub.s32 v11, v5;
	[tilespmem:$0x1EB10] =	vst v45  }
0x384: {  	v30 =	vsub.s32 v11, v3;
	v13 =	vsub.s32 v11, v0;
	v11 =	vsub.s32 v11, v7;
	[tilespmem:$0x1E880] =	vst v21  }
0x385: {  	v45 =	vsub.s32 v9, v5;
	[tilespmem:$0x1E8A0] =	vst v11  }
0x386: {  	v21 =	vsub.s32 v20, v0;
	[tilespmem:$0x1EB20] =	vst v45  }
0x387: {  	v11 =	vsub.s32 v20, v2;
	[tilespmem:$0x1E890] =	vst v21  }
0x388: {  	v45 =	vsub.s32 v9, v6;
	[tilespmem:$0x1E8B0] =	vst v11  }
0x389: {  	v11 =	vsub.s32 v20, v3;
	[tilespmem:$0x1EB30] =	vst v45  }
0x38a: {  	v45 =	vsub.s32 v8, v0;
	[tilespmem:$0x1E8C0] =	vst v11  }
0x38b: {  	v11 =	vsub.s32 v20, v5;
	[tilespmem:$0x1EB50] =	vst v45  }
0x38c: {  	v45 =	vsub.s32 v8, v1;
	[tilespmem:$0x1E8D0] =	vst v11  }
0x38d: {  	v29 =	vsub.s32 v20, v4;
	v11 =	vsub.s32 v20, v6;
	[tilespmem:$0x1EB60] =	vst v45  }
0x38e: {  	v25 =	vsub.s32 v20, v1;
	v21 =	vsub.s32 v20, v7;
	v20 =	vsub.s32 v24, v2;
	[tilespmem:$0x1E8E0] =	vst v11  }
0x38f: {  	v45 =	vsub.s32 v10, v6;
	[tilespmem:$0x1E950] =	vst v20  }
0x390: {  	v11 =	vsub.s32 v22, v0;
	[tilespmem:$0x1EC20] =	vst v45  }
0x391: {  	v20 =	vsub.s32 v24, v4;
	[tilespmem:$0x1E8F0] =	vst v11  }
0x392: {  	v11 =	vsub.s32 v22, v1;
	[tilespmem:$0x1E960] =	vst v20  }
0x393: {  	v20 =	vsub.s32 v24, v5;
	[tilespmem:$0x1E900] =	vst v11  }
0x394: {  	v11 =	vsub.s32 v22, v3;
	[tilespmem:$0x1E970] =	vst v20  }
0x395: {  	v20 =	vsub.s32 v16, v0;
	[tilespmem:$0x1E910] =	vst v11  }
0x396: {  	v11 =	vsub.s32 v22, v4;
	[tilespmem:$0x1E980] =	vst v20  }
0x397: {  	v20 =	vsub.s32 v24, v7;
	[tilespmem:$0x1E920] =	vst v11  }
0x398: {  	v11 =	vsub.s32 v22, v6;
	[tilespmem:$0x1E990] =	vst v20  }
0x399: {  	v20 =	vsub.s32 v16, v5;
	[tilespmem:$0x1E930] =	vst v11  }
0x39a: {  	v55 =	vsub.s32 v16, v6;
	v53 =	vsub.s32 v16, v3;
	v11 =	vsub.s32 v22, v7;
	[tilespmem:$0x1E9A0] =	vst v20  }
0x39b: {  	v50 =	vsub.s32 v12, v3;
	v42 =	vsub.s32 v16, v4;
	v20 =	vsub.s32 v12, v0;
	[tilespmem:$0x1E940] =	vst v11  }
0x39c: {  	v51 =	vsub.s32 v12, v4;
	v26 =	vsub.s32 v16, v1;
	[tilespmem:$0x1E9B0] =	vst v20;
	v20 =	vsub.s32 v12, v1  }
0x39d: {  	v52 =	vsub.s32 v16, v2;
	[tilespmem:$0x1E9C0] =	vst v20;
	v20 =	vsub.s32 v16, v7;
	v16 =	vsub.s32 v12, v6  }
0x39e: {  	v41 =	vsub.s32 v12, v5;
	v40 =	vsub.s32 v12, v2;
	v12 =	vsub.s32 v12, v7;
	[tilespmem:$0x1E9D0] =	vst v16  }
0x39f: {  	[tilespmem:$0x1E9E0] =	vst v12;
	v16 =	vsub.s32 v17, v0  }
0x3a0: {  	[tilespmem:$0x1E9F0] =	vst v16;
	v16 =	vsub.s32 v18, v7  }
0x3a1: {  	[tilespmem:$0x1EA00] =	vst v16;
	v16 =	vsub.s32 v17, v2  }
0x3a2: {  	[tilespmem:$0x1EA10] =	vst v16;
	v16 =	vsub.s32 v17, v3  }
0x3a3: {  	[tilespmem:$0x1EA20] =	vst v16;
	v16 =	vsub.s32 v17, v5  }
0x3a4: {  	[tilespmem:$0x1EA30] =	vst v16;
	v16 =	vsub.s32 v17, v6  }
0x3a5: {  	[tilespmem:$0x1EA40] =	vst v16;
	v16 =	vsub.s32 v19, v0  }
0x3a6: {  	[tilespmem:$0x1EA50] =	vst v16;
	v16 =	vsub.s32 v19, v1  }
0x3a7: {  	[tilespmem:$0x1EA60] =	vst v16;
	v16 =	vsub.s32 v19, v3  }
0x3a8: {  	[tilespmem:$0x1EA70] =	vst v16;
	v16 =	vsub.s32 v19, v4  }
0x3a9: {  	[tilespmem:$0x1EA80] =	vst v16;
	v16 =	vsub.s32 v19, v6  }
0x3aa: {  	[tilespmem:$0x1EA90] =	vst v16;
	v16 =	vsub.s32 v19, v7  }
0x3ab: {  	v38 =	vsub.s32 v19, v5;
	v37 =	vsub.s32 v19, v2;
	v19 =	vsub.s32 v33, v2;
	[tilespmem:$0x1EAA0] =	vst v16  }
0x3ac: {  	[tilespmem:$0x1EAB0] =	vst v19;
	v19 =	vsub.s32 v33, v4  }
0x3ad: {  	v35 =	vsub.s32 v33, v3;
	v56 =	vsub.s32 v33, v1;
	[tilespmem:$0x1EAC0] =	vst v19;
	v19 =	vsub.s32 v33, v5  }
0x3ae: {  	v27 =	vsub.s32 v9, v1;
	v16 =	vsub.s32 v33, v0;
	[tilespmem:$0x1EAD0] =	vst v19;
	v19 =	vsub.s32 v9, v0  }
0x3af: {  	[tilespmem:$0x1EAE0] =	vst v19;
	v19 =	vsub.s32 v33, v6;
	v33 =	vsub.s32 v9, v4;
	v9 =	vsub.s32 v9, v7  }
0x3b0: {  	[tilespmem:$0x1EB40] =	vst v9;
	v9 =	vsub.s32 v8, v2  }
0x3b1: {  	[tilespmem:$0x1EB70] =	vst v9;
	v9 =	vsub.s32 v8, v3  }
0x3b2: {  	[tilespmem:$0x1EB80] =	vst v9;
	v9 =	vsub.s32 v8, v4  }
0x3b3: {  	v43 =	vsub.s32 v24, v3;
	[tilespmem:$0x1EB90] =	vst v9;
	v9 =	vsub.s32 v8, v5  }
0x3b4: {  	v36 =	vsub.s32 v18, v3;
	v48 =	vsub.s32 v18, v4;
	[tilespmem:$0x1EBA0] =	vst v9;
	v9 =	vsub.s32 v8, v6  }
0x3b5: {  	v28 =	vsub.s32 v22, v5;
	v49 =	vsub.s32 v18, v5;
	v8 =	vsub.s32 v8, v7;
	[tilespmem:$0x1EBB0] =	vst v9  }
0x3b6: {  	v57 =	vsub.s32 v24, v1;
	v46 =	vsub.s32 v18, v1;
	[tilespmem:$0x1EBD0] =	vst v8;
	v8 =	vsub.s32 v10, v1  }
0x3b7: {  	v44 =	vsub.s32 v22, v2;
	v47 =	vsub.s32 v18, v2;
	[tilespmem:$0x1EBC0] =	vst v8;
	v8 =	vsub.s32 v10, v2  }
0x3b8: {  	v45 =	vsub.s32 v10, v7;
	v22 =	vsub.s32 v24, v6;
	[tilespmem:$0x1EBE0] =	vst v8;
	v8 =	vsub.s32 v10, v3  }
0x3b9: {  	v11 =	vsub.s32 v24, v0;
	v24 =	vsub.s32 v18, v6;
	[tilespmem:$0x1EBF0] =	vst v8;
	v8 =	vsub.s32 v10, v4  }
0x3ba: {  	v9 =	vsub.s32 v10, v0;
	[tilespmem:$0x1EC00] =	vst v8;
	v8 =	vsub.s32 v10, v5;
	v10 =	vsub.s32 v14, v1  }
0x3bb: {  	v12 =	vsub.s32 v18, v0;
	v18 =	vsub.s32 v17, v1;
	v1 =	vsub.s32 v15, v1;
	[tilespmem:$0x1EC30] =	vst v10  }
0x3bc: {  	[tilespmem:$0x1EC90] =	vst v1;
	v1 =	vsub.s32 v14, v7  }
0x3bd: {  	[tilespmem:$0x1ECA0] =	vst v1;
	v1 =	vsub.s32 v15, v2  }
0x3be: {  	v10 =	vsub.s32 v14, v2;
	v2 =	vld [tilespmem:$0x1E900];
	[tilespmem:$0x1ECB0] =	vst v1;
	v1 =	vsub.s32 v15, v3  }
0x3bf: {  	[tilespmem:$0x1ECC0] =	vst v1;
	v1 =	vsub.s32 v15, v4  }
0x3c0: {  	[tilespmem:$0x1ECD0] =	vst v1;
	v1 =	vsub.s32 v15, v5  }
0x3c1: {  	[tilespmem:$0x1ECE0] =	vst v1;
	v1 =	vsub.s32 v15, v6  }
0x3c2: {  	[tilespmem:$0x1ECF0] =	vst v1;
	v1 =	vsub.s32 v15, v7  }
0x3c3: {  	v2 =	vshrl.u32 v2, $0x1F;
	[tilespmem:$0x1ED00] =	vst v1;
	v1 =	vld [tilespmem:$0x1E7F0]  }
0x3c4: {  	[tilespmem:$0x1EED0] =	vst v2;
	v2 =	vshrl.u32 v44, $0x1F  }
0x3c5: {  	[tilespmem:$0x1F140] =	vst v2;
	v2 =	vld [tilespmem:$0x1E910];
	_ =	sdelay $0x2  }
0x3c6: {  	v1 =	vshrl.u32 v1, $0x1F  }
0x3c7: {  	[tilespmem:$0x1ED10] =	vst v1;
	v1 =	vld [tilespmem:$0x1E800]  }
0x3c8: {  	v2 =	vshrl.u32 v2, $0x1F  }
0x3c9: {  	[tilespmem:$0x1F160] =	vst v2;
	v2 =	vld [tilespmem:$0x1E920];
	_ =	sdelay $0x2  }
0x3ca: {  	v1 =	vshrl.u32 v1, $0x1F  }
0x3cb: {  	[tilespmem:$0x1EF60] =	vst v1;
	v1 =	vshrl.u32 v31, $0x1F  }
0x3cc: {  	v2 =	vshrl.u32 v2, $0x1F;
	[tilespmem:$0x1F1D0] =	vst v1;
	v1 =	vld [tilespmem:$0x1E810]  }
0x3cd: {  	[tilespmem:$0x1F460] =	vst v2;
	v2 =	vshrl.u32 v28, $0x1F  }
0x3ce: {  	[tilespmem:$0x1FB70] =	vst v2;
	v2 =	vld [tilespmem:$0x1E930];
	_ =	sdelay $0x2  }
0x3cf: {  	v1 =	vshrl.u32 v1, $0x1F  }
0x3d0: {  	[tilespmem:$0x1F1F0] =	vst v1;
	v1 =	vld [tilespmem:$0x1E820]  }
0x3d1: {  	v2 =	vshrl.u32 v2, $0x1F  }
0x3d2: {  	[tilespmem:$0x1FB80] =	vst v2;
	v2 =	vld [tilespmem:$0x1E940];
	_ =	sdelay $0x2  }
0x3d3: {  	v1 =	vshrl.u32 v1, $0x1F  }
0x3d4: {  	[tilespmem:$0x1F4F0] =	vst v1;
	v1 =	vshrl.u32 v32, $0x1F  }
0x3d5: {  	v2 =	vshrl.u32 v2, $0x1F;
	[tilespmem:$0x1F580] =	vst v1;
	v1 =	vld [tilespmem:$0x1E830]  }
0x3d6: {  	[tilespmem:$0x1F040] =	vst v2;
	v2 =	vld [tilespmem:$0x1E950];
	_ =	sdelay $0x3  }
0x3d7: {  	v1 =	vshrl.u32 v1, $0x1F  }
0x3d8: {  	v2 =	vshrl.u32 v2, $0x1F;
	[tilespmem:$0x1FB20] =	vst v1;
	v1 =	vld [tilespmem:$0x1E840]  }
0x3d9: {  	[tilespmem:$0x1F110] =	vst v2;
	v2 =	vshrl.u32 v43, $0x1F  }
0x3da: {  	[tilespmem:$0x1F130] =	vst v2;
	v2 =	vld [tilespmem:$0x1E960];
	_ =	sdelay $0x2  }
0x3db: {  	v1 =	vshrl.u32 v1, $0x1F  }
0x3dc: {  	[tilespmem:$0x1EFB0] =	vst v1;
	v1 =	vld [tilespmem:$0x1E850]  }
0x3dd: {  	v2 =	vshrl.u32 v2, $0x1F  }
0x3de: {  	[tilespmem:$0x1F430] =	vst v2;
	v2 =	vld [tilespmem:$0x1E970];
	_ =	sdelay $0x2  }
0x3df: {  	[tilespmem:$0x1EC40] =	vst v10;
	v1 =	vshrl.u32 v1, $0x1F  }
0x3e0: {  	v10 =	vsub.s32 v14, v3;
	[tilespmem:$0x1EF30] =	vst v1;
	v1 =	vld [tilespmem:$0x1E860]  }
0x3e1: {  	[tilespmem:$0x1EC50] =	vst v10;
	v2 =	vshrl.u32 v2, $0x1F  }
0x3e2: {  	[tilespmem:$0x1FB90] =	vst v2;
	v2 =	vshrl.u32 v22, $0x1F  }
0x3e3: {  	v10 =	vsub.s32 v14, v4;
	[tilespmem:$0x1FBA0] =	vst v2;
	v2 =	vld [tilespmem:$0x1E980]  }
0x3e4: {  	[tilespmem:$0x1EC60] =	vst v10;
	v10 =	vsub.s32 v14, v5  }
0x3e5: {  	[tilespmem:$0x1EC70] =	vst v10;
	v1 =	vshrl.u32 v1, $0x1F  }
0x3e6: {  	[tilespmem:$0x1F1A0] =	vst v1;
	v1 =	vshrl.u32 v30, $0x1F  }
0x3e7: {  	v10 =	vsub.s32 v14, v6;
	[tilespmem:$0x1F1C0] =	vst v1;
	v1 =	vld [tilespmem:$0x1E870]  }
0x3e8: {  	[tilespmem:$0x1EC80] =	vst v10;
	v10 =	vshrl.u32 v57, $0x1F;
	v57 =	vshrl.u32 v2, $0x1F;
	v2 =	vld [tilespmem:$0x1E990];
	_ =	sdelay $0x3  }
0x3e9: {  	v1 =	vshrl.u32 v1, $0x1F  }
0x3ea: {  	v2 =	vshrl.u32 v2, $0x1F;
	[tilespmem:$0x1F4C0] =	vst v1;
	v1 =	vld [tilespmem:$0x1E880]  }
0x3eb: {  	[tilespmem:$0x1F020] =	vst v2;
	v2 =	vshrl.u32 v52, $0x1F  }
0x3ec: {  	[tilespmem:$0x1F0E0] =	vst v2;
	v2 =	vshrl.u32 v53, $0x1F  }
0x3ed: {  	[tilespmem:$0x1F100] =	vst v2;
	v2 =	vshrl.u32 v42, $0x1F  }
0x3ee: {  	[tilespmem:$0x1F400] =	vst v2;
	v2 =	vld [tilespmem:$0x1E9A0]  }
0x3ef: {  	v1 =	vshrl.u32 v1, $0x1F  }
0x3f0: {  	[tilespmem:$0x1FB30] =	vst v1;
	v1 =	vshrl.u32 v23, $0x1F  }
0x3f1: {  	[tilespmem:$0x1FB40] =	vst v1;
	v1 =	vld [tilespmem:$0x1E890];
	_ =	sdelay $0x1  }
0x3f2: {  	v2 =	vshrl.u32 v2, $0x1F  }
0x3f3: {  	[tilespmem:$0x1FBB0] =	vst v2;
	v2 =	vshrl.u32 v55, $0x1F  }
0x3f4: {  	[tilespmem:$0x1FBC0] =	vst v2;
	v2 =	vshrl.u32 v20, $0x1F  }
0x3f5: {  	v34 =	vsub.s32 v17, v4;
	[tilespmem:$0x1F010] =	vst v2;
	v2 =	vld [tilespmem:$0x1E9B0];
	v4 =	vshrl.u32 v1, $0x1F;
	v1 =	vshrl.u32 v25, $0x1F  }
0x3f6: {  	[tilespmem:$0x1EF00] =	vst v1;
	v1 =	vld [tilespmem:$0x1E8A0];
	_ =	sdelay $0x3  }
0x3f7: {  	v53 =	vshrl.u32 v2, $0x1F;
	v2 =	vld [tilespmem:$0x1E9C0]  }
0x3f8: {  	v1 =	vshrl.u32 v1, $0x1F  }
0x3f9: {  	[tilespmem:$0x1EE30] =	vst v1;
	v1 =	vld [tilespmem:$0x1E8B0];
	_ =	sdelay $0x2  }
0x3fa: {  	v52 =	vshrl.u32 v2, $0x1F;
	v2 =	vshrl.u32 v40, $0x1F  }
0x3fb: {  	[tilespmem:$0x1F0B0] =	vst v2;
	v2 =	vshrl.u32 v50, $0x1F  }
0x3fc: {  	[tilespmem:$0x1F0D0] =	vst v2;
	v1 =	vshrl.u32 v1, $0x1F  }
0x3fd: {  	v2 =	vshrl.u32 v51, $0x1F;
	[tilespmem:$0x1F170] =	vst v1;
	v1 =	vld [tilespmem:$0x1E8C0]  }
0x3fe: {  	[tilespmem:$0x1F3D0] =	vst v2;
	v2 =	vld [tilespmem:$0x1E9D0];
	_ =	sdelay $0x3  }
0x3ff: {  	v1 =	vshrl.u32 v1, $0x1F  }
0x400: {  	[tilespmem:$0x1F190] =	vst v1;
	v1 =	vshrl.u32 v29, $0x1F;
	v29 =	vshrl.u32 v2, $0x1F;
	v2 =	vld [tilespmem:$0x1E9E0];
	_ =	sdelay $0x4  }
0x401: {  	v2 =	vshrl.u32 v2, $0x1F  }
0x402: {  	[tilespmem:$0x1F000] =	vst v2;
	v2 =	vshrl.u32 v47, $0x1F  }
0x403: {  	[tilespmem:$0x1F080] =	vst v2;
	v2 =	vshrl.u32 v36, $0x1F  }
0x404: {  	[tilespmem:$0x1F0A0] =	vst v2;
	v2 =	vshrl.u32 v48, $0x1F  }
0x405: {  	[tilespmem:$0x1F3A0] =	vst v2;
	v2 =	vld [tilespmem:$0x1E9F0];
	_ =	sdelay $0x4  }
0x406: {  	v20 =	vshrl.u32 v2, $0x1F;
	v2 =	vld [tilespmem:$0x1EA00];
	_ =	sdelay $0x4  }
0x407: {  	v2 =	vshrl.u32 v2, $0x1F  }
0x408: {  	[tilespmem:$0x1F520] =	vst v2;
	v2 =	vld [tilespmem:$0x1EA10];
	_ =	sdelay $0x4  }
0x409: {  	v2 =	vshrl.u32 v2, $0x1F  }
0x40a: {  	[tilespmem:$0x1F050] =	vst v2;
	v2 =	vld [tilespmem:$0x1EA20];
	_ =	sdelay $0x4  }
0x40b: {  	v2 =	vshrl.u32 v2, $0x1F  }
0x40c: {  	[tilespmem:$0x1F070] =	vst v2;
	v2 =	vshrl.u32 v34, $0x1F  }
0x40d: {  	[tilespmem:$0x1F370] =	vst v2;
	v2 =	vld [tilespmem:$0x1EA30];
	_ =	sdelay $0x4  }
0x40e: {  	v55 =	vshrl.u32 v12, $0x1F;
	v12 =	vshrl.u32 v2, $0x1F;
	v2 =	vld [tilespmem:$0x1EA40];
	_ =	sdelay $0x3  }
0x40f: {  	v17 =	vsub.s32 v17, v7  }
0x410: {  	v34 =	vshrl.u32 v2, $0x1F;
	v2 =	vshrl.u32 v17, $0x1F  }
0x411: {  	[tilespmem:$0x1F560] =	vst v2;
	v2 =	vld [tilespmem:$0x1EA50];
	_ =	sdelay $0x4  }
0x412: {  	v7 =	vshrl.u32 v2, $0x1F;
	v2 =	vld [tilespmem:$0x1EA60];
	_ =	sdelay $0x4  }
0x413: {  	v42 =	vshrl.u32 v2, $0x1F;
	v2 =	vld [tilespmem:$0x1EA70];
	_ =	sdelay $0x4  }
0x414: {  	v28 =	vshrl.u32 v2, $0x1F;
	v2 =	vld [tilespmem:$0x1EA80];
	_ =	sdelay $0x4  }
0x415: {  	v2 =	vshrl.u32 v2, $0x1F  }
0x416: {  	[tilespmem:$0x1F340] =	vst v2;
	v2 =	vld [tilespmem:$0x1EA90];
	_ =	sdelay $0x4  }
0x417: {  	[tilespmem:$0x1EC10] =	vst v8;
	v8 =	vsub.s32 v14, v0;
	v14 =	vshrl.u32 v2, $0x1F;
	v2 =	vld [tilespmem:$0x1EAA0];
	_ =	sdelay $0x4  }
0x418: {  	v2 =	vshrl.u32 v2, $0x1F  }
0x419: {  	[tilespmem:$0x1F5B0] =	vst v2;
	v2 =	vld [tilespmem:$0x1EAB0]  }
0x41a: {  	v0 =	vsub.s32 v15, v0  }
0x41b: {  	v3 =	vshrl.u32 v0, $0x1F;
	v0 =	vld [tilespmem:$0x1EB20];
	_ =	sdelay $0x1  }
0x41c: {  	[tilespmem:$0x1F490] =	vst v1;
	v1 =	vld [tilespmem:$0x1E8D0]  }
0x41d: {  	v22 =	vshrl.u32 v16, $0x1F;
	v16 =	vshrl.u32 v2, $0x1F;
	v2 =	vld [tilespmem:$0x1EAC0];
	_ =	sdelay $0x1  }
0x41e: {  	v0 =	vshrl.u32 v0, $0x1F  }
0x41f: {  	[tilespmem:$0x1F5F0] =	vst v0;
	v0 =	vld [tilespmem:$0x1EB30]  }
0x420: {  	v1 =	vshrl.u32 v1, $0x1F  }
0x421: {  	[tilespmem:$0x1FB50] =	vst v1;
	v1 =	vld [tilespmem:$0x1E8E0];
	v2 =	vshrl.u32 v2, $0x1F  }
0x422: {  	[tilespmem:$0x1F310] =	vst v2;
	v2 =	vld [tilespmem:$0x1EAD0];
	_ =	sdelay $0x1  }
0x423: {  	v0 =	vshrl.u32 v0, $0x1F  }
0x424: {  	[tilespmem:$0x1F610] =	vst v0;
	v0 =	vld [tilespmem:$0x1F6A0]  }
0x425: {  	v1 =	vshrl.u32 v1, $0x1F  }
0x426: {  	[tilespmem:$0x1FB60] =	vst v1;
	v1 =	vshrl.u32 v21, $0x1F;
	v21 =	vshrl.u32 v2, $0x1F;
	v2 =	vld [tilespmem:$0x1EAE0];
	_ =	sdelay $0x2  }
0x427: {  	v3 =	vadd.s32 v0, v3;
	v0 =	vld [tilespmem:$0x1EB40];
	_ =	sdelay $0x1  }
0x428: {  	v25 =	vshrl.u32 v2, $0x1F;
	v2 =	vld [tilespmem:$0x1EAF0];
	_ =	sdelay $0x2  }
0x429: {  	v30 =	vshrl.u32 v26, $0x1F;
	v26 =	vshrl.u32 v0, $0x1F;
	v0 =	vld [tilespmem:$0x1EB50]  }
0x42a: {  	v31 =	vshrl.u32 v13, $0x1F  }
0x42b: {  	v13 =	vshrl.u32 v38, $0x1F;
	v38 =	vshrl.u32 v27, $0x1F;
	v27 =	vshrl.u32 v2, $0x1F;
	v2 =	vld [tilespmem:$0x1EB00];
	_ =	sdelay $0x2  }
0x42c: {  	v6 =	vshrl.u32 v0, $0x1F;
	v0 =	vld [tilespmem:$0x1EB60];
	_ =	sdelay $0x1  }
0x42d: {  	v5 =	vshrl.u32 v19, $0x1F;
	v19 =	vshrl.u32 v2, $0x1F;
	v2 =	vld [tilespmem:$0x1EB10];
	_ =	sdelay $0x2  }
0x42e: {  	v15 =	vshrl.u32 v11, $0x1F;
	v11 =	vshrl.u32 v37, $0x1F;
	v37 =	vshrl.u32 v0, $0x1F;
	v0 =	vld [tilespmem:$0x1EB70];
	_ =	sdelay $0x1  }
0x42f: {  	v17 =	vshrl.u32 v2, $0x1F;
	v2 =	vshrl.u32 v33, $0x1F  }
0x430: {  	[tilespmem:$0x1F2E0] =	vst v2;
	v2 =	vshrl.u32 v8, $0x1F  }
0x431: {  	v2 =	vadd.s32 v2, v3;
	v3 =	vshrl.u32 v9, $0x1F  }
0x432: {  	v2 =	vadd.s32 v3, v2;
	v3 =	vshrl.u32 v0, $0x1F;
	v0 =	vld [tilespmem:$0x1EB80];
	_ =	sdelay $0x4  }
0x433: {  	v36 =	vshrl.u32 v18, $0x1F;
	v18 =	vshrl.u32 v35, $0x1F;
	v35 =	vshrl.u32 v0, $0x1F;
	v0 =	vld [tilespmem:$0x1EB90];
	_ =	sdelay $0x4  }
0x434: {  	v33 =	vshrl.u32 v0, $0x1F;
	v0 =	vld [tilespmem:$0x1EBA0];
	_ =	sdelay $0x4  }
0x435: {  	v0 =	vshrl.u32 v0, $0x1F  }
0x436: {  	[tilespmem:$0x1F5C0] =	vst v0;
	v0 =	vld [tilespmem:$0x1EBB0];
	_ =	sdelay $0x4  }
0x437: {  	v0 =	vshrl.u32 v0, $0x1F  }
0x438: {  	[tilespmem:$0x1F5E0] =	vst v0;
	v0 =	vld [tilespmem:$0x1EBC0];
	_ =	sdelay $0x4  }
0x439: {  	v32 =	vshrl.u32 v41, $0x1F;
	v41 =	vshrl.u32 v0, $0x1F;
	v0 =	vld [tilespmem:$0x1EBD0];
	_ =	sdelay $0x4  }
0x43a: {  	v2 =	vadd.s32 v6, v2;
	v6 =	vshrl.u32 v0, $0x1F;
	v0 =	vld [tilespmem:$0x1EBE0];
	_ =	sdelay $0x4  }
0x43b: {  	v43 =	vshrl.u32 v0, $0x1F;
	v0 =	vld [tilespmem:$0x1EBF0];
	_ =	sdelay $0x4  }
0x43c: {  	v44 =	vshrl.u32 v0, $0x1F;
	v0 =	vld [tilespmem:$0x1EC00];
	_ =	sdelay $0x2  }
0x43d: {  	v2 =	vadd.s32 v25, v2  }
0x43e: {  	v2 =	vadd.s32 v22, v2  }
0x43f: {  	v2 =	vadd.s32 v7, v2;
	v7 =	vshrl.u32 v0, $0x1F;
	v0 =	vld [tilespmem:$0x1EC10];
	_ =	sdelay $0x4  }
0x440: {  	v0 =	vshrl.u32 v0, $0x1F  }
0x441: {  	[tilespmem:$0x1F590] =	vst v0;
	v0 =	vld [tilespmem:$0x1EC20];
	_ =	sdelay $0x4  }
0x442: {  	v25 =	vshrl.u32 v0, $0x1F;
	v0 =	vld [tilespmem:$0x1EC30];
	_ =	sdelay $0x4  }
0x443: {  	v50 =	vshrl.u32 v46, $0x1F;
	v46 =	vshrl.u32 v45, $0x1F;
	v45 =	vshrl.u32 v0, $0x1F;
	v0 =	vld [tilespmem:$0x1EC40];
	_ =	sdelay $0x4  }
0x444: {  	v47 =	vshrl.u32 v0, $0x1F;
	v0 =	vld [tilespmem:$0x1EC50];
	_ =	sdelay $0x4  }
0x445: {  	v48 =	vshrl.u32 v0, $0x1F;
	v0 =	vld [tilespmem:$0x1EC60];
	_ =	sdelay $0x2  }
0x446: {  	v2 =	vadd.s32 v20, v2  }
0x447: {  	v2 =	vadd.s32 v55, v2  }
0x448: {  	v20 =	vadd.s32 v53, v2;
	v2 =	vshrl.u32 v0, $0x1F;
	v0 =	vld [tilespmem:$0x1EC70];
	_ =	sdelay $0x4  }
0x449: {  	v22 =	vshrl.u32 v0, $0x1F;
	v0 =	vld [tilespmem:$0x1EC80];
	_ =	sdelay $0x4  }
0x44a: {  	v20 =	vadd.s32 v57, v20;
	v57 =	vshrl.u32 v0, $0x1F;
	v0 =	vld [tilespmem:$0x1EC90];
	_ =	sdelay $0x4  }
0x44b: {  	v23 =	vshrl.u32 v49, $0x1F;
	v49 =	vshrl.u32 v0, $0x1F;
	v0 =	vld [tilespmem:$0x1ECA0];
	_ =	sdelay $0x4  }
0x44c: {  	v20 =	vadd.s32 v15, v20;
	v15 =	vshrl.u32 v0, $0x1F;
	v0 =	vld [tilespmem:$0x1ECB0];
	_ =	sdelay $0x2  }
0x44d: {  	[tilespmem:$0x1EE60] =	vst v1;
	v1 =	vld [tilespmem:$0x1E8F0];
	_ =	sdelay $0x1  }
0x44e: {  	v51 =	vshrl.u32 v0, $0x1F;
	v0 =	vld [tilespmem:$0x1ECC0];
	_ =	sdelay $0x2  }
0x44f: {  	v1 =	vshrl.u32 v1, $0x1F  }
0x450: {  	v1 =	vadd.s32 v1, v20  }
0x451: {  	v53 =	vshrl.u32 v0, $0x1F;
	v0 =	vadd.s32 v4, v1;
	v4 =	vld [tilespmem:$0x1ECE0];
	_ =	sdelay $0x4  }
0x452: {  	v20 =	vshrl.u32 v4, $0x1F;
	v4 =	vld [tilespmem:$0x1ED10];
	_ =	sdelay $0x3  }
0x453: {  	v55 =	vadd.s32 v31, v0  }
0x454: {  	v8 =	vld [tilespmem:$0x1ED20];
	v4 =	vadd.s32 v4, v55  }
0x455: {  	[tilespmem:$0x1F6A0] =	vst v4;
	v4 =	vld [tilespmem:$0x1F6C0];
	_ =	sdelay $0x4  }
0x456: {  	v55 =	vadd.s32 v4, v8;
	v4 =	vld [tilespmem:$0x1F6D0];
	_ =	sdelay $0x3  }
0x457: {  	v8 =	vld [tilespmem:$0x1ED30]  }
0x458: {  	v49 =	vadd.s32 v4, v49;
	v4 =	vld [tilespmem:$0x1F6E0];
	_ =	sdelay $0x4  }
0x459: {  	v40 =	vshrl.u32 v56, $0x1F;
	v56 =	vadd.s32 v4, v8;
	v4 =	vld [tilespmem:$0x1ED40];
	_ =	sdelay $0x4  }
0x45a: {  	v55 =	vadd.s32 v4, v55;
	v4 =	vld [tilespmem:$0x1ED50];
	_ =	sdelay $0x4  }
0x45b: {  	v45 =	vadd.s32 v45, v49;
	v49 =	vadd.s32 v4, v56;
	v4 =	vld [tilespmem:$0x1ED60];
	_ =	sdelay $0x4  }
0x45c: {  	v55 =	vadd.s32 v4, v55;
	v4 =	vld [tilespmem:$0x1ED70];
	_ =	sdelay $0x4  }
0x45d: {  	v41 =	vadd.s32 v41, v45;
	v45 =	vadd.s32 v4, v49;
	v4 =	vld [tilespmem:$0x1ED80];
	_ =	sdelay $0x4  }
0x45e: {  	v56 =	vadd.s32 v4, v55;
	v4 =	vld [tilespmem:$0x1ED90];
	_ =	sdelay $0x4  }
0x45f: {  	v55 =	vadd.s32 v4, v45;
	v4 =	vld [tilespmem:$0x1EDA0];
	_ =	sdelay $0x4  }
0x460: {  	v56 =	vadd.s32 v4, v56;
	v4 =	vld [tilespmem:$0x1EDB0];
	_ =	sdelay $0x4  }
0x461: {  	v49 =	vadd.s32 v4, v55;
	v4 =	vld [tilespmem:$0x1EDC0];
	_ =	sdelay $0x4  }
0x462: {  	v55 =	vadd.s32 v4, v56;
	v4 =	vld [tilespmem:$0x1EDD0];
	_ =	sdelay $0x3  }
0x463: {  	v37 =	vadd.s32 v37, v41  }
0x464: {  	v37 =	vadd.s32 v38, v37;
	v38 =	vadd.s32 v4, v49;
	v4 =	vld [tilespmem:$0x1EDE0];
	_ =	sdelay $0x4  }
0x465: {  	v56 =	vadd.s32 v4, v55;
	v4 =	vld [tilespmem:$0x1EDF0];
	_ =	sdelay $0x4  }
0x466: {  	v38 =	vadd.s32 v4, v38;
	v4 =	vld [tilespmem:$0x1EE00];
	_ =	sdelay $0x4  }
0x467: {  	v37 =	vadd.s32 v40, v37;
	v40 =	vadd.s32 v4, v56;
	v4 =	vld [tilespmem:$0x1EE10];
	_ =	sdelay $0x4  }
0x468: {  	v41 =	vadd.s32 v4, v38;
	v4 =	vld [tilespmem:$0x1EE20];
	_ =	sdelay $0x4  }
0x469: {  	v37 =	vadd.s32 v42, v37;
	v42 =	vadd.s32 v4, v40;
	v4 =	vld [tilespmem:$0x1EE40];
	_ =	sdelay $0x4  }
0x46a: {  	v36 =	vadd.s32 v36, v37;
	v37 =	vadd.s32 v4, v41;
	v4 =	vld [tilespmem:$0x1EE50];
	_ =	sdelay $0x4  }
0x46b: {  	v38 =	vadd.s32 v4, v42;
	v4 =	vld [tilespmem:$0x1EE70];
	_ =	sdelay $0x4  }
0x46c: {  	v37 =	vadd.s32 v4, v37;
	v4 =	vld [tilespmem:$0x1EE80];
	_ =	sdelay $0x4  }
0x46d: {  	v38 =	vadd.s32 v4, v38;
	v4 =	vld [tilespmem:$0x1EE90];
	_ =	sdelay $0x4  }
0x46e: {  	v37 =	vadd.s32 v4, v37;
	v4 =	vld [tilespmem:$0x1EEA0];
	_ =	sdelay $0x4  }
0x46f: {  	v38 =	vadd.s32 v4, v38;
	v4 =	vld [tilespmem:$0x1EEB0];
	_ =	sdelay $0x4  }
0x470: {  	v45 =	vadd.s32 v4, v37;
	v4 =	vld [tilespmem:$0x1EEC0];
	_ =	sdelay $0x4  }
0x471: {  	v49 =	vadd.s32 v4, v38;
	v4 =	vld [tilespmem:$0x1EED0]  }
0x472: {  	v36 =	vadd.s32 v50, v36  }
0x473: {  	v36 =	vadd.s32 v52, v36  }
0x474: {  	v36 =	vadd.s32 v30, v36  }
0x475: {  	v10 =	vadd.s32 v10, v36  }
0x476: {  	v10 =	vadd.s32 v4, v10;
	v4 =	vld [tilespmem:$0x1EEE0];
	_ =	sdelay $0x4  }
0x477: {  	v36 =	vadd.s32 v4, v45;
	v4 =	vld [tilespmem:$0x1EEF0];
	_ =	sdelay $0x4  }
0x478: {  	v37 =	vadd.s32 v4, v49;
	v4 =	vld [tilespmem:$0x1EF00];
	_ =	sdelay $0x4  }
0x479: {  	v10 =	vadd.s32 v4, v10;
	v4 =	vld [tilespmem:$0x1EF10];
	_ =	sdelay $0x4  }
0x47a: {  	v36 =	vadd.s32 v4, v36;
	v4 =	vld [tilespmem:$0x1EF20];
	_ =	sdelay $0x4  }
0x47b: {  	v37 =	vadd.s32 v4, v37;
	v4 =	vld [tilespmem:$0x1EF30];
	_ =	sdelay $0x4  }
0x47c: {  	v10 =	vadd.s32 v4, v10;
	v4 =	vld [tilespmem:$0x1EF40];
	_ =	sdelay $0x4  }
0x47d: {  	v36 =	vadd.s32 v4, v36;
	v4 =	vld [tilespmem:$0x1EF50];
	_ =	sdelay $0x4  }
0x47e: {  	v4 =	vadd.s32 v4, v37  }
0x47f: {  	[tilespmem:$0x1F6C0] =	vst v4;
	v4 =	vld [tilespmem:$0x1EF60];
	_ =	sdelay $0x4  }
0x480: {  	v4 =	vadd.s32 v4, v10  }
0x481: {  	[tilespmem:$0x1F6D0] =	vst v4;
	v4 =	vld [tilespmem:$0x1EF70];
	_ =	sdelay $0x4  }
0x482: {  	v4 =	vadd.s32 v4, v36  }
0x483: {  	[tilespmem:$0x1F6E0] =	vst v4;
	v4 =	vld [tilespmem:$0x1F700];
	_ =	sdelay $0x3  }
0x484: {  	v8 =	vld [tilespmem:$0x1EF80]  }
0x485: {  	v10 =	vadd.s32 v4, v51;
	v4 =	vld [tilespmem:$0x1F710];
	_ =	sdelay $0x4  }
0x486: {  	v55 =	vadd.s32 v4, v8;
	v4 =	vld [tilespmem:$0x1EF90];
	_ =	sdelay $0x4  }
0x487: {  	v56 =	vadd.s32 v4, v53;
	v4 =	vld [tilespmem:$0x1EFA0];
	_ =	sdelay $0x4  }
0x488: {  	v36 =	vadd.s32 v4, v55;
	v4 =	vld [tilespmem:$0x1EFC0];
	_ =	sdelay $0x4  }
0x489: {  	v36 =	vadd.s32 v4, v36;
	v4 =	vld [tilespmem:$0x1EFD0];
	_ =	sdelay $0x2  }
0x48a: {  	v10 =	vadd.s32 v47, v10  }
0x48b: {  	v10 =	vadd.s32 v43, v10  }
0x48c: {  	v3 =	vadd.s32 v3, v10;
	v10 =	vadd.s32 v4, v36;
	v4 =	vld [tilespmem:$0x1EFE0];
	_ =	sdelay $0x4  }
0x48d: {  	v10 =	vadd.s32 v4, v10;
	v4 =	vld [tilespmem:$0x1EFF0];
	_ =	sdelay $0x4  }
0x48e: {  	v8 =	vadd.s32 v4, v10;
	v4 =	vld [tilespmem:$0x1F030];
	_ =	sdelay $0x4  }
0x48f: {  	v8 =	vadd.s32 v4, v8;
	v4 =	vld [tilespmem:$0x1F050];
	_ =	sdelay $0x1  }
0x490: {  	v3 =	vadd.s32 v19, v3  }
0x491: {  	v3 =	vadd.s32 v16, v3  }
0x492: {  	v3 =	vadd.s32 v11, v3  }
0x493: {  	v3 =	vadd.s32 v4, v3;
	v4 =	vld [tilespmem:$0x1F060];
	_ =	sdelay $0x3  }
0x494: {  	v37 =	vadd.s32 v48, v56  }
0x495: {  	v37 =	vadd.s32 v44, v37;
	v8 =	vadd.s32 v4, v8;
	v4 =	vld [tilespmem:$0x1F070]  }
0x496: {  	v35 =	vadd.s32 v35, v37  }
0x497: {  	v17 =	vadd.s32 v17, v35  }
0x498: {  	v10 =	vadd.s32 v18, v17  }
0x499: {  	v9 =	vadd.s32 v28, v10  }
0x49a: {  	v9 =	vadd.s32 v4, v9;
	v4 =	vld [tilespmem:$0x1F080];
	_ =	sdelay $0x4  }
0x49b: {  	v3 =	vadd.s32 v4, v3;
	v4 =	vld [tilespmem:$0x1F090];
	_ =	sdelay $0x4  }
0x49c: {  	v8 =	vadd.s32 v4, v8;
	v4 =	vld [tilespmem:$0x1F0A0];
	_ =	sdelay $0x4  }
0x49d: {  	v9 =	vadd.s32 v4, v9;
	v4 =	vld [tilespmem:$0x1F0B0];
	_ =	sdelay $0x4  }
0x49e: {  	v3 =	vadd.s32 v4, v3;
	v4 =	vld [tilespmem:$0x1F0C0];
	_ =	sdelay $0x4  }
0x49f: {  	v8 =	vadd.s32 v4, v8;
	v4 =	vld [tilespmem:$0x1F0D0];
	_ =	sdelay $0x4  }
0x4a0: {  	v9 =	vadd.s32 v4, v9;
	v4 =	vld [tilespmem:$0x1F0E0];
	_ =	sdelay $0x4  }
0x4a1: {  	v3 =	vadd.s32 v4, v3;
	v4 =	vld [tilespmem:$0x1F0F0];
	_ =	sdelay $0x4  }
0x4a2: {  	v8 =	vadd.s32 v4, v8;
	v4 =	vld [tilespmem:$0x1F100];
	_ =	sdelay $0x4  }
0x4a3: {  	v9 =	vadd.s32 v4, v9;
	v4 =	vld [tilespmem:$0x1F110];
	_ =	sdelay $0x4  }
0x4a4: {  	v3 =	vadd.s32 v4, v3;
	v4 =	vld [tilespmem:$0x1F120];
	_ =	sdelay $0x4  }
0x4a5: {  	v8 =	vadd.s32 v4, v8;
	v4 =	vld [tilespmem:$0x1F130];
	_ =	sdelay $0x4  }
0x4a6: {  	v9 =	vadd.s32 v4, v9;
	v4 =	vld [tilespmem:$0x1F140];
	_ =	sdelay $0x4  }
0x4a7: {  	v3 =	vadd.s32 v4, v3;
	v4 =	vld [tilespmem:$0x1F150];
	_ =	sdelay $0x4  }
0x4a8: {  	v8 =	vadd.s32 v4, v8;
	v4 =	vld [tilespmem:$0x1F160];
	_ =	sdelay $0x4  }
0x4a9: {  	v9 =	vadd.s32 v4, v9;
	v4 =	vld [tilespmem:$0x1F170];
	_ =	sdelay $0x4  }
0x4aa: {  	v3 =	vadd.s32 v4, v3;
	v4 =	vld [tilespmem:$0x1F180];
	_ =	sdelay $0x4  }
0x4ab: {  	v8 =	vadd.s32 v4, v8;
	v4 =	vld [tilespmem:$0x1F190];
	_ =	sdelay $0x4  }
0x4ac: {  	v9 =	vadd.s32 v4, v9;
	v4 =	vld [tilespmem:$0x1F1A0];
	_ =	sdelay $0x4  }
0x4ad: {  	v3 =	vadd.s32 v4, v3;
	v4 =	vld [tilespmem:$0x1F1B0];
	_ =	sdelay $0x4  }
0x4ae: {  	v8 =	vadd.s32 v4, v8;
	v4 =	vld [tilespmem:$0x1F1C0];
	_ =	sdelay $0x4  }
0x4af: {  	v9 =	vadd.s32 v4, v9;
	v4 =	vld [tilespmem:$0x1F1D0];
	_ =	sdelay $0x4  }
0x4b0: {  	v3 =	vadd.s32 v4, v3  }
0x4b1: {  	[tilespmem:$0x1F700] =	vst v3;
	v3 =	vld [tilespmem:$0x1F1E0];
	_ =	sdelay $0x4  }
0x4b2: {  	v3 =	vadd.s32 v3, v8  }
0x4b3: {  	[tilespmem:$0x1F710] =	vst v3;
	v3 =	vld [tilespmem:$0x1F1F0];
	_ =	sdelay $0x3  }
0x4b4: {  	v4 =	vld [tilespmem:$0x1F220]  }
0x4b5: {  	v55 =	vadd.s32 v3, v9;
	v3 =	vld [tilespmem:$0x1F210];
	_ =	sdelay $0x3  }
0x4b6: {  	v1 =	vld [tilespmem:$0x1ECD0]  }
0x4b7: {  	v3 =	vadd.s32 v3, v4;
	v4 =	vld [tilespmem:$0x1F230];
	_ =	sdelay $0x3  }
0x4b8: {  	v1 =	vshrl.u32 v1, $0x1F;
	v8 =	vld [tilespmem:$0x1F250]  }
0x4b9: {  	v1 =	vadd.s32 v4, v1;
	v4 =	vld [tilespmem:$0x1F240];
	_ =	sdelay $0x4  }
0x4ba: {  	v8 =	vadd.s32 v4, v8;
	v4 =	vld [tilespmem:$0x1F260];
	_ =	sdelay $0x4  }
0x4bb: {  	v3 =	vadd.s32 v4, v3;
	v4 =	vld [tilespmem:$0x1F280];
	_ =	sdelay $0x3  }
0x4bc: {  	v1 =	vadd.s32 v2, v1;
	v2 =	vld [tilespmem:$0x1F270]  }
0x4bd: {  	v3 =	vadd.s32 v4, v3;
	v4 =	vld [tilespmem:$0x1F2A0];
	_ =	sdelay $0x3  }
0x4be: {  	v2 =	vadd.s32 v2, v8  }
0x4bf: {  	v2 =	vadd.s32 v4, v2;
	v4 =	vld [tilespmem:$0x1F2B0];
	_ =	sdelay $0x4  }
0x4c0: {  	v3 =	vadd.s32 v4, v3;
	v4 =	vld [tilespmem:$0x1F2C0];
	_ =	sdelay $0x4  }
0x4c1: {  	v2 =	vadd.s32 v4, v2;
	v4 =	vld [tilespmem:$0x1F2D0];
	_ =	sdelay $0x4  }
0x4c2: {  	v3 =	vadd.s32 v4, v3;
	v4 =	vld [tilespmem:$0x1F2E0];
	_ =	sdelay $0x2  }
0x4c3: {  	v1 =	vadd.s32 v7, v1  }
0x4c4: {  	v1 =	vadd.s32 v33, v1  }
0x4c5: {  	v1 =	vadd.s32 v4, v1;
	v4 =	vld [tilespmem:$0x1F2F0];
	_ =	sdelay $0x4  }
0x4c6: {  	v2 =	vadd.s32 v4, v2;
	v4 =	vld [tilespmem:$0x1F300];
	_ =	sdelay $0x4  }
0x4c7: {  	v3 =	vadd.s32 v4, v3;
	v4 =	vld [tilespmem:$0x1F310];
	_ =	sdelay $0x4  }
0x4c8: {  	v1 =	vadd.s32 v4, v1;
	v4 =	vld [tilespmem:$0x1F320];
	_ =	sdelay $0x4  }
0x4c9: {  	v2 =	vadd.s32 v4, v2;
	v4 =	vld [tilespmem:$0x1F330];
	_ =	sdelay $0x4  }
0x4ca: {  	v3 =	vadd.s32 v4, v3;
	v4 =	vld [tilespmem:$0x1F340];
	_ =	sdelay $0x4  }
0x4cb: {  	v1 =	vadd.s32 v4, v1;
	v4 =	vld [tilespmem:$0x1F350];
	_ =	sdelay $0x4  }
0x4cc: {  	v2 =	vadd.s32 v4, v2;
	v4 =	vld [tilespmem:$0x1F360];
	_ =	sdelay $0x4  }
0x4cd: {  	v3 =	vadd.s32 v4, v3;
	v4 =	vld [tilespmem:$0x1F370];
	_ =	sdelay $0x4  }
0x4ce: {  	v1 =	vadd.s32 v4, v1;
	v4 =	vld [tilespmem:$0x1F380];
	_ =	sdelay $0x4  }
0x4cf: {  	v2 =	vadd.s32 v4, v2;
	v4 =	vld [tilespmem:$0x1F390];
	_ =	sdelay $0x4  }
0x4d0: {  	v3 =	vadd.s32 v4, v3;
	v4 =	vld [tilespmem:$0x1F3A0];
	_ =	sdelay $0x4  }
0x4d1: {  	v1 =	vadd.s32 v4, v1;
	v4 =	vld [tilespmem:$0x1F3B0];
	_ =	sdelay $0x4  }
0x4d2: {  	v2 =	vadd.s32 v4, v2;
	v4 =	vld [tilespmem:$0x1F3C0];
	_ =	sdelay $0x4  }
0x4d3: {  	v3 =	vadd.s32 v4, v3;
	v4 =	vld [tilespmem:$0x1F3D0];
	_ =	sdelay $0x4  }
0x4d4: {  	v1 =	vadd.s32 v4, v1;
	v4 =	vld [tilespmem:$0x1F3E0];
	_ =	sdelay $0x4  }
0x4d5: {  	v2 =	vadd.s32 v4, v2;
	v4 =	vld [tilespmem:$0x1F3F0];
	_ =	sdelay $0x4  }
0x4d6: {  	v3 =	vadd.s32 v4, v3;
	v4 =	vld [tilespmem:$0x1F400];
	_ =	sdelay $0x4  }
0x4d7: {  	v1 =	vadd.s32 v4, v1;
	v4 =	vld [tilespmem:$0x1F410];
	_ =	sdelay $0x4  }
0x4d8: {  	v2 =	vadd.s32 v4, v2;
	v4 =	vld [tilespmem:$0x1F420];
	_ =	sdelay $0x4  }
0x4d9: {  	v3 =	vadd.s32 v4, v3;
	v4 =	vld [tilespmem:$0x1F430];
	_ =	sdelay $0x4  }
0x4da: {  	v1 =	vadd.s32 v4, v1;
	v4 =	vld [tilespmem:$0x1F440];
	_ =	sdelay $0x4  }
0x4db: {  	v2 =	vadd.s32 v4, v2;
	v4 =	vld [tilespmem:$0x1F450];
	_ =	sdelay $0x4  }
0x4dc: {  	v3 =	vadd.s32 v4, v3;
	v4 =	vld [tilespmem:$0x1F460];
	_ =	sdelay $0x4  }
0x4dd: {  	v1 =	vadd.s32 v4, v1;
	v4 =	vld [tilespmem:$0x1F470];
	_ =	sdelay $0x4  }
0x4de: {  	v2 =	vadd.s32 v4, v2;
	v4 =	vld [tilespmem:$0x1F480];
	_ =	sdelay $0x4  }
0x4df: {  	v3 =	vadd.s32 v4, v3;
	v4 =	vld [tilespmem:$0x1F490];
	_ =	sdelay $0x4  }
0x4e0: {  	v1 =	vadd.s32 v4, v1;
	v4 =	vld [tilespmem:$0x1F4A0];
	_ =	sdelay $0x4  }
0x4e1: {  	v2 =	vadd.s32 v4, v2;
	v4 =	vld [tilespmem:$0x1F4B0];
	_ =	sdelay $0x4  }
0x4e2: {  	v3 =	vadd.s32 v4, v3;
	v4 =	vld [tilespmem:$0x1F4C0];
	_ =	sdelay $0x4  }
0x4e3: {  	v1 =	vadd.s32 v4, v1;
	v4 =	vld [tilespmem:$0x1F4D0];
	_ =	sdelay $0x4  }
0x4e4: {  	v2 =	vadd.s32 v4, v2;
	v4 =	vld [tilespmem:$0x1F4E0];
	_ =	sdelay $0x4  }
0x4e5: {  	v56 =	vadd.s32 v4, v3;
	v3 =	vld [tilespmem:$0x1F4F0];
	_ =	sdelay $0x4  }
0x4e6: {  	v51 =	vadd.s32 v3, v1;
	v1 =	vld [tilespmem:$0x1F500];
	_ =	sdelay $0x3  }
0x4e7: {  	v3 =	vld [tilespmem:$0x1F540]  }
0x4e8: {  	v53 =	vadd.s32 v1, v2;
	v2 =	vld [tilespmem:$0x1F530]  }
0x4e9: {  	v4 =	vld [tilespmem:$0x1F570];
	_ =	sdelay $0x2  }
0x4ea: {  	v1 =	vld [tilespmem:$0x1F510]  }
0x4eb: {  	v2 =	vadd.s32 v2, v3  }
0x4ec: {  	v2 =	vadd.s32 v4, v2;
	v4 =	vld [tilespmem:$0x1F590];
	_ =	sdelay $0x2  }
0x4ed: {  	v1 =	vadd.s32 v1, v20  }
0x4ee: {  	v1 =	vadd.s32 v22, v1  }
0x4ef: {  	v1 =	vadd.s32 v4, v1;
	v4 =	vld [tilespmem:$0x1F5A0];
	_ =	sdelay $0x4  }
0x4f0: {  	v2 =	vadd.s32 v4, v2;
	v4 =	vld [tilespmem:$0x1F5C0];
	_ =	sdelay $0x4  }
0x4f1: {  	v1 =	vadd.s32 v4, v1;
	v4 =	vld [tilespmem:$0x1F5D0]  }
0x4f2: {  	v0 =	vld [tilespmem:$0x1ECF0]  }
0x4f3: {  	v3 =	vld [tilespmem:$0x1F550];
	_ =	sdelay $0x2  }
0x4f4: {  	v2 =	vadd.s32 v4, v2;
	v4 =	vld [tilespmem:$0x1F5E0]  }
0x4f5: {  	v31 =	vshrl.u32 v0, $0x1F  }
0x4f6: {  	v3 =	vadd.s32 v3, v31  }
0x4f7: {  	v3 =	vadd.s32 v57, v3  }
0x4f8: {  	v0 =	vld [tilespmem:$0x1ED00];
	v3 =	vadd.s32 v25, v3  }
0x4f9: {  	v3 =	vadd.s32 v4, v3;
	v4 =	vld [tilespmem:$0x1F5F0]  }
0x4fa: {  	v50 =	vld [tilespmem:$0x1EE30]  }
0x4fb: {  	v52 =	vld [tilespmem:$0x1EE60]  }
0x4fc: {  	v11 =	vld [tilespmem:$0x1F020]  }
0x4fd: {  	v48 =	vld [tilespmem:$0x1EFB0]  }
0x4fe: {  	v8 =	vadd.s32 v4, v1;
	v1 =	vld [tilespmem:$0x1F600]  }
0x4ff: {  	v18 =	vld [tilespmem:$0x1F000]  }
0x500: {  	v17 =	vld [tilespmem:$0x1F010]  }
0x501: {  	v10 =	vld [tilespmem:$0x1F040]  }
0x502: {  	v9 =	vld [tilespmem:$0x1F200]  }
0x503: {  	p0 =	sne.s32 s31, $0x70;
	v16 =	vadd.s32 v1, v2;
	v1 =	vld [tilespmem:$0x1F610]  }
.Ltmp5:
0x504: {  	v7 =	vld [tilespmem:$0x1F290];
	(pc) =	sbr.rel @p0 .LBB2_12-.Ltmp5, $4  }
0x505: {  	v20 =	vld [tilespmem:$0x1F520]  }
0x506: {  	v22 =	vld [tilespmem:$0x1F560]  }
0x507: {  	v57 =	vld [tilespmem:$0x1F580]  }
0x508: {  	s31 =	sadd.s32 $0x10, s31;
	v24 =	vshrl.u32 v24, $0x1F;
	v0 =	vshrl.u32 v0, $0x1F;
	v25 =	vld [tilespmem:$0x1F5B0];
	v19 =	vadd.s32 v1, v3  }
0x509: {  	v2 =	vld [tilespmem:$0x1F950]  }
0x50a: {  	v4 =	vld [tilespmem:$0x1F920];
	_ =	sdelay $0x3  }
0x50b: {  	v2 =	vadd.s32 v2, v16  }
0x50c: {  	v2 =	vadd.s32 v4, v2;
	v4 =	vld [tilespmem:$0x1F8F0];
	_ =	sdelay $0x4  }
0x50d: {  	v2 =	vadd.s32 v4, v2;
	v4 =	vld [tilespmem:$0x1F8C0];
	_ =	sdelay $0x4  }
0x50e: {  	v2 =	vadd.s32 v4, v2;
	v4 =	vld [tilespmem:$0x1F890];
	_ =	sdelay $0x4  }
0x50f: {  	v1 =	vadd.s32 v21, v8;
	v2 =	vadd.s32 v4, v2;
	v4 =	vld [tilespmem:$0x1FBB0]  }
0x510: {  	v1 =	vadd.s32 v13, v1  }
0x511: {  	v1 =	vadd.s32 v12, v1  }
0x512: {  	v1 =	vadd.s32 v23, v1  }
0x513: {  	v1 =	vadd.s32 v32, v1  }
0x514: {  	v1 =	vadd.s32 v4, v1;
	v4 =	vld [tilespmem:$0x1F860];
	_ =	sdelay $0x4  }
0x515: {  	v3 =	vadd.s32 v5, v19;
	v2 =	vadd.s32 v4, v2;
	v4 =	vld [tilespmem:$0x1FBC0]  }
0x516: {  	v3 =	vadd.s32 v14, v3  }
0x517: {  	v3 =	vadd.s32 v34, v3  }
0x518: {  	v3 =	vadd.s32 v24, v3  }
0x519: {  	v3 =	vadd.s32 v29, v3  }
0x51a: {  	v3 =	vadd.s32 v4, v3;
	v4 =	vld [tilespmem:$0x1FB90];
	_ =	sdelay $0x4  }
0x51b: {  	v1 =	vadd.s32 v4, v1;
	v4 =	vld [tilespmem:$0x1F830];
	_ =	sdelay $0x4  }
0x51c: {  	v2 =	vadd.s32 v4, v2;
	v4 =	vld [tilespmem:$0x1FBA0];
	_ =	sdelay $0x4  }
0x51d: {  	v3 =	vadd.s32 v4, v3;
	v4 =	vld [tilespmem:$0x1FB70];
	_ =	sdelay $0x4  }
0x51e: {  	v1 =	vadd.s32 v4, v1;
	v4 =	vld [tilespmem:$0x1F800];
	_ =	sdelay $0x4  }
0x51f: {  	v2 =	vadd.s32 v4, v2;
	v4 =	vld [tilespmem:$0x1FB80];
	_ =	sdelay $0x4  }
0x520: {  	v3 =	vadd.s32 v4, v3;
	v4 =	vld [tilespmem:$0x1FB50];
	_ =	sdelay $0x4  }
0x521: {  	v1 =	vadd.s32 v4, v1;
	v4 =	vld [tilespmem:$0x1F7D0];
	_ =	sdelay $0x4  }
0x522: {  	v2 =	vadd.s32 v4, v2;
	v4 =	vld [tilespmem:$0x1FB60];
	_ =	sdelay $0x4  }
0x523: {  	v3 =	vadd.s32 v4, v3;
	v4 =	vld [tilespmem:$0x1FB30];
	_ =	sdelay $0x4  }
0x524: {  	v1 =	vadd.s32 v4, v1;
	v4 =	vld [tilespmem:$0x1F7A0];
	_ =	sdelay $0x3  }
0x525: {  	v13 =	vadd.s32 v57, v1;
	v1 =	vld [tilespmem:$0x1F770]  }
0x526: {  	v2 =	vadd.s32 v4, v2;
	v4 =	vld [tilespmem:$0x1FB40];
	_ =	sdelay $0x4  }
0x527: {  	v4 =	vadd.s32 v4, v3;
	v3 =	vadd.s32 v1, v2;
	v1 =	vld [tilespmem:$0x1FB20];
	_ =	sdelay $0x3  }
0x528: {  	v2 =	vld [tilespmem:$0x1FA00]  }
0x529: {  	v40 =	vadd.s32 v1, v4;
	v1 =	vld [tilespmem:$0x1F760]  }
0x52a: {  	v4 =	vld [tilespmem:$0x1F9E0];
	_ =	sdelay $0x3  }
0x52b: {  	v1 =	vadd.s32 v1, v2;
	v2 =	vld [tilespmem:$0x1FA10]  }
0x52c: {  	v1 =	vadd.s32 v4, v1;
	v4 =	vld [tilespmem:$0x1F9F0];
	_ =	sdelay $0x3  }
0x52d: {  	v2 =	vadd.s32 v9, v2  }
0x52e: {  	v2 =	vadd.s32 v4, v2;
	v4 =	vld [tilespmem:$0x1F9C0];
	_ =	sdelay $0x4  }
0x52f: {  	v1 =	vadd.s32 v4, v1;
	v4 =	vld [tilespmem:$0x1F9D0];
	_ =	sdelay $0x4  }
0x530: {  	v2 =	vadd.s32 v4, v2;
	v4 =	vld [tilespmem:$0x1F9A0];
	_ =	sdelay $0x4  }
0x531: {  	v1 =	vadd.s32 v4, v1;
	v4 =	vld [tilespmem:$0x1F9B0];
	_ =	sdelay $0x4  }
0x532: {  	v2 =	vadd.s32 v4, v2;
	v4 =	vld [tilespmem:$0x1F980];
	_ =	sdelay $0x4  }
0x533: {  	v1 =	vadd.s32 v4, v1;
	v4 =	vld [tilespmem:$0x1F990];
	_ =	sdelay $0x4  }
0x534: {  	v2 =	vadd.s32 v4, v2;
	v4 =	vld [tilespmem:$0x1F960];
	_ =	sdelay $0x4  }
0x535: {  	v1 =	vadd.s32 v4, v1;
	v4 =	vld [tilespmem:$0x1F970];
	_ =	sdelay $0x4  }
0x536: {  	v2 =	vadd.s32 v4, v2;
	v4 =	vld [tilespmem:$0x1F930];
	_ =	sdelay $0x4  }
0x537: {  	v1 =	vadd.s32 v4, v1;
	v4 =	vld [tilespmem:$0x1F940];
	_ =	sdelay $0x4  }
0x538: {  	v2 =	vadd.s32 v4, v2;
	v4 =	vld [tilespmem:$0x1F900];
	_ =	sdelay $0x4  }
0x539: {  	v1 =	vadd.s32 v4, v1;
	v4 =	vld [tilespmem:$0x1F910];
	_ =	sdelay $0x4  }
0x53a: {  	v2 =	vadd.s32 v4, v2;
	v4 =	vld [tilespmem:$0x1F8D0];
	_ =	sdelay $0x4  }
0x53b: {  	v1 =	vadd.s32 v4, v1;
	v4 =	vld [tilespmem:$0x1F8E0]  }
0x53c: {  	v0 =	vadd.s32 v7, v0  }
0x53d: {  	v0 =	vadd.s32 v15, v0  }
0x53e: {  	v0 =	vadd.s32 v46, v0  }
0x53f: {  	v0 =	vadd.s32 v6, v0  }
0x540: {  	v33 =	vmov v27;
	v0 =	vadd.s32 v26, v0;
	v2 =	vadd.s32 v4, v2;
	v4 =	vld [tilespmem:$0x1F8A0]  }
0x541: {  	v0 =	vadd.s32 v33, v0  }
0x542: {  	v0 =	vadd.s32 v25, v0  }
0x543: {  	v0 =	vadd.s32 v22, v0  }
0x544: {  	v0 =	vadd.s32 v20, v0  }
0x545: {  	v1 =	vadd.s32 v4, v1;
	v4 =	vadd.s32 v18, v0;
	v0 =	vld [tilespmem:$0x1F8B0]  }
0x546: {  	v7 =	vld [tilespmem:$0x1F880];
	v4 =	vadd.s32 v17, v4  }
0x547: {  	v8 =	vld [tilespmem:$0x1F850];
	v4 =	vadd.s32 v11, v4  }
0x548: {  	v4 =	vadd.s32 v10, v4;
	v10 =	vld [tilespmem:$0x1F820];
	_ =	sdelay $0x1  }
0x549: {  	v6 =	vld [tilespmem:$0x1F870];
	v2 =	vadd.s32 v0, v2  }
0x54a: {  	v2 =	vadd.s32 v7, v2;
	v7 =	vld [tilespmem:$0x1F840]  }
0x54b: {  	v9 =	vld [tilespmem:$0x1F810];
	v2 =	vadd.s32 v8, v2  }
0x54c: {  	v5 =	vshrl.u32 v63, $0x4;
	v2 =	vadd.s32 v10, v2;
	v10 =	vld [tilespmem:$0x1F7E0];
	_ =	sdelay $0x1  }
0x54d: {  	v1 =	vadd.s32 v6, v1  }
0x54e: {  	v28 =	vld [tilespmem:$0x1F6E0];
	v1 =	vadd.s32 v7, v1  }
0x54f: {  	s2 =	simm.s32 $0x4000;
	v14 =	vld [tilespmem:$0x1F7F0];
	v0 =	vand.u32 $0xFFFFFFF0, v63;
	v1 =	vadd.s32 v9, v1  }
0x550: {  	v1 =	vadd.s32 v10, v1;
	v10 =	vld.idx.msk [tilespmem:v5+s23+$0x0], $0xffff;
	v5 =	vadd.s32 s2, v0  }
0x551: {  	v15 =	vld [tilespmem:$0x1F7B0]  }
0x552: {  	v12 =	vld [tilespmem:$0x1FF50]  }
0x553: {  	v16 =	vld [tilespmem:$0x1FC00]  }
0x554: {  	v17 =	vld [tilespmem:$0x1F7C0]  }
0x555: {  	v18 =	vld.idx.msk [tilespmem:v5+s21+$0x0], $0xffff  }
0x556: {  	v4 =	vadd.s32 v52, v4;
	v5 =	vld [tilespmem:$0x1F780]  }
0x557: {  	s14 =	simm.s32 $0x0;
	v11 =	vld [tilespmem:$0x1FBD0];
	v4 =	vadd.s32 v50, v4  }
0x558: {  	v6 =	vor.u32 s14, v0;
	v23 =	vadd.s32 v48, v4;
	v4 =	vld [tilespmem:$0x1FC30]  }
0x559: {  	s1 =	simm.s32 $0x1000;
	v2 =	vadd.s32 v14, v2;
	v14 =	vld [tilespmem:$0x1FBE0]  }
0x55a: {  	v7 =	vadd.s32 s1, v0;
	v1 =	vadd.s32 v15, v1;
	v15 =	vld [tilespmem:$0x1FBF0]  }
0x55b: {  	v24 =	vadd.s32 v5, v1;
	v5 =	vld [tilespmem:$0x1F790]  }
0x55c: {  	v2 =	vadd.s32 v17, v2;
	v17 =	vld [tilespmem:$0x1FC10]  }
0x55d: {  	s3 =	simm.s32 $0x2000;
	v6 =	vld.idx.msk [tilespmem:v6+s21+$0x0], $0xffff  }
0x55e: {  	s19 =	simm.s32 $0x3000;
	v8 =	vadd.s32 s3, v0;
	v11 =	vadd.s32 v12, v11;
	v1 =	vld [tilespmem:$0x1FC20]  }
0x55f: {  	v9 =	vadd.s32 s19, v0;
	v11 =	vadd.s32 v14, v11;
	v7 =	vld.idx.msk [tilespmem:v7+s21+$0x0], $0xffff  }
0x560: {  	v11 =	vadd.s32 v15, v11;
	v22 =	vadd.s32 v5, v2;
	v2 =	vld [tilespmem:$0x1F6A0]  }
0x561: {  	v27 =	vld [tilespmem:$0x1F6D0];
	s3 =	simm.s32 $0x5000;
	v11 =	vadd.s32 v16, v11  }
0x562: {  	v31 =	vld [tilespmem:$0x1F710];
	v12 =	vadd.s32 s3, v0;
	s2 =	simm.s32 $0x7000;
	v11 =	vadd.s32 v17, v11  }
0x563: {  	s19 =	simm.s32 $0x6000;
	v8 =	vld.idx.msk [tilespmem:v8+s21+$0x0], $0xffff;
	v15 =	vadd.s32 s2, v0;
	v1 =	vadd.s32 v1, v11  }
0x564: {  	v14 =	vadd.s32 s19, v0;
	s19 =	simm.s32 $0x2001;
	v9 =	vld.idx.msk [tilespmem:v9+s21+$0x0], $0xffff;
	v1 =	vadd.s32 v4, v1  }
0x565: {  	s31 =	simm.s32 $0x1;
	v11 =	vadd.s32 s19, v0;
	v1 =	vadd.s32 v2, v1;
	v2 =	vadd.s32 v6, v7;
	v6 =	vld [tilespmem:$0x1F6C0]  }
0x566: {  	v30 =	vld [tilespmem:$0x1F700];
	s3 =	simm.s32 $0x1001;
	v16 =	vor.u32 s31, v0  }
0x567: {  	v12 =	vld.idx.msk [tilespmem:v12+s21+$0x0], $0xffff;
	s2 =	simm.s32 $0x3001;
	v17 =	vadd.s32 s3, v0  }
0x568: {  	v19 =	vadd.s32 s2, v0;
	s3 =	simm.s32 $0x4001;
	v5 =	vld.idx.msk [tilespmem:v15+s21+$0x0], $0xffff  }
0x569: {  	s2 =	simm.s32 $0x5001;
	v4 =	vld.idx.msk [tilespmem:v14+s21+$0x0], $0xffff;
	v14 =	vadd.s32 s3, v0;
	v8 =	vadd.s32 v8, v2  }
0x56a: {  	v15 =	vadd.s32 s2, v0;
	s3 =	simm.s32 $0x6001;
	v9 =	vadd.s32 v9, v8;
	v8 =	vld.idx.msk [tilespmem:v11+s21+$0x0], $0xffff;
	v7 =	vsub.s32 v1, v6  }
0x56b: {  	s19 =	simm.s32 $0x7001;
	v6 =	vld.idx.msk [tilespmem:v16+s21+$0x0], $0xffff;
	v2 =	vadd.s32 v10, v7;
	v10 =	vadd.s32 s3, v0  }
0x56c: {  	s1 =	simm.s32 $0x2;
	v11 =	vadd.s32 s19, v0;
	v9 =	vadd.s32 v18, v9;
	v7 =	vld.idx.msk [tilespmem:v17+s21+$0x0], $0xffff  }
0x56d: {  	s2 =	simm.s32 $0x3;
	s19 =	simm.s32 $0x1002;
	v1 =	vand.u32 $0xF, v63;
	v16 =	vadd.s32 v12, v9;
	v12 =	vor.u32 s1, v0;
	v9 =	vld.idx.msk [tilespmem:v19+s21+$0x0], $0xffff  }
.LBB2_14:
0x56e: {  	p0 =	sne.s32 s2, $0xF;
	v17 =	vadd.s32 s19, v0;
	s3 =	sadd.s32 $0x2000, s1;
	v18 =	vld.idx.msk [tilespmem:v14+s21+$0x0], $0xffff;
	v14 =	vmov s14;
	v4 =	vadd.s32 v4, v16;
	s14 =	smov.u32 s31  }
0x56f: {  	s31 =	smov.u32 s1;
	v16 =	vadd.s32 s3, v0;
	s3 =	sadd.s32 $0x3000, s1;
	v19 =	vld.idx.msk [tilespmem:v15+s21+$0x0], $0xffff;
	v5 =	vadd.s32 v5, v4;
	vm2 =	vlt.u32 v14, v1;
	s1 =	smov.u32 s2  }
0x570: {  	v20 =	vadd.s32 s3, v0;
	s3 =	sadd.s32 $0x4000, s31;
	v4 =	vld.idx.msk [tilespmem:v10+s21+$0x0], $0xffff;
	v10 =	vnsel vm2, $0x0, v5  }
.Ltmp6:
0x571: {  	v7 =	vadd.s32 v6, v7;
	v14 =	vadd.s32 s3, v0;
	s3 =	sadd.s32 $0x5000, s31;
	v5 =	vld.idx.msk [tilespmem:v11+s21+$0x0], $0xffff;
	v2 =	vadd.s32 v2, v10;
	(pc) =	sbr.rel @p0 .LBB2_14-.Ltmp6, $4  }
0x572: {  	v8 =	vadd.s32 v8, v7;
	v6 =	vld.idx.msk [tilespmem:v12+s21+$0x0], $0xffff;
	v15 =	vadd.s32 s3, v0;
	s3 =	sadd.s32 $0x6000, s31  }
0x573: {  	v9 =	vadd.s32 v9, v8;
	v7 =	vld.idx.msk [tilespmem:v17+s21+$0x0], $0xffff;
	v10 =	vadd.s32 s3, v0;
	s3 =	sadd.s32 $0x7000, s31  }
0x574: {  	v8 =	vld.idx.msk [tilespmem:v16+s21+$0x0], $0xffff;
	v11 =	vadd.s32 s3, v0;
	v16 =	vadd.s32 v18, v9  }
0x575: {  	s2 =	sadd.s32 $0x1, s2;
	s19 =	sadd.s32 $0x1000, s1;
	v12 =	vor.u32 s1, v0;
	v9 =	vld.idx.msk [tilespmem:v20+s21+$0x0], $0xffff;
	v16 =	vadd.s32 v19, v16  }
0x576: {  	_ =	sdelay $0x3  }
0x577: {  	v17 =	vadd.s32 s19, v0;
	s2 =	sadd.s32 $0x2000, s1;
	v14 =	vld.idx.msk [tilespmem:v14+s21+$0x0], $0xffff  }
0x578: {  	s19 =	sadd.s32 $0x3000, s1;
	v15 =	vld.idx.msk [tilespmem:v15+s21+$0x0], $0xffff;
	v18 =	vadd.s32 s2, v0  }
0x579: {  	s3 =	sadd.s32 $0x4000, s1;
	v10 =	vld.idx.msk [tilespmem:v10+s21+$0x0], $0xffff;
	v19 =	vadd.s32 s19, v0  }
0x57a: {  	v11 =	vld.idx.msk [tilespmem:v11+s21+$0x0], $0xffff;
	v20 =	vadd.s32 s3, v0;
	s19 =	sadd.s32 $0x5000, s1  }
0x57b: {  	v12 =	vld.idx.msk [tilespmem:v12+s21+$0x0], $0xffff;
	s3 =	sadd.s32 $0x6000, s1;
	v21 =	vadd.s32 s19, v0  }
0x57c: {  	v25 =	vadd.s32 s3, v0;
	s19 =	sadd.s32 $0x7000, s1;
	v17 =	vld.idx.msk [tilespmem:v17+s21+$0x0], $0xffff  }
0x57d: {  	v0 =	vadd.s32 s19, v0;
	v18 =	vld.idx.msk [tilespmem:v18+s21+$0x0], $0xffff  }
0x57e: {  	v6 =	vadd.s32 v6, v7;
	v7 =	vld.idx.msk [tilespmem:v19+s21+$0x0], $0xffff  }
0x57f: {  	v4 =	vadd.s32 v4, v16;
	v6 =	vadd.s32 v8, v6;
	v8 =	vmov s14;
	v16 =	vld.idx.msk [tilespmem:v20+s21+$0x0], $0xffff  }
0x580: {  	v4 =	vadd.s32 v5, v4;
	v5 =	vadd.s32 v9, v6;
	vm2 =	vlt.u32 v8, v1;
	v6 =	vld.idx.msk [tilespmem:v21+s21+$0x0], $0xffff  }
0x581: {  	v4 =	vnsel vm2, $0x0, v4;
	v5 =	vadd.s32 v14, v5;
	v8 =	vld.idx.msk [tilespmem:v25+s21+$0x0], $0xffff;
	v9 =	vadd.s32 v12, v17  }
0x582: {  	v2 =	vadd.s32 v2, v4;
	v4 =	vadd.s32 v15, v5;
	v5 =	vld.idx.msk [tilespmem:v0+s21+$0x0], $0xffff;
	v0 =	vadd.s32 v18, v9  }
0x583: {  	v4 =	vadd.s32 v10, v4;
	v9 =	vmov s31;
	v0 =	vadd.s32 v7, v0  }
0x584: {  	v4 =	vadd.s32 v11, v4;
	vm2 =	vlt.u32 v9, v1;
	v0 =	vadd.s32 v16, v0  }
0x585: {  	v26 =	vlaneseq.u32;
	v4 =	vnsel vm2, $0x0, v4;
	v0 =	vadd.s32 v6, v0  }
0x586: {  	v6 =	vmov s1;
	v7 =	vadd.s32 v8, v0;
	v8 =	vshrl.u32 v62, $0x4  }
0x587: {  	s2 =	simm.s32 $0x1000;
	v0 =	vand.u32 $0xFFFFFFF0, v62;
	vm2 =	vlt.u32 v6, v1;
	v5 =	vadd.s32 v5, v7  }
0x588: {  	v10 =	vld [tilespmem:$0x1FC50];
	v2 =	vadd.s32 v2, v4;
	v4 =	vnsel vm2, $0x0, v5;
	v5 =	vadd.s32 s2, v0;
	s2 =	simm.s32 $0x4000  }
0x589: {  	s19 =	simm.s32 $0x3000;
	v11 =	vld [tilespmem:$0x1FC60];
	v2 =	vadd.s32 v2, v4;
	v6 =	vadd.s32 s2, v0  }
0x58a: {  	v9 =	vld [tilespmem:$0x1FF60];
	[tilespmem:v26+s24+$0x0] =	vst.idx.msk $0xffff, v2;
	v2 =	vadd.s32 s19, v0  }
0x58b: {  	v7 =	vld.idx.msk [tilespmem:v8+s23+$0x0], $0xffff  }
0x58c: {  	v8 =	vld [tilespmem:$0x1FC40]  }
0x58d: {  	s14 =	simm.s32 $0x0;
	v12 =	vld [tilespmem:$0x1FC70]  }
0x58e: {  	v1 =	vor.u32 s14, v0;
	v16 =	vld.idx.msk [tilespmem:v6+s21+$0x0], $0xffff  }
0x58f: {  	s3 =	simm.s32 $0x2000;
	v15 =	vld.idx.msk [tilespmem:v2+s21+$0x0], $0xffff  }
0x590: {  	v4 =	vadd.s32 s3, v0;
	v2 =	vld [tilespmem:$0x1FC80]  }
0x591: {  	v6 =	vld [tilespmem:$0x1FC90];
	v8 =	vadd.s32 v9, v8  }
0x592: {  	s3 =	simm.s32 $0x5000;
	v8 =	vadd.s32 v10, v8  }
0x593: {  	v1 =	vld.idx.msk [tilespmem:v1+s21+$0x0], $0xffff;
	v9 =	vadd.s32 s3, v0;
	v8 =	vadd.s32 v11, v8  }
0x594: {  	s19 =	simm.s32 $0x6000;
	v10 =	vld.idx.msk [tilespmem:v5+s21+$0x0], $0xffff;
	v8 =	vadd.s32 v12, v8  }
0x595: {  	s2 =	simm.s32 $0x7000;
	v5 =	vadd.s32 s19, v0;
	v11 =	vld.idx.msk [tilespmem:v4+s21+$0x0], $0xffff;
	v2 =	vadd.s32 v2, v8  }
0x596: {  	s31 =	simm.s32 $0x1;
	v4 =	vadd.s32 s2, v0;
	v2 =	vadd.s32 v6, v2;
	v6 =	vld [tilespmem:$0x1FCA0]  }
0x597: {  	s2 =	simm.s32 $0x3001;
	v12 =	vor.u32 s31, v0  }
0x598: {  	s3 =	simm.s32 $0x1001;
	v18 =	vld.idx.msk [tilespmem:v9+s21+$0x0], $0xffff;
	v9 =	vadd.s32 s2, v0  }
0x599: {  	s19 =	simm.s32 $0x2001;
	v8 =	vadd.s32 s3, v0  }
0x59a: {  	v17 =	vadd.s32 s19, v0;
	s3 =	simm.s32 $0x4001;
	v5 =	vld.idx.msk [tilespmem:v5+s21+$0x0], $0xffff;
	v10 =	vadd.s32 v1, v10  }
0x59b: {  	s19 =	simm.s32 $0x5001;
	v14 =	vadd.s32 s3, v0;
	v4 =	vld.idx.msk [tilespmem:v4+s21+$0x0], $0xffff;
	v10 =	vadd.s32 v11, v10;
	v2 =	vadd.s32 v6, v2  }
0x59c: {  	s3 =	simm.s32 $0x6001;
	v11 =	vadd.s32 v15, v10;
	v15 =	vadd.s32 s19, v0;
	v6 =	vld.idx.msk [tilespmem:v12+s21+$0x0], $0xffff;
	v2 =	vadd.s32 v27, v2  }
0x59d: {  	v10 =	vadd.s32 s3, v0;
	s19 =	simm.s32 $0x7001;
	v9 =	vld.idx.msk [tilespmem:v9+s21+$0x0], $0xffff;
	v2 =	vsub.s32 v2, v28  }
0x59e: {  	s1 =	simm.s32 $0x2;
	v16 =	vadd.s32 v16, v11;
	v11 =	vadd.s32 s19, v0;
	v2 =	vadd.s32 v7, v2;
	v7 =	vld.idx.msk [tilespmem:v8+s21+$0x0], $0xffff  }
0x59f: {  	s2 =	simm.s32 $0x3;
	v1 =	vand.u32 $0xF, v62;
	s19 =	simm.s32 $0x1002;
	v12 =	vor.u32 s1, v0;
	v16 =	vadd.s32 v18, v16;
	v8 =	vld.idx.msk [tilespmem:v17+s21+$0x0], $0xffff  }
.LBB2_16:
0x5a0: {  	p0 =	sne.s32 s2, $0xF;
	v17 =	vadd.s32 s19, v0;
	s3 =	sadd.s32 $0x2000, s1;
	v18 =	vld.idx.msk [tilespmem:v14+s21+$0x0], $0xffff;
	v14 =	vmov s14;
	v5 =	vadd.s32 v5, v16;
	s14 =	smov.u32 s31  }
0x5a1: {  	s31 =	smov.u32 s1;
	v16 =	vadd.s32 s3, v0;
	s3 =	sadd.s32 $0x3000, s1;
	v19 =	vld.idx.msk [tilespmem:v15+s21+$0x0], $0xffff;
	v4 =	vadd.s32 v4, v5;
	vm2 =	vlt.u32 v14, v1;
	s1 =	smov.u32 s2  }
0x5a2: {  	v20 =	vadd.s32 s3, v0;
	s3 =	sadd.s32 $0x4000, s31;
	v5 =	vld.idx.msk [tilespmem:v10+s21+$0x0], $0xffff;
	v10 =	vnsel vm2, $0x0, v4  }
.Ltmp7:
0x5a3: {  	v7 =	vadd.s32 v6, v7;
	v14 =	vadd.s32 s3, v0;
	s3 =	sadd.s32 $0x5000, s31;
	v4 =	vld.idx.msk [tilespmem:v11+s21+$0x0], $0xffff;
	v2 =	vadd.s32 v2, v10;
	(pc) =	sbr.rel @p0 .LBB2_16-.Ltmp7, $4  }
0x5a4: {  	v8 =	vadd.s32 v8, v7;
	v6 =	vld.idx.msk [tilespmem:v12+s21+$0x0], $0xffff;
	v15 =	vadd.s32 s3, v0;
	s3 =	sadd.s32 $0x6000, s31  }
0x5a5: {  	v9 =	vadd.s32 v9, v8;
	v7 =	vld.idx.msk [tilespmem:v17+s21+$0x0], $0xffff;
	v10 =	vadd.s32 s3, v0;
	s3 =	sadd.s32 $0x7000, s31  }
0x5a6: {  	v8 =	vld.idx.msk [tilespmem:v16+s21+$0x0], $0xffff;
	v11 =	vadd.s32 s3, v0;
	v16 =	vadd.s32 v18, v9  }
0x5a7: {  	s2 =	sadd.s32 $0x1, s2;
	s19 =	sadd.s32 $0x1000, s1;
	v12 =	vor.u32 s1, v0;
	v9 =	vld.idx.msk [tilespmem:v20+s21+$0x0], $0xffff;
	v16 =	vadd.s32 v19, v16  }
0x5a8: {  	_ =	sdelay $0x3  }
0x5a9: {  	v17 =	vadd.s32 s19, v0;
	s2 =	sadd.s32 $0x2000, s1;
	v14 =	vld.idx.msk [tilespmem:v14+s21+$0x0], $0xffff  }
0x5aa: {  	s19 =	sadd.s32 $0x3000, s1;
	v15 =	vld.idx.msk [tilespmem:v15+s21+$0x0], $0xffff;
	v18 =	vadd.s32 s2, v0  }
0x5ab: {  	s3 =	sadd.s32 $0x4000, s1;
	v10 =	vld.idx.msk [tilespmem:v10+s21+$0x0], $0xffff;
	v19 =	vadd.s32 s19, v0  }
0x5ac: {  	v11 =	vld.idx.msk [tilespmem:v11+s21+$0x0], $0xffff;
	v20 =	vadd.s32 s3, v0;
	s19 =	sadd.s32 $0x5000, s1  }
0x5ad: {  	v12 =	vld.idx.msk [tilespmem:v12+s21+$0x0], $0xffff;
	v21 =	vadd.s32 s19, v0  }
0x5ae: {  	s3 =	sadd.s32 $0x6000, s1;
	s19 =	sadd.s32 $0x7000, s1;
	v17 =	vld.idx.msk [tilespmem:v17+s21+$0x0], $0xffff  }
0x5af: {  	v25 =	vadd.s32 s3, v0;
	v0 =	vadd.s32 s19, v0;
	v18 =	vld.idx.msk [tilespmem:v18+s21+$0x0], $0xffff  }
0x5b0: {  	v6 =	vadd.s32 v6, v7;
	v7 =	vld.idx.msk [tilespmem:v19+s21+$0x0], $0xffff  }
0x5b1: {  	v5 =	vadd.s32 v5, v16;
	v6 =	vadd.s32 v8, v6;
	v8 =	vmov s14;
	v16 =	vld.idx.msk [tilespmem:v20+s21+$0x0], $0xffff  }
0x5b2: {  	v4 =	vadd.s32 v4, v5;
	v5 =	vadd.s32 v9, v6;
	vm2 =	vlt.u32 v8, v1;
	v6 =	vld.idx.msk [tilespmem:v21+s21+$0x0], $0xffff  }
0x5b3: {  	v4 =	vnsel vm2, $0x0, v4;
	v5 =	vadd.s32 v14, v5;
	v9 =	vadd.s32 v12, v17  }
0x5b4: {  	v2 =	vadd.s32 v2, v4;
	v4 =	vadd.s32 v15, v5;
	v5 =	vld.idx.msk [tilespmem:v0+s21+$0x0], $0xffff;
	v0 =	vadd.s32 v18, v9  }
0x5b5: {  	v4 =	vadd.s32 v10, v4;
	v0 =	vadd.s32 v7, v0  }
0x5b6: {  	v4 =	vadd.s32 v11, v4;
	v9 =	vmov s31;
	v0 =	vadd.s32 v16, v0  }
0x5b7: {  	v8 =	vld.idx.msk [tilespmem:v25+s21+$0x0], $0xffff;
	vm2 =	vlt.u32 v9, v1;
	v0 =	vadd.s32 v6, v0;
	v6 =	vmov s1  }
0x5b8: {  	v4 =	vnsel vm2, $0x0, v4;
	vm2 =	vlt.u32 v6, v1;
	v6 =	vld [tilespmem:$0x1F620];
	_ =	sdelay $0x3  }
0x5b9: {  	v7 =	vadd.s32 v8, v0  }
0x5ba: {  	v8 =	vshrl.u32 v61, $0x4;
	v5 =	vadd.s32 v5, v7  }
0x5bb: {  	v2 =	vadd.s32 v2, v4;
	v4 =	vnsel vm2, $0x0, v5  }
0x5bc: {  	s19 =	simm.s32 $0x3000;
	v10 =	vld [tilespmem:$0x1FCC0];
	v0 =	vand.u32 $0xFFFFFFF0, v61;
	v2 =	vadd.s32 v2, v4  }
0x5bd: {  	s2 =	simm.s32 $0x1000;
	v11 =	vld [tilespmem:$0x1FCD0];
	[tilespmem:v6+s24+$0x0] =	vst.idx.msk $0xffff, v2;
	v2 =	vadd.s32 s19, v0  }
0x5be: {  	v9 =	vld [tilespmem:$0x1FF70];
	v5 =	vadd.s32 s2, v0;
	s2 =	simm.s32 $0x4000  }
0x5bf: {  	v6 =	vadd.s32 s2, v0;
	v7 =	vld.idx.msk [tilespmem:v8+s23+$0x0], $0xffff  }
0x5c0: {  	v8 =	vld [tilespmem:$0x1FCB0]  }
0x5c1: {  	s14 =	simm.s32 $0x0;
	v12 =	vld [tilespmem:$0x1FCE0]  }
0x5c2: {  	v1 =	vor.u32 s14, v0;
	v15 =	vld.idx.msk [tilespmem:v2+s21+$0x0], $0xffff  }
0x5c3: {  	s3 =	simm.s32 $0x2000;
	v2 =	vld [tilespmem:$0x1FCF0]  }
0x5c4: {  	v4 =	vadd.s32 s3, v0;
	v16 =	vld.idx.msk [tilespmem:v6+s21+$0x0], $0xffff  }
0x5c5: {  	v6 =	vld [tilespmem:$0x1FD00];
	v8 =	vadd.s32 v9, v8  }
0x5c6: {  	s3 =	simm.s32 $0x5000;
	v8 =	vadd.s32 v10, v8  }
0x5c7: {  	v1 =	vld.idx.msk [tilespmem:v1+s21+$0x0], $0xffff;
	v9 =	vadd.s32 s3, v0;
	v8 =	vadd.s32 v11, v8  }
0x5c8: {  	s19 =	simm.s32 $0x6000;
	v10 =	vld.idx.msk [tilespmem:v5+s21+$0x0], $0xffff;
	v8 =	vadd.s32 v12, v8  }
0x5c9: {  	s2 =	simm.s32 $0x7000;
	v5 =	vadd.s32 s19, v0;
	v11 =	vld.idx.msk [tilespmem:v4+s21+$0x0], $0xffff;
	v2 =	vadd.s32 v2, v8  }
0x5ca: {  	s31 =	simm.s32 $0x1;
	v4 =	vadd.s32 s2, v0;
	v2 =	vadd.s32 v6, v2;
	v6 =	vld [tilespmem:$0x1FD10]  }
0x5cb: {  	s2 =	simm.s32 $0x3001;
	v12 =	vor.u32 s31, v0  }
0x5cc: {  	s3 =	simm.s32 $0x1001;
	v18 =	vld.idx.msk [tilespmem:v9+s21+$0x0], $0xffff;
	v9 =	vadd.s32 s2, v0  }
0x5cd: {  	s19 =	simm.s32 $0x2001;
	v8 =	vadd.s32 s3, v0  }
0x5ce: {  	v17 =	vadd.s32 s19, v0;
	s3 =	simm.s32 $0x4001;
	v5 =	vld.idx.msk [tilespmem:v5+s21+$0x0], $0xffff;
	v10 =	vadd.s32 v1, v10  }
0x5cf: {  	s19 =	simm.s32 $0x5001;
	v14 =	vadd.s32 s3, v0;
	v4 =	vld.idx.msk [tilespmem:v4+s21+$0x0], $0xffff;
	v10 =	vadd.s32 v11, v10;
	v2 =	vadd.s32 v6, v2  }
0x5d0: {  	s3 =	simm.s32 $0x6001;
	v11 =	vadd.s32 v15, v10;
	v15 =	vadd.s32 s19, v0;
	v6 =	vld.idx.msk [tilespmem:v12+s21+$0x0], $0xffff;
	v2 =	vadd.s32 v30, v2  }
0x5d1: {  	v10 =	vadd.s32 s3, v0;
	s19 =	simm.s32 $0x7001;
	v9 =	vld.idx.msk [tilespmem:v9+s21+$0x0], $0xffff;
	v2 =	vsub.s32 v2, v31  }
0x5d2: {  	s1 =	simm.s32 $0x2;
	v16 =	vadd.s32 v16, v11;
	v11 =	vadd.s32 s19, v0;
	v2 =	vadd.s32 v7, v2;
	v7 =	vld.idx.msk [tilespmem:v8+s21+$0x0], $0xffff  }
0x5d3: {  	s2 =	simm.s32 $0x3;
	v1 =	vand.u32 $0xF, v61;
	s19 =	simm.s32 $0x1002;
	v12 =	vor.u32 s1, v0;
	v16 =	vadd.s32 v18, v16;
	v8 =	vld.idx.msk [tilespmem:v17+s21+$0x0], $0xffff  }
.LBB2_18:
0x5d4: {  	p0 =	sne.s32 s2, $0xF;
	v17 =	vadd.s32 s19, v0;
	s3 =	sadd.s32 $0x2000, s1;
	v18 =	vld.idx.msk [tilespmem:v14+s21+$0x0], $0xffff;
	v14 =	vmov s14;
	v5 =	vadd.s32 v5, v16;
	s14 =	smov.u32 s31  }
0x5d5: {  	s31 =	smov.u32 s1;
	v16 =	vadd.s32 s3, v0;
	s3 =	sadd.s32 $0x3000, s1;
	v19 =	vld.idx.msk [tilespmem:v15+s21+$0x0], $0xffff;
	v4 =	vadd.s32 v4, v5;
	vm2 =	vlt.u32 v14, v1;
	s1 =	smov.u32 s2  }
0x5d6: {  	v20 =	vadd.s32 s3, v0;
	s3 =	sadd.s32 $0x4000, s31;
	v5 =	vld.idx.msk [tilespmem:v10+s21+$0x0], $0xffff;
	v10 =	vnsel vm2, $0x0, v4  }
.Ltmp8:
0x5d7: {  	v7 =	vadd.s32 v6, v7;
	v14 =	vadd.s32 s3, v0;
	s3 =	sadd.s32 $0x5000, s31;
	v4 =	vld.idx.msk [tilespmem:v11+s21+$0x0], $0xffff;
	v2 =	vadd.s32 v2, v10;
	(pc) =	sbr.rel @p0 .LBB2_18-.Ltmp8, $4  }
0x5d8: {  	v8 =	vadd.s32 v8, v7;
	v6 =	vld.idx.msk [tilespmem:v12+s21+$0x0], $0xffff;
	v15 =	vadd.s32 s3, v0;
	s3 =	sadd.s32 $0x6000, s31  }
0x5d9: {  	v9 =	vadd.s32 v9, v8;
	v7 =	vld.idx.msk [tilespmem:v17+s21+$0x0], $0xffff;
	v10 =	vadd.s32 s3, v0;
	s3 =	sadd.s32 $0x7000, s31  }
0x5da: {  	v8 =	vld.idx.msk [tilespmem:v16+s21+$0x0], $0xffff;
	v11 =	vadd.s32 s3, v0;
	v16 =	vadd.s32 v18, v9  }
0x5db: {  	s2 =	sadd.s32 $0x1, s2;
	s19 =	sadd.s32 $0x1000, s1;
	v12 =	vor.u32 s1, v0;
	v9 =	vld.idx.msk [tilespmem:v20+s21+$0x0], $0xffff;
	v16 =	vadd.s32 v19, v16  }
0x5dc: {  	_ =	sdelay $0x3  }
0x5dd: {  	v17 =	vadd.s32 s19, v0;
	s2 =	sadd.s32 $0x2000, s1;
	v14 =	vld.idx.msk [tilespmem:v14+s21+$0x0], $0xffff  }
0x5de: {  	s19 =	sadd.s32 $0x3000, s1;
	v15 =	vld.idx.msk [tilespmem:v15+s21+$0x0], $0xffff;
	v18 =	vadd.s32 s2, v0  }
0x5df: {  	s3 =	sadd.s32 $0x4000, s1;
	v10 =	vld.idx.msk [tilespmem:v10+s21+$0x0], $0xffff;
	v19 =	vadd.s32 s19, v0  }
0x5e0: {  	v11 =	vld.idx.msk [tilespmem:v11+s21+$0x0], $0xffff;
	v20 =	vadd.s32 s3, v0;
	s19 =	sadd.s32 $0x5000, s1  }
0x5e1: {  	v12 =	vld.idx.msk [tilespmem:v12+s21+$0x0], $0xffff;
	v21 =	vadd.s32 s19, v0  }
0x5e2: {  	s3 =	sadd.s32 $0x6000, s1;
	s19 =	sadd.s32 $0x7000, s1;
	v17 =	vld.idx.msk [tilespmem:v17+s21+$0x0], $0xffff  }
0x5e3: {  	v25 =	vadd.s32 s3, v0;
	v0 =	vadd.s32 s19, v0;
	v18 =	vld.idx.msk [tilespmem:v18+s21+$0x0], $0xffff  }
0x5e4: {  	v6 =	vadd.s32 v6, v7;
	v7 =	vld.idx.msk [tilespmem:v19+s21+$0x0], $0xffff  }
0x5e5: {  	v5 =	vadd.s32 v5, v16;
	v6 =	vadd.s32 v8, v6;
	v8 =	vmov s14;
	v16 =	vld.idx.msk [tilespmem:v20+s21+$0x0], $0xffff  }
0x5e6: {  	v4 =	vadd.s32 v4, v5;
	v5 =	vadd.s32 v9, v6;
	vm2 =	vlt.u32 v8, v1;
	v6 =	vld.idx.msk [tilespmem:v21+s21+$0x0], $0xffff  }
0x5e7: {  	v4 =	vnsel vm2, $0x0, v4;
	v5 =	vadd.s32 v14, v5;
	v9 =	vadd.s32 v12, v17  }
0x5e8: {  	v2 =	vadd.s32 v2, v4;
	v4 =	vadd.s32 v15, v5;
	v5 =	vld.idx.msk [tilespmem:v0+s21+$0x0], $0xffff;
	v0 =	vadd.s32 v18, v9  }
0x5e9: {  	v4 =	vadd.s32 v10, v4;
	v0 =	vadd.s32 v7, v0  }
0x5ea: {  	v4 =	vadd.s32 v11, v4;
	v9 =	vmov s31;
	v0 =	vadd.s32 v16, v0  }
0x5eb: {  	v8 =	vld.idx.msk [tilespmem:v25+s21+$0x0], $0xffff;
	vm2 =	vlt.u32 v9, v1;
	v0 =	vadd.s32 v6, v0;
	v6 =	vmov s1  }
0x5ec: {  	v4 =	vnsel vm2, $0x0, v4;
	vm2 =	vlt.u32 v6, v1;
	v6 =	vld [tilespmem:$0x1F630];
	_ =	sdelay $0x3  }
0x5ed: {  	v7 =	vadd.s32 v8, v0  }
0x5ee: {  	v8 =	vshrl.u32 v60, $0x4;
	v5 =	vadd.s32 v5, v7  }
0x5ef: {  	v2 =	vadd.s32 v2, v4;
	v4 =	vnsel vm2, $0x0, v5  }
0x5f0: {  	s19 =	simm.s32 $0x3000;
	v10 =	vld [tilespmem:$0x1FD30];
	v0 =	vand.u32 $0xFFFFFFF0, v60;
	v2 =	vadd.s32 v2, v4  }
0x5f1: {  	s2 =	simm.s32 $0x1000;
	v11 =	vld [tilespmem:$0x1FD40];
	[tilespmem:v6+s24+$0x0] =	vst.idx.msk $0xffff, v2;
	v2 =	vadd.s32 s19, v0  }
0x5f2: {  	v9 =	vld [tilespmem:$0x1FF80];
	v5 =	vadd.s32 s2, v0;
	s2 =	simm.s32 $0x4000  }
0x5f3: {  	v6 =	vadd.s32 s2, v0;
	v7 =	vld.idx.msk [tilespmem:v8+s23+$0x0], $0xffff  }
0x5f4: {  	v8 =	vld [tilespmem:$0x1FD20]  }
0x5f5: {  	s14 =	simm.s32 $0x0;
	v12 =	vld [tilespmem:$0x1FD50]  }
0x5f6: {  	v1 =	vor.u32 s14, v0;
	v15 =	vld.idx.msk [tilespmem:v2+s21+$0x0], $0xffff  }
0x5f7: {  	s3 =	simm.s32 $0x2000;
	v2 =	vld [tilespmem:$0x1FD60]  }
0x5f8: {  	v4 =	vadd.s32 s3, v0;
	v16 =	vld.idx.msk [tilespmem:v6+s21+$0x0], $0xffff  }
0x5f9: {  	v6 =	vld [tilespmem:$0x1FD70];
	v8 =	vadd.s32 v9, v8  }
0x5fa: {  	s3 =	simm.s32 $0x5000;
	v8 =	vadd.s32 v10, v8  }
0x5fb: {  	v1 =	vld.idx.msk [tilespmem:v1+s21+$0x0], $0xffff;
	v9 =	vadd.s32 s3, v0;
	v8 =	vadd.s32 v11, v8  }
0x5fc: {  	s19 =	simm.s32 $0x6000;
	v10 =	vld.idx.msk [tilespmem:v5+s21+$0x0], $0xffff;
	v8 =	vadd.s32 v12, v8  }
0x5fd: {  	s2 =	simm.s32 $0x7000;
	v5 =	vadd.s32 s19, v0;
	v11 =	vld.idx.msk [tilespmem:v4+s21+$0x0], $0xffff;
	v2 =	vadd.s32 v2, v8  }
0x5fe: {  	s31 =	simm.s32 $0x1;
	v4 =	vadd.s32 s2, v0;
	v2 =	vadd.s32 v6, v2;
	v6 =	vld [tilespmem:$0x1FD80]  }
0x5ff: {  	s2 =	simm.s32 $0x3001;
	v12 =	vor.u32 s31, v0  }
0x600: {  	s3 =	simm.s32 $0x1001;
	v18 =	vld.idx.msk [tilespmem:v9+s21+$0x0], $0xffff;
	v9 =	vadd.s32 s2, v0  }
0x601: {  	s19 =	simm.s32 $0x2001;
	v8 =	vadd.s32 s3, v0  }
0x602: {  	v17 =	vadd.s32 s19, v0;
	s3 =	simm.s32 $0x4001;
	v5 =	vld.idx.msk [tilespmem:v5+s21+$0x0], $0xffff;
	v10 =	vadd.s32 v1, v10  }
0x603: {  	s19 =	simm.s32 $0x5001;
	v14 =	vadd.s32 s3, v0;
	v4 =	vld.idx.msk [tilespmem:v4+s21+$0x0], $0xffff;
	v10 =	vadd.s32 v11, v10;
	v2 =	vadd.s32 v6, v2  }
0x604: {  	s3 =	simm.s32 $0x6001;
	v11 =	vadd.s32 v15, v10;
	v15 =	vadd.s32 s19, v0;
	v6 =	vld.idx.msk [tilespmem:v12+s21+$0x0], $0xffff;
	v2 =	vadd.s32 v55, v2  }
0x605: {  	v10 =	vadd.s32 s3, v0;
	s19 =	simm.s32 $0x7001;
	v9 =	vld.idx.msk [tilespmem:v9+s21+$0x0], $0xffff;
	v2 =	vsub.s32 v2, v56  }
0x606: {  	s1 =	simm.s32 $0x2;
	v16 =	vadd.s32 v16, v11;
	v11 =	vadd.s32 s19, v0;
	v2 =	vadd.s32 v7, v2;
	v7 =	vld.idx.msk [tilespmem:v8+s21+$0x0], $0xffff  }
0x607: {  	s2 =	simm.s32 $0x3;
	v1 =	vand.u32 $0xF, v60;
	s19 =	simm.s32 $0x1002;
	v12 =	vor.u32 s1, v0;
	v16 =	vadd.s32 v18, v16;
	v8 =	vld.idx.msk [tilespmem:v17+s21+$0x0], $0xffff  }
.LBB2_20:
0x608: {  	p0 =	sne.s32 s2, $0xF;
	v17 =	vadd.s32 s19, v0;
	s3 =	sadd.s32 $0x2000, s1;
	v18 =	vld.idx.msk [tilespmem:v14+s21+$0x0], $0xffff;
	v14 =	vmov s14;
	v5 =	vadd.s32 v5, v16;
	s14 =	smov.u32 s31  }
0x609: {  	s31 =	smov.u32 s1;
	v16 =	vadd.s32 s3, v0;
	s3 =	sadd.s32 $0x3000, s1;
	v19 =	vld.idx.msk [tilespmem:v15+s21+$0x0], $0xffff;
	v4 =	vadd.s32 v4, v5;
	vm2 =	vlt.u32 v14, v1;
	s1 =	smov.u32 s2  }
0x60a: {  	v20 =	vadd.s32 s3, v0;
	s3 =	sadd.s32 $0x4000, s31;
	v5 =	vld.idx.msk [tilespmem:v10+s21+$0x0], $0xffff;
	v10 =	vnsel vm2, $0x0, v4  }
.Ltmp9:
0x60b: {  	v7 =	vadd.s32 v6, v7;
	v14 =	vadd.s32 s3, v0;
	s3 =	sadd.s32 $0x5000, s31;
	v4 =	vld.idx.msk [tilespmem:v11+s21+$0x0], $0xffff;
	v2 =	vadd.s32 v2, v10;
	(pc) =	sbr.rel @p0 .LBB2_20-.Ltmp9, $4  }
0x60c: {  	v8 =	vadd.s32 v8, v7;
	v6 =	vld.idx.msk [tilespmem:v12+s21+$0x0], $0xffff;
	v15 =	vadd.s32 s3, v0;
	s3 =	sadd.s32 $0x6000, s31  }
0x60d: {  	v9 =	vadd.s32 v9, v8;
	v7 =	vld.idx.msk [tilespmem:v17+s21+$0x0], $0xffff;
	v10 =	vadd.s32 s3, v0;
	s3 =	sadd.s32 $0x7000, s31  }
0x60e: {  	v8 =	vld.idx.msk [tilespmem:v16+s21+$0x0], $0xffff;
	v11 =	vadd.s32 s3, v0;
	v16 =	vadd.s32 v18, v9  }
0x60f: {  	s2 =	sadd.s32 $0x1, s2;
	s19 =	sadd.s32 $0x1000, s1;
	v12 =	vor.u32 s1, v0;
	v9 =	vld.idx.msk [tilespmem:v20+s21+$0x0], $0xffff;
	v16 =	vadd.s32 v19, v16  }
0x610: {  	_ =	sdelay $0x3  }
0x611: {  	v17 =	vadd.s32 s19, v0;
	s2 =	sadd.s32 $0x2000, s1;
	v14 =	vld.idx.msk [tilespmem:v14+s21+$0x0], $0xffff  }
0x612: {  	s19 =	sadd.s32 $0x3000, s1;
	v15 =	vld.idx.msk [tilespmem:v15+s21+$0x0], $0xffff;
	v18 =	vadd.s32 s2, v0  }
0x613: {  	s3 =	sadd.s32 $0x4000, s1;
	v10 =	vld.idx.msk [tilespmem:v10+s21+$0x0], $0xffff;
	v19 =	vadd.s32 s19, v0  }
0x614: {  	v11 =	vld.idx.msk [tilespmem:v11+s21+$0x0], $0xffff;
	v20 =	vadd.s32 s3, v0;
	s19 =	sadd.s32 $0x5000, s1  }
0x615: {  	v12 =	vld.idx.msk [tilespmem:v12+s21+$0x0], $0xffff;
	v21 =	vadd.s32 s19, v0  }
0x616: {  	s3 =	sadd.s32 $0x6000, s1;
	s19 =	sadd.s32 $0x7000, s1;
	v17 =	vld.idx.msk [tilespmem:v17+s21+$0x0], $0xffff  }
0x617: {  	v25 =	vadd.s32 s3, v0;
	v0 =	vadd.s32 s19, v0;
	v18 =	vld.idx.msk [tilespmem:v18+s21+$0x0], $0xffff  }
0x618: {  	v6 =	vadd.s32 v6, v7;
	v7 =	vld.idx.msk [tilespmem:v19+s21+$0x0], $0xffff  }
0x619: {  	v5 =	vadd.s32 v5, v16;
	v6 =	vadd.s32 v8, v6;
	v8 =	vmov s14;
	v16 =	vld.idx.msk [tilespmem:v20+s21+$0x0], $0xffff  }
0x61a: {  	v4 =	vadd.s32 v4, v5;
	v5 =	vadd.s32 v9, v6;
	vm2 =	vlt.u32 v8, v1;
	v6 =	vld.idx.msk [tilespmem:v21+s21+$0x0], $0xffff  }
0x61b: {  	v4 =	vnsel vm2, $0x0, v4;
	v5 =	vadd.s32 v14, v5;
	v9 =	vadd.s32 v12, v17  }
0x61c: {  	v2 =	vadd.s32 v2, v4;
	v4 =	vadd.s32 v15, v5;
	v5 =	vld.idx.msk [tilespmem:v0+s21+$0x0], $0xffff;
	v0 =	vadd.s32 v18, v9  }
0x61d: {  	v4 =	vadd.s32 v10, v4;
	v0 =	vadd.s32 v7, v0  }
0x61e: {  	v4 =	vadd.s32 v11, v4;
	v9 =	vmov s31;
	v0 =	vadd.s32 v16, v0  }
0x61f: {  	v8 =	vld.idx.msk [tilespmem:v25+s21+$0x0], $0xffff;
	vm2 =	vlt.u32 v9, v1;
	v0 =	vadd.s32 v6, v0;
	v6 =	vmov s1  }
0x620: {  	v4 =	vnsel vm2, $0x0, v4;
	vm2 =	vlt.u32 v6, v1;
	v6 =	vld [tilespmem:$0x1F640];
	_ =	sdelay $0x3  }
0x621: {  	v7 =	vadd.s32 v8, v0  }
0x622: {  	v8 =	vshrl.u32 v59, $0x4;
	v5 =	vadd.s32 v5, v7  }
0x623: {  	v2 =	vadd.s32 v2, v4;
	v4 =	vnsel vm2, $0x0, v5  }
0x624: {  	s19 =	simm.s32 $0x3000;
	v10 =	vld [tilespmem:$0x1FDA0];
	v0 =	vand.u32 $0xFFFFFFF0, v59;
	v2 =	vadd.s32 v2, v4  }
0x625: {  	s2 =	simm.s32 $0x1000;
	v11 =	vld [tilespmem:$0x1FDB0];
	[tilespmem:v6+s24+$0x0] =	vst.idx.msk $0xffff, v2;
	v2 =	vadd.s32 s19, v0  }
0x626: {  	v9 =	vld [tilespmem:$0x1FF90];
	v5 =	vadd.s32 s2, v0;
	s2 =	simm.s32 $0x4000  }
0x627: {  	v6 =	vadd.s32 s2, v0;
	v7 =	vld.idx.msk [tilespmem:v8+s23+$0x0], $0xffff  }
0x628: {  	v8 =	vld [tilespmem:$0x1FD90]  }
0x629: {  	s14 =	simm.s32 $0x0;
	v12 =	vld [tilespmem:$0x1FDC0]  }
0x62a: {  	v1 =	vor.u32 s14, v0;
	v15 =	vld.idx.msk [tilespmem:v2+s21+$0x0], $0xffff  }
0x62b: {  	s3 =	simm.s32 $0x2000;
	v2 =	vld [tilespmem:$0x1FDD0]  }
0x62c: {  	v4 =	vadd.s32 s3, v0;
	v16 =	vld.idx.msk [tilespmem:v6+s21+$0x0], $0xffff  }
0x62d: {  	v6 =	vld [tilespmem:$0x1FDE0];
	v8 =	vadd.s32 v9, v8  }
0x62e: {  	s3 =	simm.s32 $0x5000;
	v8 =	vadd.s32 v10, v8  }
0x62f: {  	v1 =	vld.idx.msk [tilespmem:v1+s21+$0x0], $0xffff;
	v9 =	vadd.s32 s3, v0;
	v8 =	vadd.s32 v11, v8  }
0x630: {  	s19 =	simm.s32 $0x6000;
	v10 =	vld.idx.msk [tilespmem:v5+s21+$0x0], $0xffff;
	v8 =	vadd.s32 v12, v8  }
0x631: {  	s2 =	simm.s32 $0x7000;
	v5 =	vadd.s32 s19, v0;
	v11 =	vld.idx.msk [tilespmem:v4+s21+$0x0], $0xffff;
	v2 =	vadd.s32 v2, v8  }
0x632: {  	s31 =	simm.s32 $0x1;
	v4 =	vadd.s32 s2, v0;
	v2 =	vadd.s32 v6, v2;
	v6 =	vld [tilespmem:$0x1FDF0]  }
0x633: {  	s2 =	simm.s32 $0x3001;
	v12 =	vor.u32 s31, v0  }
0x634: {  	s3 =	simm.s32 $0x1001;
	v18 =	vld.idx.msk [tilespmem:v9+s21+$0x0], $0xffff;
	v9 =	vadd.s32 s2, v0  }
0x635: {  	s19 =	simm.s32 $0x2001;
	v8 =	vadd.s32 s3, v0  }
0x636: {  	v17 =	vadd.s32 s19, v0;
	s3 =	simm.s32 $0x4001;
	v5 =	vld.idx.msk [tilespmem:v5+s21+$0x0], $0xffff;
	v10 =	vadd.s32 v1, v10  }
0x637: {  	s19 =	simm.s32 $0x5001;
	v14 =	vadd.s32 s3, v0;
	v4 =	vld.idx.msk [tilespmem:v4+s21+$0x0], $0xffff;
	v10 =	vadd.s32 v11, v10;
	v2 =	vadd.s32 v6, v2  }
0x638: {  	s3 =	simm.s32 $0x6001;
	v11 =	vadd.s32 v15, v10;
	v15 =	vadd.s32 s19, v0;
	v6 =	vld.idx.msk [tilespmem:v12+s21+$0x0], $0xffff;
	v2 =	vadd.s32 v51, v2  }
0x639: {  	v10 =	vadd.s32 s3, v0;
	s19 =	simm.s32 $0x7001;
	v9 =	vld.idx.msk [tilespmem:v9+s21+$0x0], $0xffff;
	v2 =	vsub.s32 v2, v53  }
0x63a: {  	s1 =	simm.s32 $0x2;
	v16 =	vadd.s32 v16, v11;
	v11 =	vadd.s32 s19, v0;
	v2 =	vadd.s32 v7, v2;
	v7 =	vld.idx.msk [tilespmem:v8+s21+$0x0], $0xffff  }
0x63b: {  	s2 =	simm.s32 $0x3;
	v1 =	vand.u32 $0xF, v59;
	s19 =	simm.s32 $0x1002;
	v12 =	vor.u32 s1, v0;
	v16 =	vadd.s32 v18, v16;
	v8 =	vld.idx.msk [tilespmem:v17+s21+$0x0], $0xffff  }
.LBB2_22:
0x63c: {  	p0 =	sne.s32 s2, $0xF;
	v17 =	vadd.s32 s19, v0;
	s3 =	sadd.s32 $0x2000, s1;
	v18 =	vld.idx.msk [tilespmem:v14+s21+$0x0], $0xffff;
	v14 =	vmov s14;
	v5 =	vadd.s32 v5, v16;
	s14 =	smov.u32 s31  }
0x63d: {  	s31 =	smov.u32 s1;
	v16 =	vadd.s32 s3, v0;
	s3 =	sadd.s32 $0x3000, s1;
	v19 =	vld.idx.msk [tilespmem:v15+s21+$0x0], $0xffff;
	v4 =	vadd.s32 v4, v5;
	vm2 =	vlt.u32 v14, v1;
	s1 =	smov.u32 s2  }
0x63e: {  	v20 =	vadd.s32 s3, v0;
	s3 =	sadd.s32 $0x4000, s31;
	v5 =	vld.idx.msk [tilespmem:v10+s21+$0x0], $0xffff;
	v10 =	vnsel vm2, $0x0, v4  }
.Ltmp10:
0x63f: {  	v7 =	vadd.s32 v6, v7;
	v14 =	vadd.s32 s3, v0;
	s3 =	sadd.s32 $0x5000, s31;
	v4 =	vld.idx.msk [tilespmem:v11+s21+$0x0], $0xffff;
	v2 =	vadd.s32 v2, v10;
	(pc) =	sbr.rel @p0 .LBB2_22-.Ltmp10, $4  }
0x640: {  	v8 =	vadd.s32 v8, v7;
	v6 =	vld.idx.msk [tilespmem:v12+s21+$0x0], $0xffff;
	v15 =	vadd.s32 s3, v0;
	s3 =	sadd.s32 $0x6000, s31  }
0x641: {  	v9 =	vadd.s32 v9, v8;
	v7 =	vld.idx.msk [tilespmem:v17+s21+$0x0], $0xffff;
	v10 =	vadd.s32 s3, v0;
	s3 =	sadd.s32 $0x7000, s31  }
0x642: {  	v8 =	vld.idx.msk [tilespmem:v16+s21+$0x0], $0xffff;
	v11 =	vadd.s32 s3, v0;
	v16 =	vadd.s32 v18, v9  }
0x643: {  	s2 =	sadd.s32 $0x1, s2;
	s19 =	sadd.s32 $0x1000, s1;
	v12 =	vor.u32 s1, v0;
	v9 =	vld.idx.msk [tilespmem:v20+s21+$0x0], $0xffff;
	v16 =	vadd.s32 v19, v16  }
0x644: {  	_ =	sdelay $0x3  }
0x645: {  	v17 =	vadd.s32 s19, v0;
	s2 =	sadd.s32 $0x2000, s1;
	v14 =	vld.idx.msk [tilespmem:v14+s21+$0x0], $0xffff  }
0x646: {  	s19 =	sadd.s32 $0x3000, s1;
	v15 =	vld.idx.msk [tilespmem:v15+s21+$0x0], $0xffff;
	v18 =	vadd.s32 s2, v0  }
0x647: {  	s3 =	sadd.s32 $0x4000, s1;
	v10 =	vld.idx.msk [tilespmem:v10+s21+$0x0], $0xffff;
	v19 =	vadd.s32 s19, v0  }
0x648: {  	v11 =	vld.idx.msk [tilespmem:v11+s21+$0x0], $0xffff;
	v20 =	vadd.s32 s3, v0;
	s19 =	sadd.s32 $0x5000, s1  }
0x649: {  	v12 =	vld.idx.msk [tilespmem:v12+s21+$0x0], $0xffff;
	v21 =	vadd.s32 s19, v0  }
0x64a: {  	s3 =	sadd.s32 $0x6000, s1;
	s19 =	sadd.s32 $0x7000, s1;
	v17 =	vld.idx.msk [tilespmem:v17+s21+$0x0], $0xffff  }
0x64b: {  	v25 =	vadd.s32 s3, v0;
	v0 =	vadd.s32 s19, v0;
	v18 =	vld.idx.msk [tilespmem:v18+s21+$0x0], $0xffff  }
0x64c: {  	v6 =	vadd.s32 v6, v7;
	v7 =	vld.idx.msk [tilespmem:v19+s21+$0x0], $0xffff  }
0x64d: {  	v5 =	vadd.s32 v5, v16;
	v6 =	vadd.s32 v8, v6;
	v8 =	vmov s14;
	v61 =	vld.idx.msk [tilespmem:v20+s21+$0x0], $0xffff  }
0x64e: {  	v4 =	vadd.s32 v4, v5;
	v5 =	vadd.s32 v9, v6;
	vm2 =	vlt.u32 v8, v1;
	v6 =	vld.idx.msk [tilespmem:v21+s21+$0x0], $0xffff  }
0x64f: {  	v4 =	vnsel vm2, $0x0, v4;
	v5 =	vadd.s32 v14, v5;
	v9 =	vadd.s32 v12, v17  }
0x650: {  	v2 =	vadd.s32 v2, v4;
	v4 =	vadd.s32 v15, v5;
	v5 =	vld.idx.msk [tilespmem:v0+s21+$0x0], $0xffff;
	v0 =	vadd.s32 v18, v9  }
0x651: {  	v4 =	vadd.s32 v10, v4;
	v0 =	vadd.s32 v7, v0  }
0x652: {  	v4 =	vadd.s32 v11, v4;
	v9 =	vmov s31;
	v0 =	vadd.s32 v61, v0  }
0x653: {  	v8 =	vld.idx.msk [tilespmem:v25+s21+$0x0], $0xffff;
	vm2 =	vlt.u32 v9, v1;
	v0 =	vadd.s32 v6, v0;
	v6 =	vmov s1  }
0x654: {  	v4 =	vnsel vm2, $0x0, v4;
	vm2 =	vlt.u32 v6, v1;
	v6 =	vld [tilespmem:$0x1F650];
	_ =	sdelay $0x3  }
0x655: {  	v7 =	vadd.s32 v8, v0;
	v8 =	vshrl.u32 v58, $0x4  }
0x656: {  	v5 =	vadd.s32 v5, v7  }
0x657: {  	v2 =	vadd.s32 v2, v4;
	v4 =	vnsel vm2, $0x0, v5  }
0x658: {  	v2 =	vadd.s32 v2, v4  }
0x659: {  	v9 =	vld [tilespmem:$0x1FFA0];
	[tilespmem:v6+s24+$0x0] =	vst.idx.msk $0xffff, v2  }
0x65a: {  	s2 =	simm.s32 $0x1000;
	v0 =	vand.u32 $0xFFFFFFF0, v58;
	v6 =	vld.idx.msk [tilespmem:v8+s23+$0x0], $0xffff  }
0x65b: {  	v5 =	vadd.s32 s2, v0;
	s2 =	simm.s32 $0x4000;
	v8 =	vld [tilespmem:$0x1FE00]  }
0x65c: {  	v7 =	vadd.s32 s2, v0  }
0x65d: {  	s19 =	simm.s32 $0x3000  }
0x65e: {  	s3 =	simm.s32 $0x2000;
	v10 =	vld [tilespmem:$0x1FE10];
	v2 =	vadd.s32 s19, v0  }
0x65f: {  	v11 =	vld [tilespmem:$0x1FE20];
	v4 =	vadd.s32 s3, v0;
	s3 =	simm.s32 $0x5000  }
0x660: {  	v12 =	vld [tilespmem:$0x1FE30];
	v8 =	vadd.s32 v9, v8;
	v9 =	vadd.s32 s3, v0  }
0x661: {  	v15 =	vld.idx.msk [tilespmem:v7+s21+$0x0], $0xffff  }
0x662: {  	s14 =	simm.s32 $0x0;
	v7 =	vld [tilespmem:$0x1FE50]  }
0x663: {  	v1 =	vor.u32 s14, v0;
	v14 =	vld.idx.msk [tilespmem:v2+s21+$0x0], $0xffff  }
0x664: {  	v2 =	vld [tilespmem:$0x1FE40]  }
0x665: {  	v62 =	vld.idx.msk [tilespmem:v9+s21+$0x0], $0xffff  }
0x666: {  	s19 =	simm.s32 $0x6000;
	v8 =	vadd.s32 v10, v8;
	v9 =	vld [tilespmem:$0x1FE60]  }
0x667: {  	s31 =	simm.s32 $0x1;
	v10 =	vld.idx.msk [tilespmem:v5+s21+$0x0], $0xffff;
	v5 =	vadd.s32 s19, v0;
	v8 =	vadd.s32 v11, v8  }
0x668: {  	s2 =	simm.s32 $0x7000;
	v1 =	vld.idx.msk [tilespmem:v1+s21+$0x0], $0xffff;
	v8 =	vadd.s32 v12, v8;
	v12 =	vor.u32 s31, v0  }
0x669: {  	s3 =	simm.s32 $0x1001;
	v11 =	vld.idx.msk [tilespmem:v4+s21+$0x0], $0xffff;
	v4 =	vadd.s32 s2, v0;
	v2 =	vadd.s32 v2, v8  }
0x66a: {  	s19 =	simm.s32 $0x2001;
	v8 =	vadd.s32 s3, v0;
	v2 =	vadd.s32 v7, v2  }
0x66b: {  	s2 =	simm.s32 $0x3001;
	v7 =	vadd.s32 s19, v0;
	v2 =	vadd.s32 v9, v2  }
0x66c: {  	v63 =	vadd.s32 s2, v0;
	s3 =	simm.s32 $0x4001;
	v5 =	vld.idx.msk [tilespmem:v5+s21+$0x0], $0xffff;
	v2 =	vadd.s32 v13, v2  }
0x66d: {  	s19 =	simm.s32 $0x5001;
	v9 =	vadd.s32 v1, v10;
	v2 =	vsub.s32 v2, v3;
	v3 =	vld.idx.msk [tilespmem:v12+s21+$0x0], $0xffff;
	v12 =	vadd.s32 s3, v0  }
0x66e: {  	v4 =	vld.idx.msk [tilespmem:v4+s21+$0x0], $0xffff;
	v9 =	vadd.s32 v11, v9;
	v13 =	vadd.s32 s19, v0;
	s3 =	simm.s32 $0x6001  }
0x66f: {  	s19 =	simm.s32 $0x7001;
	v2 =	vadd.s32 v6, v2;
	v6 =	vld.idx.msk [tilespmem:v8+s21+$0x0], $0xffff;
	v8 =	vadd.s32 v14, v9;
	v9 =	vadd.s32 s3, v0  }
0x670: {  	s1 =	simm.s32 $0x2;
	v7 =	vld.idx.msk [tilespmem:v7+s21+$0x0], $0xffff;
	v10 =	vadd.s32 s19, v0;
	v14 =	vadd.s32 v15, v8  }
0x671: {  	s2 =	simm.s32 $0x3;
	v1 =	vand.u32 $0xF, v58;
	v11 =	vor.u32 s1, v0;
	s19 =	simm.s32 $0x1002;
	v8 =	vld.idx.msk [tilespmem:v63+s21+$0x0], $0xffff;
	v14 =	vadd.s32 v62, v14  }
.LBB2_24:
0x672: {  	p0 =	sne.s32 s2, $0xF;
	v15 =	vadd.s32 s19, v0;
	s3 =	sadd.s32 $0x2000, s1;
	v16 =	vld.idx.msk [tilespmem:v12+s21+$0x0], $0xffff;
	v12 =	vmov s14;
	v5 =	vadd.s32 v5, v14;
	s14 =	smov.u32 s31  }
0x673: {  	s31 =	smov.u32 s1;
	v14 =	vadd.s32 s3, v0;
	s3 =	sadd.s32 $0x3000, s1;
	v17 =	vld.idx.msk [tilespmem:v13+s21+$0x0], $0xffff;
	v4 =	vadd.s32 v4, v5;
	vm2 =	vlt.u32 v12, v1;
	s1 =	smov.u32 s2  }
0x674: {  	v18 =	vadd.s32 s3, v0;
	s3 =	sadd.s32 $0x4000, s31;
	v5 =	vld.idx.msk [tilespmem:v9+s21+$0x0], $0xffff;
	v9 =	vnsel vm2, $0x0, v4  }
.Ltmp11:
0x675: {  	v6 =	vadd.s32 v3, v6;
	v12 =	vadd.s32 s3, v0;
	s3 =	sadd.s32 $0x5000, s31;
	v4 =	vld.idx.msk [tilespmem:v10+s21+$0x0], $0xffff;
	v2 =	vadd.s32 v2, v9;
	(pc) =	sbr.rel @p0 .LBB2_24-.Ltmp11, $4  }
0x676: {  	v7 =	vadd.s32 v7, v6;
	v3 =	vld.idx.msk [tilespmem:v11+s21+$0x0], $0xffff;
	v13 =	vadd.s32 s3, v0;
	s3 =	sadd.s32 $0x6000, s31  }
0x677: {  	v8 =	vadd.s32 v8, v7;
	v6 =	vld.idx.msk [tilespmem:v15+s21+$0x0], $0xffff;
	v9 =	vadd.s32 s3, v0;
	s3 =	sadd.s32 $0x7000, s31  }
0x678: {  	v7 =	vld.idx.msk [tilespmem:v14+s21+$0x0], $0xffff;
	v10 =	vadd.s32 s3, v0;
	v14 =	vadd.s32 v16, v8  }
0x679: {  	s2 =	sadd.s32 $0x1, s2;
	s19 =	sadd.s32 $0x1000, s1;
	v11 =	vor.u32 s1, v0;
	v8 =	vld.idx.msk [tilespmem:v18+s21+$0x0], $0xffff;
	v14 =	vadd.s32 v17, v14  }
0x67a: {  	_ =	sdelay $0x3  }
0x67b: {  	v15 =	vadd.s32 s19, v0;
	s2 =	sadd.s32 $0x2000, s1;
	v12 =	vld.idx.msk [tilespmem:v12+s21+$0x0], $0xffff  }
0x67c: {  	s19 =	sadd.s32 $0x3000, s1;
	v13 =	vld.idx.msk [tilespmem:v13+s21+$0x0], $0xffff;
	v16 =	vadd.s32 s2, v0  }
0x67d: {  	s3 =	sadd.s32 $0x4000, s1;
	v9 =	vld.idx.msk [tilespmem:v9+s21+$0x0], $0xffff;
	v17 =	vadd.s32 s19, v0  }
0x67e: {  	v10 =	vld.idx.msk [tilespmem:v10+s21+$0x0], $0xffff;
	v18 =	vadd.s32 s3, v0;
	s19 =	sadd.s32 $0x5000, s1  }
0x67f: {  	v11 =	vld.idx.msk [tilespmem:v11+s21+$0x0], $0xffff;
	v19 =	vadd.s32 s19, v0  }
0x680: {  	s3 =	sadd.s32 $0x6000, s1;
	s19 =	sadd.s32 $0x7000, s1;
	v15 =	vld.idx.msk [tilespmem:v15+s21+$0x0], $0xffff  }
0x681: {  	v20 =	vadd.s32 s3, v0;
	v0 =	vadd.s32 s19, v0;
	v16 =	vld.idx.msk [tilespmem:v16+s21+$0x0], $0xffff  }
0x682: {  	v3 =	vadd.s32 v3, v6;
	v6 =	vld.idx.msk [tilespmem:v17+s21+$0x0], $0xffff  }
0x683: {  	v5 =	vadd.s32 v5, v14;
	v3 =	vadd.s32 v7, v3;
	v7 =	vmov s14;
	v14 =	vld.idx.msk [tilespmem:v18+s21+$0x0], $0xffff  }
0x684: {  	v4 =	vadd.s32 v4, v5;
	v3 =	vadd.s32 v8, v3;
	vm2 =	vlt.u32 v7, v1;
	v5 =	vld.idx.msk [tilespmem:v19+s21+$0x0], $0xffff  }
0x685: {  	v4 =	vnsel vm2, $0x0, v4;
	v3 =	vadd.s32 v12, v3;
	v8 =	vadd.s32 v11, v15  }
0x686: {  	v2 =	vadd.s32 v2, v4;
	v3 =	vadd.s32 v13, v3;
	v4 =	vld.idx.msk [tilespmem:v0+s21+$0x0], $0xffff;
	v0 =	vadd.s32 v16, v8  }
0x687: {  	v3 =	vadd.s32 v9, v3;
	v0 =	vadd.s32 v6, v0  }
0x688: {  	v3 =	vadd.s32 v10, v3;
	v8 =	vmov s31;
	v0 =	vadd.s32 v14, v0  }
0x689: {  	v7 =	vld.idx.msk [tilespmem:v20+s21+$0x0], $0xffff;
	vm2 =	vlt.u32 v8, v1;
	v0 =	vadd.s32 v5, v0;
	v5 =	vmov s1  }
0x68a: {  	v3 =	vnsel vm2, $0x0, v3;
	vm2 =	vlt.u32 v5, v1;
	v5 =	vld [tilespmem:$0x1F660];
	_ =	sdelay $0x3  }
0x68b: {  	v6 =	vadd.s32 v7, v0  }
0x68c: {  	v7 =	vshrl.u32 v54, $0x4;
	v4 =	vadd.s32 v4, v6  }
0x68d: {  	v2 =	vadd.s32 v2, v3;
	v3 =	vnsel vm2, $0x0, v4  }
0x68e: {  	s19 =	simm.s32 $0x3000;
	v9 =	vld [tilespmem:$0x1FE80];
	v0 =	vand.u32 $0xFFFFFFF0, v54;
	v2 =	vadd.s32 v2, v3  }
0x68f: {  	s2 =	simm.s32 $0x1000;
	v10 =	vld [tilespmem:$0x1FE90];
	[tilespmem:v5+s24+$0x0] =	vst.idx.msk $0xffff, v2;
	v2 =	vadd.s32 s19, v0  }
0x690: {  	v8 =	vld [tilespmem:$0x1FFB0];
	v4 =	vadd.s32 s2, v0;
	s2 =	simm.s32 $0x4000  }
0x691: {  	v5 =	vadd.s32 s2, v0;
	v6 =	vld.idx.msk [tilespmem:v7+s23+$0x0], $0xffff  }
0x692: {  	v7 =	vld [tilespmem:$0x1FE70]  }
0x693: {  	s14 =	simm.s32 $0x0;
	v11 =	vld [tilespmem:$0x1FEA0]  }
0x694: {  	v1 =	vor.u32 s14, v0;
	v13 =	vld.idx.msk [tilespmem:v2+s21+$0x0], $0xffff  }
0x695: {  	s3 =	simm.s32 $0x2000;
	v2 =	vld [tilespmem:$0x1FEB0]  }
0x696: {  	v3 =	vadd.s32 s3, v0;
	v14 =	vld.idx.msk [tilespmem:v5+s21+$0x0], $0xffff  }
0x697: {  	v5 =	vld [tilespmem:$0x1FEC0];
	v7 =	vadd.s32 v8, v7  }
0x698: {  	s3 =	simm.s32 $0x5000;
	v7 =	vadd.s32 v9, v7  }
0x699: {  	v1 =	vld.idx.msk [tilespmem:v1+s21+$0x0], $0xffff;
	v8 =	vadd.s32 s3, v0;
	v7 =	vadd.s32 v10, v7  }
0x69a: {  	s19 =	simm.s32 $0x6000;
	v9 =	vld.idx.msk [tilespmem:v4+s21+$0x0], $0xffff;
	v7 =	vadd.s32 v11, v7  }
0x69b: {  	s2 =	simm.s32 $0x7000;
	v4 =	vadd.s32 s19, v0;
	v10 =	vld.idx.msk [tilespmem:v3+s21+$0x0], $0xffff;
	v2 =	vadd.s32 v2, v7  }
0x69c: {  	s31 =	simm.s32 $0x1;
	v3 =	vadd.s32 s2, v0;
	v2 =	vadd.s32 v5, v2;
	v5 =	vld [tilespmem:$0x1FED0]  }
0x69d: {  	s2 =	simm.s32 $0x3001;
	v11 =	vor.u32 s31, v0  }
0x69e: {  	s3 =	simm.s32 $0x1001;
	v63 =	vld.idx.msk [tilespmem:v8+s21+$0x0], $0xffff;
	v8 =	vadd.s32 s2, v0  }
0x69f: {  	s19 =	simm.s32 $0x2001;
	v7 =	vadd.s32 s3, v0  }
0x6a0: {  	v15 =	vadd.s32 s19, v0;
	s3 =	simm.s32 $0x4001;
	v4 =	vld.idx.msk [tilespmem:v4+s21+$0x0], $0xffff;
	v9 =	vadd.s32 v1, v9  }
0x6a1: {  	s19 =	simm.s32 $0x5001;
	v12 =	vadd.s32 s3, v0;
	v3 =	vld.idx.msk [tilespmem:v3+s21+$0x0], $0xffff;
	v9 =	vadd.s32 v10, v9;
	v2 =	vadd.s32 v5, v2  }
0x6a2: {  	s3 =	simm.s32 $0x6001;
	v10 =	vadd.s32 v13, v9;
	v13 =	vadd.s32 s19, v0;
	v5 =	vld.idx.msk [tilespmem:v11+s21+$0x0], $0xffff;
	v2 =	vadd.s32 v40, v2  }
0x6a3: {  	v9 =	vadd.s32 s3, v0;
	s19 =	simm.s32 $0x7001;
	v8 =	vld.idx.msk [tilespmem:v8+s21+$0x0], $0xffff;
	v2 =	vsub.s32 v2, v24  }
0x6a4: {  	s1 =	simm.s32 $0x2;
	v14 =	vadd.s32 v14, v10;
	v10 =	vadd.s32 s19, v0;
	v2 =	vadd.s32 v6, v2;
	v6 =	vld.idx.msk [tilespmem:v7+s21+$0x0], $0xffff  }
0x6a5: {  	s2 =	simm.s32 $0x3;
	v1 =	vand.u32 $0xF, v54;
	s19 =	simm.s32 $0x1002;
	v11 =	vor.u32 s1, v0;
	v14 =	vadd.s32 v63, v14;
	v7 =	vld.idx.msk [tilespmem:v15+s21+$0x0], $0xffff  }
.LBB2_26:
0x6a6: {  	p0 =	sne.s32 s2, $0xF;
	v15 =	vadd.s32 s19, v0;
	s3 =	sadd.s32 $0x2000, s1;
	v16 =	vld.idx.msk [tilespmem:v12+s21+$0x0], $0xffff;
	v12 =	vmov s14;
	v4 =	vadd.s32 v4, v14;
	s14 =	smov.u32 s31  }
0x6a7: {  	s31 =	smov.u32 s1;
	v14 =	vadd.s32 s3, v0;
	s3 =	sadd.s32 $0x3000, s1;
	v17 =	vld.idx.msk [tilespmem:v13+s21+$0x0], $0xffff;
	v3 =	vadd.s32 v3, v4;
	vm2 =	vlt.u32 v12, v1;
	s1 =	smov.u32 s2  }
0x6a8: {  	v18 =	vadd.s32 s3, v0;
	s3 =	sadd.s32 $0x4000, s31;
	v4 =	vld.idx.msk [tilespmem:v9+s21+$0x0], $0xffff;
	v9 =	vnsel vm2, $0x0, v3  }
.Ltmp12:
0x6a9: {  	v6 =	vadd.s32 v5, v6;
	v12 =	vadd.s32 s3, v0;
	s3 =	sadd.s32 $0x5000, s31;
	v3 =	vld.idx.msk [tilespmem:v10+s21+$0x0], $0xffff;
	v2 =	vadd.s32 v2, v9;
	(pc) =	sbr.rel @p0 .LBB2_26-.Ltmp12, $4  }
0x6aa: {  	v7 =	vadd.s32 v7, v6;
	v5 =	vld.idx.msk [tilespmem:v11+s21+$0x0], $0xffff;
	v13 =	vadd.s32 s3, v0;
	s3 =	sadd.s32 $0x6000, s31  }
0x6ab: {  	v8 =	vadd.s32 v8, v7;
	v6 =	vld.idx.msk [tilespmem:v15+s21+$0x0], $0xffff;
	v9 =	vadd.s32 s3, v0;
	s3 =	sadd.s32 $0x7000, s31  }
0x6ac: {  	v7 =	vld.idx.msk [tilespmem:v14+s21+$0x0], $0xffff;
	v10 =	vadd.s32 s3, v0;
	v14 =	vadd.s32 v16, v8  }
0x6ad: {  	s2 =	sadd.s32 $0x1, s2;
	s19 =	sadd.s32 $0x1000, s1;
	v11 =	vor.u32 s1, v0;
	v8 =	vld.idx.msk [tilespmem:v18+s21+$0x0], $0xffff;
	v14 =	vadd.s32 v17, v14  }
0x6ae: {  	_ =	sdelay $0x3  }
0x6af: {  	v15 =	vadd.s32 s19, v0;
	s2 =	sadd.s32 $0x2000, s1;
	v12 =	vld.idx.msk [tilespmem:v12+s21+$0x0], $0xffff  }
0x6b0: {  	s19 =	sadd.s32 $0x3000, s1;
	v13 =	vld.idx.msk [tilespmem:v13+s21+$0x0], $0xffff;
	v16 =	vadd.s32 s2, v0  }
0x6b1: {  	s3 =	sadd.s32 $0x4000, s1;
	v9 =	vld.idx.msk [tilespmem:v9+s21+$0x0], $0xffff;
	v17 =	vadd.s32 s19, v0  }
0x6b2: {  	v10 =	vld.idx.msk [tilespmem:v10+s21+$0x0], $0xffff;
	v18 =	vadd.s32 s3, v0;
	s19 =	sadd.s32 $0x5000, s1  }
0x6b3: {  	v11 =	vld.idx.msk [tilespmem:v11+s21+$0x0], $0xffff;
	v19 =	vadd.s32 s19, v0  }
0x6b4: {  	s3 =	sadd.s32 $0x6000, s1;
	s19 =	sadd.s32 $0x7000, s1;
	v15 =	vld.idx.msk [tilespmem:v15+s21+$0x0], $0xffff  }
0x6b5: {  	v20 =	vadd.s32 s3, v0;
	v0 =	vadd.s32 s19, v0;
	v16 =	vld.idx.msk [tilespmem:v16+s21+$0x0], $0xffff  }
0x6b6: {  	v5 =	vadd.s32 v5, v6;
	v6 =	vld.idx.msk [tilespmem:v17+s21+$0x0], $0xffff  }
0x6b7: {  	v4 =	vadd.s32 v4, v14;
	v5 =	vadd.s32 v7, v5;
	v7 =	vmov s14;
	v14 =	vld.idx.msk [tilespmem:v18+s21+$0x0], $0xffff  }
0x6b8: {  	v3 =	vadd.s32 v3, v4;
	v4 =	vadd.s32 v8, v5;
	vm2 =	vlt.u32 v7, v1;
	v5 =	vld.idx.msk [tilespmem:v19+s21+$0x0], $0xffff  }
0x6b9: {  	v3 =	vnsel vm2, $0x0, v3;
	v4 =	vadd.s32 v12, v4;
	v8 =	vadd.s32 v11, v15  }
0x6ba: {  	v2 =	vadd.s32 v2, v3;
	v3 =	vadd.s32 v13, v4;
	v4 =	vld.idx.msk [tilespmem:v0+s21+$0x0], $0xffff;
	v0 =	vadd.s32 v16, v8  }
0x6bb: {  	v3 =	vadd.s32 v9, v3;
	v0 =	vadd.s32 v6, v0  }
0x6bc: {  	v3 =	vadd.s32 v10, v3;
	v8 =	vmov s31;
	v0 =	vadd.s32 v14, v0  }
0x6bd: {  	v7 =	vld.idx.msk [tilespmem:v20+s21+$0x0], $0xffff;
	vm2 =	vlt.u32 v8, v1;
	v0 =	vadd.s32 v5, v0;
	v5 =	vmov s1  }
0x6be: {  	v3 =	vnsel vm2, $0x0, v3;
	vm2 =	vlt.u32 v5, v1;
	v5 =	vld [tilespmem:$0x1F670];
	_ =	sdelay $0x3  }
0x6bf: {  	v6 =	vadd.s32 v7, v0  }
0x6c0: {  	v7 =	vshrl.u32 v39, $0x4;
	v4 =	vadd.s32 v4, v6  }
0x6c1: {  	v2 =	vadd.s32 v2, v3;
	v3 =	vnsel vm2, $0x0, v4  }
0x6c2: {  	s19 =	simm.s32 $0x3000;
	v9 =	vld [tilespmem:$0x1FEF0];
	v0 =	vand.u32 $0xFFFFFFF0, v39;
	v2 =	vadd.s32 v2, v3  }
0x6c3: {  	s2 =	simm.s32 $0x1000;
	v10 =	vld [tilespmem:$0x1FF00];
	[tilespmem:v5+s24+$0x0] =	vst.idx.msk $0xffff, v2;
	v2 =	vadd.s32 s19, v0  }
0x6c4: {  	v8 =	vld [tilespmem:$0x1FFC0];
	v4 =	vadd.s32 s2, v0;
	s2 =	simm.s32 $0x4000  }
0x6c5: {  	v5 =	vadd.s32 s2, v0;
	v6 =	vld.idx.msk [tilespmem:v7+s23+$0x0], $0xffff  }
0x6c6: {  	v7 =	vld [tilespmem:$0x1FEE0]  }
0x6c7: {  	s14 =	simm.s32 $0x0;
	v11 =	vld [tilespmem:$0x1FF10]  }
0x6c8: {  	v1 =	vor.u32 s14, v0;
	v13 =	vld.idx.msk [tilespmem:v2+s21+$0x0], $0xffff  }
0x6c9: {  	s3 =	simm.s32 $0x2000;
	v2 =	vld [tilespmem:$0x1FF20]  }
0x6ca: {  	v3 =	vadd.s32 s3, v0;
	v14 =	vld.idx.msk [tilespmem:v5+s21+$0x0], $0xffff  }
0x6cb: {  	v5 =	vld [tilespmem:$0x1FF30];
	v7 =	vadd.s32 v8, v7  }
0x6cc: {  	s3 =	simm.s32 $0x5000;
	v7 =	vadd.s32 v9, v7  }
0x6cd: {  	v1 =	vld.idx.msk [tilespmem:v1+s21+$0x0], $0xffff;
	v8 =	vadd.s32 s3, v0;
	v7 =	vadd.s32 v10, v7  }
0x6ce: {  	s19 =	simm.s32 $0x6000;
	v9 =	vld.idx.msk [tilespmem:v4+s21+$0x0], $0xffff;
	v7 =	vadd.s32 v11, v7  }
0x6cf: {  	s2 =	simm.s32 $0x7000;
	v4 =	vadd.s32 s19, v0;
	v10 =	vld.idx.msk [tilespmem:v3+s21+$0x0], $0xffff;
	v2 =	vadd.s32 v2, v7  }
0x6d0: {  	s31 =	simm.s32 $0x1;
	v3 =	vadd.s32 s2, v0;
	v2 =	vadd.s32 v5, v2;
	v5 =	vld [tilespmem:$0x1FF40]  }
0x6d1: {  	s2 =	simm.s32 $0x3001;
	v11 =	vor.u32 s31, v0  }
0x6d2: {  	s3 =	simm.s32 $0x1001;
	v63 =	vld.idx.msk [tilespmem:v8+s21+$0x0], $0xffff;
	v8 =	vadd.s32 s2, v0  }
0x6d3: {  	s19 =	simm.s32 $0x2001;
	v7 =	vadd.s32 s3, v0  }
0x6d4: {  	v15 =	vadd.s32 s19, v0;
	s3 =	simm.s32 $0x4001;
	v4 =	vld.idx.msk [tilespmem:v4+s21+$0x0], $0xffff;
	v9 =	vadd.s32 v1, v9  }
0x6d5: {  	s19 =	simm.s32 $0x5001;
	v12 =	vadd.s32 s3, v0;
	v9 =	vadd.s32 v10, v9;
	v2 =	vadd.s32 v5, v2;
	v5 =	vld.idx.msk [tilespmem:v3+s21+$0x0], $0xffff  }
0x6d6: {  	s3 =	simm.s32 $0x6001;
	v10 =	vadd.s32 v13, v9;
	v13 =	vadd.s32 s19, v0;
	v3 =	vld.idx.msk [tilespmem:v11+s21+$0x0], $0xffff;
	v2 =	vadd.s32 v23, v2  }
0x6d7: {  	v9 =	vadd.s32 s3, v0;
	s19 =	simm.s32 $0x7001;
	v8 =	vld.idx.msk [tilespmem:v8+s21+$0x0], $0xffff;
	v2 =	vsub.s32 v2, v22  }
0x6d8: {  	s1 =	simm.s32 $0x2;
	v14 =	vadd.s32 v14, v10;
	v10 =	vadd.s32 s19, v0;
	v2 =	vadd.s32 v6, v2;
	v6 =	vld.idx.msk [tilespmem:v7+s21+$0x0], $0xffff  }
0x6d9: {  	s2 =	simm.s32 $0x3;
	v1 =	vand.u32 $0xF, v39;
	s19 =	simm.s32 $0x1002;
	v11 =	vor.u32 s1, v0;
	v14 =	vadd.s32 v63, v14;
	v7 =	vld.idx.msk [tilespmem:v15+s21+$0x0], $0xffff  }
.LBB2_28:
0x6da: {  	p0 =	sne.s32 s2, $0xF;
	v15 =	vadd.s32 s19, v0;
	s3 =	sadd.s32 $0x2000, s1;
	v16 =	vld.idx.msk [tilespmem:v12+s21+$0x0], $0xffff;
	v12 =	vmov s14;
	v4 =	vadd.s32 v4, v14;
	s14 =	smov.u32 s31  }
0x6db: {  	s31 =	smov.u32 s1;
	v14 =	vadd.s32 s3, v0;
	s3 =	sadd.s32 $0x3000, s1;
	v17 =	vld.idx.msk [tilespmem:v13+s21+$0x0], $0xffff;
	v5 =	vadd.s32 v5, v4;
	vm2 =	vlt.u32 v12, v1;
	s1 =	smov.u32 s2  }
0x6dc: {  	v18 =	vadd.s32 s3, v0;
	s3 =	sadd.s32 $0x4000, s31;
	v4 =	vld.idx.msk [tilespmem:v9+s21+$0x0], $0xffff;
	v9 =	vnsel vm2, $0x0, v5  }
.Ltmp13:
0x6dd: {  	v6 =	vadd.s32 v3, v6;
	v12 =	vadd.s32 s3, v0;
	s3 =	sadd.s32 $0x5000, s31;
	v5 =	vld.idx.msk [tilespmem:v10+s21+$0x0], $0xffff;
	v2 =	vadd.s32 v2, v9;
	(pc) =	sbr.rel @p0 .LBB2_28-.Ltmp13, $4  }
0x6de: {  	v7 =	vadd.s32 v7, v6;
	v3 =	vld.idx.msk [tilespmem:v11+s21+$0x0], $0xffff;
	v13 =	vadd.s32 s3, v0;
	s3 =	sadd.s32 $0x6000, s31  }
0x6df: {  	v8 =	vadd.s32 v8, v7;
	v6 =	vld.idx.msk [tilespmem:v15+s21+$0x0], $0xffff;
	v9 =	vadd.s32 s3, v0;
	s3 =	sadd.s32 $0x7000, s31  }
0x6e0: {  	v7 =	vld.idx.msk [tilespmem:v14+s21+$0x0], $0xffff;
	v10 =	vadd.s32 s3, v0;
	v14 =	vadd.s32 v16, v8  }
0x6e1: {  	s2 =	sadd.s32 $0x1, s2;
	s19 =	sadd.s32 $0x1000, s1;
	v11 =	vor.u32 s1, v0;
	v8 =	vld.idx.msk [tilespmem:v18+s21+$0x0], $0xffff;
	v14 =	vadd.s32 v17, v14  }
0x6e2: {  	_ =	sdelay $0x3  }
0x6e3: {  	v12 =	vld.idx.msk [tilespmem:v12+s21+$0x0], $0xffff  }
0x6e4: {  	v15 =	vadd.s32 s19, v0;
	s2 =	sadd.s32 $0x2000, s1;
	v13 =	vld.idx.msk [tilespmem:v13+s21+$0x0], $0xffff  }
0x6e5: {  	s19 =	sadd.s32 $0x3000, s1;
	v9 =	vld.idx.msk [tilespmem:v9+s21+$0x0], $0xffff;
	v16 =	vadd.s32 s2, v0  }
0x6e6: {  	s3 =	sadd.s32 $0x4000, s1;
	v10 =	vld.idx.msk [tilespmem:v10+s21+$0x0], $0xffff;
	v17 =	vadd.s32 s19, v0  }
0x6e7: {  	v11 =	vld.idx.msk [tilespmem:v11+s21+$0x0], $0xffff;
	v18 =	vadd.s32 s3, v0;
	s19 =	sadd.s32 $0x5000, s1  }
0x6e8: {  	v63 =	vld [tilespmem:$0x1F680];
	s3 =	sadd.s32 $0x6000, s1;
	v19 =	vadd.s32 s19, v0  }
0x6e9: {  	v20 =	vadd.s32 s3, v0;
	s19 =	sadd.s32 $0x7000, s1;
	v15 =	vld.idx.msk [tilespmem:v15+s21+$0x0], $0xffff  }
0x6ea: {  	v53 =	vadd.s32 s19, v0;
	v16 =	vld.idx.msk [tilespmem:v16+s21+$0x0], $0xffff  }
0x6eb: {  	v17 =	vld.idx.msk [tilespmem:v17+s21+$0x0], $0xffff  }
0x6ec: {  	v4 =	vadd.s32 v4, v14;
	v54 =	vld.idx.msk [tilespmem:v18+s21+$0x0], $0xffff  }
0x6ed: {  	v56 =	vmov s14;
	v60 =	vmov s31;
	v3 =	vadd.s32 v3, v6;
	v55 =	vld.idx.msk [tilespmem:v19+s21+$0x0], $0xffff  }
0x6ee: {  	v61 =	vmov s1;
	v3 =	vadd.s32 v7, v3;
	v57 =	vld.idx.msk [tilespmem:v20+s21+$0x0], $0xffff;
	v11 =	vadd.s32 v11, v15  }
0x6ef: {  	v4 =	vadd.s32 v5, v4;
	v3 =	vadd.s32 v8, v3;
	v0 =	vld.idx.msk [tilespmem:v53+s21+$0x0], $0xffff;
	v58 =	vadd.s32 v16, v11  }
0x6f0: {  	vm2 =	vlt.u32 v56, v1;
	v3 =	vadd.s32 v12, v3;
	v7 =	vadd.s32 v17, v58  }
0x6f1: {  	v4 =	vnsel vm2, $0x0, v4;
	v3 =	vadd.s32 v13, v3;
	v59 =	vadd.s32 v54, v7  }
0x6f2: {  	v2 =	vadd.s32 v2, v4;
	v3 =	vadd.s32 v9, v3;
	v4 =	vadd.s32 v55, v59  }
0x6f3: {  	vm2 =	vlt.u32 v60, v1;
	v3 =	vadd.s32 v10, v3;
	v4 =	vadd.s32 v57, v4  }
0x6f4: {  	v3 =	vnsel vm2, $0x0, v3;
	vm2 =	vlt.u32 v61, v1;
	v0 =	vadd.s32 v0, v4  }
0x6f5: {  	v62 =	vadd.s32 v2, v3;
	v0 =	vnsel vm2, $0x0, v0  }
0x6f6: {  	v0 =	vadd.s32 v62, v0  }
0x6f7: {  	[tilespmem:v63+s24+$0x0] =	vst.idx.msk $0xffff, v0  }
0x6f8: {  	_ =	swait.ge [sflag:s25], $0x4000  }
0x6f9: {  	[sflag:s25] =	ssyncset.done $0x0  }
0x6fa: {  	[sflag:s25] =	ssyncadd.s32 $0xFFFFC000  }
0x6fb: {  	s3 =	rddreg [dreg:$0x2]  }
0x6fc: {  	[hbm4b:s3+s26] =	stream.indirect.scatter [tilespmem:s18], [sflag:$0x2], $0x80, s24, s26, $0xb8;
	[tilespmem:$0x1A180] =	vst v63  }
0x6fd: {  	_ = 	snop  }
0x6fe: {  	[tilespmem:s28], [sflag:$0x1] =	stream.linear.gather [hbm4b:s9+s4], $0x4000, $0x38;
	[tilespmem:$0x1A180] =	vst v63  }
0x6ff: {  	s14 =	simm.s32 $0x4000;
	_ =	swait.ge [sflag:s25], $0x4000  }
0x700: {  	s1 =	sand.u32 $0xC000, s14;
	[sflag:s25] =	ssyncset.done $0x0  }
0x701: {  	s2 =	sadd.s32 $0x10000, s16;
	s1 =	sadd.s32 $0xA180, s1;
	[sflag:s25] =	ssyncadd.s32 $0xFFFFC000  }
0x702: {  	[hbm4b:s15+s26] =	stream.indirect.scatter [tilespmem:s1], [sflag:$0x2], $0x80, s24, s26, $0xb8;
	[tilespmem:$0x1A180] =	vst v63  }
0x703: {  	s14 =	sadd.s32 $0x10000, s15;
	s19 =	simm.s32 $0x10000;
	_ =	swait.ge [sflag:s29], $0x4000  }
0x704: {  	s3 =	sand.u32 $0xC000, s19;
	s19 =	smov.u32 s16;
	[sflag:s29] =	ssyncset.done $0x0  }
0x705: {  	s31 =	sadd.s32 $0xA180, s3;
	s1 =	simm.s32 $0x14000;
	[sflag:s29] =	ssyncadd.s32 $0xFFFFC000  }
.LBB2_30:
0x706: {  	[tilespmem:s31], [sflag:$0x1] =	stream.linear.gather [hbm4b:s19+s4], $0x4000, $0x38;
	[tilespmem:$0x1A180] =	vst v63  }
0x707: {  	s3 =	smov.u32 s1;
	s19 =	smov.u32 s2  }
0x708: {  	s31 =	sadd.s32 $0xFFFF4000, s1;
	p0 =	sne.s32 s1, $0xC0000;
	_ =	swait.ge [sflag:s25], $0x4000  }
0x709: {  	s1 =	sadd.s32 $0x4000, s1;
	s31 =	sand.u32 $0xC000, s31;
	[sflag:s25] =	ssyncset.done $0x0  }
.Ltmp14:
0x70a: {  	s31 =	sadd.s32 $0xA180, s31;
	[sflag:s25] =	ssyncadd.s32 $0xFFFFC000;
	(pc) =	sbr.rel @p0 .LBB2_30-.Ltmp14, $4  }
0x70b: {  	[hbm4b:s14+s26] =	stream.indirect.scatter [tilespmem:s31], [sflag:$0x2], $0x80, s24, s26, $0xb8;
	[tilespmem:$0x1A180] =	vst v63  }
0x70c: {  	_ =	swait.ge [sflag:s29], $0x4000  }
0x70d: {  	s2 =	sadd.s32 $0x10000, s2;
	s3 =	sand.u32 $0xC000, s3;
	[sflag:s29] =	ssyncset.done $0x0  }
0x70e: {  	s31 =	sadd.s32 $0xA180, s3;
	s14 =	sadd.s32 $0x10000, s14;
	[sflag:s29] =	ssyncadd.s32 $0xFFFFC000  }
0x70f: {  	[tilespmem:s31], [sflag:$0x1] =	stream.linear.gather [hbm4b:s19+s4], $0x4000, $0x38;
	[tilespmem:$0x1A180] =	vst v63  }
0x710: {  	_ =	swait.ge [sflag:s25], $0x4000  }
0x711: {  	[sflag:s25] =	ssyncset.done $0x0  }
0x712: {  	[sflag:s25] =	ssyncadd.s32 $0xFFFFC000  }
0x713: {  	[hbm4b:s10+s26] =	stream.indirect.scatter [tilespmem:s20], [sflag:$0x2], $0x80, s24, s26, $0xb8;
	[tilespmem:$0x1A180] =	vst v63  }
0x714: {  	_ =	swait.ge [sflag:s29], $0x4000  }
0x715: {  	[sflag:s29] =	ssyncset.done $0x0  }
0x716: {  	[sflag:s29] =	ssyncadd.s32 $0xFFFFC000  }
0x717: {  	_ =	swait.ge [sflag:s25], $0x4000  }
0x718: {  	[sflag:s25] =	ssyncset.done $0x0  }
0x719: {  	[sflag:s25] =	ssyncadd.s32 $0xFFFFC000  }
0x71a: {  	[hbm4b:s11+s26] =	stream.indirect.scatter [tilespmem:s28], [sflag:$0x2], $0x80, s24, s26, $0xb8;
	[tilespmem:$0x1A180] =	vst v63  }
0x71b: {  	_ =	swait.ge [sflag:s29], $0x4000  }
0x71c: {  	[sflag:s29] =	ssyncset.done $0x0  }
0x71d: {  	[sflag:s29] =	ssyncadd.s32 $0xFFFFC000  }
0x71e: {  	_ =	swait.ge [sflag:s25], $0x4000  }
0x71f: {  	[sflag:s25] =	ssyncset.done $0x0  }
0x720: {  	[sflag:s25] =	ssyncadd.s32 $0xFFFFC000  }
0x721: {  	[hbm4b:s12+s26] =	stream.indirect.scatter [tilespmem:s18], [sflag:$0x2], $0x80, s24, s26, $0xb8;
	[tilespmem:$0x1A180] =	vst v63  }
0x722: {  	s30 =	sadd.s32 $0x1, s30;
	_ =	swait.ge [sflag:s29], $0x4000  }
0x723: {  	p0 =	sne.s32 s30, s13;
	[sflag:s29] =	ssyncset.done $0x0  }
.Ltmp15:
0x724: {  	[sflag:s29] =	ssyncadd.s32 $0xFFFFC000;
	(pc) =	sbr.rel @p0 .LBB2_1-.Ltmp15, $4  }
0x725: {  	_ =	swait.ge [sflag:s29], $0x4000  }
0x726: {  	v5 =	vld [tilespmem:$0x1FFD0]  }
0x727: {  	[sflag:s29] =	ssyncset.done $0x0;
	v6 =	vld [tilespmem:$0x1FFE0]  }
0x728: {  	v1 =	vimm.s32 $0x0;
	v7 =	vimm.s32 $0x1;
	v3 =	vld [tilespmem:$0x1FFF0];
	[sflag:s29] =	ssyncadd.s32 $0xFFFFC000  }
0x729: {  	_ =	sfence.sel $0x180000  }
0x72a: {  	[bflag:$0x0] =	sbarrier.arrive $0xFFFF  }
0x72b: {  	_ =	strace $0x90000047  }
0x72c: {  	s0 =	stileid.u32;
	[bflag:$0x2] =	sbarrier.arrive $0xFFFF  }
0x72d: {  	p0 =	sne.s32 s0, $0x0;
	s0 =	rddreg [dreg:$0x3]  }
0x72e: {  	s0 =	sadd.s32 @!p0 $0x100000, s0  }
0x72f: {  	[sflag:s0] =	ssyncadd.tile.s32 @!p0 $0x1;
	_ =	shalt  }
.Lfunc_end2:
_tile_overlayer_lowered:
.L_overlay_start_2:
0x730: {  	(tag) =	ssettag $0x2  }
0x731: {  	s0 =	rddreg [dreg:$0x0];
	s2 =	stileid.u32  }
0x732: {  	s1 =	rddreg [dreg:$0x1];
	p0 =	sne.s32 s2, $0x0  }
0x733: {  	s3 =	rddreg [dreg:$0x2];
	[bflag:$0x3] =	sbarrier.arrive $0xFFFF;
	s2 =	simm.s32 @!p0 $0x1C03  }
0x734: {  	[timem:s3], [sflag:s2] =	dma.local @!p0 [hbm:s0], s1  }
0x735: {  	s0 =	simm.s32 @!p0 $0x3  }
0x736: {  	_ =	swait.ge @!p0 [sflag:s0], s1  }
0x737: {  	s1 =	ssub.s32 @!p0 $0x0, s1;
	[sflag:s0] =	ssyncset.done @!p0 $0x0  }
0x738: {  	[sflag:s0] =	ssyncadd.s32 @!p0 s1  }
0x739: {  	[bflag:$0x3] =	sbarrier.arrive $0xFFFF  }
0x73a: {  	_ =	shalt  }

</sc_bundles>
